<compile_context>
chip_gen: v7x
topology: tpu7x:2x2x1
jax: 0.10.2.dev20260603
libtpu: 0.0.44.dev20260713+nightly
codegen_flags: <defaults>
</compile_context>

<pallas_src>
import functools

import jax
import jax.numpy as jnp
from jax import lax
from jax.experimental import pallas as pl
from jax.experimental.pallas import tpu as pltpu
from jax.experimental.pallas import tpu_sc as plsc

N = 50000
E = 800000
D = 64
O = 32

NC = 2
NS = 16
NW = NC * NS

N_PAD = 50176
E_PAD = 802816
ROWS_PER_TILE = N_PAD // NW
ROWS_PER_SUB = N_PAD // NS
EROWS = E_PAD // 128
DEG_BLKS = EROWS // NW // 14
PROP_BLKS = EROWS // NS // 14

_mesh = plsc.VectorSubcoreMesh(
    core_axis_name="c", subcore_axis_name="s", num_cores=NC, num_subcores=NS)
_sc_params = pltpu.CompilerParams(use_tc_tiling_on_sc=False)


@functools.partial(
    pl.kernel,
    out_type=[
        jax.ShapeDtypeStruct((N_PAD, D), jnp.float32),
        jax.ShapeDtypeStruct((NC * N_PAD,), jnp.float32),
    ],
    mesh=_mesh,
    scratch_types=[
        pltpu.VMEM((14, 112), jnp.int32),
        pltpu.VMEM((4, 112, D), jnp.float32),
        pltpu.VMEM((2, 14, 128), jnp.int32),
        pltpu.VMEM((128,), jnp.float32),
        pltpu.VMEM((112,), jnp.float32),
        pltpu.VMEM_SHARED((N_PAD,), jnp.float32),
        pltpu.SemaphoreType.DMA((4,)),
        pltpu.SemaphoreType.DMA((2,)),
    ],
    compiler_params=_sc_params,
)
def _sc_gather_deg(table, fi2, edges, rows_out, deg_out,
                   gidx, gbufs, didx, ones_v, zbuf, accd, gsem, isem):
    dst2 = edges.at[1]
    cid = lax.axis_index("c")
    sid = lax.axis_index("s")
    wid = sid * NC + cid
    row_base = wid * ROWS_PER_TILE
    eb = wid * (14 * DEG_BLKS)

    def fire_dst(b, h):
        pltpu.async_copy(dst2.at[pl.ds(eb + b * 14, 14)], didx.at[h],
                         isem.at[h])

    def wait_dst(h):
        pltpu.make_async_copy(dst2.at[pl.ds(0, 14)], didx.at[h],
                              isem.at[h]).wait()

    def fire_gather(j, s):
        pltpu.async_copy(table.at[gidx.at[j]], gbufs.at[s], gsem.at[s])

    def wait_gather(s):
        pltpu.make_async_copy(table.at[pl.ds(0, 112)], gbufs.at[s],
                              gsem.at[s]).wait()

    pltpu.sync_copy(fi2.at[pl.ds(wid * 14, 14)], gidx)
    for s in range(4):
        fire_gather(s, s)
    fire_dst(0, 0)
    fire_dst(1, 1)

    for t in range(7):
        zbuf[pl.ds(t * 16, 16)] = jnp.zeros((16,), jnp.float32)
    for t in range(8):
        ones_v[pl.ds(t * 16, 16)] = jnp.full((16,), 1.0, jnp.float32)
    zb = sid * ROWS_PER_SUB

    @pl.loop(0, 28)
    def _(i):
        pltpu.sync_copy(zbuf, accd.at[pl.ds(zb + i * 112, 112)])

    @pl.loop(0, 14)
    def _(j):
        s = lax.rem(j, 4)
        wait_gather(s)
        pltpu.sync_copy(gbufs.at[s], rows_out.at[pl.ds(row_base + j * 112,
                                                       112)])

        @pl.when(j + 4 < 14)
        def _():
            fire_gather(j + 4, s)

    plsc.subcore_barrier()

    @pl.loop(0, DEG_BLKS)
    def _(b):
        h = lax.rem(b, 2)
        wait_dst(h)
        for j in range(14):
            pltpu.sync_copy(ones_v, accd.at[didx.at[h].at[j]], add=True)

        @pl.when(b + 2 < DEG_BLKS)
        def _():
            fire_dst(b + 2, h)

    plsc.subcore_barrier()
    pltpu.sync_copy(accd.at[pl.ds(zb, ROWS_PER_SUB)],
                    deg_out.at[pl.ds(cid * N_PAD + zb, ROWS_PER_SUB)])


@functools.partial(
    pl.kernel,
    out_type=jax.ShapeDtypeStruct((NC, N_PAD, O), jnp.float32),
    mesh=_mesh,
    scratch_types=[
        pltpu.VMEM((2, 14, 128), jnp.int32),
        pltpu.VMEM((2, 14, 128), jnp.int32),
        pltpu.VMEM((5, 128, O), jnp.float32),
        pltpu.VMEM_SHARED((N_PAD, O), jnp.float32),
        pltpu.SemaphoreType.DMA((5,)),
        pltpu.SemaphoreType.DMA((2,)),
        pltpu.SemaphoreType.DMA,
    ],
    compiler_params=_sc_params,
)
def _sc_propagate(xs, edges, y_out, sidx, didx, bufs, acc,
                  gsem, isem, sem0):
    cid = lax.axis_index("c")
    sid = lax.axis_index("s")
    rb = sid * ROWS_PER_SUB
    ebase = sid * (14 * PROP_BLKS)
    NCHUNK = 14 * PROP_BLKS
    RING = 5

    srcf = edges.at[0]
    dst2 = edges.at[1]
    xs_half = xs.at[cid]

    def fire_idx(b, h):
        base = ebase + b * 14
        pltpu.async_copy(srcf.at[pl.ds(base, 14)], sidx.at[h], isem.at[h])
        pltpu.async_copy(dst2.at[pl.ds(base, 14)], didx.at[h], isem.at[h])

    def wait_idx(h):
        pltpu.make_async_copy(srcf.at[pl.ds(0, 14)], sidx.at[h],
                              isem.at[h]).wait()
        pltpu.make_async_copy(dst2.at[pl.ds(0, 14)], didx.at[h],
                              isem.at[h]).wait()

    def fire_gather(c, s):
        b = lax.div(c, 14)
        j = lax.rem(c, 14)
        h = lax.rem(b, 2)
        pltpu.async_copy(xs_half.at[sidx.at[h].at[j]], bufs.at[s],
                         gsem.at[s])

    def wait_gather(s):
        pltpu.make_async_copy(xs_half.at[pl.ds(0, 128)], bufs.at[s],
                              gsem.at[s]).wait()

    fire_idx(0, 0)
    fire_idx(1, 1)
    pltpu.async_copy(xs_half.at[pl.ds(rb, ROWS_PER_SUB)],
                     acc.at[pl.ds(rb, ROWS_PER_SUB)], sem0)
    wait_idx(0)
    for s in range(RING):
        fire_gather(s, s)
    pltpu.make_async_copy(xs_half.at[pl.ds(0, ROWS_PER_SUB)],
                          acc.at[pl.ds(rb, ROWS_PER_SUB)], sem0).wait()
    plsc.subcore_barrier()

    @pl.loop(0, NCHUNK)
    def _(c):
        b = lax.div(c, 14)
        j = lax.rem(c, 14)
        h = lax.rem(b, 2)
        s = lax.rem(c, RING)
        wait_gather(s)
        pltpu.sync_copy(bufs.at[s], acc.at[didx.at[h].at[j]], add=True)

        @pl.when(c + RING < NCHUNK)
        def _():
            fire_gather(c + RING, s)

        @pl.when(jnp.logical_and(j == 8, b + 1 < PROP_BLKS))
        def _():
            wait_idx(lax.rem(b + 1, 2))

        @pl.when(jnp.logical_and(j == 13, b + 2 < PROP_BLKS))
        def _():
            fire_idx(b + 2, h)

    plsc.subcore_barrier()
    pltpu.sync_copy(acc.at[pl.ds(rb, ROWS_PER_SUB)],
                    y_out.at[cid].at[pl.ds(rb, ROWS_PER_SUB)])


R = 3136
GRID = N_PAD // R


def _tc1_body(rows_ref, fw_ref, deg_ref, w1_ref, xs_ref, dinv_ref):
    x = rows_ref[...] * fw_ref[...]
    nrm = jnp.maximum(jnp.sqrt(jnp.sum(x * x, axis=1, keepdims=True)), 1e-12)
    xn = x / nrm
    dinv = lax.rsqrt(1.0 + deg_ref[...])
    h = jnp.dot(xn, w1_ref[...], preferred_element_type=jnp.float32) * dinv
    xs_ref[0] = h[:, :O]
    xs_ref[1] = h[:, O:]
    dinv_ref[...] = dinv


def _tc1(rows, fw2, deg3, w1):
    return pl.pallas_call(
        _tc1_body,
        grid=(GRID,),
        in_specs=[
            pl.BlockSpec((R, D), lambda i: (i, 0)),
            pl.BlockSpec((R, 1), lambda i: (i, 0)),
            pl.BlockSpec((R, 1), lambda i: (i, 0)),
            pl.BlockSpec((D, D), lambda i: (0, 0)),
        ],
        out_specs=[
            pl.BlockSpec((NC, R, O), lambda i: (0, i, 0)),
            pl.BlockSpec((R, 1), lambda i: (i, 0)),
        ],
        out_shape=[
            jax.ShapeDtypeStruct((NC, N_PAD, O), jnp.float32),
            jax.ShapeDtypeStruct((N_PAD, 1), jnp.float32),
        ],
    )(rows, fw2, deg3, w1)


def _tc2_body(y_ref, dinv_ref, b1_ref, wc_ref, xs_ref):
    dinv = dinv_ref[...]
    p = jnp.concatenate([y_ref[0], y_ref[1]], axis=1)
    x1 = jnp.maximum(p * dinv + b1_ref[...], 0.0)
    h = jnp.dot(x1, wc_ref[...], preferred_element_type=jnp.float32) * dinv
    xs_ref[0] = h[:, :O]
    xs_ref[1] = h[:, O:]


def _tc2(y3, dinv2, b1_2d, wcat):
    return pl.pallas_call(
        _tc2_body,
        grid=(GRID,),
        in_specs=[
            pl.BlockSpec((NC, R, O), lambda i: (0, i, 0)),
            pl.BlockSpec((R, 1), lambda i: (i, 0)),
            pl.BlockSpec((1, D), lambda i: (0, 0)),
            pl.BlockSpec((D, D), lambda i: (0, 0)),
        ],
        out_specs=pl.BlockSpec((NC, R, O), lambda i: (0, i, 0)),
        out_shape=jax.ShapeDtypeStruct((NC, N_PAD, O), jnp.float32),
    )(y3, dinv2, b1_2d, wcat)


def _tc3_body(y_ref, dinv_ref, bmu_ref, bls_ref, nz_ref, z_ref):
    dinv = dinv_ref[...]
    mu = y_ref[0] * dinv + bmu_ref[...]
    ls = y_ref[1] * dinv + bls_ref[...]
    z_ref[...] = mu + nz_ref[...] * jnp.exp(ls)


R3 = 2000
GRID3 = N // R3


def _tc3(y3, dinv2, bmu_2d, bls_2d, nz):
    return pl.pallas_call(
        _tc3_body,
        grid=(GRID3,),
        in_specs=[
            pl.BlockSpec((NC, R3, O), lambda i: (0, i, 0)),
            pl.BlockSpec((R3, 1), lambda i: (i, 0)),
            pl.BlockSpec((1, O), lambda i: (0, 0)),
            pl.BlockSpec((1, O), lambda i: (0, 0)),
            pl.BlockSpec((R3, O), lambda i: (i, 0)),
        ],
        out_specs=pl.BlockSpec((R3, O), lambda i: (i, 0)),
        out_shape=jax.ShapeDtypeStruct((N, O), jnp.float32),
    )(y3, dinv2, bmu_2d, bls_2d, nz)


def kernel(feature_indices, feature_offsets, feature_weights, edge_index,
           emb_table, W1, b1, Wmu, bmu, Wls, bls):
    del feature_offsets
    fi2 = jnp.pad(feature_indices, (0, N_PAD - N)).reshape(N_PAD // 112, 112)
    fw2 = jnp.pad(feature_weights, (0, N_PAD - N)).reshape(N_PAD, 1)
    edges = jnp.pad(edge_index, ((0, 0), (0, E_PAD - E)),
                    constant_values=N).reshape(2, EROWS, 128)

    rows, deg = _sc_gather_deg(emb_table, fi2, edges)
    deg2 = (deg[:N_PAD] + deg[N_PAD:]).reshape(N_PAD, 1)
    xs1, dinv2 = _tc1(rows, fw2, deg2, W1)

    y1 = _sc_propagate(xs1, edges)
    wcat = jnp.concatenate([Wmu, Wls], axis=1)
    xs2 = _tc2(y1, dinv2, b1.reshape(1, D), wcat)

    y2 = _sc_propagate(xs2, edges)
    noise = jax.random.normal(jax.random.key(42), (N, O), dtype=jnp.float32)
    return _tc3(y2, dinv2, bmu.reshape(1, O), bls.reshape(1, O), noise)

# --- scband reference (transcript-rebuilt; emitter-appended) ---
"""Pipeline reference for scband-vgae-39865886441823 (READ-ONLY COPY).

The authoritative reference and input builder live on the scoring server;
editing this copy changes nothing except your own understanding.
"""

import jax, jax.numpy as jnp
import numpy as np

N = 50000
E = 800000
V = 100000
D = 64
H = 64
O = 32

def setup_inputs(seed: int = 0):
    key = jax.random.key(seed)
    ks = jax.random.split(key, 12)
    feature_indices = jax.random.randint(ks[0], (N,), 0, V, dtype=jnp.int32)
    feature_offsets = jnp.arange(N, dtype=jnp.int32)
    feature_weights = jax.random.uniform(ks[1], (N,), dtype=jnp.float32)
    edge_index = jax.random.randint(ks[2], (2, E), 0, N, dtype=jnp.int32)
    emb_table = jax.random.normal(ks[3], (V, D), dtype=jnp.float32) * 0.1
    W1 = jax.random.normal(ks[4], (D, H), dtype=jnp.float32) * (1.0 / np.sqrt(D))
    b1 = jnp.zeros((H,), dtype=jnp.float32)
    Wmu = jax.random.normal(ks[5], (H, O), dtype=jnp.float32) * (1.0 / np.sqrt(H))
    bmu = jnp.zeros((O,), dtype=jnp.float32)
    Wls = jax.random.normal(ks[6], (H, O), dtype=jnp.float32) * 0.05
    bls = jnp.zeros((O,), dtype=jnp.float32)
    return {"feature_indices": feature_indices, "feature_offsets": feature_offsets, "feature_weights": feature_weights, "edge_index": edge_index, "emb_table": emb_table, "W1": W1, "b1": b1, "Wmu": Wmu, "bmu": bmu, "Wls": Wls, "bls": bls}

def _embedding_bag_sum(table, indices, offsets, weights):
    nnz = indices.shape[0]
    seg = jnp.searchsorted(offsets, jnp.arange(nnz, dtype=offsets.dtype), side='right') - 1
    gathered = table[indices] * weights[:, None]
    return jax.ops.segment_sum(gathered, seg, num_segments=offsets.shape[0])

def _gcn_conv(x, W, b, edge_index, num_nodes):
    h = x @ W
    loop = jnp.arange(num_nodes, dtype=edge_index.dtype)
    src = jnp.concatenate([edge_index[0], loop])
    dst = jnp.concatenate([edge_index[1], loop])
    deg = jnp.zeros((num_nodes,), dtype=h.dtype).at[dst].add(1.0)
    dinv = jnp.where(deg > 0, 1.0 / jnp.sqrt(deg), 0.0)
    norm = dinv[src] * dinv[dst]
    out = jnp.zeros((num_nodes, h.shape[1]), dtype=h.dtype).at[dst].add(norm[:, None] * h[src])
    return out + b

def reference(feature_indices, feature_offsets, feature_weights, edge_index, emb_table, W1, b1, Wmu, bmu, Wls, bls):
    num_nodes = feature_offsets.shape[0]
    x = _embedding_bag_sum(emb_table, feature_indices, feature_offsets, feature_weights)
    nrm = jnp.maximum(jnp.linalg.norm(x, axis=-1, keepdims=True), 1e-12)
    x = x / nrm
    x = jax.nn.relu(_gcn_conv(x, W1, b1, edge_index, num_nodes))
    mu = _gcn_conv(x, Wmu, bmu, edge_index, num_nodes)
    logstd = _gcn_conv(x, Wls, bls, edge_index, num_nodes)
    noise = jax.random.normal(jax.random.key(42), mu.shape, dtype=mu.dtype)
    z = mu + noise * jnp.exp(logstd)
    return z

if __name__ == "__main__":
    import jax
    _d = setup_inputs()
    print(jax.jit(kernel)(*tuple(_d.values())))

</pallas_src>

<mosaic_0001>
#map = affine_map<(d0, d1) -> (0, 0)>
#map1 = affine_map<(d0, d1) -> (0, 0, 0)>
#map2 = affine_map<(d0, d1) -> (0)>
module attributes {stable_mosaic.version = 14 : i64} {
  func.func @_sc_gather_deg(%arg0: i32, %arg1: i32, %arg2: memref<100000x64xf32, #tpu.memory_space<hbm>>, %arg3: memref<448x112xi32, #tpu.memory_space<hbm>>, %arg4: memref<2x6272x128xi32, #tpu.memory_space<hbm>>, %arg5: memref<50176x64xf32, #tpu.memory_space<hbm>>, %arg6: memref<100352xf32, #tpu.memory_space<hbm>>, %arg7: memref<14x112xi32, #tpu.memory_space<vmem>>, %arg8: memref<4x112x64xf32, #tpu.memory_space<vmem>>, %arg9: memref<2x14x128xi32, #tpu.memory_space<vmem>>, %arg10: memref<128xf32, #tpu.memory_space<vmem>>, %arg11: memref<112xf32, #tpu.memory_space<vmem>>, %arg12: memref<50176xf32, #tpu.memory_space<vmem_shared>>, %arg13: memref<4x!tpu.dma_semaphore, #tpu.memory_space<semaphore_mem>>, %arg14: memref<2x!tpu.dma_semaphore, #tpu.memory_space<semaphore_mem>>) attributes {dimension_semantics = [#tpu.dimension_semantics<core_parallel>, #tpu.dimension_semantics<subcore_parallel>], iteration_bounds = array<i64: 2, 16>, scalar_prefetch = 0 : i64, scratch_operands = 8 : i64, tpu.core_type = #tpu.core_type<sc_vector_subcore>, window_params = [{transform_indices = #map}, {transform_indices = #map}, {transform_indices = #map1}, {transform_indices = #map}, {transform_indices = #map2}]} {
    %mul3A = arith.constant 2 : i32
    %mul3A_0 = arith.muli %arg1, %mul3A : i32
    %add3A = arith.addi %mul3A_0, %arg0 : i32
    %mul3A_1 = arith.constant 1568 : i32
    %mul3A_2 = arith.muli %add3A, %mul3A_1 : i32
    %mul3A_3 = arith.constant 196 : i32
    %mul3A_4 = arith.muli %add3A, %mul3A_3 : i32
    %mul3A_5 = arith.constant 14 : i32
    %mul3A_6 = arith.muli %add3A, %mul3A_5 : i32
    "tpu.region"() ({
      %run_scoped3A = tpu.sem_alloc : memref<!tpu.dma_semaphore, #tpu.memory_space<semaphore_mem>>
      %dma_start3A_229 = arith.constant 0 : i32
      %dma_start3A_230 = tpu.memref_slice %arg3[%mul3A_6, %dma_start3A_229] : memref<448x112xi32, #tpu.memory_space<hbm>> -> memref<14x112xi32, #tpu.memory_space<hbm>>
      %dma_start3A_231 = arith.constant 0 : i32
      %dma_start3A_232 = tpu.memref_slice %arg3[%mul3A_6, %dma_start3A_231] : memref<448x112xi32, #tpu.memory_space<hbm>> -> memref<14x112xi32, #tpu.memory_space<hbm>>
      tpu.enqueue_dma source(%dma_start3A_232 : memref<14x112xi32, #tpu.memory_space<hbm>>) target(%arg7 : memref<14x112xi32, #tpu.memory_space<vmem>>) target_semaphore(%run_scoped3A : memref<!tpu.dma_semaphore, #tpu.memory_space<semaphore_mem>>)
      %dma_wait3A = arith.constant 0 : i32
      %dma_wait3A_233 = tpu.memref_slice %arg3[%mul3A_6, %dma_wait3A] : memref<448x112xi32, #tpu.memory_space<hbm>> -> memref<14x112xi32, #tpu.memory_space<hbm>>
      %dma_wait3A_234 = arith.constant 0 : i32
      %dma_wait3A_235 = tpu.memref_slice %arg3[%mul3A_6, %dma_wait3A_234] : memref<448x112xi32, #tpu.memory_space<hbm>> -> memref<14x112xi32, #tpu.memory_space<hbm>>
      tpu.wait_dma2 semaphore(%run_scoped3A : memref<!tpu.dma_semaphore, #tpu.memory_space<semaphore_mem>>) src(%dma_wait3A_235 : memref<14x112xi32, #tpu.memory_space<hbm>>) dst(%arg7 : memref<14x112xi32, #tpu.memory_space<vmem>>)
      tpu.yield
    }) : () -> ()
    %dma_start3A = arith.constant 0 : i32
    %dma_start3A_7 = arith.constant 0 : i32
    %dma_start3A_8 = arith.constant 0 : i32
    %dma_start3A_9 = arith.constant 0 : i32
    %dma_start3A_10 = arith.constant 0 : i32
    %dma_start3A_11 = tpu.memref_slice %arg8[%dma_start3A_7, %dma_start3A_9, %dma_start3A_10] : memref<4x112x64xf32, #tpu.memory_space<vmem>> -> memref<1x112x64xf32, #tpu.memory_space<vmem>>
    %dma_start3A_12 = tpu.memref_squeeze %dma_start3A_11 : memref<1x112x64xf32, #tpu.memory_space<vmem>> -> memref<112x64xf32, #tpu.memory_space<vmem>>
    %dma_start3A_13 = arith.constant 0 : i32
    %dma_start3A_14 = tpu.memref_slice %arg7[%dma_start3A, %dma_start3A_13] : memref<14x112xi32, #tpu.memory_space<vmem>> -> memref<1x112xi32, #tpu.memory_space<vmem>>
    %dma_start3A_15 = tpu.memref_squeeze %dma_start3A_14 : memref<1x112xi32, #tpu.memory_space<vmem>> -> memref<112xi32, #tpu.memory_space<vmem>>
    %dma_start3A_16 = arith.constant 0 : i32
    %dma_start3A_17 = arith.constant 0 : i32
    %dma_start3A_18 = tpu.memref_slice %arg2[%dma_start3A_16, %dma_start3A_17] : memref<100000x64xf32, #tpu.memory_space<hbm>> -> memref<100000x64xf32, #tpu.memory_space<hbm>>
    %dma_start3A_19 = tpu.memref_slice %arg13[%dma_start3A_8] : memref<4x!tpu.dma_semaphore, #tpu.memory_space<semaphore_mem>> -> memref<1x!tpu.dma_semaphore, #tpu.memory_space<semaphore_mem>>
    %dma_start3A_20 = tpu.memref_squeeze %dma_start3A_19 : memref<1x!tpu.dma_semaphore, #tpu.memory_space<semaphore_mem>> -> memref<!tpu.dma_semaphore, #tpu.memory_space<semaphore_mem>>
    tpu.enqueue_indirect_dma source(%dma_start3A_18 : memref<100000x64xf32, #tpu.memory_space<hbm>>) target(%dma_start3A_12 : memref<112x64xf32, #tpu.memory_space<vmem>>) offsets(%dma_start3A_15 : memref<112xi32, #tpu.memory_space<vmem>>) semaphore(%dma_start3A_20 : memref<!tpu.dma_semaphore, #tpu.memory_space<semaphore_mem>>)
    %dma_start3A_21 = arith.constant 1 : i32
    %dma_start3A_22 = arith.constant 1 : i32
    %dma_start3A_23 = arith.constant 1 : i32
    %dma_start3A_24 = arith.constant 0 : i32
    %dma_start3A_25 = arith.constant 0 : i32
    %dma_start3A_26 = tpu.memref_slice %arg8[%dma_start3A_22, %dma_start3A_24, %dma_start3A_25] : memref<4x112x64xf32, #tpu.memory_space<vmem>> -> memref<1x112x64xf32, #tpu.memory_space<vmem>>
    %dma_start3A_27 = tpu.memref_squeeze %dma_start3A_26 : memref<1x112x64xf32, #tpu.memory_space<vmem>> -> memref<112x64xf32, #tpu.memory_space<vmem>>
    %dma_start3A_28 = arith.constant 0 : i32
    %dma_start3A_29 = tpu.memref_slice %arg7[%dma_start3A_21, %dma_start3A_28] : memref<14x112xi32, #tpu.memory_space<vmem>> -> memref<1x112xi32, #tpu.memory_space<vmem>>
    %dma_start3A_30 = tpu.memref_squeeze %dma_start3A_29 : memref<1x112xi32, #tpu.memory_space<vmem>> -> memref<112xi32, #tpu.memory_space<vmem>>
    %dma_start3A_31 = arith.constant 0 : i32
    %dma_start3A_32 = arith.constant 0 : i32
    %dma_start3A_33 = tpu.memref_slice %arg2[%dma_start3A_31, %dma_start3A_32] : memref<100000x64xf32, #tpu.memory_space<hbm>> -> memref<100000x64xf32, #tpu.memory_space<hbm>>
    %dma_start3A_34 = tpu.memref_slice %arg13[%dma_start3A_23] : memref<4x!tpu.dma_semaphore, #tpu.memory_space<semaphore_mem>> -> memref<1x!tpu.dma_semaphore, #tpu.memory_space<semaphore_mem>>
    %dma_start3A_35 = tpu.memref_squeeze %dma_start3A_34 : memref<1x!tpu.dma_semaphore, #tpu.memory_space<semaphore_mem>> -> memref<!tpu.dma_semaphore, #tpu.memory_space<semaphore_mem>>
    tpu.enqueue_indirect_dma source(%dma_start3A_33 : memref<100000x64xf32, #tpu.memory_space<hbm>>) target(%dma_start3A_27 : memref<112x64xf32, #tpu.memory_space<vmem>>) offsets(%dma_start3A_30 : memref<112xi32, #tpu.memory_space<vmem>>) semaphore(%dma_start3A_35 : memref<!tpu.dma_semaphore, #tpu.memory_space<semaphore_mem>>)
    %dma_start3A_36 = arith.constant 2 : i32
    %dma_start3A_37 = arith.constant 2 : i32
    %dma_start3A_38 = arith.constant 2 : i32
    %dma_start3A_39 = arith.constant 0 : i32
    %dma_start3A_40 = arith.constant 0 : i32
    %dma_start3A_41 = tpu.memref_slice %arg8[%dma_start3A_37, %dma_start3A_39, %dma_start3A_40] : memref<4x112x64xf32, #tpu.memory_space<vmem>> -> memref<1x112x64xf32, #tpu.memory_space<vmem>>
    %dma_start3A_42 = tpu.memref_squeeze %dma_start3A_41 : memref<1x112x64xf32, #tpu.memory_space<vmem>> -> memref<112x64xf32, #tpu.memory_space<vmem>>
    %dma_start3A_43 = arith.constant 0 : i32
    %dma_start3A_44 = tpu.memref_slice %arg7[%dma_start3A_36, %dma_start3A_43] : memref<14x112xi32, #tpu.memory_space<vmem>> -> memref<1x112xi32, #tpu.memory_space<vmem>>
    %dma_start3A_45 = tpu.memref_squeeze %dma_start3A_44 : memref<1x112xi32, #tpu.memory_space<vmem>> -> memref<112xi32, #tpu.memory_space<vmem>>
    %dma_start3A_46 = arith.constant 0 : i32
    %dma_start3A_47 = arith.constant 0 : i32
    %dma_start3A_48 = tpu.memref_slice %arg2[%dma_start3A_46, %dma_start3A_47] : memref<100000x64xf32, #tpu.memory_space<hbm>> -> memref<100000x64xf32, #tpu.memory_space<hbm>>
    %dma_start3A_49 = tpu.memref_slice %arg13[%dma_start3A_38] : memref<4x!tpu.dma_semaphore, #tpu.memory_space<semaphore_mem>> -> memref<1x!tpu.dma_semaphore, #tpu.memory_space<semaphore_mem>>
    %dma_start3A_50 = tpu.memref_squeeze %dma_start3A_49 : memref<1x!tpu.dma_semaphore, #tpu.memory_space<semaphore_mem>> -> memref<!tpu.dma_semaphore, #tpu.memory_space<semaphore_mem>>
    tpu.enqueue_indirect_dma source(%dma_start3A_48 : memref<100000x64xf32, #tpu.memory_space<hbm>>) target(%dma_start3A_42 : memref<112x64xf32, #tpu.memory_space<vmem>>) offsets(%dma_start3A_45 : memref<112xi32, #tpu.memory_space<vmem>>) semaphore(%dma_start3A_50 : memref<!tpu.dma_semaphore, #tpu.memory_space<semaphore_mem>>)
    %dma_start3A_51 = arith.constant 3 : i32
    %dma_start3A_52 = arith.constant 3 : i32
    %dma_start3A_53 = arith.constant 3 : i32
    %dma_start3A_54 = arith.constant 0 : i32
    %dma_start3A_55 = arith.constant 0 : i32
    %dma_start3A_56 = tpu.memref_slice %arg8[%dma_start3A_52, %dma_start3A_54, %dma_start3A_55] : memref<4x112x64xf32, #tpu.memory_space<vmem>> -> memref<1x112x64xf32, #tpu.memory_space<vmem>>
    %dma_start3A_57 = tpu.memref_squeeze %dma_start3A_56 : memref<1x112x64xf32, #tpu.memory_space<vmem>> -> memref<112x64xf32, #tpu.memory_space<vmem>>
    %dma_start3A_58 = arith.constant 0 : i32
    %dma_start3A_59 = tpu.memref_slice %arg7[%dma_start3A_51, %dma_start3A_58] : memref<14x112xi32, #tpu.memory_space<vmem>> -> memref<1x112xi32, #tpu.memory_space<vmem>>
    %dma_start3A_60 = tpu.memref_squeeze %dma_start3A_59 : memref<1x112xi32, #tpu.memory_space<vmem>> -> memref<112xi32, #tpu.memory_space<vmem>>
    %dma_start3A_61 = arith.constant 0 : i32
    %dma_start3A_62 = arith.constant 0 : i32
    %dma_start3A_63 = tpu.memref_slice %arg2[%dma_start3A_61, %dma_start3A_62] : memref<100000x64xf32, #tpu.memory_space<hbm>> -> memref<100000x64xf32, #tpu.memory_space<hbm>>
    %dma_start3A_64 = tpu.memref_slice %arg13[%dma_start3A_53] : memref<4x!tpu.dma_semaphore, #tpu.memory_space<semaphore_mem>> -> memref<1x!tpu.dma_semaphore, #tpu.memory_space<semaphore_mem>>
    %dma_start3A_65 = tpu.memref_squeeze %dma_start3A_64 : memref<1x!tpu.dma_semaphore, #tpu.memory_space<semaphore_mem>> -> memref<!tpu.dma_semaphore, #tpu.memory_space<semaphore_mem>>
    tpu.enqueue_indirect_dma source(%dma_start3A_63 : memref<100000x64xf32, #tpu.memory_space<hbm>>) target(%dma_start3A_57 : memref<112x64xf32, #tpu.memory_space<vmem>>) offsets(%dma_start3A_60 : memref<112xi32, #tpu.memory_space<vmem>>) semaphore(%dma_start3A_65 : memref<!tpu.dma_semaphore, #tpu.memory_space<semaphore_mem>>)
    %add3A_66 = arith.constant 0 : i32
    %add3A_67 = arith.addi %mul3A_4, %add3A_66 : i32
    %dma_start3A_68 = arith.constant 1 : i32
    %dma_start3A_69 = arith.constant 0 : i32
    %dma_start3A_70 = arith.constant 0 : i32
    %dma_start3A_71 = arith.constant 0 : i32
    %dma_start3A_72 = arith.constant 0 : i32
    %dma_start3A_73 = tpu.memref_slice %arg9[%dma_start3A_69, %dma_start3A_71, %dma_start3A_72] : memref<2x14x128xi32, #tpu.memory_space<vmem>> -> memref<1x14x128xi32, #tpu.memory_space<vmem>>
    %dma_start3A_74 = tpu.memref_squeeze %dma_start3A_73 : memref<1x14x128xi32, #tpu.memory_space<vmem>> -> memref<14x128xi32, #tpu.memory_space<vmem>>
    %dma_start3A_75 = arith.constant 0 : i32
    %dma_start3A_76 = arith.constant 0 : i32
    %dma_start3A_77 = tpu.memref_slice %arg4[%dma_start3A_68, %dma_start3A_75, %dma_start3A_76] : memref<2x6272x128xi32, #tpu.memory_space<hbm>> -> memref<1x6272x128xi32, #tpu.memory_space<hbm>>
    %dma_start3A_78 = tpu.memref_squeeze %dma_start3A_77 : memref<1x6272x128xi32, #tpu.memory_space<hbm>> -> memref<6272x128xi32, #tpu.memory_space<hbm>>
    %dma_start3A_79 = arith.constant 0 : i32
    %dma_start3A_80 = tpu.memref_slice %dma_start3A_78[%add3A_67, %dma_start3A_79] : memref<6272x128xi32, #tpu.memory_space<hbm>> -> memref<14x128xi32, #tpu.memory_space<hbm>>
    %dma_start3A_81 = tpu.memref_slice %arg14[%dma_start3A_70] : memref<2x!tpu.dma_semaphore, #tpu.memory_space<semaphore_mem>> -> memref<1x!tpu.dma_semaphore, #tpu.memory_space<semaphore_mem>>
    %dma_start3A_82 = tpu.memref_squeeze %dma_start3A_81 : memref<1x!tpu.dma_semaphore, #tpu.memory_space<semaphore_mem>> -> memref<!tpu.dma_semaphore, #tpu.memory_space<semaphore_mem>>
    %dma_start3A_83 = arith.constant 0 : i32
    %dma_start3A_84 = arith.constant 0 : i32
    %dma_start3A_85 = tpu.memref_slice %arg9[%dma_start3A_69, %dma_start3A_83, %dma_start3A_84] : memref<2x14x128xi32, #tpu.memory_space<vmem>> -> memref<1x14x128xi32, #tpu.memory_space<vmem>>
    %dma_start3A_86 = tpu.memref_squeeze %dma_start3A_85 : memref<1x14x128xi32, #tpu.memory_space<vmem>> -> memref<14x128xi32, #tpu.memory_space<vmem>>
    %dma_start3A_87 = arith.constant 0 : i32
    %dma_start3A_88 = arith.constant 0 : i32
    %dma_start3A_89 = tpu.memref_slice %arg4[%dma_start3A_68, %dma_start3A_87, %dma_start3A_88] : memref<2x6272x128xi32, #tpu.memory_space<hbm>> -> memref<1x6272x128xi32, #tpu.memory_space<hbm>>
    %dma_start3A_90 = tpu.memref_squeeze %dma_start3A_89 : memref<1x6272x128xi32, #tpu.memory_space<hbm>> -> memref<6272x128xi32, #tpu.memory_space<hbm>>
    %dma_start3A_91 = arith.constant 0 : i32
    %dma_start3A_92 = tpu.memref_slice %dma_start3A_90[%add3A_67, %dma_start3A_91] : memref<6272x128xi32, #tpu.memory_space<hbm>> -> memref<14x128xi32, #tpu.memory_space<hbm>>
    tpu.enqueue_dma source(%dma_start3A_92 : memref<14x128xi32, #tpu.memory_space<hbm>>) target(%dma_start3A_86 : memref<14x128xi32, #tpu.memory_space<vmem>>) target_semaphore(%dma_start3A_82 : memref<!tpu.dma_semaphore, #tpu.memory_space<semaphore_mem>>)
    %add3A_93 = arith.constant 14 : i32
    %add3A_94 = arith.addi %mul3A_4, %add3A_93 : i32
    %dma_start3A_95 = arith.constant 1 : i32
    %dma_start3A_96 = arith.constant 1 : i32
    %dma_start3A_97 = arith.constant 1 : i32
    %dma_start3A_98 = arith.constant 0 : i32
    %dma_start3A_99 = arith.constant 0 : i32
    %dma_start3A_100 = tpu.memref_slice %arg9[%dma_start3A_96, %dma_start3A_98, %dma_start3A_99] : memref<2x14x128xi32, #tpu.memory_space<vmem>> -> memref<1x14x128xi32, #tpu.memory_space<vmem>>
    %dma_start3A_101 = tpu.memref_squeeze %dma_start3A_100 : memref<1x14x128xi32, #tpu.memory_space<vmem>> -> memref<14x128xi32, #tpu.memory_space<vmem>>
    %dma_start3A_102 = arith.constant 0 : i32
    %dma_start3A_103 = arith.constant 0 : i32
    %dma_start3A_104 = tpu.memref_slice %arg4[%dma_start3A_95, %dma_start3A_102, %dma_start3A_103] : memref<2x6272x128xi32, #tpu.memory_space<hbm>> -> memref<1x6272x128xi32, #tpu.memory_space<hbm>>
    %dma_start3A_105 = tpu.memref_squeeze %dma_start3A_104 : memref<1x6272x128xi32, #tpu.memory_space<hbm>> -> memref<6272x128xi32, #tpu.memory_space<hbm>>
    %dma_start3A_106 = arith.constant 0 : i32
    %dma_start3A_107 = tpu.memref_slice %dma_start3A_105[%add3A_94, %dma_start3A_106] : memref<6272x128xi32, #tpu.memory_space<hbm>> -> memref<14x128xi32, #tpu.memory_space<hbm>>
    %dma_start3A_108 = tpu.memref_slice %arg14[%dma_start3A_97] : memref<2x!tpu.dma_semaphore, #tpu.memory_space<semaphore_mem>> -> memref<1x!tpu.dma_semaphore, #tpu.memory_space<semaphore_mem>>
    %dma_start3A_109 = tpu.memref_squeeze %dma_start3A_108 : memref<1x!tpu.dma_semaphore, #tpu.memory_space<semaphore_mem>> -> memref<!tpu.dma_semaphore, #tpu.memory_space<semaphore_mem>>
    %dma_start3A_110 = arith.constant 0 : i32
    %dma_start3A_111 = arith.constant 0 : i32
    %dma_start3A_112 = tpu.memref_slice %arg9[%dma_start3A_96, %dma_start3A_110, %dma_start3A_111] : memref<2x14x128xi32, #tpu.memory_space<vmem>> -> memref<1x14x128xi32, #tpu.memory_space<vmem>>
    %dma_start3A_113 = tpu.memref_squeeze %dma_start3A_112 : memref<1x14x128xi32, #tpu.memory_space<vmem>> -> memref<14x128xi32, #tpu.memory_space<vmem>>
    %dma_start3A_114 = arith.constant 0 : i32
    %dma_start3A_115 = arith.constant 0 : i32
    %dma_start3A_116 = tpu.memref_slice %arg4[%dma_start3A_95, %dma_start3A_114, %dma_start3A_115] : memref<2x6272x128xi32, #tpu.memory_space<hbm>> -> memref<1x6272x128xi32, #tpu.memory_space<hbm>>
    %dma_start3A_117 = tpu.memref_squeeze %dma_start3A_116 : memref<1x6272x128xi32, #tpu.memory_space<hbm>> -> memref<6272x128xi32, #tpu.memory_space<hbm>>
    %dma_start3A_118 = arith.constant 0 : i32
    %dma_start3A_119 = tpu.memref_slice %dma_start3A_117[%add3A_94, %dma_start3A_118] : memref<6272x128xi32, #tpu.memory_space<hbm>> -> memref<14x128xi32, #tpu.memory_space<hbm>>
    tpu.enqueue_dma source(%dma_start3A_119 : memref<14x128xi32, #tpu.memory_space<hbm>>) target(%dma_start3A_113 : memref<14x128xi32, #tpu.memory_space<vmem>>) target_semaphore(%dma_start3A_109 : memref<!tpu.dma_semaphore, #tpu.memory_space<semaphore_mem>>)
    %broadcast_in_dim3A = arith.constant 0.000000e+00 : f32
    %broadcast_in_dim3A_120 = vector.broadcast %broadcast_in_dim3A : f32 to vector<16xf32>
    %swap3A = arith.constant 0 : index
    %swap3A_121 = tpu.vector_load %arg11[%swap3A] {strides = array<i32>} : memref<112xf32, #tpu.memory_space<vmem>>, vector<16xf32>,
    %swap3A_122 = vector.shape_cast %swap3A_121 : vector<16xf32> to vector<16xf32>
    %swap3A_123 = vector.shape_cast %broadcast_in_dim3A_120 : vector<16xf32> to vector<16xf32>
    tpu.vector_store %arg11[%swap3A], %swap3A_123 {strides = array<i32>} : memref<112xf32, #tpu.memory_space<vmem>>, vector<16xf32>,
    %broadcast_in_dim3A_124 = arith.constant 0.000000e+00 : f32
    %broadcast_in_dim3A_125 = vector.broadcast %broadcast_in_dim3A_124 : f32 to vector<16xf32>
    %swap3A_126 = arith.constant 16 : index
    %swap3A_127 = tpu.vector_load %arg11[%swap3A_126] {strides = array<i32>} : memref<112xf32, #tpu.memory_space<vmem>>, vector<16xf32>,
    %swap3A_128 = vector.shape_cast %swap3A_127 : vector<16xf32> to vector<16xf32>
    %swap3A_129 = vector.shape_cast %broadcast_in_dim3A_125 : vector<16xf32> to vector<16xf32>
    tpu.vector_store %arg11[%swap3A_126], %swap3A_129 {strides = array<i32>} : memref<112xf32, #tpu.memory_space<vmem>>, vector<16xf32>,
    %broadcast_in_dim3A_130 = arith.constant 0.000000e+00 : f32
    %broadcast_in_dim3A_131 = vector.broadcast %broadcast_in_dim3A_130 : f32 to vector<16xf32>
    %swap3A_132 = arith.constant 32 : index
    %swap3A_133 = tpu.vector_load %arg11[%swap3A_132] {strides = array<i32>} : memref<112xf32, #tpu.memory_space<vmem>>, vector<16xf32>,
    %swap3A_134 = vector.shape_cast %swap3A_133 : vector<16xf32> to vector<16xf32>
    %swap3A_135 = vector.shape_cast %broadcast_in_dim3A_131 : vector<16xf32> to vector<16xf32>
    tpu.vector_store %arg11[%swap3A_132], %swap3A_135 {strides = array<i32>} : memref<112xf32, #tpu.memory_space<vmem>>, vector<16xf32>,
    %broadcast_in_dim3A_136 = arith.constant 0.000000e+00 : f32
    %broadcast_in_dim3A_137 = vector.broadcast %broadcast_in_dim3A_136 : f32 to vector<16xf32>
    %swap3A_138 = arith.constant 48 : index
    %swap3A_139 = tpu.vector_load %arg11[%swap3A_138] {strides = array<i32>} : memref<112xf32, #tpu.memory_space<vmem>>, vector<16xf32>,
    %swap3A_140 = vector.shape_cast %swap3A_139 : vector<16xf32> to vector<16xf32>
    %swap3A_141 = vector.shape_cast %broadcast_in_dim3A_137 : vector<16xf32> to vector<16xf32>
    tpu.vector_store %arg11[%swap3A_138], %swap3A_141 {strides = array<i32>} : memref<112xf32, #tpu.memory_space<vmem>>, vector<16xf32>,
    %broadcast_in_dim3A_142 = arith.constant 0.000000e+00 : f32
    %broadcast_in_dim3A_143 = vector.broadcast %broadcast_in_dim3A_142 : f32 to vector<16xf32>
    %swap3A_144 = arith.constant 64 : index
    %swap3A_145 = tpu.vector_load %arg11[%swap3A_144] {strides = array<i32>} : memref<112xf32, #tpu.memory_space<vmem>>, vector<16xf32>,
    %swap3A_146 = vector.shape_cast %swap3A_145 : vector<16xf32> to vector<16xf32>
    %swap3A_147 = vector.shape_cast %broadcast_in_dim3A_143 : vector<16xf32> to vector<16xf32>
    tpu.vector_store %arg11[%swap3A_144], %swap3A_147 {strides = array<i32>} : memref<112xf32, #tpu.memory_space<vmem>>, vector<16xf32>,
    %broadcast_in_dim3A_148 = arith.constant 0.000000e+00 : f32
    %broadcast_in_dim3A_149 = vector.broadcast %broadcast_in_dim3A_148 : f32 to vector<16xf32>
    %swap3A_150 = arith.constant 80 : index
    %swap3A_151 = tpu.vector_load %arg11[%swap3A_150] {strides = array<i32>} : memref<112xf32, #tpu.memory_space<vmem>>, vector<16xf32>,
    %swap3A_152 = vector.shape_cast %swap3A_151 : vector<16xf32> to vector<16xf32>
    %swap3A_153 = vector.shape_cast %broadcast_in_dim3A_149 : vector<16xf32> to vector<16xf32>
    tpu.vector_store %arg11[%swap3A_150], %swap3A_153 {strides = array<i32>} : memref<112xf32, #tpu.memory_space<vmem>>, vector<16xf32>,
    %broadcast_in_dim3A_154 = arith.constant 0.000000e+00 : f32
    %broadcast_in_dim3A_155 = vector.broadcast %broadcast_in_dim3A_154 : f32 to vector<16xf32>
    %swap3A_156 = arith.constant 96 : index
    %swap3A_157 = tpu.vector_load %arg11[%swap3A_156] {strides = array<i32>} : memref<112xf32, #tpu.memory_space<vmem>>, vector<16xf32>,
    %swap3A_158 = vector.shape_cast %swap3A_157 : vector<16xf32> to vector<16xf32>
    %swap3A_159 = vector.shape_cast %broadcast_in_dim3A_155 : vector<16xf32> to vector<16xf32>
    tpu.vector_store %arg11[%swap3A_156], %swap3A_159 {strides = array<i32>} : memref<112xf32, #tpu.memory_space<vmem>>, vector<16xf32>,
    %broadcast_in_dim3A_160 = arith.constant 1.000000e+00 : f32
    %broadcast_in_dim3A_161 = vector.broadcast %broadcast_in_dim3A_160 : f32 to vector<16xf32>
    %swap3A_162 = arith.constant 0 : index
    %swap3A_163 = tpu.vector_load %arg10[%swap3A_162] {strides = array<i32>} : memref<128xf32, #tpu.memory_space<vmem>>, vector<16xf32>,
    %swap3A_164 = vector.shape_cast %swap3A_163 : vector<16xf32> to vector<16xf32>
    %swap3A_165 = vector.shape_cast %broadcast_in_dim3A_161 : vector<16xf32> to vector<16xf32>
    tpu.vector_store %arg10[%swap3A_162], %swap3A_165 {strides = array<i32>} : memref<128xf32, #tpu.memory_space<vmem>>, vector<16xf32>,
    %broadcast_in_dim3A_166 = arith.constant 1.000000e+00 : f32
    %broadcast_in_dim3A_167 = vector.broadcast %broadcast_in_dim3A_166 : f32 to vector<16xf32>
    %swap3A_168 = arith.constant 16 : index
    %swap3A_169 = tpu.vector_load %arg10[%swap3A_168] {strides = array<i32>} : memref<128xf32, #tpu.memory_space<vmem>>, vector<16xf32>,
    %swap3A_170 = vector.shape_cast %swap3A_169 : vector<16xf32> to vector<16xf32>
    %swap3A_171 = vector.shape_cast %broadcast_in_dim3A_167 : vector<16xf32> to vector<16xf32>
    tpu.vector_store %arg10[%swap3A_168], %swap3A_171 {strides = array<i32>} : memref<128xf32, #tpu.memory_space<vmem>>, vector<16xf32>,
    %broadcast_in_dim3A_172 = arith.constant 1.000000e+00 : f32
    %broadcast_in_dim3A_173 = vector.broadcast %broadcast_in_dim3A_172 : f32 to vector<16xf32>
    %swap3A_174 = arith.constant 32 : index
    %swap3A_175 = tpu.vector_load %arg10[%swap3A_174] {strides = array<i32>} : memref<128xf32, #tpu.memory_space<vmem>>, vector<16xf32>,
    %swap3A_176 = vector.shape_cast %swap3A_175 : vector<16xf32> to vector<16xf32>
    %swap3A_177 = vector.shape_cast %broadcast_in_dim3A_173 : vector<16xf32> to vector<16xf32>
    tpu.vector_store %arg10[%swap3A_174], %swap3A_177 {strides = array<i32>} : memref<128xf32, #tpu.memory_space<vmem>>, vector<16xf32>,
    %broadcast_in_dim3A_178 = arith.constant 1.000000e+00 : f32
    %broadcast_in_dim3A_179 = vector.broadcast %broadcast_in_dim3A_178 : f32 to vector<16xf32>
    %swap3A_180 = arith.constant 48 : index
    %swap3A_181 = tpu.vector_load %arg10[%swap3A_180] {strides = array<i32>} : memref<128xf32, #tpu.memory_space<vmem>>, vector<16xf32>,
    %swap3A_182 = vector.shape_cast %swap3A_181 : vector<16xf32> to vector<16xf32>
    %swap3A_183 = vector.shape_cast %broadcast_in_dim3A_179 : vector<16xf32> to vector<16xf32>
    tpu.vector_store %arg10[%swap3A_180], %swap3A_183 {strides = array<i32>} : memref<128xf32, #tpu.memory_space<vmem>>, vector<16xf32>,
    %broadcast_in_dim3A_184 = arith.constant 1.000000e+00 : f32
    %broadcast_in_dim3A_185 = vector.broadcast %broadcast_in_dim3A_184 : f32 to vector<16xf32>
    %swap3A_186 = arith.constant 64 : index
    %swap3A_187 = tpu.vector_load %arg10[%swap3A_186] {strides = array<i32>} : memref<128xf32, #tpu.memory_space<vmem>>, vector<16xf32>,
    %swap3A_188 = vector.shape_cast %swap3A_187 : vector<16xf32> to vector<16xf32>
    %swap3A_189 = vector.shape_cast %broadcast_in_dim3A_185 : vector<16xf32> to vector<16xf32>
    tpu.vector_store %arg10[%swap3A_186], %swap3A_189 {strides = array<i32>} : memref<128xf32, #tpu.memory_space<vmem>>, vector<16xf32>,
    %broadcast_in_dim3A_190 = arith.constant 1.000000e+00 : f32
    %broadcast_in_dim3A_191 = vector.broadcast %broadcast_in_dim3A_190 : f32 to vector<16xf32>
    %swap3A_192 = arith.constant 80 : index
    %swap3A_193 = tpu.vector_load %arg10[%swap3A_192] {strides = array<i32>} : memref<128xf32, #tpu.memory_space<vmem>>, vector<16xf32>,
    %swap3A_194 = vector.shape_cast %swap3A_193 : vector<16xf32> to vector<16xf32>
    %swap3A_195 = vector.shape_cast %broadcast_in_dim3A_191 : vector<16xf32> to vector<16xf32>
    tpu.vector_store %arg10[%swap3A_192], %swap3A_195 {strides = array<i32>} : memref<128xf32, #tpu.memory_space<vmem>>, vector<16xf32>,
    %broadcast_in_dim3A_196 = arith.constant 1.000000e+00 : f32
    %broadcast_in_dim3A_197 = vector.broadcast %broadcast_in_dim3A_196 : f32 to vector<16xf32>
    %swap3A_198 = arith.constant 96 : index
    %swap3A_199 = tpu.vector_load %arg10[%swap3A_198] {strides = array<i32>} : memref<128xf32, #tpu.memory_space<vmem>>, vector<16xf32>,
    %swap3A_200 = vector.shape_cast %swap3A_199 : vector<16xf32> to vector<16xf32>
    %swap3A_201 = vector.shape_cast %broadcast_in_dim3A_197 : vector<16xf32> to vector<16xf32>
    tpu.vector_store %arg10[%swap3A_198], %swap3A_201 {strides = array<i32>} : memref<128xf32, #tpu.memory_space<vmem>>, vector<16xf32>,
    %broadcast_in_dim3A_202 = arith.constant 1.000000e+00 : f32
    %broadcast_in_dim3A_203 = vector.broadcast %broadcast_in_dim3A_202 : f32 to vector<16xf32>
    %swap3A_204 = arith.constant 112 : index
    %swap3A_205 = tpu.vector_load %arg10[%swap3A_204] {strides = array<i32>} : memref<128xf32, #tpu.memory_space<vmem>>, vector<16xf32>,
    %swap3A_206 = vector.shape_cast %swap3A_205 : vector<16xf32> to vector<16xf32>
    %swap3A_207 = vector.shape_cast %broadcast_in_dim3A_203 : vector<16xf32> to vector<16xf32>
    tpu.vector_store %arg10[%swap3A_204], %swap3A_207 {strides = array<i32>} : memref<128xf32, #tpu.memory_space<vmem>>, vector<16xf32>,
    %mul3A_208 = arith.constant 3136 : i32
    %mul3A_209 = arith.muli %arg1, %mul3A_208 : i32
    %scan3A = arith.constant 0 : i32
    %scan3A_210 = arith.constant 28 : i32
    %scan3A_211 = arith.addi %scan3A, %scan3A_210 : i32
    %scan3A_212 = arith.constant 1 : i32
    scf.for %scan3A_229 = %scan3A to %scan3A_211 step %scan3A_212  : i32 {
      %mul3A_230 = arith.constant 1 : i32
      %mul3A_231 = arith.muli %scan3A_229, %mul3A_230 : i32
      %add3A_232 = arith.constant 0 : i32
      %add3A_233 = arith.addi %add3A_232, %mul3A_231 : i32
      %mul3A_234 = arith.constant 112 : i32
      %mul3A_235 = arith.muli %add3A_233, %mul3A_234 : i32
      %add3A_236 = arith.addi %mul3A_209, %mul3A_235 : i32
      "tpu.region"() ({
        %run_scoped3A = tpu.sem_alloc : memref<!tpu.dma_semaphore, #tpu.memory_space<semaphore_mem>>
        %dma_start3A_237 = tpu.memref_slice %arg12[%add3A_236] : memref<50176xf32, #tpu.memory_space<vmem_shared>> -> memref<112xf32, #tpu.memory_space<vmem_shared>>
        %dma_start3A_238 = tpu.memref_slice %arg12[%add3A_236] : memref<50176xf32, #tpu.memory_space<vmem_shared>> -> memref<112xf32, #tpu.memory_space<vmem_shared>>
        tpu.enqueue_dma source(%arg11 : memref<112xf32, #tpu.memory_space<vmem>>) target(%dma_start3A_238 : memref<112xf32, #tpu.memory_space<vmem_shared>>) target_semaphore(%run_scoped3A : memref<!tpu.dma_semaphore, #tpu.memory_space<semaphore_mem>>)
        %dma_wait3A = tpu.memref_slice %arg12[%add3A_236] : memref<50176xf32, #tpu.memory_space<vmem_shared>> -> memref<112xf32, #tpu.memory_space<vmem_shared>>
        %dma_wait3A_239 = tpu.memref_slice %arg12[%add3A_236] : memref<50176xf32, #tpu.memory_space<vmem_shared>> -> memref<112xf32, #tpu.memory_space<vmem_shared>>
        tpu.wait_dma2 semaphore(%run_scoped3A : memref<!tpu.dma_semaphore, #tpu.memory_space<semaphore_mem>>) src(%arg11 : memref<112xf32, #tpu.memory_space<vmem>>) dst(%dma_wait3A_239 : memref<112xf32, #tpu.memory_space<vmem_shared>>)
        tpu.yield
      }) : () -> ()
    }
    %scan3A_213 = arith.constant 28 : i32
    %scan3A_214 = arith.constant 0 : i32
    %scan3A_215 = arith.constant 14 : i32
    %scan3A_216 = arith.addi %scan3A_214, %scan3A_215 : i32
    %scan3A_217 = arith.constant 1 : i32
    scf.for %scan3A_229 = %scan3A_214 to %scan3A_216 step %scan3A_217  : i32 {
      %mul3A_230 = arith.constant 1 : i32
      %mul3A_231 = arith.muli %scan3A_229, %mul3A_230 : i32
      %add3A_232 = arith.constant 0 : i32
      %add3A_233 = arith.addi %add3A_232, %mul3A_231 : i32
      %rem3A = arith.constant 4 : i32
      %rem3A_234 = arith.remsi %add3A_233, %rem3A : i32
      %dma_wait3A = arith.constant 0 : i32
      %dma_wait3A_235 = arith.constant 0 : i32
      %dma_wait3A_236 = tpu.memref_slice %arg8[%rem3A_234, %dma_wait3A, %dma_wait3A_235] : memref<4x112x64xf32, #tpu.memory_space<vmem>> -> memref<1x112x64xf32, #tpu.memory_space<vmem>>
      %dma_wait3A_237 = tpu.memref_squeeze %dma_wait3A_236 : memref<1x112x64xf32, #tpu.memory_space<vmem>> -> memref<112x64xf32, #tpu.memory_space<vmem>>
      %dma_wait3A_238 = arith.constant 0 : i32
      %dma_wait3A_239 = arith.constant 0 : i32
      %dma_wait3A_240 = tpu.memref_slice %arg2[%dma_wait3A_238, %dma_wait3A_239] : memref<100000x64xf32, #tpu.memory_space<hbm>> -> memref<112x64xf32, #tpu.memory_space<hbm>>
      %dma_wait3A_241 = tpu.memref_slice %arg13[%rem3A_234] : memref<4x!tpu.dma_semaphore, #tpu.memory_space<semaphore_mem>> -> memref<1x!tpu.dma_semaphore, #tpu.memory_space<semaphore_mem>>
      %dma_wait3A_242 = tpu.memref_squeeze %dma_wait3A_241 : memref<1x!tpu.dma_semaphore, #tpu.memory_space<semaphore_mem>> -> memref<!tpu.dma_semaphore, #tpu.memory_space<semaphore_mem>>
      %dma_wait3A_243 = arith.constant 0 : i32
      %dma_wait3A_244 = arith.constant 0 : i32
      %dma_wait3A_245 = tpu.memref_slice %arg8[%rem3A_234, %dma_wait3A_243, %dma_wait3A_244] : memref<4x112x64xf32, #tpu.memory_space<vmem>> -> memref<1x112x64xf32, #tpu.memory_space<vmem>>
      %dma_wait3A_246 = tpu.memref_squeeze %dma_wait3A_245 : memref<1x112x64xf32, #tpu.memory_space<vmem>> -> memref<112x64xf32, #tpu.memory_space<vmem>>
      %dma_wait3A_247 = arith.constant 0 : i32
      %dma_wait3A_248 = arith.constant 0 : i32
      %dma_wait3A_249 = tpu.memref_slice %arg2[%dma_wait3A_247, %dma_wait3A_248] : memref<100000x64xf32, #tpu.memory_space<hbm>> -> memref<112x64xf32, #tpu.memory_space<hbm>>
      tpu.wait_dma2 semaphore(%dma_wait3A_242 : memref<!tpu.dma_semaphore, #tpu.memory_space<semaphore_mem>>) src(%dma_wait3A_249 : memref<112x64xf32, #tpu.memory_space<hbm>>) dst(%dma_wait3A_246 : memref<112x64xf32, #tpu.memory_space<vmem>>)
      %mul3A_250 = arith.constant 112 : i32
      %mul3A_251 = arith.muli %add3A_233, %mul3A_250 : i32
      %add3A_252 = arith.addi %mul3A_2, %mul3A_251 : i32
      "tpu.region"() ({
        %run_scoped3A = tpu.sem_alloc : memref<!tpu.dma_semaphore, #tpu.memory_space<semaphore_mem>>
        %dma_start3A_257 = arith.constant 0 : i32
        %dma_start3A_258 = arith.constant 0 : i32
        %dma_start3A_259 = tpu.memref_slice %arg8[%rem3A_234, %dma_start3A_257, %dma_start3A_258] : memref<4x112x64xf32, #tpu.memory_space<vmem>> -> memref<1x112x64xf32, #tpu.memory_space<vmem>>
        %dma_start3A_260 = tpu.memref_squeeze %dma_start3A_259 : memref<1x112x64xf32, #tpu.memory_space<vmem>> -> memref<112x64xf32, #tpu.memory_space<vmem>>
        %dma_start3A_261 = arith.constant 0 : i32
        %dma_start3A_262 = tpu.memref_slice %arg5[%add3A_252, %dma_start3A_261] : memref<50176x64xf32, #tpu.memory_space<hbm>> -> memref<112x64xf32, #tpu.memory_space<hbm>>
        %dma_start3A_263 = arith.constant 0 : i32
        %dma_start3A_264 = tpu.memref_slice %arg5[%add3A_252, %dma_start3A_263] : memref<50176x64xf32, #tpu.memory_space<hbm>> -> memref<112x64xf32, #tpu.memory_space<hbm>>
        %dma_start3A_265 = arith.constant 0 : i32
        %dma_start3A_266 = arith.constant 0 : i32
        %dma_start3A_267 = tpu.memref_slice %arg8[%rem3A_234, %dma_start3A_265, %dma_start3A_266] : memref<4x112x64xf32, #tpu.memory_space<vmem>> -> memref<1x112x64xf32, #tpu.memory_space<vmem>>
        %dma_start3A_268 = tpu.memref_squeeze %dma_start3A_267 : memref<1x112x64xf32, #tpu.memory_space<vmem>> -> memref<112x64xf32, #tpu.memory_space<vmem>>
        tpu.enqueue_dma source(%dma_start3A_268 : memref<112x64xf32, #tpu.memory_space<vmem>>) target(%dma_start3A_264 : memref<112x64xf32, #tpu.memory_space<hbm>>) target_semaphore(%run_scoped3A : memref<!tpu.dma_semaphore, #tpu.memory_space<semaphore_mem>>)
        %dma_wait3A_269 = arith.constant 0 : i32
        %dma_wait3A_270 = arith.constant 0 : i32
        %dma_wait3A_271 = tpu.memref_slice %arg8[%rem3A_234, %dma_wait3A_269, %dma_wait3A_270] : memref<4x112x64xf32, #tpu.memory_space<vmem>> -> memref<1x112x64xf32, #tpu.memory_space<vmem>>
        %dma_wait3A_272 = tpu.memref_squeeze %dma_wait3A_271 : memref<1x112x64xf32, #tpu.memory_space<vmem>> -> memref<112x64xf32, #tpu.memory_space<vmem>>
        %dma_wait3A_273 = arith.constant 0 : i32
        %dma_wait3A_274 = tpu.memref_slice %arg5[%add3A_252, %dma_wait3A_273] : memref<50176x64xf32, #tpu.memory_space<hbm>> -> memref<112x64xf32, #tpu.memory_space<hbm>>
        %dma_wait3A_275 = arith.constant 0 : i32
        %dma_wait3A_276 = tpu.memref_slice %arg5[%add3A_252, %dma_wait3A_275] : memref<50176x64xf32, #tpu.memory_space<hbm>> -> memref<112x64xf32, #tpu.memory_space<hbm>>
        %dma_wait3A_277 = arith.constant 0 : i32
        %dma_wait3A_278 = arith.constant 0 : i32
        %dma_wait3A_279 = tpu.memref_slice %arg8[%rem3A_234, %dma_wait3A_277, %dma_wait3A_278] : memref<4x112x64xf32, #tpu.memory_space<vmem>> -> memref<1x112x64xf32, #tpu.memory_space<vmem>>
        %dma_wait3A_280 = tpu.memref_squeeze %dma_wait3A_279 : memref<1x112x64xf32, #tpu.memory_space<vmem>> -> memref<112x64xf32, #tpu.memory_space<vmem>>
        tpu.wait_dma2 semaphore(%run_scoped3A : memref<!tpu.dma_semaphore, #tpu.memory_space<semaphore_mem>>) src(%dma_wait3A_280 : memref<112x64xf32, #tpu.memory_space<vmem>>) dst(%dma_wait3A_276 : memref<112x64xf32, #tpu.memory_space<hbm>>)
        tpu.yield
      }) : () -> ()
      %add3A_253 = arith.constant 4 : i32
      %add3A_254 = arith.addi %add3A_233, %add3A_253 : i32
      %lt3A = arith.constant 14 : i32
      %lt3A_255 = arith.cmpi slt, %add3A_254, %lt3A : i32
      %convert_element_type3A = arith.extui %lt3A_255 : i1 to i32
      %cond3A = arith.constant 0 : i32
      %cond3A_256 = arith.cmpi ne, %convert_element_type3A, %cond3A : i32
      scf.if %cond3A_256 {
        %add3A_257 = arith.constant 4 : i32
        %add3A_258 = arith.addi %add3A_233, %add3A_257 : i32
        %dma_start3A_259 = arith.constant 0 : i32
        %dma_start3A_260 = arith.constant 0 : i32
        %dma_start3A_261 = tpu.memref_slice %arg8[%rem3A_234, %dma_start3A_259, %dma_start3A_260] : memref<4x112x64xf32, #tpu.memory_space<vmem>> -> memref<1x112x64xf32, #tpu.memory_space<vmem>>
        %dma_start3A_262 = tpu.memref_squeeze %dma_start3A_261 : memref<1x112x64xf32, #tpu.memory_space<vmem>> -> memref<112x64xf32, #tpu.memory_space<vmem>>
        %dma_start3A_263 = arith.constant 0 : i32
        %dma_start3A_264 = tpu.memref_slice %arg7[%add3A_258, %dma_start3A_263] : memref<14x112xi32, #tpu.memory_space<vmem>> -> memref<1x112xi32, #tpu.memory_space<vmem>>
        %dma_start3A_265 = tpu.memref_squeeze %dma_start3A_264 : memref<1x112xi32, #tpu.memory_space<vmem>> -> memref<112xi32, #tpu.memory_space<vmem>>
        %dma_start3A_266 = arith.constant 0 : i32
        %dma_start3A_267 = arith.constant 0 : i32
        %dma_start3A_268 = tpu.memref_slice %arg2[%dma_start3A_266, %dma_start3A_267] : memref<100000x64xf32, #tpu.memory_space<hbm>> -> memref<100000x64xf32, #tpu.memory_space<hbm>>
        %dma_start3A_269 = tpu.memref_slice %arg13[%rem3A_234] : memref<4x!tpu.dma_semaphore, #tpu.memory_space<semaphore_mem>> -> memref<1x!tpu.dma_semaphore, #tpu.memory_space<semaphore_mem>>
        %dma_start3A_270 = tpu.memref_squeeze %dma_start3A_269 : memref<1x!tpu.dma_semaphore, #tpu.memory_space<semaphore_mem>> -> memref<!tpu.dma_semaphore, #tpu.memory_space<semaphore_mem>>
        tpu.enqueue_indirect_dma source(%dma_start3A_268 : memref<100000x64xf32, #tpu.memory_space<hbm>>) target(%dma_start3A_262 : memref<112x64xf32, #tpu.memory_space<vmem>>) offsets(%dma_start3A_265 : memref<112xi32, #tpu.memory_space<vmem>>) semaphore(%dma_start3A_270 : memref<!tpu.dma_semaphore, #tpu.memory_space<semaphore_mem>>)
      } else {
      }
    }
    %scan3A_218 = arith.constant 14 : i32
    %barrier3A = arith.constant 0 : index
    tpu.barrier barrier_id(%barrier3A)
    %scan3A_219 = arith.constant 1 : i32
    %scan3A_220 = arith.constant 0 : i32
    %scan3A_221 = arith.constant 14 : i32
    %scan3A_222 = arith.addi %scan3A_220, %scan3A_221 : i32
    %scan3A_223 = arith.constant 1 : i32
    scf.for %scan3A_229 = %scan3A_220 to %scan3A_222 step %scan3A_223  : i32 {
      %mul3A_230 = arith.constant 1 : i32
      %mul3A_231 = arith.muli %scan3A_229, %mul3A_230 : i32
      %add3A_232 = arith.constant 0 : i32
      %add3A_233 = arith.addi %add3A_232, %mul3A_231 : i32
      %rem3A = arith.constant 2 : i32
      %rem3A_234 = arith.remsi %add3A_233, %rem3A : i32
      %dma_wait3A = arith.constant 0 : i32
      %dma_wait3A_235 = arith.constant 0 : i32
      %dma_wait3A_236 = tpu.memref_slice %arg9[%rem3A_234, %dma_wait3A, %dma_wait3A_235] : memref<2x14x128xi32, #tpu.memory_space<vmem>> -> memref<1x14x128xi32, #tpu.memory_space<vmem>>
      %dma_wait3A_237 = tpu.memref_squeeze %dma_wait3A_236 : memref<1x14x128xi32, #tpu.memory_space<vmem>> -> memref<14x128xi32, #tpu.memory_space<vmem>>
      %dma_wait3A_238 = arith.constant 0 : i32
      %dma_wait3A_239 = arith.constant 0 : i32
      %dma_wait3A_240 = tpu.memref_slice %arg4[%scan3A_219, %dma_wait3A_238, %dma_wait3A_239] : memref<2x6272x128xi32, #tpu.memory_space<hbm>> -> memref<1x6272x128xi32, #tpu.memory_space<hbm>>
      %dma_wait3A_241 = tpu.memref_squeeze %dma_wait3A_240 : memref<1x6272x128xi32, #tpu.memory_space<hbm>> -> memref<6272x128xi32, #tpu.memory_space<hbm>>
      %dma_wait3A_242 = arith.constant 0 : i32
      %dma_wait3A_243 = arith.constant 0 : i32
      %dma_wait3A_244 = tpu.memref_slice %dma_wait3A_241[%dma_wait3A_242, %dma_wait3A_243] : memref<6272x128xi32, #tpu.memory_space<hbm>> -> memref<14x128xi32, #tpu.memory_space<hbm>>
      %dma_wait3A_245 = tpu.memref_slice %arg14[%rem3A_234] : memref<2x!tpu.dma_semaphore, #tpu.memory_space<semaphore_mem>> -> memref<1x!tpu.dma_semaphore, #tpu.memory_space<semaphore_mem>>
      %dma_wait3A_246 = tpu.memref_squeeze %dma_wait3A_245 : memref<1x!tpu.dma_semaphore, #tpu.memory_space<semaphore_mem>> -> memref<!tpu.dma_semaphore, #tpu.memory_space<semaphore_mem>>
      %dma_wait3A_247 = arith.constant 0 : i32
      %dma_wait3A_248 = arith.constant 0 : i32
      %dma_wait3A_249 = tpu.memref_slice %arg9[%rem3A_234, %dma_wait3A_247, %dma_wait3A_248] : memref<2x14x128xi32, #tpu.memory_space<vmem>> -> memref<1x14x128xi32, #tpu.memory_space<vmem>>
      %dma_wait3A_250 = tpu.memref_squeeze %dma_wait3A_249 : memref<1x14x128xi32, #tpu.memory_space<vmem>> -> memref<14x128xi32, #tpu.memory_space<vmem>>
      %dma_wait3A_251 = arith.constant 0 : i32
      %dma_wait3A_252 = arith.constant 0 : i32
      %dma_wait3A_253 = tpu.memref_slice %arg4[%scan3A_219, %dma_wait3A_251, %dma_wait3A_252] : memref<2x6272x128xi32, #tpu.memory_space<hbm>> -> memref<1x6272x128xi32, #tpu.memory_space<hbm>>
      %dma_wait3A_254 = tpu.memref_squeeze %dma_wait3A_253 : memref<1x6272x128xi32, #tpu.memory_space<hbm>> -> memref<6272x128xi32, #tpu.memory_space<hbm>>
      %dma_wait3A_255 = arith.constant 0 : i32
      %dma_wait3A_256 = arith.constant 0 : i32
      %dma_wait3A_257 = tpu.memref_slice %dma_wait3A_254[%dma_wait3A_255, %dma_wait3A_256] : memref<6272x128xi32, #tpu.memory_space<hbm>> -> memref<14x128xi32, #tpu.memory_space<hbm>>
      tpu.wait_dma2 semaphore(%dma_wait3A_246 : memref<!tpu.dma_semaphore, #tpu.memory_space<semaphore_mem>>) src(%dma_wait3A_257 : memref<14x128xi32, #tpu.memory_space<hbm>>) dst(%dma_wait3A_250 : memref<14x128xi32, #tpu.memory_space<vmem>>)
      %run_scoped3A = arith.constant 0 : i32
      "tpu.region"() ({
        %run_scoped3A_275 = tpu.sem_alloc : memref<!tpu.dma_semaphore, #tpu.memory_space<semaphore_mem>>
        %dma_start3A_276 = arith.constant 0 : i32
        %dma_start3A_277 = arith.constant 0 : i32
        %dma_start3A_278 = tpu.memref_slice %arg9[%rem3A_234, %dma_start3A_276, %dma_start3A_277] : memref<2x14x128xi32, #tpu.memory_space<vmem>> -> memref<1x14x128xi32, #tpu.memory_space<vmem>>
        %dma_start3A_279 = tpu.memref_squeeze %dma_start3A_278 : memref<1x14x128xi32, #tpu.memory_space<vmem>> -> memref<14x128xi32, #tpu.memory_space<vmem>>
        %dma_start3A_280 = arith.constant 0 : i32
        %dma_start3A_281 = tpu.memref_slice %dma_start3A_279[%run_scoped3A, %dma_start3A_280] : memref<14x128xi32, #tpu.memory_space<vmem>> -> memref<1x128xi32, #tpu.memory_space<vmem>>
        %dma_start3A_282 = tpu.memref_squeeze %dma_start3A_281 : memref<1x128xi32, #tpu.memory_space<vmem>> -> memref<128xi32, #tpu.memory_space<vmem>>
        %dma_start3A_283 = arith.constant 0 : i32
        %dma_start3A_284 = tpu.memref_slice %arg12[%dma_start3A_283] : memref<50176xf32, #tpu.memory_space<vmem_shared>> -> memref<50176xf32, #tpu.memory_space<vmem_shared>>
        tpu.enqueue_indirect_dma source(%arg10 : memref<128xf32, #tpu.memory_space<vmem>>) target(%dma_start3A_284 : memref<50176xf32, #tpu.memory_space<vmem_shared>>) offsets(%dma_start3A_282 : memref<128xi32, #tpu.memory_space<vmem>>) semaphore(%run_scoped3A_275 : memref<!tpu.dma_semaphore, #tpu.memory_space<semaphore_mem>>) {add = true}
        %dma_wait3A_285 = arith.constant 0 : i32
        %dma_wait3A_286 = arith.constant 0 : i32
        %dma_wait3A_287 = tpu.memref_slice %arg9[%rem3A_234, %dma_wait3A_285, %dma_wait3A_286] : memref<2x14x128xi32, #tpu.memory_space<vmem>> -> memref<1x14x128xi32, #tpu.memory_space<vmem>>
        %dma_wait3A_288 = tpu.memref_squeeze %dma_wait3A_287 : memref<1x14x128xi32, #tpu.memory_space<vmem>> -> memref<14x128xi32, #tpu.memory_space<vmem>>
        %dma_wait3A_289 = arith.constant 0 : i32
        %dma_wait3A_290 = tpu.memref_slice %dma_wait3A_288[%run_scoped3A, %dma_wait3A_289] : memref<14x128xi32, #tpu.memory_space<vmem>> -> memref<1x128xi32, #tpu.memory_space<vmem>>
        %dma_wait3A_291 = tpu.memref_squeeze %dma_wait3A_290 : memref<1x128xi32, #tpu.memory_space<vmem>> -> memref<128xi32, #tpu.memory_space<vmem>>
        %dma_wait3A_292 = arith.constant 0 : i32
        %dma_wait3A_293 = tpu.memref_slice %arg12[%dma_wait3A_292] : memref<50176xf32, #tpu.memory_space<vmem_shared>> -> memref<50176xf32, #tpu.memory_space<vmem_shared>>
        tpu.wait_indirect_dma semaphore(%run_scoped3A_275 : memref<!tpu.dma_semaphore, #tpu.memory_space<semaphore_mem>>) src(%arg10 : memref<128xf32, #tpu.memory_space<vmem>>) dst(%dma_wait3A_293 : memref<50176xf32, #tpu.memory_space<vmem_shared>>)
        tpu.yield
      }) : () -> ()
      %run_scoped3A_258 = arith.constant 1 : i32
      "tpu.region"() ({
        %run_scoped3A_275 = tpu.sem_alloc : memref<!tpu.dma_semaphore, #tpu.memory_space<semaphore_mem>>
        %dma_start3A_276 = arith.constant 0 : i32
        %dma_start3A_277 = arith.constant 0 : i32
        %dma_start3A_278 = tpu.memref_slice %arg9[%rem3A_234, %dma_start3A_276, %dma_start3A_277] : memref<2x14x128xi32, #tpu.memory_space<vmem>> -> memref<1x14x128xi32, #tpu.memory_space<vmem>>
        %dma_start3A_279 = tpu.memref_squeeze %dma_start3A_278 : memref<1x14x128xi32, #tpu.memory_space<vmem>> -> memref<14x128xi32, #tpu.memory_space<vmem>>
        %dma_start3A_280 = arith.constant 0 : i32
        %dma_start3A_281 = tpu.memref_slice %dma_start3A_279[%run_scoped3A_258, %dma_start3A_280] : memref<14x128xi32, #tpu.memory_space<vmem>> -> memref<1x128xi32, #tpu.memory_space<vmem>>
        %dma_start3A_282 = tpu.memref_squeeze %dma_start3A_281 : memref<1x128xi32, #tpu.memory_space<vmem>> -> memref<128xi32, #tpu.memory_space<vmem>>
        %dma_start3A_283 = arith.constant 0 : i32
        %dma_start3A_284 = tpu.memref_slice %arg12[%dma_start3A_283] : memref<50176xf32, #tpu.memory_space<vmem_shared>> -> memref<50176xf32, #tpu.memory_space<vmem_shared>>
        tpu.enqueue_indirect_dma source(%arg10 : memref<128xf32, #tpu.memory_space<vmem>>) target(%dma_start3A_284 : memref<50176xf32, #tpu.memory_space<vmem_shared>>) offsets(%dma_start3A_282 : memref<128xi32, #tpu.memory_space<vmem>>) semaphore(%run_scoped3A_275 : memref<!tpu.dma_semaphore, #tpu.memory_space<semaphore_mem>>) {add = true}
        %dma_wait3A_285 = arith.constant 0 : i32
        %dma_wait3A_286 = arith.constant 0 : i32
        %dma_wait3A_287 = tpu.memref_slice %arg9[%rem3A_234, %dma_wait3A_285, %dma_wait3A_286] : memref<2x14x128xi32, #tpu.memory_space<vmem>> -> memref<1x14x128xi32, #tpu.memory_space<vmem>>
        %dma_wait3A_288 = tpu.memref_squeeze %dma_wait3A_287 : memref<1x14x128xi32, #tpu.memory_space<vmem>> -> memref<14x128xi32, #tpu.memory_space<vmem>>
        %dma_wait3A_289 = arith.constant 0 : i32
        %dma_wait3A_290 = tpu.memref_slice %dma_wait3A_288[%run_scoped3A_258, %dma_wait3A_289] : memref<14x128xi32, #tpu.memory_space<vmem>> -> memref<1x128xi32, #tpu.memory_space<vmem>>
        %dma_wait3A_291 = tpu.memref_squeeze %dma_wait3A_290 : memref<1x128xi32, #tpu.memory_space<vmem>> -> memref<128xi32, #tpu.memory_space<vmem>>
        %dma_wait3A_292 = arith.constant 0 : i32
        %dma_wait3A_293 = tpu.memref_slice %arg12[%dma_wait3A_292] : memref<50176xf32, #tpu.memory_space<vmem_shared>> -> memref<50176xf32, #tpu.memory_space<vmem_shared>>
        tpu.wait_indirect_dma semaphore(%run_scoped3A_275 : memref<!tpu.dma_semaphore, #tpu.memory_space<semaphore_mem>>) src(%arg10 : memref<128xf32, #tpu.memory_space<vmem>>) dst(%dma_wait3A_293 : memref<50176xf32, #tpu.memory_space<vmem_shared>>)
        tpu.yield
      }) : () -> ()
      %run_scoped3A_259 = arith.constant 2 : i32
      "tpu.region"() ({
        %run_scoped3A_275 = tpu.sem_alloc : memref<!tpu.dma_semaphore, #tpu.memory_space<semaphore_mem>>
        %dma_start3A_276 = arith.constant 0 : i32
        %dma_start3A_277 = arith.constant 0 : i32
        %dma_start3A_278 = tpu.memref_slice %arg9[%rem3A_234, %dma_start3A_276, %dma_start3A_277] : memref<2x14x128xi32, #tpu.memory_space<vmem>> -> memref<1x14x128xi32, #tpu.memory_space<vmem>>
        %dma_start3A_279 = tpu.memref_squeeze %dma_start3A_278 : memref<1x14x128xi32, #tpu.memory_space<vmem>> -> memref<14x128xi32, #tpu.memory_space<vmem>>
        %dma_start3A_280 = arith.constant 0 : i32
        %dma_start3A_281 = tpu.memref_slice %dma_start3A_279[%run_scoped3A_259, %dma_start3A_280] : memref<14x128xi32, #tpu.memory_space<vmem>> -> memref<1x128xi32, #tpu.memory_space<vmem>>
        %dma_start3A_282 = tpu.memref_squeeze %dma_start3A_281 : memref<1x128xi32, #tpu.memory_space<vmem>> -> memref<128xi32, #tpu.memory_space<vmem>>
        %dma_start3A_283 = arith.constant 0 : i32
        %dma_start3A_284 = tpu.memref_slice %arg12[%dma_start3A_283] : memref<50176xf32, #tpu.memory_space<vmem_shared>> -> memref<50176xf32, #tpu.memory_space<vmem_shared>>
        tpu.enqueue_indirect_dma source(%arg10 : memref<128xf32, #tpu.memory_space<vmem>>) target(%dma_start3A_284 : memref<50176xf32, #tpu.memory_space<vmem_shared>>) offsets(%dma_start3A_282 : memref<128xi32, #tpu.memory_space<vmem>>) semaphore(%run_scoped3A_275 : memref<!tpu.dma_semaphore, #tpu.memory_space<semaphore_mem>>) {add = true}
        %dma_wait3A_285 = arith.constant 0 : i32
        %dma_wait3A_286 = arith.constant 0 : i32
        %dma_wait3A_287 = tpu.memref_slice %arg9[%rem3A_234, %dma_wait3A_285, %dma_wait3A_286] : memref<2x14x128xi32, #tpu.memory_space<vmem>> -> memref<1x14x128xi32, #tpu.memory_space<vmem>>
        %dma_wait3A_288 = tpu.memref_squeeze %dma_wait3A_287 : memref<1x14x128xi32, #tpu.memory_space<vmem>> -> memref<14x128xi32, #tpu.memory_space<vmem>>
        %dma_wait3A_289 = arith.constant 0 : i32
        %dma_wait3A_290 = tpu.memref_slice %dma_wait3A_288[%run_scoped3A_259, %dma_wait3A_289] : memref<14x128xi32, #tpu.memory_space<vmem>> -> memref<1x128xi32, #tpu.memory_space<vmem>>
        %dma_wait3A_291 = tpu.memref_squeeze %dma_wait3A_290 : memref<1x128xi32, #tpu.memory_space<vmem>> -> memref<128xi32, #tpu.memory_space<vmem>>
        %dma_wait3A_292 = arith.constant 0 : i32
        %dma_wait3A_293 = tpu.memref_slice %arg12[%dma_wait3A_292] : memref<50176xf32, #tpu.memory_space<vmem_shared>> -> memref<50176xf32, #tpu.memory_space<vmem_shared>>
        tpu.wait_indirect_dma semaphore(%run_scoped3A_275 : memref<!tpu.dma_semaphore, #tpu.memory_space<semaphore_mem>>) src(%arg10 : memref<128xf32, #tpu.memory_space<vmem>>) dst(%dma_wait3A_293 : memref<50176xf32, #tpu.memory_space<vmem_shared>>)
        tpu.yield
      }) : () -> ()
      %run_scoped3A_260 = arith.constant 3 : i32
      "tpu.region"() ({
        %run_scoped3A_275 = tpu.sem_alloc : memref<!tpu.dma_semaphore, #tpu.memory_space<semaphore_mem>>
        %dma_start3A_276 = arith.constant 0 : i32
        %dma_start3A_277 = arith.constant 0 : i32
        %dma_start3A_278 = tpu.memref_slice %arg9[%rem3A_234, %dma_start3A_276, %dma_start3A_277] : memref<2x14x128xi32, #tpu.memory_space<vmem>> -> memref<1x14x128xi32, #tpu.memory_space<vmem>>
        %dma_start3A_279 = tpu.memref_squeeze %dma_start3A_278 : memref<1x14x128xi32, #tpu.memory_space<vmem>> -> memref<14x128xi32, #tpu.memory_space<vmem>>
        %dma_start3A_280 = arith.constant 0 : i32
        %dma_start3A_281 = tpu.memref_slice %dma_start3A_279[%run_scoped3A_260, %dma_start3A_280] : memref<14x128xi32, #tpu.memory_space<vmem>> -> memref<1x128xi32, #tpu.memory_space<vmem>>
        %dma_start3A_282 = tpu.memref_squeeze %dma_start3A_281 : memref<1x128xi32, #tpu.memory_space<vmem>> -> memref<128xi32, #tpu.memory_space<vmem>>
        %dma_start3A_283 = arith.constant 0 : i32
        %dma_start3A_284 = tpu.memref_slice %arg12[%dma_start3A_283] : memref<50176xf32, #tpu.memory_space<vmem_shared>> -> memref<50176xf32, #tpu.memory_space<vmem_shared>>
        tpu.enqueue_indirect_dma source(%arg10 : memref<128xf32, #tpu.memory_space<vmem>>) target(%dma_start3A_284 : memref<50176xf32, #tpu.memory_space<vmem_shared>>) offsets(%dma_start3A_282 : memref<128xi32, #tpu.memory_space<vmem>>) semaphore(%run_scoped3A_275 : memref<!tpu.dma_semaphore, #tpu.memory_space<semaphore_mem>>) {add = true}
        %dma_wait3A_285 = arith.constant 0 : i32
        %dma_wait3A_286 = arith.constant 0 : i32
        %dma_wait3A_287 = tpu.memref_slice %arg9[%rem3A_234, %dma_wait3A_285, %dma_wait3A_286] : memref<2x14x128xi32, #tpu.memory_space<vmem>> -> memref<1x14x128xi32, #tpu.memory_space<vmem>>
        %dma_wait3A_288 = tpu.memref_squeeze %dma_wait3A_287 : memref<1x14x128xi32, #tpu.memory_space<vmem>> -> memref<14x128xi32, #tpu.memory_space<vmem>>
        %dma_wait3A_289 = arith.constant 0 : i32
        %dma_wait3A_290 = tpu.memref_slice %dma_wait3A_288[%run_scoped3A_260, %dma_wait3A_289] : memref<14x128xi32, #tpu.memory_space<vmem>> -> memref<1x128xi32, #tpu.memory_space<vmem>>
        %dma_wait3A_291 = tpu.memref_squeeze %dma_wait3A_290 : memref<1x128xi32, #tpu.memory_space<vmem>> -> memref<128xi32, #tpu.memory_space<vmem>>
        %dma_wait3A_292 = arith.constant 0 : i32
        %dma_wait3A_293 = tpu.memref_slice %arg12[%dma_wait3A_292] : memref<50176xf32, #tpu.memory_space<vmem_shared>> -> memref<50176xf32, #tpu.memory_space<vmem_shared>>
        tpu.wait_indirect_dma semaphore(%run_scoped3A_275 : memref<!tpu.dma_semaphore, #tpu.memory_space<semaphore_mem>>) src(%arg10 : memref<128xf32, #tpu.memory_space<vmem>>) dst(%dma_wait3A_293 : memref<50176xf32, #tpu.memory_space<vmem_shared>>)
        tpu.yield
      }) : () -> ()
      %run_scoped3A_261 = arith.constant 4 : i32
      "tpu.region"() ({
        %run_scoped3A_275 = tpu.sem_alloc : memref<!tpu.dma_semaphore, #tpu.memory_space<semaphore_mem>>
        %dma_start3A_276 = arith.constant 0 : i32
        %dma_start3A_277 = arith.constant 0 : i32
        %dma_start3A_278 = tpu.memref_slice %arg9[%rem3A_234, %dma_start3A_276, %dma_start3A_277] : memref<2x14x128xi32, #tpu.memory_space<vmem>> -> memref<1x14x128xi32, #tpu.memory_space<vmem>>
        %dma_start3A_279 = tpu.memref_squeeze %dma_start3A_278 : memref<1x14x128xi32, #tpu.memory_space<vmem>> -> memref<14x128xi32, #tpu.memory_space<vmem>>
        %dma_start3A_280 = arith.constant 0 : i32
        %dma_start3A_281 = tpu.memref_slice %dma_start3A_279[%run_scoped3A_261, %dma_start3A_280] : memref<14x128xi32, #tpu.memory_space<vmem>> -> memref<1x128xi32, #tpu.memory_space<vmem>>
        %dma_start3A_282 = tpu.memref_squeeze %dma_start3A_281 : memref<1x128xi32, #tpu.memory_space<vmem>> -> memref<128xi32, #tpu.memory_space<vmem>>
        %dma_start3A_283 = arith.constant 0 : i32
        %dma_start3A_284 = tpu.memref_slice %arg12[%dma_start3A_283] : memref<50176xf32, #tpu.memory_space<vmem_shared>> -> memref<50176xf32, #tpu.memory_space<vmem_shared>>
        tpu.enqueue_indirect_dma source(%arg10 : memref<128xf32, #tpu.memory_space<vmem>>) target(%dma_start3A_284 : memref<50176xf32, #tpu.memory_space<vmem_shared>>) offsets(%dma_start3A_282 : memref<128xi32, #tpu.memory_space<vmem>>) semaphore(%run_scoped3A_275 : memref<!tpu.dma_semaphore, #tpu.memory_space<semaphore_mem>>) {add = true}
        %dma_wait3A_285 = arith.constant 0 : i32
        %dma_wait3A_286 = arith.constant 0 : i32
        %dma_wait3A_287 = tpu.memref_slice %arg9[%rem3A_234, %dma_wait3A_285, %dma_wait3A_286] : memref<2x14x128xi32, #tpu.memory_space<vmem>> -> memref<1x14x128xi32, #tpu.memory_space<vmem>>
        %dma_wait3A_288 = tpu.memref_squeeze %dma_wait3A_287 : memref<1x14x128xi32, #tpu.memory_space<vmem>> -> memref<14x128xi32, #tpu.memory_space<vmem>>
        %dma_wait3A_289 = arith.constant 0 : i32
        %dma_wait3A_290 = tpu.memref_slice %dma_wait3A_288[%run_scoped3A_261, %dma_wait3A_289] : memref<14x128xi32, #tpu.memory_space<vmem>> -> memref<1x128xi32, #tpu.memory_space<vmem>>
        %dma_wait3A_291 = tpu.memref_squeeze %dma_wait3A_290 : memref<1x128xi32, #tpu.memory_space<vmem>> -> memref<128xi32, #tpu.memory_space<vmem>>
        %dma_wait3A_292 = arith.constant 0 : i32
        %dma_wait3A_293 = tpu.memref_slice %arg12[%dma_wait3A_292] : memref<50176xf32, #tpu.memory_space<vmem_shared>> -> memref<50176xf32, #tpu.memory_space<vmem_shared>>
        tpu.wait_indirect_dma semaphore(%run_scoped3A_275 : memref<!tpu.dma_semaphore, #tpu.memory_space<semaphore_mem>>) src(%arg10 : memref<128xf32, #tpu.memory_space<vmem>>) dst(%dma_wait3A_293 : memref<50176xf32, #tpu.memory_space<vmem_shared>>)
        tpu.yield
      }) : () -> ()
      %run_scoped3A_262 = arith.constant 5 : i32
      "tpu.region"() ({
        %run_scoped3A_275 = tpu.sem_alloc : memref<!tpu.dma_semaphore, #tpu.memory_space<semaphore_mem>>
        %dma_start3A_276 = arith.constant 0 : i32
        %dma_start3A_277 = arith.constant 0 : i32
        %dma_start3A_278 = tpu.memref_slice %arg9[%rem3A_234, %dma_start3A_276, %dma_start3A_277] : memref<2x14x128xi32, #tpu.memory_space<vmem>> -> memref<1x14x128xi32, #tpu.memory_space<vmem>>
        %dma_start3A_279 = tpu.memref_squeeze %dma_start3A_278 : memref<1x14x128xi32, #tpu.memory_space<vmem>> -> memref<14x128xi32, #tpu.memory_space<vmem>>
        %dma_start3A_280 = arith.constant 0 : i32
        %dma_start3A_281 = tpu.memref_slice %dma_start3A_279[%run_scoped3A_262, %dma_start3A_280] : memref<14x128xi32, #tpu.memory_space<vmem>> -> memref<1x128xi32, #tpu.memory_space<vmem>>
        %dma_start3A_282 = tpu.memref_squeeze %dma_start3A_281 : memref<1x128xi32, #tpu.memory_space<vmem>> -> memref<128xi32, #tpu.memory_space<vmem>>
        %dma_start3A_283 = arith.constant 0 : i32
        %dma_start3A_284 = tpu.memref_slice %arg12[%dma_start3A_283] : memref<50176xf32, #tpu.memory_space<vmem_shared>> -> memref<50176xf32, #tpu.memory_space<vmem_shared>>
        tpu.enqueue_indirect_dma source(%arg10 : memref<128xf32, #tpu.memory_space<vmem>>) target(%dma_start3A_284 : memref<50176xf32, #tpu.memory_space<vmem_shared>>) offsets(%dma_start3A_282 : memref<128xi32, #tpu.memory_space<vmem>>) semaphore(%run_scoped3A_275 : memref<!tpu.dma_semaphore, #tpu.memory_space<semaphore_mem>>) {add = true}
        %dma_wait3A_285 = arith.constant 0 : i32
        %dma_wait3A_286 = arith.constant 0 : i32
        %dma_wait3A_287 = tpu.memref_slice %arg9[%rem3A_234, %dma_wait3A_285, %dma_wait3A_286] : memref<2x14x128xi32, #tpu.memory_space<vmem>> -> memref<1x14x128xi32, #tpu.memory_space<vmem>>
        %dma_wait3A_288 = tpu.memref_squeeze %dma_wait3A_287 : memref<1x14x128xi32, #tpu.memory_space<vmem>> -> memref<14x128xi32, #tpu.memory_space<vmem>>
        %dma_wait3A_289 = arith.constant 0 : i32
        %dma_wait3A_290 = tpu.memref_slice %dma_wait3A_288[%run_scoped3A_262, %dma_wait3A_289] : memref<14x128xi32, #tpu.memory_space<vmem>> -> memref<1x128xi32, #tpu.memory_space<vmem>>
        %dma_wait3A_291 = tpu.memref_squeeze %dma_wait3A_290 : memref<1x128xi32, #tpu.memory_space<vmem>> -> memref<128xi32, #tpu.memory_space<vmem>>
        %dma_wait3A_292 = arith.constant 0 : i32
        %dma_wait3A_293 = tpu.memref_slice %arg12[%dma_wait3A_292] : memref<50176xf32, #tpu.memory_space<vmem_shared>> -> memref<50176xf32, #tpu.memory_space<vmem_shared>>
        tpu.wait_indirect_dma semaphore(%run_scoped3A_275 : memref<!tpu.dma_semaphore, #tpu.memory_space<semaphore_mem>>) src(%arg10 : memref<128xf32, #tpu.memory_space<vmem>>) dst(%dma_wait3A_293 : memref<50176xf32, #tpu.memory_space<vmem_shared>>)
        tpu.yield
      }) : () -> ()
      %run_scoped3A_263 = arith.constant 6 : i32
      "tpu.region"() ({
        %run_scoped3A_275 = tpu.sem_alloc : memref<!tpu.dma_semaphore, #tpu.memory_space<semaphore_mem>>
        %dma_start3A_276 = arith.constant 0 : i32
        %dma_start3A_277 = arith.constant 0 : i32
        %dma_start3A_278 = tpu.memref_slice %arg9[%rem3A_234, %dma_start3A_276, %dma_start3A_277] : memref<2x14x128xi32, #tpu.memory_space<vmem>> -> memref<1x14x128xi32, #tpu.memory_space<vmem>>
        %dma_start3A_279 = tpu.memref_squeeze %dma_start3A_278 : memref<1x14x128xi32, #tpu.memory_space<vmem>> -> memref<14x128xi32, #tpu.memory_space<vmem>>
        %dma_start3A_280 = arith.constant 0 : i32
        %dma_start3A_281 = tpu.memref_slice %dma_start3A_279[%run_scoped3A_263, %dma_start3A_280] : memref<14x128xi32, #tpu.memory_space<vmem>> -> memref<1x128xi32, #tpu.memory_space<vmem>>
        %dma_start3A_282 = tpu.memref_squeeze %dma_start3A_281 : memref<1x128xi32, #tpu.memory_space<vmem>> -> memref<128xi32, #tpu.memory_space<vmem>>
        %dma_start3A_283 = arith.constant 0 : i32
        %dma_start3A_284 = tpu.memref_slice %arg12[%dma_start3A_283] : memref<50176xf32, #tpu.memory_space<vmem_shared>> -> memref<50176xf32, #tpu.memory_space<vmem_shared>>
        tpu.enqueue_indirect_dma source(%arg10 : memref<128xf32, #tpu.memory_space<vmem>>) target(%dma_start3A_284 : memref<50176xf32, #tpu.memory_space<vmem_shared>>) offsets(%dma_start3A_282 : memref<128xi32, #tpu.memory_space<vmem>>) semaphore(%run_scoped3A_275 : memref<!tpu.dma_semaphore, #tpu.memory_space<semaphore_mem>>) {add = true}
        %dma_wait3A_285 = arith.constant 0 : i32
        %dma_wait3A_286 = arith.constant 0 : i32
        %dma_wait3A_287 = tpu.memref_slice %arg9[%rem3A_234, %dma_wait3A_285, %dma_wait3A_286] : memref<2x14x128xi32, #tpu.memory_space<vmem>> -> memref<1x14x128xi32, #tpu.memory_space<vmem>>
        %dma_wait3A_288 = tpu.memref_squeeze %dma_wait3A_287 : memref<1x14x128xi32, #tpu.memory_space<vmem>> -> memref<14x128xi32, #tpu.memory_space<vmem>>
        %dma_wait3A_289 = arith.constant 0 : i32
        %dma_wait3A_290 = tpu.memref_slice %dma_wait3A_288[%run_scoped3A_263, %dma_wait3A_289] : memref<14x128xi32, #tpu.memory_space<vmem>> -> memref<1x128xi32, #tpu.memory_space<vmem>>
        %dma_wait3A_291 = tpu.memref_squeeze %dma_wait3A_290 : memref<1x128xi32, #tpu.memory_space<vmem>> -> memref<128xi32, #tpu.memory_space<vmem>>
        %dma_wait3A_292 = arith.constant 0 : i32
        %dma_wait3A_293 = tpu.memref_slice %arg12[%dma_wait3A_292] : memref<50176xf32, #tpu.memory_space<vmem_shared>> -> memref<50176xf32, #tpu.memory_space<vmem_shared>>
        tpu.wait_indirect_dma semaphore(%run_scoped3A_275 : memref<!tpu.dma_semaphore, #tpu.memory_space<semaphore_mem>>) src(%arg10 : memref<128xf32, #tpu.memory_space<vmem>>) dst(%dma_wait3A_293 : memref<50176xf32, #tpu.memory_space<vmem_shared>>)
        tpu.yield
      }) : () -> ()
      %run_scoped3A_264 = arith.constant 7 : i32
      "tpu.region"() ({
        %run_scoped3A_275 = tpu.sem_alloc : memref<!tpu.dma_semaphore, #tpu.memory_space<semaphore_mem>>
        %dma_start3A_276 = arith.constant 0 : i32
        %dma_start3A_277 = arith.constant 0 : i32
        %dma_start3A_278 = tpu.memref_slice %arg9[%rem3A_234, %dma_start3A_276, %dma_start3A_277] : memref<2x14x128xi32, #tpu.memory_space<vmem>> -> memref<1x14x128xi32, #tpu.memory_space<vmem>>
        %dma_start3A_279 = tpu.memref_squeeze %dma_start3A_278 : memref<1x14x128xi32, #tpu.memory_space<vmem>> -> memref<14x128xi32, #tpu.memory_space<vmem>>
        %dma_start3A_280 = arith.constant 0 : i32
        %dma_start3A_281 = tpu.memref_slice %dma_start3A_279[%run_scoped3A_264, %dma_start3A_280] : memref<14x128xi32, #tpu.memory_space<vmem>> -> memref<1x128xi32, #tpu.memory_space<vmem>>
        %dma_start3A_282 = tpu.memref_squeeze %dma_start3A_281 : memref<1x128xi32, #tpu.memory_space<vmem>> -> memref<128xi32, #tpu.memory_space<vmem>>
        %dma_start3A_283 = arith.constant 0 : i32
        %dma_start3A_284 = tpu.memref_slice %arg12[%dma_start3A_283] : memref<50176xf32, #tpu.memory_space<vmem_shared>> -> memref<50176xf32, #tpu.memory_space<vmem_shared>>
        tpu.enqueue_indirect_dma source(%arg10 : memref<128xf32, #tpu.memory_space<vmem>>) target(%dma_start3A_284 : memref<50176xf32, #tpu.memory_space<vmem_shared>>) offsets(%dma_start3A_282 : memref<128xi32, #tpu.memory_space<vmem>>) semaphore(%run_scoped3A_275 : memref<!tpu.dma_semaphore, #tpu.memory_space<semaphore_mem>>) {add = true}
        %dma_wait3A_285 = arith.constant 0 : i32
        %dma_wait3A_286 = arith.constant 0 : i32
        %dma_wait3A_287 = tpu.memref_slice %arg9[%rem3A_234, %dma_wait3A_285, %dma_wait3A_286] : memref<2x14x128xi32, #tpu.memory_space<vmem>> -> memref<1x14x128xi32, #tpu.memory_space<vmem>>
        %dma_wait3A_288 = tpu.memref_squeeze %dma_wait3A_287 : memref<1x14x128xi32, #tpu.memory_space<vmem>> -> memref<14x128xi32, #tpu.memory_space<vmem>>
        %dma_wait3A_289 = arith.constant 0 : i32
        %dma_wait3A_290 = tpu.memref_slice %dma_wait3A_288[%run_scoped3A_264, %dma_wait3A_289] : memref<14x128xi32, #tpu.memory_space<vmem>> -> memref<1x128xi32, #tpu.memory_space<vmem>>
        %dma_wait3A_291 = tpu.memref_squeeze %dma_wait3A_290 : memref<1x128xi32, #tpu.memory_space<vmem>> -> memref<128xi32, #tpu.memory_space<vmem>>
        %dma_wait3A_292 = arith.constant 0 : i32
        %dma_wait3A_293 = tpu.memref_slice %arg12[%dma_wait3A_292] : memref<50176xf32, #tpu.memory_space<vmem_shared>> -> memref<50176xf32, #tpu.memory_space<vmem_shared>>
        tpu.wait_indirect_dma semaphore(%run_scoped3A_275 : memref<!tpu.dma_semaphore, #tpu.memory_space<semaphore_mem>>) src(%arg10 : memref<128xf32, #tpu.memory_space<vmem>>) dst(%dma_wait3A_293 : memref<50176xf32, #tpu.memory_space<vmem_shared>>)
        tpu.yield
      }) : () -> ()
      %run_scoped3A_265 = arith.constant 8 : i32
      "tpu.region"() ({
        %run_scoped3A_275 = tpu.sem_alloc : memref<!tpu.dma_semaphore, #tpu.memory_space<semaphore_mem>>
        %dma_start3A_276 = arith.constant 0 : i32
        %dma_start3A_277 = arith.constant 0 : i32
        %dma_start3A_278 = tpu.memref_slice %arg9[%rem3A_234, %dma_start3A_276, %dma_start3A_277] : memref<2x14x128xi32, #tpu.memory_space<vmem>> -> memref<1x14x128xi32, #tpu.memory_space<vmem>>
        %dma_start3A_279 = tpu.memref_squeeze %dma_start3A_278 : memref<1x14x128xi32, #tpu.memory_space<vmem>> -> memref<14x128xi32, #tpu.memory_space<vmem>>
        %dma_start3A_280 = arith.constant 0 : i32
        %dma_start3A_281 = tpu.memref_slice %dma_start3A_279[%run_scoped3A_265, %dma_start3A_280] : memref<14x128xi32, #tpu.memory_space<vmem>> -> memref<1x128xi32, #tpu.memory_space<vmem>>
        %dma_start3A_282 = tpu.memref_squeeze %dma_start3A_281 : memref<1x128xi32, #tpu.memory_space<vmem>> -> memref<128xi32, #tpu.memory_space<vmem>>
        %dma_start3A_283 = arith.constant 0 : i32
        %dma_start3A_284 = tpu.memref_slice %arg12[%dma_start3A_283] : memref<50176xf32, #tpu.memory_space<vmem_shared>> -> memref<50176xf32, #tpu.memory_space<vmem_shared>>
        tpu.enqueue_indirect_dma source(%arg10 : memref<128xf32, #tpu.memory_space<vmem>>) target(%dma_start3A_284 : memref<50176xf32, #tpu.memory_space<vmem_shared>>) offsets(%dma_start3A_282 : memref<128xi32, #tpu.memory_space<vmem>>) semaphore(%run_scoped3A_275 : memref<!tpu.dma_semaphore, #tpu.memory_space<semaphore_mem>>) {add = true}
        %dma_wait3A_285 = arith.constant 0 : i32
        %dma_wait3A_286 = arith.constant 0 : i32
        %dma_wait3A_287 = tpu.memref_slice %arg9[%rem3A_234, %dma_wait3A_285, %dma_wait3A_286] : memref<2x14x128xi32, #tpu.memory_space<vmem>> -> memref<1x14x128xi32, #tpu.memory_space<vmem>>
        %dma_wait3A_288 = tpu.memref_squeeze %dma_wait3A_287 : memref<1x14x128xi32, #tpu.memory_space<vmem>> -> memref<14x128xi32, #tpu.memory_space<vmem>>
        %dma_wait3A_289 = arith.constant 0 : i32
        %dma_wait3A_290 = tpu.memref_slice %dma_wait3A_288[%run_scoped3A_265, %dma_wait3A_289] : memref<14x128xi32, #tpu.memory_space<vmem>> -> memref<1x128xi32, #tpu.memory_space<vmem>>
        %dma_wait3A_291 = tpu.memref_squeeze %dma_wait3A_290 : memref<1x128xi32, #tpu.memory_space<vmem>> -> memref<128xi32, #tpu.memory_space<vmem>>
        %dma_wait3A_292 = arith.constant 0 : i32
        %dma_wait3A_293 = tpu.memref_slice %arg12[%dma_wait3A_292] : memref<50176xf32, #tpu.memory_space<vmem_shared>> -> memref<50176xf32, #tpu.memory_space<vmem_shared>>
        tpu.wait_indirect_dma semaphore(%run_scoped3A_275 : memref<!tpu.dma_semaphore, #tpu.memory_space<semaphore_mem>>) src(%arg10 : memref<128xf32, #tpu.memory_space<vmem>>) dst(%dma_wait3A_293 : memref<50176xf32, #tpu.memory_space<vmem_shared>>)
        tpu.yield
      }) : () -> ()
      %run_scoped3A_266 = arith.constant 9 : i32
      "tpu.region"() ({
        %run_scoped3A_275 = tpu.sem_alloc : memref<!tpu.dma_semaphore, #tpu.memory_space<semaphore_mem>>
        %dma_start3A_276 = arith.constant 0 : i32
        %dma_start3A_277 = arith.constant 0 : i32
        %dma_start3A_278 = tpu.memref_slice %arg9[%rem3A_234, %dma_start3A_276, %dma_start3A_277] : memref<2x14x128xi32, #tpu.memory_space<vmem>> -> memref<1x14x128xi32, #tpu.memory_space<vmem>>
        %dma_start3A_279 = tpu.memref_squeeze %dma_start3A_278 : memref<1x14x128xi32, #tpu.memory_space<vmem>> -> memref<14x128xi32, #tpu.memory_space<vmem>>
        %dma_start3A_280 = arith.constant 0 : i32
        %dma_start3A_281 = tpu.memref_slice %dma_start3A_279[%run_scoped3A_266, %dma_start3A_280] : memref<14x128xi32, #tpu.memory_space<vmem>> -> memref<1x128xi32, #tpu.memory_space<vmem>>
        %dma_start3A_282 = tpu.memref_squeeze %dma_start3A_281 : memref<1x128xi32, #tpu.memory_space<vmem>> -> memref<128xi32, #tpu.memory_space<vmem>>
        %dma_start3A_283 = arith.constant 0 : i32
        %dma_start3A_284 = tpu.memref_slice %arg12[%dma_start3A_283] : memref<50176xf32, #tpu.memory_space<vmem_shared>> -> memref<50176xf32, #tpu.memory_space<vmem_shared>>
        tpu.enqueue_indirect_dma source(%arg10 : memref<128xf32, #tpu.memory_space<vmem>>) target(%dma_start3A_284 : memref<50176xf32, #tpu.memory_space<vmem_shared>>) offsets(%dma_start3A_282 : memref<128xi32, #tpu.memory_space<vmem>>) semaphore(%run_scoped3A_275 : memref<!tpu.dma_semaphore, #tpu.memory_space<semaphore_mem>>) {add = true}
        %dma_wait3A_285 = arith.constant 0 : i32
        %dma_wait3A_286 = arith.constant 0 : i32
        %dma_wait3A_287 = tpu.memref_slice %arg9[%rem3A_234, %dma_wait3A_285, %dma_wait3A_286] : memref<2x14x128xi32, #tpu.memory_space<vmem>> -> memref<1x14x128xi32, #tpu.memory_space<vmem>>
        %dma_wait3A_288 = tpu.memref_squeeze %dma_wait3A_287 : memref<1x14x128xi32, #tpu.memory_space<vmem>> -> memref<14x128xi32, #tpu.memory_space<vmem>>
        %dma_wait3A_289 = arith.constant 0 : i32
        %dma_wait3A_290 = tpu.memref_slice %dma_wait3A_288[%run_scoped3A_266, %dma_wait3A_289] : memref<14x128xi32, #tpu.memory_space<vmem>> -> memref<1x128xi32, #tpu.memory_space<vmem>>
        %dma_wait3A_291 = tpu.memref_squeeze %dma_wait3A_290 : memref<1x128xi32, #tpu.memory_space<vmem>> -> memref<128xi32, #tpu.memory_space<vmem>>
        %dma_wait3A_292 = arith.constant 0 : i32
        %dma_wait3A_293 = tpu.memref_slice %arg12[%dma_wait3A_292] : memref<50176xf32, #tpu.memory_space<vmem_shared>> -> memref<50176xf32, #tpu.memory_space<vmem_shared>>
        tpu.wait_indirect_dma semaphore(%run_scoped3A_275 : memref<!tpu.dma_semaphore, #tpu.memory_space<semaphore_mem>>) src(%arg10 : memref<128xf32, #tpu.memory_space<vmem>>) dst(%dma_wait3A_293 : memref<50176xf32, #tpu.memory_space<vmem_shared>>)
        tpu.yield
      }) : () -> ()
      %run_scoped3A_267 = arith.constant 10 : i32
      "tpu.region"() ({
        %run_scoped3A_275 = tpu.sem_alloc : memref<!tpu.dma_semaphore, #tpu.memory_space<semaphore_mem>>
        %dma_start3A_276 = arith.constant 0 : i32
        %dma_start3A_277 = arith.constant 0 : i32
        %dma_start3A_278 = tpu.memref_slice %arg9[%rem3A_234, %dma_start3A_276, %dma_start3A_277] : memref<2x14x128xi32, #tpu.memory_space<vmem>> -> memref<1x14x128xi32, #tpu.memory_space<vmem>>
        %dma_start3A_279 = tpu.memref_squeeze %dma_start3A_278 : memref<1x14x128xi32, #tpu.memory_space<vmem>> -> memref<14x128xi32, #tpu.memory_space<vmem>>
        %dma_start3A_280 = arith.constant 0 : i32
        %dma_start3A_281 = tpu.memref_slice %dma_start3A_279[%run_scoped3A_267, %dma_start3A_280] : memref<14x128xi32, #tpu.memory_space<vmem>> -> memref<1x128xi32, #tpu.memory_space<vmem>>
        %dma_start3A_282 = tpu.memref_squeeze %dma_start3A_281 : memref<1x128xi32, #tpu.memory_space<vmem>> -> memref<128xi32, #tpu.memory_space<vmem>>
        %dma_start3A_283 = arith.constant 0 : i32
        %dma_start3A_284 = tpu.memref_slice %arg12[%dma_start3A_283] : memref<50176xf32, #tpu.memory_space<vmem_shared>> -> memref<50176xf32, #tpu.memory_space<vmem_shared>>
        tpu.enqueue_indirect_dma source(%arg10 : memref<128xf32, #tpu.memory_space<vmem>>) target(%dma_start3A_284 : memref<50176xf32, #tpu.memory_space<vmem_shared>>) offsets(%dma_start3A_282 : memref<128xi32, #tpu.memory_space<vmem>>) semaphore(%run_scoped3A_275 : memref<!tpu.dma_semaphore, #tpu.memory_space<semaphore_mem>>) {add = true}
        %dma_wait3A_285 = arith.constant 0 : i32
        %dma_wait3A_286 = arith.constant 0 : i32
        %dma_wait3A_287 = tpu.memref_slice %arg9[%rem3A_234, %dma_wait3A_285, %dma_wait3A_286] : memref<2x14x128xi32, #tpu.memory_space<vmem>> -> memref<1x14x128xi32, #tpu.memory_space<vmem>>
        %dma_wait3A_288 = tpu.memref_squeeze %dma_wait3A_287 : memref<1x14x128xi32, #tpu.memory_space<vmem>> -> memref<14x128xi32, #tpu.memory_space<vmem>>
        %dma_wait3A_289 = arith.constant 0 : i32
        %dma_wait3A_290 = tpu.memref_slice %dma_wait3A_288[%run_scoped3A_267, %dma_wait3A_289] : memref<14x128xi32, #tpu.memory_space<vmem>> -> memref<1x128xi32, #tpu.memory_space<vmem>>
        %dma_wait3A_291 = tpu.memref_squeeze %dma_wait3A_290 : memref<1x128xi32, #tpu.memory_space<vmem>> -> memref<128xi32, #tpu.memory_space<vmem>>
        %dma_wait3A_292 = arith.constant 0 : i32
        %dma_wait3A_293 = tpu.memref_slice %arg12[%dma_wait3A_292] : memref<50176xf32, #tpu.memory_space<vmem_shared>> -> memref<50176xf32, #tpu.memory_space<vmem_shared>>
        tpu.wait_indirect_dma semaphore(%run_scoped3A_275 : memref<!tpu.dma_semaphore, #tpu.memory_space<semaphore_mem>>) src(%arg10 : memref<128xf32, #tpu.memory_space<vmem>>) dst(%dma_wait3A_293 : memref<50176xf32, #tpu.memory_space<vmem_shared>>)
        tpu.yield
      }) : () -> ()
      %run_scoped3A_268 = arith.constant 11 : i32
      "tpu.region"() ({
        %run_scoped3A_275 = tpu.sem_alloc : memref<!tpu.dma_semaphore, #tpu.memory_space<semaphore_mem>>
        %dma_start3A_276 = arith.constant 0 : i32
        %dma_start3A_277 = arith.constant 0 : i32
        %dma_start3A_278 = tpu.memref_slice %arg9[%rem3A_234, %dma_start3A_276, %dma_start3A_277] : memref<2x14x128xi32, #tpu.memory_space<vmem>> -> memref<1x14x128xi32, #tpu.memory_space<vmem>>
        %dma_start3A_279 = tpu.memref_squeeze %dma_start3A_278 : memref<1x14x128xi32, #tpu.memory_space<vmem>> -> memref<14x128xi32, #tpu.memory_space<vmem>>
        %dma_start3A_280 = arith.constant 0 : i32
        %dma_start3A_281 = tpu.memref_slice %dma_start3A_279[%run_scoped3A_268, %dma_start3A_280] : memref<14x128xi32, #tpu.memory_space<vmem>> -> memref<1x128xi32, #tpu.memory_space<vmem>>
        %dma_start3A_282 = tpu.memref_squeeze %dma_start3A_281 : memref<1x128xi32, #tpu.memory_space<vmem>> -> memref<128xi32, #tpu.memory_space<vmem>>
        %dma_start3A_283 = arith.constant 0 : i32
        %dma_start3A_284 = tpu.memref_slice %arg12[%dma_start3A_283] : memref<50176xf32, #tpu.memory_space<vmem_shared>> -> memref<50176xf32, #tpu.memory_space<vmem_shared>>
        tpu.enqueue_indirect_dma source(%arg10 : memref<128xf32, #tpu.memory_space<vmem>>) target(%dma_start3A_284 : memref<50176xf32, #tpu.memory_space<vmem_shared>>) offsets(%dma_start3A_282 : memref<128xi32, #tpu.memory_space<vmem>>) semaphore(%run_scoped3A_275 : memref<!tpu.dma_semaphore, #tpu.memory_space<semaphore_mem>>) {add = true}
        %dma_wait3A_285 = arith.constant 0 : i32
        %dma_wait3A_286 = arith.constant 0 : i32
        %dma_wait3A_287 = tpu.memref_slice %arg9[%rem3A_234, %dma_wait3A_285, %dma_wait3A_286] : memref<2x14x128xi32, #tpu.memory_space<vmem>> -> memref<1x14x128xi32, #tpu.memory_space<vmem>>
        %dma_wait3A_288 = tpu.memref_squeeze %dma_wait3A_287 : memref<1x14x128xi32, #tpu.memory_space<vmem>> -> memref<14x128xi32, #tpu.memory_space<vmem>>
        %dma_wait3A_289 = arith.constant 0 : i32
        %dma_wait3A_290 = tpu.memref_slice %dma_wait3A_288[%run_scoped3A_268, %dma_wait3A_289] : memref<14x128xi32, #tpu.memory_space<vmem>> -> memref<1x128xi32, #tpu.memory_space<vmem>>
        %dma_wait3A_291 = tpu.memref_squeeze %dma_wait3A_290 : memref<1x128xi32, #tpu.memory_space<vmem>> -> memref<128xi32, #tpu.memory_space<vmem>>
        %dma_wait3A_292 = arith.constant 0 : i32
        %dma_wait3A_293 = tpu.memref_slice %arg12[%dma_wait3A_292] : memref<50176xf32, #tpu.memory_space<vmem_shared>> -> memref<50176xf32, #tpu.memory_space<vmem_shared>>
        tpu.wait_indirect_dma semaphore(%run_scoped3A_275 : memref<!tpu.dma_semaphore, #tpu.memory_space<semaphore_mem>>) src(%arg10 : memref<128xf32, #tpu.memory_space<vmem>>) dst(%dma_wait3A_293 : memref<50176xf32, #tpu.memory_space<vmem_shared>>)
        tpu.yield
      }) : () -> ()
      %run_scoped3A_269 = arith.constant 12 : i32
      "tpu.region"() ({
        %run_scoped3A_275 = tpu.sem_alloc : memref<!tpu.dma_semaphore, #tpu.memory_space<semaphore_mem>>
        %dma_start3A_276 = arith.constant 0 : i32
        %dma_start3A_277 = arith.constant 0 : i32
        %dma_start3A_278 = tpu.memref_slice %arg9[%rem3A_234, %dma_start3A_276, %dma_start3A_277] : memref<2x14x128xi32, #tpu.memory_space<vmem>> -> memref<1x14x128xi32, #tpu.memory_space<vmem>>
        %dma_start3A_279 = tpu.memref_squeeze %dma_start3A_278 : memref<1x14x128xi32, #tpu.memory_space<vmem>> -> memref<14x128xi32, #tpu.memory_space<vmem>>
        %dma_start3A_280 = arith.constant 0 : i32
        %dma_start3A_281 = tpu.memref_slice %dma_start3A_279[%run_scoped3A_269, %dma_start3A_280] : memref<14x128xi32, #tpu.memory_space<vmem>> -> memref<1x128xi32, #tpu.memory_space<vmem>>
        %dma_start3A_282 = tpu.memref_squeeze %dma_start3A_281 : memref<1x128xi32, #tpu.memory_space<vmem>> -> memref<128xi32, #tpu.memory_space<vmem>>
        %dma_start3A_283 = arith.constant 0 : i32
        %dma_start3A_284 = tpu.memref_slice %arg12[%dma_start3A_283] : memref<50176xf32, #tpu.memory_space<vmem_shared>> -> memref<50176xf32, #tpu.memory_space<vmem_shared>>
        tpu.enqueue_indirect_dma source(%arg10 : memref<128xf32, #tpu.memory_space<vmem>>) target(%dma_start3A_284 : memref<50176xf32, #tpu.memory_space<vmem_shared>>) offsets(%dma_start3A_282 : memref<128xi32, #tpu.memory_space<vmem>>) semaphore(%run_scoped3A_275 : memref<!tpu.dma_semaphore, #tpu.memory_space<semaphore_mem>>) {add = true}
        %dma_wait3A_285 = arith.constant 0 : i32
        %dma_wait3A_286 = arith.constant 0 : i32
        %dma_wait3A_287 = tpu.memref_slice %arg9[%rem3A_234, %dma_wait3A_285, %dma_wait3A_286] : memref<2x14x128xi32, #tpu.memory_space<vmem>> -> memref<1x14x128xi32, #tpu.memory_space<vmem>>
        %dma_wait3A_288 = tpu.memref_squeeze %dma_wait3A_287 : memref<1x14x128xi32, #tpu.memory_space<vmem>> -> memref<14x128xi32, #tpu.memory_space<vmem>>
        %dma_wait3A_289 = arith.constant 0 : i32
        %dma_wait3A_290 = tpu.memref_slice %dma_wait3A_288[%run_scoped3A_269, %dma_wait3A_289] : memref<14x128xi32, #tpu.memory_space<vmem>> -> memref<1x128xi32, #tpu.memory_space<vmem>>
        %dma_wait3A_291 = tpu.memref_squeeze %dma_wait3A_290 : memref<1x128xi32, #tpu.memory_space<vmem>> -> memref<128xi32, #tpu.memory_space<vmem>>
        %dma_wait3A_292 = arith.constant 0 : i32
        %dma_wait3A_293 = tpu.memref_slice %arg12[%dma_wait3A_292] : memref<50176xf32, #tpu.memory_space<vmem_shared>> -> memref<50176xf32, #tpu.memory_space<vmem_shared>>
        tpu.wait_indirect_dma semaphore(%run_scoped3A_275 : memref<!tpu.dma_semaphore, #tpu.memory_space<semaphore_mem>>) src(%arg10 : memref<128xf32, #tpu.memory_space<vmem>>) dst(%dma_wait3A_293 : memref<50176xf32, #tpu.memory_space<vmem_shared>>)
        tpu.yield
      }) : () -> ()
      %run_scoped3A_270 = arith.constant 13 : i32
      "tpu.region"() ({
        %run_scoped3A_275 = tpu.sem_alloc : memref<!tpu.dma_semaphore, #tpu.memory_space<semaphore_mem>>
        %dma_start3A_276 = arith.constant 0 : i32
        %dma_start3A_277 = arith.constant 0 : i32
        %dma_start3A_278 = tpu.memref_slice %arg9[%rem3A_234, %dma_start3A_276, %dma_start3A_277] : memref<2x14x128xi32, #tpu.memory_space<vmem>> -> memref<1x14x128xi32, #tpu.memory_space<vmem>>
        %dma_start3A_279 = tpu.memref_squeeze %dma_start3A_278 : memref<1x14x128xi32, #tpu.memory_space<vmem>> -> memref<14x128xi32, #tpu.memory_space<vmem>>
        %dma_start3A_280 = arith.constant 0 : i32
        %dma_start3A_281 = tpu.memref_slice %dma_start3A_279[%run_scoped3A_270, %dma_start3A_280] : memref<14x128xi32, #tpu.memory_space<vmem>> -> memref<1x128xi32, #tpu.memory_space<vmem>>
        %dma_start3A_282 = tpu.memref_squeeze %dma_start3A_281 : memref<1x128xi32, #tpu.memory_space<vmem>> -> memref<128xi32, #tpu.memory_space<vmem>>
        %dma_start3A_283 = arith.constant 0 : i32
        %dma_start3A_284 = tpu.memref_slice %arg12[%dma_start3A_283] : memref<50176xf32, #tpu.memory_space<vmem_shared>> -> memref<50176xf32, #tpu.memory_space<vmem_shared>>
        tpu.enqueue_indirect_dma source(%arg10 : memref<128xf32, #tpu.memory_space<vmem>>) target(%dma_start3A_284 : memref<50176xf32, #tpu.memory_space<vmem_shared>>) offsets(%dma_start3A_282 : memref<128xi32, #tpu.memory_space<vmem>>) semaphore(%run_scoped3A_275 : memref<!tpu.dma_semaphore, #tpu.memory_space<semaphore_mem>>) {add = true}
        %dma_wait3A_285 = arith.constant 0 : i32
        %dma_wait3A_286 = arith.constant 0 : i32
        %dma_wait3A_287 = tpu.memref_slice %arg9[%rem3A_234, %dma_wait3A_285, %dma_wait3A_286] : memref<2x14x128xi32, #tpu.memory_space<vmem>> -> memref<1x14x128xi32, #tpu.memory_space<vmem>>
        %dma_wait3A_288 = tpu.memref_squeeze %dma_wait3A_287 : memref<1x14x128xi32, #tpu.memory_space<vmem>> -> memref<14x128xi32, #tpu.memory_space<vmem>>
        %dma_wait3A_289 = arith.constant 0 : i32
        %dma_wait3A_290 = tpu.memref_slice %dma_wait3A_288[%run_scoped3A_270, %dma_wait3A_289] : memref<14x128xi32, #tpu.memory_space<vmem>> -> memref<1x128xi32, #tpu.memory_space<vmem>>
        %dma_wait3A_291 = tpu.memref_squeeze %dma_wait3A_290 : memref<1x128xi32, #tpu.memory_space<vmem>> -> memref<128xi32, #tpu.memory_space<vmem>>
        %dma_wait3A_292 = arith.constant 0 : i32
        %dma_wait3A_293 = tpu.memref_slice %arg12[%dma_wait3A_292] : memref<50176xf32, #tpu.memory_space<vmem_shared>> -> memref<50176xf32, #tpu.memory_space<vmem_shared>>
        tpu.wait_indirect_dma semaphore(%run_scoped3A_275 : memref<!tpu.dma_semaphore, #tpu.memory_space<semaphore_mem>>) src(%arg10 : memref<128xf32, #tpu.memory_space<vmem>>) dst(%dma_wait3A_293 : memref<50176xf32, #tpu.memory_space<vmem_shared>>)
        tpu.yield
      }) : () -> ()
      %add3A_271 = arith.constant 2 : i32
      %add3A_272 = arith.addi %add3A_233, %add3A_271 : i32
      %lt3A = arith.constant 14 : i32
      %lt3A_273 = arith.cmpi slt, %add3A_272, %lt3A : i32
      %convert_element_type3A = arith.extui %lt3A_273 : i1 to i32
      %cond3A = arith.constant 0 : i32
      %cond3A_274 = arith.cmpi ne, %convert_element_type3A, %cond3A : i32
      scf.if %cond3A_274 {
        %add3A_275 = arith.constant 2 : i32
        %add3A_276 = arith.addi %add3A_233, %add3A_275 : i32
        %mul3A_277 = arith.constant 14 : i32
        %mul3A_278 = arith.muli %add3A_276, %mul3A_277 : i32
        %add3A_279 = arith.addi %mul3A_4, %mul3A_278 : i32
        %dma_start3A_280 = arith.constant 0 : i32
        %dma_start3A_281 = arith.constant 0 : i32
        %dma_start3A_282 = tpu.memref_slice %arg9[%rem3A_234, %dma_start3A_280, %dma_start3A_281] : memref<2x14x128xi32, #tpu.memory_space<vmem>> -> memref<1x14x128xi32, #tpu.memory_space<vmem>>
        %dma_start3A_283 = tpu.memref_squeeze %dma_start3A_282 : memref<1x14x128xi32, #tpu.memory_space<vmem>> -> memref<14x128xi32, #tpu.memory_space<vmem>>
        %dma_start3A_284 = arith.constant 0 : i32
        %dma_start3A_285 = arith.constant 0 : i32
        %dma_start3A_286 = tpu.memref_slice %arg4[%scan3A_219, %dma_start3A_284, %dma_start3A_285] : memref<2x6272x128xi32, #tpu.memory_space<hbm>> -> memref<1x6272x128xi32, #tpu.memory_space<hbm>>
        %dma_start3A_287 = tpu.memref_squeeze %dma_start3A_286 : memref<1x6272x128xi32, #tpu.memory_space<hbm>> -> memref<6272x128xi32, #tpu.memory_space<hbm>>
        %dma_start3A_288 = arith.constant 0 : i32
        %dma_start3A_289 = tpu.memref_slice %dma_start3A_287[%add3A_279, %dma_start3A_288] : memref<6272x128xi32, #tpu.memory_space<hbm>> -> memref<14x128xi32, #tpu.memory_space<hbm>>
        %dma_start3A_290 = tpu.memref_slice %arg14[%rem3A_234] : memref<2x!tpu.dma_semaphore, #tpu.memory_space<semaphore_mem>> -> memref<1x!tpu.dma_semaphore, #tpu.memory_space<semaphore_mem>>
        %dma_start3A_291 = tpu.memref_squeeze %dma_start3A_290 : memref<1x!tpu.dma_semaphore, #tpu.memory_space<semaphore_mem>> -> memref<!tpu.dma_semaphore, #tpu.memory_space<semaphore_mem>>
        %dma_start3A_292 = arith.constant 0 : i32
        %dma_start3A_293 = arith.constant 0 : i32
        %dma_start3A_294 = tpu.memref_slice %arg9[%rem3A_234, %dma_start3A_292, %dma_start3A_293] : memref<2x14x128xi32, #tpu.memory_space<vmem>> -> memref<1x14x128xi32, #tpu.memory_space<vmem>>
        %dma_start3A_295 = tpu.memref_squeeze %dma_start3A_294 : memref<1x14x128xi32, #tpu.memory_space<vmem>> -> memref<14x128xi32, #tpu.memory_space<vmem>>
        %dma_start3A_296 = arith.constant 0 : i32
        %dma_start3A_297 = arith.constant 0 : i32
        %dma_start3A_298 = tpu.memref_slice %arg4[%scan3A_219, %dma_start3A_296, %dma_start3A_297] : memref<2x6272x128xi32, #tpu.memory_space<hbm>> -> memref<1x6272x128xi32, #tpu.memory_space<hbm>>
        %dma_start3A_299 = tpu.memref_squeeze %dma_start3A_298 : memref<1x6272x128xi32, #tpu.memory_space<hbm>> -> memref<6272x128xi32, #tpu.memory_space<hbm>>
        %dma_start3A_300 = arith.constant 0 : i32
        %dma_start3A_301 = tpu.memref_slice %dma_start3A_299[%add3A_279, %dma_start3A_300] : memref<6272x128xi32, #tpu.memory_space<hbm>> -> memref<14x128xi32, #tpu.memory_space<hbm>>
        tpu.enqueue_dma source(%dma_start3A_301 : memref<14x128xi32, #tpu.memory_space<hbm>>) target(%dma_start3A_295 : memref<14x128xi32, #tpu.memory_space<vmem>>) target_semaphore(%dma_start3A_291 : memref<!tpu.dma_semaphore, #tpu.memory_space<semaphore_mem>>)
      } else {
      }
    }
    %scan3A_224 = arith.constant 14 : i32
    %barrier3A_225 = arith.constant 0 : index
    tpu.barrier barrier_id(%barrier3A_225)
    %mul3A_226 = arith.constant 50176 : i32
    %mul3A_227 = arith.muli %arg0, %mul3A_226 : i32
    %add3A_228 = arith.addi %mul3A_227, %mul3A_209 : i32
    "tpu.region"() ({
      %run_scoped3A = tpu.sem_alloc : memref<!tpu.dma_semaphore, #tpu.memory_space<semaphore_mem>>
      %dma_start3A_229 = tpu.memref_slice %arg6[%add3A_228] : memref<100352xf32, #tpu.memory_space<hbm>> -> memref<3136xf32, #tpu.memory_space<hbm>>
      %dma_start3A_230 = tpu.memref_slice %arg12[%mul3A_209] : memref<50176xf32, #tpu.memory_space<vmem_shared>> -> memref<3136xf32, #tpu.memory_space<vmem_shared>>
      tpu.enqueue_dma source(%dma_start3A_230 : memref<3136xf32, #tpu.memory_space<vmem_shared>>) target(%dma_start3A_229 : memref<3136xf32, #tpu.memory_space<hbm>>) target_semaphore(%run_scoped3A : memref<!tpu.dma_semaphore, #tpu.memory_space<semaphore_mem>>)
      %dma_wait3A = tpu.memref_slice %arg6[%add3A_228] : memref<100352xf32, #tpu.memory_space<hbm>> -> memref<3136xf32, #tpu.memory_space<hbm>>
      %dma_wait3A_231 = tpu.memref_slice %arg12[%mul3A_209] : memref<50176xf32, #tpu.memory_space<vmem_shared>> -> memref<3136xf32, #tpu.memory_space<vmem_shared>>
      tpu.wait_dma2 semaphore(%run_scoped3A : memref<!tpu.dma_semaphore, #tpu.memory_space<semaphore_mem>>) src(%dma_wait3A_231 : memref<3136xf32, #tpu.memory_space<vmem_shared>>) dst(%dma_wait3A : memref<3136xf32, #tpu.memory_space<hbm>>)
      tpu.yield
    }) : () -> ()
    return
  }
}

#map = affine_map<(d0, d1) -> (0, 0, 0)>
module attributes {stable_mosaic.version = 14 : i64} {
  func.func @_sc_propagate(%arg0: i32, %arg1: i32, %arg2: memref<2x50176x32xf32, #tpu.memory_space<hbm>>, %arg3: memref<2x6272x128xi32, #tpu.memory_space<hbm>>, %arg4: memref<2x50176x32xf32, #tpu.memory_space<hbm>>, %arg5: memref<2x14x128xi32, #tpu.memory_space<vmem>>, %arg6: memref<2x14x128xi32, #tpu.memory_space<vmem>>, %arg7: memref<5x128x32xf32, #tpu.memory_space<vmem>>, %arg8: memref<50176x32xf32, #tpu.memory_space<vmem_shared>>, %arg9: memref<5x!tpu.dma_semaphore, #tpu.memory_space<semaphore_mem>>, %arg10: memref<2x!tpu.dma_semaphore, #tpu.memory_space<semaphore_mem>>, %arg11: memref<!tpu.dma_semaphore, #tpu.memory_space<semaphore_mem>>) attributes {dimension_semantics = [#tpu.dimension_semantics<core_parallel>, #tpu.dimension_semantics<subcore_parallel>], iteration_bounds = array<i64: 2, 16>, scalar_prefetch = 0 : i64, scratch_operands = 7 : i64, tpu.core_type = #tpu.core_type<sc_vector_subcore>, window_params = [{transform_indices = #map}, {transform_indices = #map}, {transform_indices = #map}]} {
    %mul3A = arith.constant 3136 : i32
    %mul3A_0 = arith.muli %arg1, %mul3A : i32
    %mul3A_1 = arith.constant 392 : i32
    %mul3A_2 = arith.muli %arg1, %mul3A_1 : i32
    %add3A = arith.constant 0 : i32
    %add3A_3 = arith.addi %mul3A_2, %add3A : i32
    %dma_start3A = arith.constant 0 : i32
    %dma_start3A_4 = arith.constant 0 : i32
    %dma_start3A_5 = arith.constant 0 : i32
    %dma_start3A_6 = arith.constant 0 : i32
    %dma_start3A_7 = arith.constant 0 : i32
    %dma_start3A_8 = tpu.memref_slice %arg5[%dma_start3A_4, %dma_start3A_6, %dma_start3A_7] : memref<2x14x128xi32, #tpu.memory_space<vmem>> -> memref<1x14x128xi32, #tpu.memory_space<vmem>>
    %dma_start3A_9 = tpu.memref_squeeze %dma_start3A_8 : memref<1x14x128xi32, #tpu.memory_space<vmem>> -> memref<14x128xi32, #tpu.memory_space<vmem>>
    %dma_start3A_10 = arith.constant 0 : i32
    %dma_start3A_11 = arith.constant 0 : i32
    %dma_start3A_12 = tpu.memref_slice %arg3[%dma_start3A, %dma_start3A_10, %dma_start3A_11] : memref<2x6272x128xi32, #tpu.memory_space<hbm>> -> memref<1x6272x128xi32, #tpu.memory_space<hbm>>
    %dma_start3A_13 = tpu.memref_squeeze %dma_start3A_12 : memref<1x6272x128xi32, #tpu.memory_space<hbm>> -> memref<6272x128xi32, #tpu.memory_space<hbm>>
    %dma_start3A_14 = arith.constant 0 : i32
    %dma_start3A_15 = tpu.memref_slice %dma_start3A_13[%add3A_3, %dma_start3A_14] : memref<6272x128xi32, #tpu.memory_space<hbm>> -> memref<14x128xi32, #tpu.memory_space<hbm>>
    %dma_start3A_16 = tpu.memref_slice %arg10[%dma_start3A_5] : memref<2x!tpu.dma_semaphore, #tpu.memory_space<semaphore_mem>> -> memref<1x!tpu.dma_semaphore, #tpu.memory_space<semaphore_mem>>
    %dma_start3A_17 = tpu.memref_squeeze %dma_start3A_16 : memref<1x!tpu.dma_semaphore, #tpu.memory_space<semaphore_mem>> -> memref<!tpu.dma_semaphore, #tpu.memory_space<semaphore_mem>>
    %dma_start3A_18 = arith.constant 0 : i32
    %dma_start3A_19 = arith.constant 0 : i32
    %dma_start3A_20 = tpu.memref_slice %arg5[%dma_start3A_4, %dma_start3A_18, %dma_start3A_19] : memref<2x14x128xi32, #tpu.memory_space<vmem>> -> memref<1x14x128xi32, #tpu.memory_space<vmem>>
    %dma_start3A_21 = tpu.memref_squeeze %dma_start3A_20 : memref<1x14x128xi32, #tpu.memory_space<vmem>> -> memref<14x128xi32, #tpu.memory_space<vmem>>
    %dma_start3A_22 = arith.constant 0 : i32
    %dma_start3A_23 = arith.constant 0 : i32
    %dma_start3A_24 = tpu.memref_slice %arg3[%dma_start3A, %dma_start3A_22, %dma_start3A_23] : memref<2x6272x128xi32, #tpu.memory_space<hbm>> -> memref<1x6272x128xi32, #tpu.memory_space<hbm>>
    %dma_start3A_25 = tpu.memref_squeeze %dma_start3A_24 : memref<1x6272x128xi32, #tpu.memory_space<hbm>> -> memref<6272x128xi32, #tpu.memory_space<hbm>>
    %dma_start3A_26 = arith.constant 0 : i32
    %dma_start3A_27 = tpu.memref_slice %dma_start3A_25[%add3A_3, %dma_start3A_26] : memref<6272x128xi32, #tpu.memory_space<hbm>> -> memref<14x128xi32, #tpu.memory_space<hbm>>
    tpu.enqueue_dma source(%dma_start3A_27 : memref<14x128xi32, #tpu.memory_space<hbm>>) target(%dma_start3A_21 : memref<14x128xi32, #tpu.memory_space<vmem>>) target_semaphore(%dma_start3A_17 : memref<!tpu.dma_semaphore, #tpu.memory_space<semaphore_mem>>)
    %dma_start3A_28 = arith.constant 1 : i32
    %dma_start3A_29 = arith.constant 0 : i32
    %dma_start3A_30 = arith.constant 0 : i32
    %dma_start3A_31 = arith.constant 0 : i32
    %dma_start3A_32 = arith.constant 0 : i32
    %dma_start3A_33 = tpu.memref_slice %arg6[%dma_start3A_29, %dma_start3A_31, %dma_start3A_32] : memref<2x14x128xi32, #tpu.memory_space<vmem>> -> memref<1x14x128xi32, #tpu.memory_space<vmem>>
    %dma_start3A_34 = tpu.memref_squeeze %dma_start3A_33 : memref<1x14x128xi32, #tpu.memory_space<vmem>> -> memref<14x128xi32, #tpu.memory_space<vmem>>
    %dma_start3A_35 = arith.constant 0 : i32
    %dma_start3A_36 = arith.constant 0 : i32
    %dma_start3A_37 = tpu.memref_slice %arg3[%dma_start3A_28, %dma_start3A_35, %dma_start3A_36] : memref<2x6272x128xi32, #tpu.memory_space<hbm>> -> memref<1x6272x128xi32, #tpu.memory_space<hbm>>
    %dma_start3A_38 = tpu.memref_squeeze %dma_start3A_37 : memref<1x6272x128xi32, #tpu.memory_space<hbm>> -> memref<6272x128xi32, #tpu.memory_space<hbm>>
    %dma_start3A_39 = arith.constant 0 : i32
    %dma_start3A_40 = tpu.memref_slice %dma_start3A_38[%add3A_3, %dma_start3A_39] : memref<6272x128xi32, #tpu.memory_space<hbm>> -> memref<14x128xi32, #tpu.memory_space<hbm>>
    %dma_start3A_41 = tpu.memref_slice %arg10[%dma_start3A_30] : memref<2x!tpu.dma_semaphore, #tpu.memory_space<semaphore_mem>> -> memref<1x!tpu.dma_semaphore, #tpu.memory_space<semaphore_mem>>
    %dma_start3A_42 = tpu.memref_squeeze %dma_start3A_41 : memref<1x!tpu.dma_semaphore, #tpu.memory_space<semaphore_mem>> -> memref<!tpu.dma_semaphore, #tpu.memory_space<semaphore_mem>>
    %dma_start3A_43 = arith.constant 0 : i32
    %dma_start3A_44 = arith.constant 0 : i32
    %dma_start3A_45 = tpu.memref_slice %arg6[%dma_start3A_29, %dma_start3A_43, %dma_start3A_44] : memref<2x14x128xi32, #tpu.memory_space<vmem>> -> memref<1x14x128xi32, #tpu.memory_space<vmem>>
    %dma_start3A_46 = tpu.memref_squeeze %dma_start3A_45 : memref<1x14x128xi32, #tpu.memory_space<vmem>> -> memref<14x128xi32, #tpu.memory_space<vmem>>
    %dma_start3A_47 = arith.constant 0 : i32
    %dma_start3A_48 = arith.constant 0 : i32
    %dma_start3A_49 = tpu.memref_slice %arg3[%dma_start3A_28, %dma_start3A_47, %dma_start3A_48] : memref<2x6272x128xi32, #tpu.memory_space<hbm>> -> memref<1x6272x128xi32, #tpu.memory_space<hbm>>
    %dma_start3A_50 = tpu.memref_squeeze %dma_start3A_49 : memref<1x6272x128xi32, #tpu.memory_space<hbm>> -> memref<6272x128xi32, #tpu.memory_space<hbm>>
    %dma_start3A_51 = arith.constant 0 : i32
    %dma_start3A_52 = tpu.memref_slice %dma_start3A_50[%add3A_3, %dma_start3A_51] : memref<6272x128xi32, #tpu.memory_space<hbm>> -> memref<14x128xi32, #tpu.memory_space<hbm>>
    tpu.enqueue_dma source(%dma_start3A_52 : memref<14x128xi32, #tpu.memory_space<hbm>>) target(%dma_start3A_46 : memref<14x128xi32, #tpu.memory_space<vmem>>) target_semaphore(%dma_start3A_42 : memref<!tpu.dma_semaphore, #tpu.memory_space<semaphore_mem>>)
    %add3A_53 = arith.constant 14 : i32
    %add3A_54 = arith.addi %mul3A_2, %add3A_53 : i32
    %dma_start3A_55 = arith.constant 0 : i32
    %dma_start3A_56 = arith.constant 1 : i32
    %dma_start3A_57 = arith.constant 1 : i32
    %dma_start3A_58 = arith.constant 0 : i32
    %dma_start3A_59 = arith.constant 0 : i32
    %dma_start3A_60 = tpu.memref_slice %arg5[%dma_start3A_56, %dma_start3A_58, %dma_start3A_59] : memref<2x14x128xi32, #tpu.memory_space<vmem>> -> memref<1x14x128xi32, #tpu.memory_space<vmem>>
    %dma_start3A_61 = tpu.memref_squeeze %dma_start3A_60 : memref<1x14x128xi32, #tpu.memory_space<vmem>> -> memref<14x128xi32, #tpu.memory_space<vmem>>
    %dma_start3A_62 = arith.constant 0 : i32
    %dma_start3A_63 = arith.constant 0 : i32
    %dma_start3A_64 = tpu.memref_slice %arg3[%dma_start3A_55, %dma_start3A_62, %dma_start3A_63] : memref<2x6272x128xi32, #tpu.memory_space<hbm>> -> memref<1x6272x128xi32, #tpu.memory_space<hbm>>
    %dma_start3A_65 = tpu.memref_squeeze %dma_start3A_64 : memref<1x6272x128xi32, #tpu.memory_space<hbm>> -> memref<6272x128xi32, #tpu.memory_space<hbm>>
    %dma_start3A_66 = arith.constant 0 : i32
    %dma_start3A_67 = tpu.memref_slice %dma_start3A_65[%add3A_54, %dma_start3A_66] : memref<6272x128xi32, #tpu.memory_space<hbm>> -> memref<14x128xi32, #tpu.memory_space<hbm>>
    %dma_start3A_68 = tpu.memref_slice %arg10[%dma_start3A_57] : memref<2x!tpu.dma_semaphore, #tpu.memory_space<semaphore_mem>> -> memref<1x!tpu.dma_semaphore, #tpu.memory_space<semaphore_mem>>
    %dma_start3A_69 = tpu.memref_squeeze %dma_start3A_68 : memref<1x!tpu.dma_semaphore, #tpu.memory_space<semaphore_mem>> -> memref<!tpu.dma_semaphore, #tpu.memory_space<semaphore_mem>>
    %dma_start3A_70 = arith.constant 0 : i32
    %dma_start3A_71 = arith.constant 0 : i32
    %dma_start3A_72 = tpu.memref_slice %arg5[%dma_start3A_56, %dma_start3A_70, %dma_start3A_71] : memref<2x14x128xi32, #tpu.memory_space<vmem>> -> memref<1x14x128xi32, #tpu.memory_space<vmem>>
    %dma_start3A_73 = tpu.memref_squeeze %dma_start3A_72 : memref<1x14x128xi32, #tpu.memory_space<vmem>> -> memref<14x128xi32, #tpu.memory_space<vmem>>
    %dma_start3A_74 = arith.constant 0 : i32
    %dma_start3A_75 = arith.constant 0 : i32
    %dma_start3A_76 = tpu.memref_slice %arg3[%dma_start3A_55, %dma_start3A_74, %dma_start3A_75] : memref<2x6272x128xi32, #tpu.memory_space<hbm>> -> memref<1x6272x128xi32, #tpu.memory_space<hbm>>
    %dma_start3A_77 = tpu.memref_squeeze %dma_start3A_76 : memref<1x6272x128xi32, #tpu.memory_space<hbm>> -> memref<6272x128xi32, #tpu.memory_space<hbm>>
    %dma_start3A_78 = arith.constant 0 : i32
    %dma_start3A_79 = tpu.memref_slice %dma_start3A_77[%add3A_54, %dma_start3A_78] : memref<6272x128xi32, #tpu.memory_space<hbm>> -> memref<14x128xi32, #tpu.memory_space<hbm>>
    tpu.enqueue_dma source(%dma_start3A_79 : memref<14x128xi32, #tpu.memory_space<hbm>>) target(%dma_start3A_73 : memref<14x128xi32, #tpu.memory_space<vmem>>) target_semaphore(%dma_start3A_69 : memref<!tpu.dma_semaphore, #tpu.memory_space<semaphore_mem>>)
    %dma_start3A_80 = arith.constant 1 : i32
    %dma_start3A_81 = arith.constant 1 : i32
    %dma_start3A_82 = arith.constant 1 : i32
    %dma_start3A_83 = arith.constant 0 : i32
    %dma_start3A_84 = arith.constant 0 : i32
    %dma_start3A_85 = tpu.memref_slice %arg6[%dma_start3A_81, %dma_start3A_83, %dma_start3A_84] : memref<2x14x128xi32, #tpu.memory_space<vmem>> -> memref<1x14x128xi32, #tpu.memory_space<vmem>>
    %dma_start3A_86 = tpu.memref_squeeze %dma_start3A_85 : memref<1x14x128xi32, #tpu.memory_space<vmem>> -> memref<14x128xi32, #tpu.memory_space<vmem>>
    %dma_start3A_87 = arith.constant 0 : i32
    %dma_start3A_88 = arith.constant 0 : i32
    %dma_start3A_89 = tpu.memref_slice %arg3[%dma_start3A_80, %dma_start3A_87, %dma_start3A_88] : memref<2x6272x128xi32, #tpu.memory_space<hbm>> -> memref<1x6272x128xi32, #tpu.memory_space<hbm>>
    %dma_start3A_90 = tpu.memref_squeeze %dma_start3A_89 : memref<1x6272x128xi32, #tpu.memory_space<hbm>> -> memref<6272x128xi32, #tpu.memory_space<hbm>>
    %dma_start3A_91 = arith.constant 0 : i32
    %dma_start3A_92 = tpu.memref_slice %dma_start3A_90[%add3A_54, %dma_start3A_91] : memref<6272x128xi32, #tpu.memory_space<hbm>> -> memref<14x128xi32, #tpu.memory_space<hbm>>
    %dma_start3A_93 = tpu.memref_slice %arg10[%dma_start3A_82] : memref<2x!tpu.dma_semaphore, #tpu.memory_space<semaphore_mem>> -> memref<1x!tpu.dma_semaphore, #tpu.memory_space<semaphore_mem>>
    %dma_start3A_94 = tpu.memref_squeeze %dma_start3A_93 : memref<1x!tpu.dma_semaphore, #tpu.memory_space<semaphore_mem>> -> memref<!tpu.dma_semaphore, #tpu.memory_space<semaphore_mem>>
    %dma_start3A_95 = arith.constant 0 : i32
    %dma_start3A_96 = arith.constant 0 : i32
    %dma_start3A_97 = tpu.memref_slice %arg6[%dma_start3A_81, %dma_start3A_95, %dma_start3A_96] : memref<2x14x128xi32, #tpu.memory_space<vmem>> -> memref<1x14x128xi32, #tpu.memory_space<vmem>>
    %dma_start3A_98 = tpu.memref_squeeze %dma_start3A_97 : memref<1x14x128xi32, #tpu.memory_space<vmem>> -> memref<14x128xi32, #tpu.memory_space<vmem>>
    %dma_start3A_99 = arith.constant 0 : i32
    %dma_start3A_100 = arith.constant 0 : i32
    %dma_start3A_101 = tpu.memref_slice %arg3[%dma_start3A_80, %dma_start3A_99, %dma_start3A_100] : memref<2x6272x128xi32, #tpu.memory_space<hbm>> -> memref<1x6272x128xi32, #tpu.memory_space<hbm>>
    %dma_start3A_102 = tpu.memref_squeeze %dma_start3A_101 : memref<1x6272x128xi32, #tpu.memory_space<hbm>> -> memref<6272x128xi32, #tpu.memory_space<hbm>>
    %dma_start3A_103 = arith.constant 0 : i32
    %dma_start3A_104 = tpu.memref_slice %dma_start3A_102[%add3A_54, %dma_start3A_103] : memref<6272x128xi32, #tpu.memory_space<hbm>> -> memref<14x128xi32, #tpu.memory_space<hbm>>
    tpu.enqueue_dma source(%dma_start3A_104 : memref<14x128xi32, #tpu.memory_space<hbm>>) target(%dma_start3A_98 : memref<14x128xi32, #tpu.memory_space<vmem>>) target_semaphore(%dma_start3A_94 : memref<!tpu.dma_semaphore, #tpu.memory_space<semaphore_mem>>)
    %dma_start3A_105 = arith.constant 0 : i32
    %dma_start3A_106 = tpu.memref_slice %arg8[%mul3A_0, %dma_start3A_105] : memref<50176x32xf32, #tpu.memory_space<vmem_shared>> -> memref<3136x32xf32, #tpu.memory_space<vmem_shared>>
    %dma_start3A_107 = arith.constant 0 : i32
    %dma_start3A_108 = arith.constant 0 : i32
    %dma_start3A_109 = tpu.memref_slice %arg2[%arg0, %dma_start3A_107, %dma_start3A_108] : memref<2x50176x32xf32, #tpu.memory_space<hbm>> -> memref<1x50176x32xf32, #tpu.memory_space<hbm>>
    %dma_start3A_110 = tpu.memref_squeeze %dma_start3A_109 : memref<1x50176x32xf32, #tpu.memory_space<hbm>> -> memref<50176x32xf32, #tpu.memory_space<hbm>>
    %dma_start3A_111 = arith.constant 0 : i32
    %dma_start3A_112 = tpu.memref_slice %dma_start3A_110[%mul3A_0, %dma_start3A_111] : memref<50176x32xf32, #tpu.memory_space<hbm>> -> memref<3136x32xf32, #tpu.memory_space<hbm>>
    tpu.enqueue_dma source(%dma_start3A_112 : memref<3136x32xf32, #tpu.memory_space<hbm>>) target(%dma_start3A_106 : memref<3136x32xf32, #tpu.memory_space<vmem_shared>>) target_semaphore(%arg11 : memref<!tpu.dma_semaphore, #tpu.memory_space<semaphore_mem>>)
    %dma_wait3A = arith.constant 0 : i32
    %dma_wait3A_113 = arith.constant 0 : i32
    %dma_wait3A_114 = arith.constant 0 : i32
    %dma_wait3A_115 = arith.constant 0 : i32
    %dma_wait3A_116 = arith.constant 0 : i32
    %dma_wait3A_117 = tpu.memref_slice %arg5[%dma_wait3A_113, %dma_wait3A_115, %dma_wait3A_116] : memref<2x14x128xi32, #tpu.memory_space<vmem>> -> memref<1x14x128xi32, #tpu.memory_space<vmem>>
    %dma_wait3A_118 = tpu.memref_squeeze %dma_wait3A_117 : memref<1x14x128xi32, #tpu.memory_space<vmem>> -> memref<14x128xi32, #tpu.memory_space<vmem>>
    %dma_wait3A_119 = arith.constant 0 : i32
    %dma_wait3A_120 = arith.constant 0 : i32
    %dma_wait3A_121 = tpu.memref_slice %arg3[%dma_wait3A, %dma_wait3A_119, %dma_wait3A_120] : memref<2x6272x128xi32, #tpu.memory_space<hbm>> -> memref<1x6272x128xi32, #tpu.memory_space<hbm>>
    %dma_wait3A_122 = tpu.memref_squeeze %dma_wait3A_121 : memref<1x6272x128xi32, #tpu.memory_space<hbm>> -> memref<6272x128xi32, #tpu.memory_space<hbm>>
    %dma_wait3A_123 = arith.constant 0 : i32
    %dma_wait3A_124 = arith.constant 0 : i32
    %dma_wait3A_125 = tpu.memref_slice %dma_wait3A_122[%dma_wait3A_123, %dma_wait3A_124] : memref<6272x128xi32, #tpu.memory_space<hbm>> -> memref<14x128xi32, #tpu.memory_space<hbm>>
    %dma_wait3A_126 = tpu.memref_slice %arg10[%dma_wait3A_114] : memref<2x!tpu.dma_semaphore, #tpu.memory_space<semaphore_mem>> -> memref<1x!tpu.dma_semaphore, #tpu.memory_space<semaphore_mem>>
    %dma_wait3A_127 = tpu.memref_squeeze %dma_wait3A_126 : memref<1x!tpu.dma_semaphore, #tpu.memory_space<semaphore_mem>> -> memref<!tpu.dma_semaphore, #tpu.memory_space<semaphore_mem>>
    %dma_wait3A_128 = arith.constant 0 : i32
    %dma_wait3A_129 = arith.constant 0 : i32
    %dma_wait3A_130 = tpu.memref_slice %arg5[%dma_wait3A_113, %dma_wait3A_128, %dma_wait3A_129] : memref<2x14x128xi32, #tpu.memory_space<vmem>> -> memref<1x14x128xi32, #tpu.memory_space<vmem>>
    %dma_wait3A_131 = tpu.memref_squeeze %dma_wait3A_130 : memref<1x14x128xi32, #tpu.memory_space<vmem>> -> memref<14x128xi32, #tpu.memory_space<vmem>>
    %dma_wait3A_132 = arith.constant 0 : i32
    %dma_wait3A_133 = arith.constant 0 : i32
    %dma_wait3A_134 = tpu.memref_slice %arg3[%dma_wait3A, %dma_wait3A_132, %dma_wait3A_133] : memref<2x6272x128xi32, #tpu.memory_space<hbm>> -> memref<1x6272x128xi32, #tpu.memory_space<hbm>>
    %dma_wait3A_135 = tpu.memref_squeeze %dma_wait3A_134 : memref<1x6272x128xi32, #tpu.memory_space<hbm>> -> memref<6272x128xi32, #tpu.memory_space<hbm>>
    %dma_wait3A_136 = arith.constant 0 : i32
    %dma_wait3A_137 = arith.constant 0 : i32
    %dma_wait3A_138 = tpu.memref_slice %dma_wait3A_135[%dma_wait3A_136, %dma_wait3A_137] : memref<6272x128xi32, #tpu.memory_space<hbm>> -> memref<14x128xi32, #tpu.memory_space<hbm>>
    tpu.wait_dma2 semaphore(%dma_wait3A_127 : memref<!tpu.dma_semaphore, #tpu.memory_space<semaphore_mem>>) src(%dma_wait3A_138 : memref<14x128xi32, #tpu.memory_space<hbm>>) dst(%dma_wait3A_131 : memref<14x128xi32, #tpu.memory_space<vmem>>)
    %dma_wait3A_139 = arith.constant 1 : i32
    %dma_wait3A_140 = arith.constant 0 : i32
    %dma_wait3A_141 = arith.constant 0 : i32
    %dma_wait3A_142 = arith.constant 0 : i32
    %dma_wait3A_143 = arith.constant 0 : i32
    %dma_wait3A_144 = tpu.memref_slice %arg6[%dma_wait3A_140, %dma_wait3A_142, %dma_wait3A_143] : memref<2x14x128xi32, #tpu.memory_space<vmem>> -> memref<1x14x128xi32, #tpu.memory_space<vmem>>
    %dma_wait3A_145 = tpu.memref_squeeze %dma_wait3A_144 : memref<1x14x128xi32, #tpu.memory_space<vmem>> -> memref<14x128xi32, #tpu.memory_space<vmem>>
    %dma_wait3A_146 = arith.constant 0 : i32
    %dma_wait3A_147 = arith.constant 0 : i32
    %dma_wait3A_148 = tpu.memref_slice %arg3[%dma_wait3A_139, %dma_wait3A_146, %dma_wait3A_147] : memref<2x6272x128xi32, #tpu.memory_space<hbm>> -> memref<1x6272x128xi32, #tpu.memory_space<hbm>>
    %dma_wait3A_149 = tpu.memref_squeeze %dma_wait3A_148 : memref<1x6272x128xi32, #tpu.memory_space<hbm>> -> memref<6272x128xi32, #tpu.memory_space<hbm>>
    %dma_wait3A_150 = arith.constant 0 : i32
    %dma_wait3A_151 = arith.constant 0 : i32
    %dma_wait3A_152 = tpu.memref_slice %dma_wait3A_149[%dma_wait3A_150, %dma_wait3A_151] : memref<6272x128xi32, #tpu.memory_space<hbm>> -> memref<14x128xi32, #tpu.memory_space<hbm>>
    %dma_wait3A_153 = tpu.memref_slice %arg10[%dma_wait3A_141] : memref<2x!tpu.dma_semaphore, #tpu.memory_space<semaphore_mem>> -> memref<1x!tpu.dma_semaphore, #tpu.memory_space<semaphore_mem>>
    %dma_wait3A_154 = tpu.memref_squeeze %dma_wait3A_153 : memref<1x!tpu.dma_semaphore, #tpu.memory_space<semaphore_mem>> -> memref<!tpu.dma_semaphore, #tpu.memory_space<semaphore_mem>>
    %dma_wait3A_155 = arith.constant 0 : i32
    %dma_wait3A_156 = arith.constant 0 : i32
    %dma_wait3A_157 = tpu.memref_slice %arg6[%dma_wait3A_140, %dma_wait3A_155, %dma_wait3A_156] : memref<2x14x128xi32, #tpu.memory_space<vmem>> -> memref<1x14x128xi32, #tpu.memory_space<vmem>>
    %dma_wait3A_158 = tpu.memref_squeeze %dma_wait3A_157 : memref<1x14x128xi32, #tpu.memory_space<vmem>> -> memref<14x128xi32, #tpu.memory_space<vmem>>
    %dma_wait3A_159 = arith.constant 0 : i32
    %dma_wait3A_160 = arith.constant 0 : i32
    %dma_wait3A_161 = tpu.memref_slice %arg3[%dma_wait3A_139, %dma_wait3A_159, %dma_wait3A_160] : memref<2x6272x128xi32, #tpu.memory_space<hbm>> -> memref<1x6272x128xi32, #tpu.memory_space<hbm>>
    %dma_wait3A_162 = tpu.memref_squeeze %dma_wait3A_161 : memref<1x6272x128xi32, #tpu.memory_space<hbm>> -> memref<6272x128xi32, #tpu.memory_space<hbm>>
    %dma_wait3A_163 = arith.constant 0 : i32
    %dma_wait3A_164 = arith.constant 0 : i32
    %dma_wait3A_165 = tpu.memref_slice %dma_wait3A_162[%dma_wait3A_163, %dma_wait3A_164] : memref<6272x128xi32, #tpu.memory_space<hbm>> -> memref<14x128xi32, #tpu.memory_space<hbm>>
    tpu.wait_dma2 semaphore(%dma_wait3A_154 : memref<!tpu.dma_semaphore, #tpu.memory_space<semaphore_mem>>) src(%dma_wait3A_165 : memref<14x128xi32, #tpu.memory_space<hbm>>) dst(%dma_wait3A_158 : memref<14x128xi32, #tpu.memory_space<vmem>>)
    %div3A = arith.constant 0 : i32
    %div3A_166 = arith.constant 14 : i32
    %div3A_167 = arith.divsi %div3A, %div3A_166 : i32
    %rem3A = arith.constant 0 : i32
    %rem3A_168 = arith.constant 14 : i32
    %rem3A_169 = arith.remsi %rem3A, %rem3A_168 : i32
    %rem3A_170 = arith.constant 2 : i32
    %rem3A_171 = arith.remsi %div3A_167, %rem3A_170 : i32
    %dma_start3A_172 = arith.constant 0 : i32
    %dma_start3A_173 = arith.constant 0 : i32
    %dma_start3A_174 = arith.constant 0 : i32
    %dma_start3A_175 = arith.constant 0 : i32
    %dma_start3A_176 = tpu.memref_slice %arg7[%dma_start3A_172, %dma_start3A_174, %dma_start3A_175] : memref<5x128x32xf32, #tpu.memory_space<vmem>> -> memref<1x128x32xf32, #tpu.memory_space<vmem>>
    %dma_start3A_177 = tpu.memref_squeeze %dma_start3A_176 : memref<1x128x32xf32, #tpu.memory_space<vmem>> -> memref<128x32xf32, #tpu.memory_space<vmem>>
    %dma_start3A_178 = arith.constant 0 : i32
    %dma_start3A_179 = arith.constant 0 : i32
    %dma_start3A_180 = tpu.memref_slice %arg5[%rem3A_171, %dma_start3A_178, %dma_start3A_179] : memref<2x14x128xi32, #tpu.memory_space<vmem>> -> memref<1x14x128xi32, #tpu.memory_space<vmem>>
    %dma_start3A_181 = tpu.memref_squeeze %dma_start3A_180 : memref<1x14x128xi32, #tpu.memory_space<vmem>> -> memref<14x128xi32, #tpu.memory_space<vmem>>
    %dma_start3A_182 = arith.constant 0 : i32
    %dma_start3A_183 = tpu.memref_slice %dma_start3A_181[%rem3A_169, %dma_start3A_182] : memref<14x128xi32, #tpu.memory_space<vmem>> -> memref<1x128xi32, #tpu.memory_space<vmem>>
    %dma_start3A_184 = tpu.memref_squeeze %dma_start3A_183 : memref<1x128xi32, #tpu.memory_space<vmem>> -> memref<128xi32, #tpu.memory_space<vmem>>
    %dma_start3A_185 = arith.constant 0 : i32
    %dma_start3A_186 = arith.constant 0 : i32
    %dma_start3A_187 = tpu.memref_slice %arg2[%arg0, %dma_start3A_185, %dma_start3A_186] : memref<2x50176x32xf32, #tpu.memory_space<hbm>> -> memref<1x50176x32xf32, #tpu.memory_space<hbm>>
    %dma_start3A_188 = tpu.memref_squeeze %dma_start3A_187 : memref<1x50176x32xf32, #tpu.memory_space<hbm>> -> memref<50176x32xf32, #tpu.memory_space<hbm>>
    %dma_start3A_189 = arith.constant 0 : i32
    %dma_start3A_190 = arith.constant 0 : i32
    %dma_start3A_191 = tpu.memref_slice %dma_start3A_188[%dma_start3A_189, %dma_start3A_190] : memref<50176x32xf32, #tpu.memory_space<hbm>> -> memref<50176x32xf32, #tpu.memory_space<hbm>>
    %dma_start3A_192 = tpu.memref_slice %arg9[%dma_start3A_173] : memref<5x!tpu.dma_semaphore, #tpu.memory_space<semaphore_mem>> -> memref<1x!tpu.dma_semaphore, #tpu.memory_space<semaphore_mem>>
    %dma_start3A_193 = tpu.memref_squeeze %dma_start3A_192 : memref<1x!tpu.dma_semaphore, #tpu.memory_space<semaphore_mem>> -> memref<!tpu.dma_semaphore, #tpu.memory_space<semaphore_mem>>
    tpu.enqueue_indirect_dma source(%dma_start3A_191 : memref<50176x32xf32, #tpu.memory_space<hbm>>) target(%dma_start3A_177 : memref<128x32xf32, #tpu.memory_space<vmem>>) offsets(%dma_start3A_184 : memref<128xi32, #tpu.memory_space<vmem>>) semaphore(%dma_start3A_193 : memref<!tpu.dma_semaphore, #tpu.memory_space<semaphore_mem>>)
    %div3A_194 = arith.constant 1 : i32
    %div3A_195 = arith.constant 14 : i32
    %div3A_196 = arith.divsi %div3A_194, %div3A_195 : i32
    %rem3A_197 = arith.constant 1 : i32
    %rem3A_198 = arith.constant 14 : i32
    %rem3A_199 = arith.remsi %rem3A_197, %rem3A_198 : i32
    %rem3A_200 = arith.constant 2 : i32
    %rem3A_201 = arith.remsi %div3A_196, %rem3A_200 : i32
    %dma_start3A_202 = arith.constant 1 : i32
    %dma_start3A_203 = arith.constant 1 : i32
    %dma_start3A_204 = arith.constant 0 : i32
    %dma_start3A_205 = arith.constant 0 : i32
    %dma_start3A_206 = tpu.memref_slice %arg7[%dma_start3A_202, %dma_start3A_204, %dma_start3A_205] : memref<5x128x32xf32, #tpu.memory_space<vmem>> -> memref<1x128x32xf32, #tpu.memory_space<vmem>>
    %dma_start3A_207 = tpu.memref_squeeze %dma_start3A_206 : memref<1x128x32xf32, #tpu.memory_space<vmem>> -> memref<128x32xf32, #tpu.memory_space<vmem>>
    %dma_start3A_208 = arith.constant 0 : i32
    %dma_start3A_209 = arith.constant 0 : i32
    %dma_start3A_210 = tpu.memref_slice %arg5[%rem3A_201, %dma_start3A_208, %dma_start3A_209] : memref<2x14x128xi32, #tpu.memory_space<vmem>> -> memref<1x14x128xi32, #tpu.memory_space<vmem>>
    %dma_start3A_211 = tpu.memref_squeeze %dma_start3A_210 : memref<1x14x128xi32, #tpu.memory_space<vmem>> -> memref<14x128xi32, #tpu.memory_space<vmem>>
    %dma_start3A_212 = arith.constant 0 : i32
    %dma_start3A_213 = tpu.memref_slice %dma_start3A_211[%rem3A_199, %dma_start3A_212] : memref<14x128xi32, #tpu.memory_space<vmem>> -> memref<1x128xi32, #tpu.memory_space<vmem>>
    %dma_start3A_214 = tpu.memref_squeeze %dma_start3A_213 : memref<1x128xi32, #tpu.memory_space<vmem>> -> memref<128xi32, #tpu.memory_space<vmem>>
    %dma_start3A_215 = arith.constant 0 : i32
    %dma_start3A_216 = arith.constant 0 : i32
    %dma_start3A_217 = tpu.memref_slice %arg2[%arg0, %dma_start3A_215, %dma_start3A_216] : memref<2x50176x32xf32, #tpu.memory_space<hbm>> -> memref<1x50176x32xf32, #tpu.memory_space<hbm>>
    %dma_start3A_218 = tpu.memref_squeeze %dma_start3A_217 : memref<1x50176x32xf32, #tpu.memory_space<hbm>> -> memref<50176x32xf32, #tpu.memory_space<hbm>>
    %dma_start3A_219 = arith.constant 0 : i32
    %dma_start3A_220 = arith.constant 0 : i32
    %dma_start3A_221 = tpu.memref_slice %dma_start3A_218[%dma_start3A_219, %dma_start3A_220] : memref<50176x32xf32, #tpu.memory_space<hbm>> -> memref<50176x32xf32, #tpu.memory_space<hbm>>
    %dma_start3A_222 = tpu.memref_slice %arg9[%dma_start3A_203] : memref<5x!tpu.dma_semaphore, #tpu.memory_space<semaphore_mem>> -> memref<1x!tpu.dma_semaphore, #tpu.memory_space<semaphore_mem>>
    %dma_start3A_223 = tpu.memref_squeeze %dma_start3A_222 : memref<1x!tpu.dma_semaphore, #tpu.memory_space<semaphore_mem>> -> memref<!tpu.dma_semaphore, #tpu.memory_space<semaphore_mem>>
    tpu.enqueue_indirect_dma source(%dma_start3A_221 : memref<50176x32xf32, #tpu.memory_space<hbm>>) target(%dma_start3A_207 : memref<128x32xf32, #tpu.memory_space<vmem>>) offsets(%dma_start3A_214 : memref<128xi32, #tpu.memory_space<vmem>>) semaphore(%dma_start3A_223 : memref<!tpu.dma_semaphore, #tpu.memory_space<semaphore_mem>>)
    %div3A_224 = arith.constant 2 : i32
    %div3A_225 = arith.constant 14 : i32
    %div3A_226 = arith.divsi %div3A_224, %div3A_225 : i32
    %rem3A_227 = arith.constant 2 : i32
    %rem3A_228 = arith.constant 14 : i32
    %rem3A_229 = arith.remsi %rem3A_227, %rem3A_228 : i32
    %rem3A_230 = arith.constant 2 : i32
    %rem3A_231 = arith.remsi %div3A_226, %rem3A_230 : i32
    %dma_start3A_232 = arith.constant 2 : i32
    %dma_start3A_233 = arith.constant 2 : i32
    %dma_start3A_234 = arith.constant 0 : i32
    %dma_start3A_235 = arith.constant 0 : i32
    %dma_start3A_236 = tpu.memref_slice %arg7[%dma_start3A_232, %dma_start3A_234, %dma_start3A_235] : memref<5x128x32xf32, #tpu.memory_space<vmem>> -> memref<1x128x32xf32, #tpu.memory_space<vmem>>
    %dma_start3A_237 = tpu.memref_squeeze %dma_start3A_236 : memref<1x128x32xf32, #tpu.memory_space<vmem>> -> memref<128x32xf32, #tpu.memory_space<vmem>>
    %dma_start3A_238 = arith.constant 0 : i32
    %dma_start3A_239 = arith.constant 0 : i32
    %dma_start3A_240 = tpu.memref_slice %arg5[%rem3A_231, %dma_start3A_238, %dma_start3A_239] : memref<2x14x128xi32, #tpu.memory_space<vmem>> -> memref<1x14x128xi32, #tpu.memory_space<vmem>>
    %dma_start3A_241 = tpu.memref_squeeze %dma_start3A_240 : memref<1x14x128xi32, #tpu.memory_space<vmem>> -> memref<14x128xi32, #tpu.memory_space<vmem>>
    %dma_start3A_242 = arith.constant 0 : i32
    %dma_start3A_243 = tpu.memref_slice %dma_start3A_241[%rem3A_229, %dma_start3A_242] : memref<14x128xi32, #tpu.memory_space<vmem>> -> memref<1x128xi32, #tpu.memory_space<vmem>>
    %dma_start3A_244 = tpu.memref_squeeze %dma_start3A_243 : memref<1x128xi32, #tpu.memory_space<vmem>> -> memref<128xi32, #tpu.memory_space<vmem>>
    %dma_start3A_245 = arith.constant 0 : i32
    %dma_start3A_246 = arith.constant 0 : i32
    %dma_start3A_247 = tpu.memref_slice %arg2[%arg0, %dma_start3A_245, %dma_start3A_246] : memref<2x50176x32xf32, #tpu.memory_space<hbm>> -> memref<1x50176x32xf32, #tpu.memory_space<hbm>>
    %dma_start3A_248 = tpu.memref_squeeze %dma_start3A_247 : memref<1x50176x32xf32, #tpu.memory_space<hbm>> -> memref<50176x32xf32, #tpu.memory_space<hbm>>
    %dma_start3A_249 = arith.constant 0 : i32
    %dma_start3A_250 = arith.constant 0 : i32
    %dma_start3A_251 = tpu.memref_slice %dma_start3A_248[%dma_start3A_249, %dma_start3A_250] : memref<50176x32xf32, #tpu.memory_space<hbm>> -> memref<50176x32xf32, #tpu.memory_space<hbm>>
    %dma_start3A_252 = tpu.memref_slice %arg9[%dma_start3A_233] : memref<5x!tpu.dma_semaphore, #tpu.memory_space<semaphore_mem>> -> memref<1x!tpu.dma_semaphore, #tpu.memory_space<semaphore_mem>>
    %dma_start3A_253 = tpu.memref_squeeze %dma_start3A_252 : memref<1x!tpu.dma_semaphore, #tpu.memory_space<semaphore_mem>> -> memref<!tpu.dma_semaphore, #tpu.memory_space<semaphore_mem>>
    tpu.enqueue_indirect_dma source(%dma_start3A_251 : memref<50176x32xf32, #tpu.memory_space<hbm>>) target(%dma_start3A_237 : memref<128x32xf32, #tpu.memory_space<vmem>>) offsets(%dma_start3A_244 : memref<128xi32, #tpu.memory_space<vmem>>) semaphore(%dma_start3A_253 : memref<!tpu.dma_semaphore, #tpu.memory_space<semaphore_mem>>)
    %div3A_254 = arith.constant 3 : i32
    %div3A_255 = arith.constant 14 : i32
    %div3A_256 = arith.divsi %div3A_254, %div3A_255 : i32
    %rem3A_257 = arith.constant 3 : i32
    %rem3A_258 = arith.constant 14 : i32
    %rem3A_259 = arith.remsi %rem3A_257, %rem3A_258 : i32
    %rem3A_260 = arith.constant 2 : i32
    %rem3A_261 = arith.remsi %div3A_256, %rem3A_260 : i32
    %dma_start3A_262 = arith.constant 3 : i32
    %dma_start3A_263 = arith.constant 3 : i32
    %dma_start3A_264 = arith.constant 0 : i32
    %dma_start3A_265 = arith.constant 0 : i32
    %dma_start3A_266 = tpu.memref_slice %arg7[%dma_start3A_262, %dma_start3A_264, %dma_start3A_265] : memref<5x128x32xf32, #tpu.memory_space<vmem>> -> memref<1x128x32xf32, #tpu.memory_space<vmem>>
    %dma_start3A_267 = tpu.memref_squeeze %dma_start3A_266 : memref<1x128x32xf32, #tpu.memory_space<vmem>> -> memref<128x32xf32, #tpu.memory_space<vmem>>
    %dma_start3A_268 = arith.constant 0 : i32
    %dma_start3A_269 = arith.constant 0 : i32
    %dma_start3A_270 = tpu.memref_slice %arg5[%rem3A_261, %dma_start3A_268, %dma_start3A_269] : memref<2x14x128xi32, #tpu.memory_space<vmem>> -> memref<1x14x128xi32, #tpu.memory_space<vmem>>
    %dma_start3A_271 = tpu.memref_squeeze %dma_start3A_270 : memref<1x14x128xi32, #tpu.memory_space<vmem>> -> memref<14x128xi32, #tpu.memory_space<vmem>>
    %dma_start3A_272 = arith.constant 0 : i32
    %dma_start3A_273 = tpu.memref_slice %dma_start3A_271[%rem3A_259, %dma_start3A_272] : memref<14x128xi32, #tpu.memory_space<vmem>> -> memref<1x128xi32, #tpu.memory_space<vmem>>
    %dma_start3A_274 = tpu.memref_squeeze %dma_start3A_273 : memref<1x128xi32, #tpu.memory_space<vmem>> -> memref<128xi32, #tpu.memory_space<vmem>>
    %dma_start3A_275 = arith.constant 0 : i32
    %dma_start3A_276 = arith.constant 0 : i32
    %dma_start3A_277 = tpu.memref_slice %arg2[%arg0, %dma_start3A_275, %dma_start3A_276] : memref<2x50176x32xf32, #tpu.memory_space<hbm>> -> memref<1x50176x32xf32, #tpu.memory_space<hbm>>
    %dma_start3A_278 = tpu.memref_squeeze %dma_start3A_277 : memref<1x50176x32xf32, #tpu.memory_space<hbm>> -> memref<50176x32xf32, #tpu.memory_space<hbm>>
    %dma_start3A_279 = arith.constant 0 : i32
    %dma_start3A_280 = arith.constant 0 : i32
    %dma_start3A_281 = tpu.memref_slice %dma_start3A_278[%dma_start3A_279, %dma_start3A_280] : memref<50176x32xf32, #tpu.memory_space<hbm>> -> memref<50176x32xf32, #tpu.memory_space<hbm>>
    %dma_start3A_282 = tpu.memref_slice %arg9[%dma_start3A_263] : memref<5x!tpu.dma_semaphore, #tpu.memory_space<semaphore_mem>> -> memref<1x!tpu.dma_semaphore, #tpu.memory_space<semaphore_mem>>
    %dma_start3A_283 = tpu.memref_squeeze %dma_start3A_282 : memref<1x!tpu.dma_semaphore, #tpu.memory_space<semaphore_mem>> -> memref<!tpu.dma_semaphore, #tpu.memory_space<semaphore_mem>>
    tpu.enqueue_indirect_dma source(%dma_start3A_281 : memref<50176x32xf32, #tpu.memory_space<hbm>>) target(%dma_start3A_267 : memref<128x32xf32, #tpu.memory_space<vmem>>) offsets(%dma_start3A_274 : memref<128xi32, #tpu.memory_space<vmem>>) semaphore(%dma_start3A_283 : memref<!tpu.dma_semaphore, #tpu.memory_space<semaphore_mem>>)
    %div3A_284 = arith.constant 4 : i32
    %div3A_285 = arith.constant 14 : i32
    %div3A_286 = arith.divsi %div3A_284, %div3A_285 : i32
    %rem3A_287 = arith.constant 4 : i32
    %rem3A_288 = arith.constant 14 : i32
    %rem3A_289 = arith.remsi %rem3A_287, %rem3A_288 : i32
    %rem3A_290 = arith.constant 2 : i32
    %rem3A_291 = arith.remsi %div3A_286, %rem3A_290 : i32
    %dma_start3A_292 = arith.constant 4 : i32
    %dma_start3A_293 = arith.constant 4 : i32
    %dma_start3A_294 = arith.constant 0 : i32
    %dma_start3A_295 = arith.constant 0 : i32
    %dma_start3A_296 = tpu.memref_slice %arg7[%dma_start3A_292, %dma_start3A_294, %dma_start3A_295] : memref<5x128x32xf32, #tpu.memory_space<vmem>> -> memref<1x128x32xf32, #tpu.memory_space<vmem>>
    %dma_start3A_297 = tpu.memref_squeeze %dma_start3A_296 : memref<1x128x32xf32, #tpu.memory_space<vmem>> -> memref<128x32xf32, #tpu.memory_space<vmem>>
    %dma_start3A_298 = arith.constant 0 : i32
    %dma_start3A_299 = arith.constant 0 : i32
    %dma_start3A_300 = tpu.memref_slice %arg5[%rem3A_291, %dma_start3A_298, %dma_start3A_299] : memref<2x14x128xi32, #tpu.memory_space<vmem>> -> memref<1x14x128xi32, #tpu.memory_space<vmem>>
    %dma_start3A_301 = tpu.memref_squeeze %dma_start3A_300 : memref<1x14x128xi32, #tpu.memory_space<vmem>> -> memref<14x128xi32, #tpu.memory_space<vmem>>
    %dma_start3A_302 = arith.constant 0 : i32
    %dma_start3A_303 = tpu.memref_slice %dma_start3A_301[%rem3A_289, %dma_start3A_302] : memref<14x128xi32, #tpu.memory_space<vmem>> -> memref<1x128xi32, #tpu.memory_space<vmem>>
    %dma_start3A_304 = tpu.memref_squeeze %dma_start3A_303 : memref<1x128xi32, #tpu.memory_space<vmem>> -> memref<128xi32, #tpu.memory_space<vmem>>
    %dma_start3A_305 = arith.constant 0 : i32
    %dma_start3A_306 = arith.constant 0 : i32
    %dma_start3A_307 = tpu.memref_slice %arg2[%arg0, %dma_start3A_305, %dma_start3A_306] : memref<2x50176x32xf32, #tpu.memory_space<hbm>> -> memref<1x50176x32xf32, #tpu.memory_space<hbm>>
    %dma_start3A_308 = tpu.memref_squeeze %dma_start3A_307 : memref<1x50176x32xf32, #tpu.memory_space<hbm>> -> memref<50176x32xf32, #tpu.memory_space<hbm>>
    %dma_start3A_309 = arith.constant 0 : i32
    %dma_start3A_310 = arith.constant 0 : i32
    %dma_start3A_311 = tpu.memref_slice %dma_start3A_308[%dma_start3A_309, %dma_start3A_310] : memref<50176x32xf32, #tpu.memory_space<hbm>> -> memref<50176x32xf32, #tpu.memory_space<hbm>>
    %dma_start3A_312 = tpu.memref_slice %arg9[%dma_start3A_293] : memref<5x!tpu.dma_semaphore, #tpu.memory_space<semaphore_mem>> -> memref<1x!tpu.dma_semaphore, #tpu.memory_space<semaphore_mem>>
    %dma_start3A_313 = tpu.memref_squeeze %dma_start3A_312 : memref<1x!tpu.dma_semaphore, #tpu.memory_space<semaphore_mem>> -> memref<!tpu.dma_semaphore, #tpu.memory_space<semaphore_mem>>
    tpu.enqueue_indirect_dma source(%dma_start3A_311 : memref<50176x32xf32, #tpu.memory_space<hbm>>) target(%dma_start3A_297 : memref<128x32xf32, #tpu.memory_space<vmem>>) offsets(%dma_start3A_304 : memref<128xi32, #tpu.memory_space<vmem>>) semaphore(%dma_start3A_313 : memref<!tpu.dma_semaphore, #tpu.memory_space<semaphore_mem>>)
    %dma_wait3A_314 = arith.constant 0 : i32
    %dma_wait3A_315 = tpu.memref_slice %arg8[%mul3A_0, %dma_wait3A_314] : memref<50176x32xf32, #tpu.memory_space<vmem_shared>> -> memref<3136x32xf32, #tpu.memory_space<vmem_shared>>
    %dma_wait3A_316 = arith.constant 0 : i32
    %dma_wait3A_317 = arith.constant 0 : i32
    %dma_wait3A_318 = tpu.memref_slice %arg2[%arg0, %dma_wait3A_316, %dma_wait3A_317] : memref<2x50176x32xf32, #tpu.memory_space<hbm>> -> memref<1x50176x32xf32, #tpu.memory_space<hbm>>
    %dma_wait3A_319 = tpu.memref_squeeze %dma_wait3A_318 : memref<1x50176x32xf32, #tpu.memory_space<hbm>> -> memref<50176x32xf32, #tpu.memory_space<hbm>>
    %dma_wait3A_320 = arith.constant 0 : i32
    %dma_wait3A_321 = arith.constant 0 : i32
    %dma_wait3A_322 = tpu.memref_slice %dma_wait3A_319[%dma_wait3A_320, %dma_wait3A_321] : memref<50176x32xf32, #tpu.memory_space<hbm>> -> memref<3136x32xf32, #tpu.memory_space<hbm>>
    tpu.wait_dma2 semaphore(%arg11 : memref<!tpu.dma_semaphore, #tpu.memory_space<semaphore_mem>>) src(%dma_wait3A_322 : memref<3136x32xf32, #tpu.memory_space<hbm>>) dst(%dma_wait3A_315 : memref<3136x32xf32, #tpu.memory_space<vmem_shared>>)
    %barrier3A = arith.constant 0 : index
    tpu.barrier barrier_id(%barrier3A)
    %scan3A = arith.constant 0 : i32
    %scan3A_323 = arith.constant 1 : i32
    %scan3A_324 = arith.constant 0 : i32
    %scan3A_325 = arith.constant 392 : i32
    %scan3A_326 = arith.addi %scan3A_324, %scan3A_325 : i32
    %scan3A_327 = arith.constant 1 : i32
    scf.for %scan3A_330 = %scan3A_324 to %scan3A_326 step %scan3A_327  : i32 {
      %mul3A_331 = arith.constant 1 : i32
      %mul3A_332 = arith.muli %scan3A_330, %mul3A_331 : i32
      %add3A_333 = arith.constant 0 : i32
      %add3A_334 = arith.addi %add3A_333, %mul3A_332 : i32
      %div3A_335 = arith.constant 14 : i32
      %div3A_336 = arith.divsi %add3A_334, %div3A_335 : i32
      %rem3A_337 = arith.constant 14 : i32
      %rem3A_338 = arith.remsi %add3A_334, %rem3A_337 : i32
      %rem3A_339 = arith.constant 2 : i32
      %rem3A_340 = arith.remsi %div3A_336, %rem3A_339 : i32
      %rem3A_341 = arith.constant 5 : i32
      %rem3A_342 = arith.remsi %add3A_334, %rem3A_341 : i32
      %dma_wait3A_343 = arith.constant 0 : i32
      %dma_wait3A_344 = arith.constant 0 : i32
      %dma_wait3A_345 = tpu.memref_slice %arg7[%rem3A_342, %dma_wait3A_343, %dma_wait3A_344] : memref<5x128x32xf32, #tpu.memory_space<vmem>> -> memref<1x128x32xf32, #tpu.memory_space<vmem>>
      %dma_wait3A_346 = tpu.memref_squeeze %dma_wait3A_345 : memref<1x128x32xf32, #tpu.memory_space<vmem>> -> memref<128x32xf32, #tpu.memory_space<vmem>>
      %dma_wait3A_347 = arith.constant 0 : i32
      %dma_wait3A_348 = arith.constant 0 : i32
      %dma_wait3A_349 = tpu.memref_slice %arg2[%arg0, %dma_wait3A_347, %dma_wait3A_348] : memref<2x50176x32xf32, #tpu.memory_space<hbm>> -> memref<1x50176x32xf32, #tpu.memory_space<hbm>>
      %dma_wait3A_350 = tpu.memref_squeeze %dma_wait3A_349 : memref<1x50176x32xf32, #tpu.memory_space<hbm>> -> memref<50176x32xf32, #tpu.memory_space<hbm>>
      %dma_wait3A_351 = arith.constant 0 : i32
      %dma_wait3A_352 = arith.constant 0 : i32
      %dma_wait3A_353 = tpu.memref_slice %dma_wait3A_350[%dma_wait3A_351, %dma_wait3A_352] : memref<50176x32xf32, #tpu.memory_space<hbm>> -> memref<128x32xf32, #tpu.memory_space<hbm>>
      %dma_wait3A_354 = tpu.memref_slice %arg9[%rem3A_342] : memref<5x!tpu.dma_semaphore, #tpu.memory_space<semaphore_mem>> -> memref<1x!tpu.dma_semaphore, #tpu.memory_space<semaphore_mem>>
      %dma_wait3A_355 = tpu.memref_squeeze %dma_wait3A_354 : memref<1x!tpu.dma_semaphore, #tpu.memory_space<semaphore_mem>> -> memref<!tpu.dma_semaphore, #tpu.memory_space<semaphore_mem>>
      %dma_wait3A_356 = arith.constant 0 : i32
      %dma_wait3A_357 = arith.constant 0 : i32
      %dma_wait3A_358 = tpu.memref_slice %arg7[%rem3A_342, %dma_wait3A_356, %dma_wait3A_357] : memref<5x128x32xf32, #tpu.memory_space<vmem>> -> memref<1x128x32xf32, #tpu.memory_space<vmem>>
      %dma_wait3A_359 = tpu.memref_squeeze %dma_wait3A_358 : memref<1x128x32xf32, #tpu.memory_space<vmem>> -> memref<128x32xf32, #tpu.memory_space<vmem>>
      %dma_wait3A_360 = arith.constant 0 : i32
      %dma_wait3A_361 = arith.constant 0 : i32
      %dma_wait3A_362 = tpu.memref_slice %arg2[%arg0, %dma_wait3A_360, %dma_wait3A_361] : memref<2x50176x32xf32, #tpu.memory_space<hbm>> -> memref<1x50176x32xf32, #tpu.memory_space<hbm>>
      %dma_wait3A_363 = tpu.memref_squeeze %dma_wait3A_362 : memref<1x50176x32xf32, #tpu.memory_space<hbm>> -> memref<50176x32xf32, #tpu.memory_space<hbm>>
      %dma_wait3A_364 = arith.constant 0 : i32
      %dma_wait3A_365 = arith.constant 0 : i32
      %dma_wait3A_366 = tpu.memref_slice %dma_wait3A_363[%dma_wait3A_364, %dma_wait3A_365] : memref<50176x32xf32, #tpu.memory_space<hbm>> -> memref<128x32xf32, #tpu.memory_space<hbm>>
      tpu.wait_dma2 semaphore(%dma_wait3A_355 : memref<!tpu.dma_semaphore, #tpu.memory_space<semaphore_mem>>) src(%dma_wait3A_366 : memref<128x32xf32, #tpu.memory_space<hbm>>) dst(%dma_wait3A_359 : memref<128x32xf32, #tpu.memory_space<vmem>>)
      "tpu.region"() ({
        %run_scoped3A = tpu.sem_alloc : memref<!tpu.dma_semaphore, #tpu.memory_space<semaphore_mem>>
        %dma_start3A_389 = arith.constant 0 : i32
        %dma_start3A_390 = arith.constant 0 : i32
        %dma_start3A_391 = tpu.memref_slice %arg7[%rem3A_342, %dma_start3A_389, %dma_start3A_390] : memref<5x128x32xf32, #tpu.memory_space<vmem>> -> memref<1x128x32xf32, #tpu.memory_space<vmem>>
        %dma_start3A_392 = tpu.memref_squeeze %dma_start3A_391 : memref<1x128x32xf32, #tpu.memory_space<vmem>> -> memref<128x32xf32, #tpu.memory_space<vmem>>
        %dma_start3A_393 = arith.constant 0 : i32
        %dma_start3A_394 = arith.constant 0 : i32
        %dma_start3A_395 = tpu.memref_slice %arg6[%rem3A_340, %dma_start3A_393, %dma_start3A_394] : memref<2x14x128xi32, #tpu.memory_space<vmem>> -> memref<1x14x128xi32, #tpu.memory_space<vmem>>
        %dma_start3A_396 = tpu.memref_squeeze %dma_start3A_395 : memref<1x14x128xi32, #tpu.memory_space<vmem>> -> memref<14x128xi32, #tpu.memory_space<vmem>>
        %dma_start3A_397 = arith.constant 0 : i32
        %dma_start3A_398 = tpu.memref_slice %dma_start3A_396[%rem3A_338, %dma_start3A_397] : memref<14x128xi32, #tpu.memory_space<vmem>> -> memref<1x128xi32, #tpu.memory_space<vmem>>
        %dma_start3A_399 = tpu.memref_squeeze %dma_start3A_398 : memref<1x128xi32, #tpu.memory_space<vmem>> -> memref<128xi32, #tpu.memory_space<vmem>>
        %dma_start3A_400 = arith.constant 0 : i32
        %dma_start3A_401 = arith.constant 0 : i32
        %dma_start3A_402 = tpu.memref_slice %arg8[%dma_start3A_400, %dma_start3A_401] : memref<50176x32xf32, #tpu.memory_space<vmem_shared>> -> memref<50176x32xf32, #tpu.memory_space<vmem_shared>>
        tpu.enqueue_indirect_dma source(%dma_start3A_392 : memref<128x32xf32, #tpu.memory_space<vmem>>) target(%dma_start3A_402 : memref<50176x32xf32, #tpu.memory_space<vmem_shared>>) offsets(%dma_start3A_399 : memref<128xi32, #tpu.memory_space<vmem>>) semaphore(%run_scoped3A : memref<!tpu.dma_semaphore, #tpu.memory_space<semaphore_mem>>) {add = true}
        %dma_wait3A_403 = arith.constant 0 : i32
        %dma_wait3A_404 = arith.constant 0 : i32
        %dma_wait3A_405 = tpu.memref_slice %arg7[%rem3A_342, %dma_wait3A_403, %dma_wait3A_404] : memref<5x128x32xf32, #tpu.memory_space<vmem>> -> memref<1x128x32xf32, #tpu.memory_space<vmem>>
        %dma_wait3A_406 = tpu.memref_squeeze %dma_wait3A_405 : memref<1x128x32xf32, #tpu.memory_space<vmem>> -> memref<128x32xf32, #tpu.memory_space<vmem>>
        %dma_wait3A_407 = arith.constant 0 : i32
        %dma_wait3A_408 = arith.constant 0 : i32
        %dma_wait3A_409 = tpu.memref_slice %arg6[%rem3A_340, %dma_wait3A_407, %dma_wait3A_408] : memref<2x14x128xi32, #tpu.memory_space<vmem>> -> memref<1x14x128xi32, #tpu.memory_space<vmem>>
        %dma_wait3A_410 = tpu.memref_squeeze %dma_wait3A_409 : memref<1x14x128xi32, #tpu.memory_space<vmem>> -> memref<14x128xi32, #tpu.memory_space<vmem>>
        %dma_wait3A_411 = arith.constant 0 : i32
        %dma_wait3A_412 = tpu.memref_slice %dma_wait3A_410[%rem3A_338, %dma_wait3A_411] : memref<14x128xi32, #tpu.memory_space<vmem>> -> memref<1x128xi32, #tpu.memory_space<vmem>>
        %dma_wait3A_413 = tpu.memref_squeeze %dma_wait3A_412 : memref<1x128xi32, #tpu.memory_space<vmem>> -> memref<128xi32, #tpu.memory_space<vmem>>
        %dma_wait3A_414 = arith.constant 0 : i32
        %dma_wait3A_415 = arith.constant 0 : i32
        %dma_wait3A_416 = tpu.memref_slice %arg8[%dma_wait3A_414, %dma_wait3A_415] : memref<50176x32xf32, #tpu.memory_space<vmem_shared>> -> memref<50176x32xf32, #tpu.memory_space<vmem_shared>>
        tpu.wait_indirect_dma semaphore(%run_scoped3A : memref<!tpu.dma_semaphore, #tpu.memory_space<semaphore_mem>>) src(%dma_wait3A_406 : memref<128x32xf32, #tpu.memory_space<vmem>>) dst(%dma_wait3A_416 : memref<50176x32xf32, #tpu.memory_space<vmem_shared>>)
        tpu.yield
      }) : () -> ()
      %add3A_367 = arith.constant 5 : i32
      %add3A_368 = arith.addi %add3A_334, %add3A_367 : i32
      %lt3A = arith.constant 392 : i32
      %lt3A_369 = arith.cmpi slt, %add3A_368, %lt3A : i32
      %convert_element_type3A = arith.extui %lt3A_369 : i1 to i32
      %cond3A = arith.constant 0 : i32
      %cond3A_370 = arith.cmpi ne, %convert_element_type3A, %cond3A : i32
      scf.if %cond3A_370 {
        %add3A_389 = arith.constant 5 : i32
        %add3A_390 = arith.addi %add3A_334, %add3A_389 : i32
        %div3A_391 = arith.constant 14 : i32
        %div3A_392 = arith.divsi %add3A_390, %div3A_391 : i32
        %rem3A_393 = arith.constant 14 : i32
        %rem3A_394 = arith.remsi %add3A_390, %rem3A_393 : i32
        %rem3A_395 = arith.constant 2 : i32
        %rem3A_396 = arith.remsi %div3A_392, %rem3A_395 : i32
        %dma_start3A_397 = arith.constant 0 : i32
        %dma_start3A_398 = arith.constant 0 : i32
        %dma_start3A_399 = tpu.memref_slice %arg7[%rem3A_342, %dma_start3A_397, %dma_start3A_398] : memref<5x128x32xf32, #tpu.memory_space<vmem>> -> memref<1x128x32xf32, #tpu.memory_space<vmem>>
        %dma_start3A_400 = tpu.memref_squeeze %dma_start3A_399 : memref<1x128x32xf32, #tpu.memory_space<vmem>> -> memref<128x32xf32, #tpu.memory_space<vmem>>
        %dma_start3A_401 = arith.constant 0 : i32
        %dma_start3A_402 = arith.constant 0 : i32
        %dma_start3A_403 = tpu.memref_slice %arg5[%rem3A_396, %dma_start3A_401, %dma_start3A_402] : memref<2x14x128xi32, #tpu.memory_space<vmem>> -> memref<1x14x128xi32, #tpu.memory_space<vmem>>
        %dma_start3A_404 = tpu.memref_squeeze %dma_start3A_403 : memref<1x14x128xi32, #tpu.memory_space<vmem>> -> memref<14x128xi32, #tpu.memory_space<vmem>>
        %dma_start3A_405 = arith.constant 0 : i32
        %dma_start3A_406 = tpu.memref_slice %dma_start3A_404[%rem3A_394, %dma_start3A_405] : memref<14x128xi32, #tpu.memory_space<vmem>> -> memref<1x128xi32, #tpu.memory_space<vmem>>
        %dma_start3A_407 = tpu.memref_squeeze %dma_start3A_406 : memref<1x128xi32, #tpu.memory_space<vmem>> -> memref<128xi32, #tpu.memory_space<vmem>>
        %dma_start3A_408 = arith.constant 0 : i32
        %dma_start3A_409 = arith.constant 0 : i32
        %dma_start3A_410 = tpu.memref_slice %arg2[%arg0, %dma_start3A_408, %dma_start3A_409] : memref<2x50176x32xf32, #tpu.memory_space<hbm>> -> memref<1x50176x32xf32, #tpu.memory_space<hbm>>
        %dma_start3A_411 = tpu.memref_squeeze %dma_start3A_410 : memref<1x50176x32xf32, #tpu.memory_space<hbm>> -> memref<50176x32xf32, #tpu.memory_space<hbm>>
        %dma_start3A_412 = arith.constant 0 : i32
        %dma_start3A_413 = arith.constant 0 : i32
        %dma_start3A_414 = tpu.memref_slice %dma_start3A_411[%dma_start3A_412, %dma_start3A_413] : memref<50176x32xf32, #tpu.memory_space<hbm>> -> memref<50176x32xf32, #tpu.memory_space<hbm>>
        %dma_start3A_415 = tpu.memref_slice %arg9[%rem3A_342] : memref<5x!tpu.dma_semaphore, #tpu.memory_space<semaphore_mem>> -> memref<1x!tpu.dma_semaphore, #tpu.memory_space<semaphore_mem>>
        %dma_start3A_416 = tpu.memref_squeeze %dma_start3A_415 : memref<1x!tpu.dma_semaphore, #tpu.memory_space<semaphore_mem>> -> memref<!tpu.dma_semaphore, #tpu.memory_space<semaphore_mem>>
        tpu.enqueue_indirect_dma source(%dma_start3A_414 : memref<50176x32xf32, #tpu.memory_space<hbm>>) target(%dma_start3A_400 : memref<128x32xf32, #tpu.memory_space<vmem>>) offsets(%dma_start3A_407 : memref<128xi32, #tpu.memory_space<vmem>>) semaphore(%dma_start3A_416 : memref<!tpu.dma_semaphore, #tpu.memory_space<semaphore_mem>>)
      } else {
      }
      %eq3A = arith.constant 8 : i32
      %eq3A_371 = arith.cmpi eq, %rem3A_338, %eq3A : i32
      %add3A_372 = arith.constant 1 : i32
      %add3A_373 = arith.addi %div3A_336, %add3A_372 : i32
      %lt3A_374 = arith.constant 28 : i32
      %lt3A_375 = arith.cmpi slt, %add3A_373, %lt3A_374 : i32
      %and3A = arith.andi %eq3A_371, %lt3A_375 : i1
      %convert_element_type3A_376 = arith.extui %and3A : i1 to i32
      %cond3A_377 = arith.constant 0 : i32
      %cond3A_378 = arith.cmpi ne, %convert_element_type3A_376, %cond3A_377 : i32
      scf.if %cond3A_378 {
        %add3A_389 = arith.constant 1 : i32
        %add3A_390 = arith.addi %div3A_336, %add3A_389 : i32
        %rem3A_391 = arith.constant 2 : i32
        %rem3A_392 = arith.remsi %add3A_390, %rem3A_391 : i32
        %dma_wait3A_393 = arith.constant 0 : i32
        %dma_wait3A_394 = arith.constant 0 : i32
        %dma_wait3A_395 = tpu.memref_slice %arg5[%rem3A_392, %dma_wait3A_393, %dma_wait3A_394] : memref<2x14x128xi32, #tpu.memory_space<vmem>> -> memref<1x14x128xi32, #tpu.memory_space<vmem>>
        %dma_wait3A_396 = tpu.memref_squeeze %dma_wait3A_395 : memref<1x14x128xi32, #tpu.memory_space<vmem>> -> memref<14x128xi32, #tpu.memory_space<vmem>>
        %dma_wait3A_397 = arith.constant 0 : i32
        %dma_wait3A_398 = arith.constant 0 : i32
        %dma_wait3A_399 = tpu.memref_slice %arg3[%scan3A, %dma_wait3A_397, %dma_wait3A_398] : memref<2x6272x128xi32, #tpu.memory_space<hbm>> -> memref<1x6272x128xi32, #tpu.memory_space<hbm>>
        %dma_wait3A_400 = tpu.memref_squeeze %dma_wait3A_399 : memref<1x6272x128xi32, #tpu.memory_space<hbm>> -> memref<6272x128xi32, #tpu.memory_space<hbm>>
        %dma_wait3A_401 = arith.constant 0 : i32
        %dma_wait3A_402 = arith.constant 0 : i32
        %dma_wait3A_403 = tpu.memref_slice %dma_wait3A_400[%dma_wait3A_401, %dma_wait3A_402] : memref<6272x128xi32, #tpu.memory_space<hbm>> -> memref<14x128xi32, #tpu.memory_space<hbm>>
        %dma_wait3A_404 = tpu.memref_slice %arg10[%rem3A_392] : memref<2x!tpu.dma_semaphore, #tpu.memory_space<semaphore_mem>> -> memref<1x!tpu.dma_semaphore, #tpu.memory_space<semaphore_mem>>
        %dma_wait3A_405 = tpu.memref_squeeze %dma_wait3A_404 : memref<1x!tpu.dma_semaphore, #tpu.memory_space<semaphore_mem>> -> memref<!tpu.dma_semaphore, #tpu.memory_space<semaphore_mem>>
        %dma_wait3A_406 = arith.constant 0 : i32
        %dma_wait3A_407 = arith.constant 0 : i32
        %dma_wait3A_408 = tpu.memref_slice %arg5[%rem3A_392, %dma_wait3A_406, %dma_wait3A_407] : memref<2x14x128xi32, #tpu.memory_space<vmem>> -> memref<1x14x128xi32, #tpu.memory_space<vmem>>
        %dma_wait3A_409 = tpu.memref_squeeze %dma_wait3A_408 : memref<1x14x128xi32, #tpu.memory_space<vmem>> -> memref<14x128xi32, #tpu.memory_space<vmem>>
        %dma_wait3A_410 = arith.constant 0 : i32
        %dma_wait3A_411 = arith.constant 0 : i32
        %dma_wait3A_412 = tpu.memref_slice %arg3[%scan3A, %dma_wait3A_410, %dma_wait3A_411] : memref<2x6272x128xi32, #tpu.memory_space<hbm>> -> memref<1x6272x128xi32, #tpu.memory_space<hbm>>
        %dma_wait3A_413 = tpu.memref_squeeze %dma_wait3A_412 : memref<1x6272x128xi32, #tpu.memory_space<hbm>> -> memref<6272x128xi32, #tpu.memory_space<hbm>>
        %dma_wait3A_414 = arith.constant 0 : i32
        %dma_wait3A_415 = arith.constant 0 : i32
        %dma_wait3A_416 = tpu.memref_slice %dma_wait3A_413[%dma_wait3A_414, %dma_wait3A_415] : memref<6272x128xi32, #tpu.memory_space<hbm>> -> memref<14x128xi32, #tpu.memory_space<hbm>>
        tpu.wait_dma2 semaphore(%dma_wait3A_405 : memref<!tpu.dma_semaphore, #tpu.memory_space<semaphore_mem>>) src(%dma_wait3A_416 : memref<14x128xi32, #tpu.memory_space<hbm>>) dst(%dma_wait3A_409 : memref<14x128xi32, #tpu.memory_space<vmem>>)
        %dma_wait3A_417 = arith.constant 0 : i32
        %dma_wait3A_418 = arith.constant 0 : i32
        %dma_wait3A_419 = tpu.memref_slice %arg6[%rem3A_392, %dma_wait3A_417, %dma_wait3A_418] : memref<2x14x128xi32, #tpu.memory_space<vmem>> -> memref<1x14x128xi32, #tpu.memory_space<vmem>>
        %dma_wait3A_420 = tpu.memref_squeeze %dma_wait3A_419 : memref<1x14x128xi32, #tpu.memory_space<vmem>> -> memref<14x128xi32, #tpu.memory_space<vmem>>
        %dma_wait3A_421 = arith.constant 0 : i32
        %dma_wait3A_422 = arith.constant 0 : i32
        %dma_wait3A_423 = tpu.memref_slice %arg3[%scan3A_323, %dma_wait3A_421, %dma_wait3A_422] : memref<2x6272x128xi32, #tpu.memory_space<hbm>> -> memref<1x6272x128xi32, #tpu.memory_space<hbm>>
        %dma_wait3A_424 = tpu.memref_squeeze %dma_wait3A_423 : memref<1x6272x128xi32, #tpu.memory_space<hbm>> -> memref<6272x128xi32, #tpu.memory_space<hbm>>
        %dma_wait3A_425 = arith.constant 0 : i32
        %dma_wait3A_426 = arith.constant 0 : i32
        %dma_wait3A_427 = tpu.memref_slice %dma_wait3A_424[%dma_wait3A_425, %dma_wait3A_426] : memref<6272x128xi32, #tpu.memory_space<hbm>> -> memref<14x128xi32, #tpu.memory_space<hbm>>
        %dma_wait3A_428 = tpu.memref_slice %arg10[%rem3A_392] : memref<2x!tpu.dma_semaphore, #tpu.memory_space<semaphore_mem>> -> memref<1x!tpu.dma_semaphore, #tpu.memory_space<semaphore_mem>>
        %dma_wait3A_429 = tpu.memref_squeeze %dma_wait3A_428 : memref<1x!tpu.dma_semaphore, #tpu.memory_space<semaphore_mem>> -> memref<!tpu.dma_semaphore, #tpu.memory_space<semaphore_mem>>
        %dma_wait3A_430 = arith.constant 0 : i32
        %dma_wait3A_431 = arith.constant 0 : i32
        %dma_wait3A_432 = tpu.memref_slice %arg6[%rem3A_392, %dma_wait3A_430, %dma_wait3A_431] : memref<2x14x128xi32, #tpu.memory_space<vmem>> -> memref<1x14x128xi32, #tpu.memory_space<vmem>>
        %dma_wait3A_433 = tpu.memref_squeeze %dma_wait3A_432 : memref<1x14x128xi32, #tpu.memory_space<vmem>> -> memref<14x128xi32, #tpu.memory_space<vmem>>
        %dma_wait3A_434 = arith.constant 0 : i32
        %dma_wait3A_435 = arith.constant 0 : i32
        %dma_wait3A_436 = tpu.memref_slice %arg3[%scan3A_323, %dma_wait3A_434, %dma_wait3A_435] : memref<2x6272x128xi32, #tpu.memory_space<hbm>> -> memref<1x6272x128xi32, #tpu.memory_space<hbm>>
        %dma_wait3A_437 = tpu.memref_squeeze %dma_wait3A_436 : memref<1x6272x128xi32, #tpu.memory_space<hbm>> -> memref<6272x128xi32, #tpu.memory_space<hbm>>
        %dma_wait3A_438 = arith.constant 0 : i32
        %dma_wait3A_439 = arith.constant 0 : i32
        %dma_wait3A_440 = tpu.memref_slice %dma_wait3A_437[%dma_wait3A_438, %dma_wait3A_439] : memref<6272x128xi32, #tpu.memory_space<hbm>> -> memref<14x128xi32, #tpu.memory_space<hbm>>
        tpu.wait_dma2 semaphore(%dma_wait3A_429 : memref<!tpu.dma_semaphore, #tpu.memory_space<semaphore_mem>>) src(%dma_wait3A_440 : memref<14x128xi32, #tpu.memory_space<hbm>>) dst(%dma_wait3A_433 : memref<14x128xi32, #tpu.memory_space<vmem>>)
      } else {
      }
      %eq3A_379 = arith.constant 13 : i32
      %eq3A_380 = arith.cmpi eq, %rem3A_338, %eq3A_379 : i32
      %add3A_381 = arith.constant 2 : i32
      %add3A_382 = arith.addi %div3A_336, %add3A_381 : i32
      %lt3A_383 = arith.constant 28 : i32
      %lt3A_384 = arith.cmpi slt, %add3A_382, %lt3A_383 : i32
      %and3A_385 = arith.andi %eq3A_380, %lt3A_384 : i1
      %convert_element_type3A_386 = arith.extui %and3A_385 : i1 to i32
      %cond3A_387 = arith.constant 0 : i32
      %cond3A_388 = arith.cmpi ne, %convert_element_type3A_386, %cond3A_387 : i32
      scf.if %cond3A_388 {
        %add3A_389 = arith.constant 2 : i32
        %add3A_390 = arith.addi %div3A_336, %add3A_389 : i32
        %mul3A_391 = arith.constant 14 : i32
        %mul3A_392 = arith.muli %add3A_390, %mul3A_391 : i32
        %add3A_393 = arith.addi %mul3A_2, %mul3A_392 : i32
        %dma_start3A_394 = arith.constant 0 : i32
        %dma_start3A_395 = arith.constant 0 : i32
        %dma_start3A_396 = tpu.memref_slice %arg5[%rem3A_340, %dma_start3A_394, %dma_start3A_395] : memref<2x14x128xi32, #tpu.memory_space<vmem>> -> memref<1x14x128xi32, #tpu.memory_space<vmem>>
        %dma_start3A_397 = tpu.memref_squeeze %dma_start3A_396 : memref<1x14x128xi32, #tpu.memory_space<vmem>> -> memref<14x128xi32, #tpu.memory_space<vmem>>
        %dma_start3A_398 = arith.constant 0 : i32
        %dma_start3A_399 = arith.constant 0 : i32
        %dma_start3A_400 = tpu.memref_slice %arg3[%scan3A, %dma_start3A_398, %dma_start3A_399] : memref<2x6272x128xi32, #tpu.memory_space<hbm>> -> memref<1x6272x128xi32, #tpu.memory_space<hbm>>
        %dma_start3A_401 = tpu.memref_squeeze %dma_start3A_400 : memref<1x6272x128xi32, #tpu.memory_space<hbm>> -> memref<6272x128xi32, #tpu.memory_space<hbm>>
        %dma_start3A_402 = arith.constant 0 : i32
        %dma_start3A_403 = tpu.memref_slice %dma_start3A_401[%add3A_393, %dma_start3A_402] : memref<6272x128xi32, #tpu.memory_space<hbm>> -> memref<14x128xi32, #tpu.memory_space<hbm>>
        %dma_start3A_404 = tpu.memref_slice %arg10[%rem3A_340] : memref<2x!tpu.dma_semaphore, #tpu.memory_space<semaphore_mem>> -> memref<1x!tpu.dma_semaphore, #tpu.memory_space<semaphore_mem>>
        %dma_start3A_405 = tpu.memref_squeeze %dma_start3A_404 : memref<1x!tpu.dma_semaphore, #tpu.memory_space<semaphore_mem>> -> memref<!tpu.dma_semaphore, #tpu.memory_space<semaphore_mem>>
        %dma_start3A_406 = arith.constant 0 : i32
        %dma_start3A_407 = arith.constant 0 : i32
        %dma_start3A_408 = tpu.memref_slice %arg5[%rem3A_340, %dma_start3A_406, %dma_start3A_407] : memref<2x14x128xi32, #tpu.memory_space<vmem>> -> memref<1x14x128xi32, #tpu.memory_space<vmem>>
        %dma_start3A_409 = tpu.memref_squeeze %dma_start3A_408 : memref<1x14x128xi32, #tpu.memory_space<vmem>> -> memref<14x128xi32, #tpu.memory_space<vmem>>
        %dma_start3A_410 = arith.constant 0 : i32
        %dma_start3A_411 = arith.constant 0 : i32
        %dma_start3A_412 = tpu.memref_slice %arg3[%scan3A, %dma_start3A_410, %dma_start3A_411] : memref<2x6272x128xi32, #tpu.memory_space<hbm>> -> memref<1x6272x128xi32, #tpu.memory_space<hbm>>
        %dma_start3A_413 = tpu.memref_squeeze %dma_start3A_412 : memref<1x6272x128xi32, #tpu.memory_space<hbm>> -> memref<6272x128xi32, #tpu.memory_space<hbm>>
        %dma_start3A_414 = arith.constant 0 : i32
        %dma_start3A_415 = tpu.memref_slice %dma_start3A_413[%add3A_393, %dma_start3A_414] : memref<6272x128xi32, #tpu.memory_space<hbm>> -> memref<14x128xi32, #tpu.memory_space<hbm>>
        tpu.enqueue_dma source(%dma_start3A_415 : memref<14x128xi32, #tpu.memory_space<hbm>>) target(%dma_start3A_409 : memref<14x128xi32, #tpu.memory_space<vmem>>) target_semaphore(%dma_start3A_405 : memref<!tpu.dma_semaphore, #tpu.memory_space<semaphore_mem>>)
        %dma_start3A_416 = arith.constant 0 : i32
        %dma_start3A_417 = arith.constant 0 : i32
        %dma_start3A_418 = tpu.memref_slice %arg6[%rem3A_340, %dma_start3A_416, %dma_start3A_417] : memref<2x14x128xi32, #tpu.memory_space<vmem>> -> memref<1x14x128xi32, #tpu.memory_space<vmem>>
        %dma_start3A_419 = tpu.memref_squeeze %dma_start3A_418 : memref<1x14x128xi32, #tpu.memory_space<vmem>> -> memref<14x128xi32, #tpu.memory_space<vmem>>
        %dma_start3A_420 = arith.constant 0 : i32
        %dma_start3A_421 = arith.constant 0 : i32
        %dma_start3A_422 = tpu.memref_slice %arg3[%scan3A_323, %dma_start3A_420, %dma_start3A_421] : memref<2x6272x128xi32, #tpu.memory_space<hbm>> -> memref<1x6272x128xi32, #tpu.memory_space<hbm>>
        %dma_start3A_423 = tpu.memref_squeeze %dma_start3A_422 : memref<1x6272x128xi32, #tpu.memory_space<hbm>> -> memref<6272x128xi32, #tpu.memory_space<hbm>>
        %dma_start3A_424 = arith.constant 0 : i32
        %dma_start3A_425 = tpu.memref_slice %dma_start3A_423[%add3A_393, %dma_start3A_424] : memref<6272x128xi32, #tpu.memory_space<hbm>> -> memref<14x128xi32, #tpu.memory_space<hbm>>
        %dma_start3A_426 = tpu.memref_slice %arg10[%rem3A_340] : memref<2x!tpu.dma_semaphore, #tpu.memory_space<semaphore_mem>> -> memref<1x!tpu.dma_semaphore, #tpu.memory_space<semaphore_mem>>
        %dma_start3A_427 = tpu.memref_squeeze %dma_start3A_426 : memref<1x!tpu.dma_semaphore, #tpu.memory_space<semaphore_mem>> -> memref<!tpu.dma_semaphore, #tpu.memory_space<semaphore_mem>>
        %dma_start3A_428 = arith.constant 0 : i32
        %dma_start3A_429 = arith.constant 0 : i32
        %dma_start3A_430 = tpu.memref_slice %arg6[%rem3A_340, %dma_start3A_428, %dma_start3A_429] : memref<2x14x128xi32, #tpu.memory_space<vmem>> -> memref<1x14x128xi32, #tpu.memory_space<vmem>>
        %dma_start3A_431 = tpu.memref_squeeze %dma_start3A_430 : memref<1x14x128xi32, #tpu.memory_space<vmem>> -> memref<14x128xi32, #tpu.memory_space<vmem>>
        %dma_start3A_432 = arith.constant 0 : i32
        %dma_start3A_433 = arith.constant 0 : i32
        %dma_start3A_434 = tpu.memref_slice %arg3[%scan3A_323, %dma_start3A_432, %dma_start3A_433] : memref<2x6272x128xi32, #tpu.memory_space<hbm>> -> memref<1x6272x128xi32, #tpu.memory_space<hbm>>
        %dma_start3A_435 = tpu.memref_squeeze %dma_start3A_434 : memref<1x6272x128xi32, #tpu.memory_space<hbm>> -> memref<6272x128xi32, #tpu.memory_space<hbm>>
        %dma_start3A_436 = arith.constant 0 : i32
        %dma_start3A_437 = tpu.memref_slice %dma_start3A_435[%add3A_393, %dma_start3A_436] : memref<6272x128xi32, #tpu.memory_space<hbm>> -> memref<14x128xi32, #tpu.memory_space<hbm>>
        tpu.enqueue_dma source(%dma_start3A_437 : memref<14x128xi32, #tpu.memory_space<hbm>>) target(%dma_start3A_431 : memref<14x128xi32, #tpu.memory_space<vmem>>) target_semaphore(%dma_start3A_427 : memref<!tpu.dma_semaphore, #tpu.memory_space<semaphore_mem>>)
      } else {
      }
    }
    %scan3A_328 = arith.constant 392 : i32
    %barrier3A_329 = arith.constant 0 : index
    tpu.barrier barrier_id(%barrier3A_329)
    "tpu.region"() ({
      %run_scoped3A = tpu.sem_alloc : memref<!tpu.dma_semaphore, #tpu.memory_space<semaphore_mem>>
      %dma_start3A_330 = arith.constant 0 : i32
      %dma_start3A_331 = arith.constant 0 : i32
      %dma_start3A_332 = tpu.memref_slice %arg4[%arg0, %dma_start3A_330, %dma_start3A_331] : memref<2x50176x32xf32, #tpu.memory_space<hbm>> -> memref<1x50176x32xf32, #tpu.memory_space<hbm>>
      %dma_start3A_333 = tpu.memref_squeeze %dma_start3A_332 : memref<1x50176x32xf32, #tpu.memory_space<hbm>> -> memref<50176x32xf32, #tpu.memory_space<hbm>>
      %dma_start3A_334 = arith.constant 0 : i32
      %dma_start3A_335 = tpu.memref_slice %dma_start3A_333[%mul3A_0, %dma_start3A_334] : memref<50176x32xf32, #tpu.memory_space<hbm>> -> memref<3136x32xf32, #tpu.memory_space<hbm>>
      %dma_start3A_336 = arith.constant 0 : i32
      %dma_start3A_337 = tpu.memref_slice %arg8[%mul3A_0, %dma_start3A_336] : memref<50176x32xf32, #tpu.memory_space<vmem_shared>> -> memref<3136x32xf32, #tpu.memory_space<vmem_shared>>
      tpu.enqueue_dma source(%dma_start3A_337 : memref<3136x32xf32, #tpu.memory_space<vmem_shared>>) target(%dma_start3A_335 : memref<3136x32xf32, #tpu.memory_space<hbm>>) target_semaphore(%run_scoped3A : memref<!tpu.dma_semaphore, #tpu.memory_space<semaphore_mem>>)
      %dma_wait3A_338 = arith.constant 0 : i32
      %dma_wait3A_339 = arith.constant 0 : i32
      %dma_wait3A_340 = tpu.memref_slice %arg4[%arg0, %dma_wait3A_338, %dma_wait3A_339] : memref<2x50176x32xf32, #tpu.memory_space<hbm>> -> memref<1x50176x32xf32, #tpu.memory_space<hbm>>
      %dma_wait3A_341 = tpu.memref_squeeze %dma_wait3A_340 : memref<1x50176x32xf32, #tpu.memory_space<hbm>> -> memref<50176x32xf32, #tpu.memory_space<hbm>>
      %dma_wait3A_342 = arith.constant 0 : i32
      %dma_wait3A_343 = tpu.memref_slice %dma_wait3A_341[%mul3A_0, %dma_wait3A_342] : memref<50176x32xf32, #tpu.memory_space<hbm>> -> memref<3136x32xf32, #tpu.memory_space<hbm>>
      %dma_wait3A_344 = arith.constant 0 : i32
      %dma_wait3A_345 = tpu.memref_slice %arg8[%mul3A_0, %dma_wait3A_344] : memref<50176x32xf32, #tpu.memory_space<vmem_shared>> -> memref<3136x32xf32, #tpu.memory_space<vmem_shared>>
      tpu.wait_dma2 semaphore(%run_scoped3A : memref<!tpu.dma_semaphore, #tpu.memory_space<semaphore_mem>>) src(%dma_wait3A_345 : memref<3136x32xf32, #tpu.memory_space<vmem_shared>>) dst(%dma_wait3A_343 : memref<3136x32xf32, #tpu.memory_space<hbm>>)
      tpu.yield
    }) : () -> ()
    return
  }
}

#map = affine_map<(d0, d1) -> (0, 0, 0)>
module attributes {stable_mosaic.version = 14 : i64} {
  func.func @_sc_propagate(%arg0: i32, %arg1: i32, %arg2: memref<2x50176x32xf32, #tpu.memory_space<hbm>>, %arg3: memref<2x6272x128xi32, #tpu.memory_space<hbm>>, %arg4: memref<2x50176x32xf32, #tpu.memory_space<hbm>>, %arg5: memref<2x14x128xi32, #tpu.memory_space<vmem>>, %arg6: memref<2x14x128xi32, #tpu.memory_space<vmem>>, %arg7: memref<5x128x32xf32, #tpu.memory_space<vmem>>, %arg8: memref<50176x32xf32, #tpu.memory_space<vmem_shared>>, %arg9: memref<5x!tpu.dma_semaphore, #tpu.memory_space<semaphore_mem>>, %arg10: memref<2x!tpu.dma_semaphore, #tpu.memory_space<semaphore_mem>>, %arg11: memref<!tpu.dma_semaphore, #tpu.memory_space<semaphore_mem>>) attributes {dimension_semantics = [#tpu.dimension_semantics<core_parallel>, #tpu.dimension_semantics<subcore_parallel>], iteration_bounds = array<i64: 2, 16>, scalar_prefetch = 0 : i64, scratch_operands = 7 : i64, tpu.core_type = #tpu.core_type<sc_vector_subcore>, window_params = [{transform_indices = #map}, {transform_indices = #map}, {transform_indices = #map}]} {
    %mul3A = arith.constant 3136 : i32
    %mul3A_0 = arith.muli %arg1, %mul3A : i32
    %mul3A_1 = arith.constant 392 : i32
    %mul3A_2 = arith.muli %arg1, %mul3A_1 : i32
    %add3A = arith.constant 0 : i32
    %add3A_3 = arith.addi %mul3A_2, %add3A : i32
    %dma_start3A = arith.constant 0 : i32
    %dma_start3A_4 = arith.constant 0 : i32
    %dma_start3A_5 = arith.constant 0 : i32
    %dma_start3A_6 = arith.constant 0 : i32
    %dma_start3A_7 = arith.constant 0 : i32
    %dma_start3A_8 = tpu.memref_slice %arg5[%dma_start3A_4, %dma_start3A_6, %dma_start3A_7] : memref<2x14x128xi32, #tpu.memory_space<vmem>> -> memref<1x14x128xi32, #tpu.memory_space<vmem>>
    %dma_start3A_9 = tpu.memref_squeeze %dma_start3A_8 : memref<1x14x128xi32, #tpu.memory_space<vmem>> -> memref<14x128xi32, #tpu.memory_space<vmem>>
    %dma_start3A_10 = arith.constant 0 : i32
    %dma_start3A_11 = arith.constant 0 : i32
    %dma_start3A_12 = tpu.memref_slice %arg3[%dma_start3A, %dma_start3A_10, %dma_start3A_11] : memref<2x6272x128xi32, #tpu.memory_space<hbm>> -> memref<1x6272x128xi32, #tpu.memory_space<hbm>>
    %dma_start3A_13 = tpu.memref_squeeze %dma_start3A_12 : memref<1x6272x128xi32, #tpu.memory_space<hbm>> -> memref<6272x128xi32, #tpu.memory_space<hbm>>
    %dma_start3A_14 = arith.constant 0 : i32
    %dma_start3A_15 = tpu.memref_slice %dma_start3A_13[%add3A_3, %dma_start3A_14] : memref<6272x128xi32, #tpu.memory_space<hbm>> -> memref<14x128xi32, #tpu.memory_space<hbm>>
    %dma_start3A_16 = tpu.memref_slice %arg10[%dma_start3A_5] : memref<2x!tpu.dma_semaphore, #tpu.memory_space<semaphore_mem>> -> memref<1x!tpu.dma_semaphore, #tpu.memory_space<semaphore_mem>>
    %dma_start3A_17 = tpu.memref_squeeze %dma_start3A_16 : memref<1x!tpu.dma_semaphore, #tpu.memory_space<semaphore_mem>> -> memref<!tpu.dma_semaphore, #tpu.memory_space<semaphore_mem>>
    %dma_start3A_18 = arith.constant 0 : i32
    %dma_start3A_19 = arith.constant 0 : i32
    %dma_start3A_20 = tpu.memref_slice %arg5[%dma_start3A_4, %dma_start3A_18, %dma_start3A_19] : memref<2x14x128xi32, #tpu.memory_space<vmem>> -> memref<1x14x128xi32, #tpu.memory_space<vmem>>
    %dma_start3A_21 = tpu.memref_squeeze %dma_start3A_20 : memref<1x14x128xi32, #tpu.memory_space<vmem>> -> memref<14x128xi32, #tpu.memory_space<vmem>>
    %dma_start3A_22 = arith.constant 0 : i32
    %dma_start3A_23 = arith.constant 0 : i32
    %dma_start3A_24 = tpu.memref_slice %arg3[%dma_start3A, %dma_start3A_22, %dma_start3A_23] : memref<2x6272x128xi32, #tpu.memory_space<hbm>> -> memref<1x6272x128xi32, #tpu.memory_space<hbm>>
    %dma_start3A_25 = tpu.memref_squeeze %dma_start3A_24 : memref<1x6272x128xi32, #tpu.memory_space<hbm>> -> memref<6272x128xi32, #tpu.memory_space<hbm>>
    %dma_start3A_26 = arith.constant 0 : i32
    %dma_start3A_27 = tpu.memref_slice %dma_start3A_25[%add3A_3, %dma_start3A_26] : memref<6272x128xi32, #tpu.memory_space<hbm>> -> memref<14x128xi32, #tpu.memory_space<hbm>>
    tpu.enqueue_dma source(%dma_start3A_27 : memref<14x128xi32, #tpu.memory_space<hbm>>) target(%dma_start3A_21 : memref<14x128xi32, #tpu.memory_space<vmem>>) target_semaphore(%dma_start3A_17 : memref<!tpu.dma_semaphore, #tpu.memory_space<semaphore_mem>>)
    %dma_start3A_28 = arith.constant 1 : i32
    %dma_start3A_29 = arith.constant 0 : i32
    %dma_start3A_30 = arith.constant 0 : i32
    %dma_start3A_31 = arith.constant 0 : i32
    %dma_start3A_32 = arith.constant 0 : i32
    %dma_start3A_33 = tpu.memref_slice %arg6[%dma_start3A_29, %dma_start3A_31, %dma_start3A_32] : memref<2x14x128xi32, #tpu.memory_space<vmem>> -> memref<1x14x128xi32, #tpu.memory_space<vmem>>
    %dma_start3A_34 = tpu.memref_squeeze %dma_start3A_33 : memref<1x14x128xi32, #tpu.memory_space<vmem>> -> memref<14x128xi32, #tpu.memory_space<vmem>>
    %dma_start3A_35 = arith.constant 0 : i32
    %dma_start3A_36 = arith.constant 0 : i32
    %dma_start3A_37 = tpu.memref_slice %arg3[%dma_start3A_28, %dma_start3A_35, %dma_start3A_36] : memref<2x6272x128xi32, #tpu.memory_space<hbm>> -> memref<1x6272x128xi32, #tpu.memory_space<hbm>>
    %dma_start3A_38 = tpu.memref_squeeze %dma_start3A_37 : memref<1x6272x128xi32, #tpu.memory_space<hbm>> -> memref<6272x128xi32, #tpu.memory_space<hbm>>
    %dma_start3A_39 = arith.constant 0 : i32
    %dma_start3A_40 = tpu.memref_slice %dma_start3A_38[%add3A_3, %dma_start3A_39] : memref<6272x128xi32, #tpu.memory_space<hbm>> -> memref<14x128xi32, #tpu.memory_space<hbm>>
    %dma_start3A_41 = tpu.memref_slice %arg10[%dma_start3A_30] : memref<2x!tpu.dma_semaphore, #tpu.memory_space<semaphore_mem>> -> memref<1x!tpu.dma_semaphore, #tpu.memory_space<semaphore_mem>>
    %dma_start3A_42 = tpu.memref_squeeze %dma_start3A_41 : memref<1x!tpu.dma_semaphore, #tpu.memory_space<semaphore_mem>> -> memref<!tpu.dma_semaphore, #tpu.memory_space<semaphore_mem>>
    %dma_start3A_43 = arith.constant 0 : i32
    %dma_start3A_44 = arith.constant 0 : i32
    %dma_start3A_45 = tpu.memref_slice %arg6[%dma_start3A_29, %dma_start3A_43, %dma_start3A_44] : memref<2x14x128xi32, #tpu.memory_space<vmem>> -> memref<1x14x128xi32, #tpu.memory_space<vmem>>
    %dma_start3A_46 = tpu.memref_squeeze %dma_start3A_45 : memref<1x14x128xi32, #tpu.memory_space<vmem>> -> memref<14x128xi32, #tpu.memory_space<vmem>>
    %dma_start3A_47 = arith.constant 0 : i32
    %dma_start3A_48 = arith.constant 0 : i32
    %dma_start3A_49 = tpu.memref_slice %arg3[%dma_start3A_28, %dma_start3A_47, %dma_start3A_48] : memref<2x6272x128xi32, #tpu.memory_space<hbm>> -> memref<1x6272x128xi32, #tpu.memory_space<hbm>>
    %dma_start3A_50 = tpu.memref_squeeze %dma_start3A_49 : memref<1x6272x128xi32, #tpu.memory_space<hbm>> -> memref<6272x128xi32, #tpu.memory_space<hbm>>
    %dma_start3A_51 = arith.constant 0 : i32
    %dma_start3A_52 = tpu.memref_slice %dma_start3A_50[%add3A_3, %dma_start3A_51] : memref<6272x128xi32, #tpu.memory_space<hbm>> -> memref<14x128xi32, #tpu.memory_space<hbm>>
    tpu.enqueue_dma source(%dma_start3A_52 : memref<14x128xi32, #tpu.memory_space<hbm>>) target(%dma_start3A_46 : memref<14x128xi32, #tpu.memory_space<vmem>>) target_semaphore(%dma_start3A_42 : memref<!tpu.dma_semaphore, #tpu.memory_space<semaphore_mem>>)
    %add3A_53 = arith.constant 14 : i32
    %add3A_54 = arith.addi %mul3A_2, %add3A_53 : i32
    %dma_start3A_55 = arith.constant 0 : i32
    %dma_start3A_56 = arith.constant 1 : i32
    %dma_start3A_57 = arith.constant 1 : i32
    %dma_start3A_58 = arith.constant 0 : i32
    %dma_start3A_59 = arith.constant 0 : i32
    %dma_start3A_60 = tpu.memref_slice %arg5[%dma_start3A_56, %dma_start3A_58, %dma_start3A_59] : memref<2x14x128xi32, #tpu.memory_space<vmem>> -> memref<1x14x128xi32, #tpu.memory_space<vmem>>
    %dma_start3A_61 = tpu.memref_squeeze %dma_start3A_60 : memref<1x14x128xi32, #tpu.memory_space<vmem>> -> memref<14x128xi32, #tpu.memory_space<vmem>>
    %dma_start3A_62 = arith.constant 0 : i32
    %dma_start3A_63 = arith.constant 0 : i32
    %dma_start3A_64 = tpu.memref_slice %arg3[%dma_start3A_55, %dma_start3A_62, %dma_start3A_63] : memref<2x6272x128xi32, #tpu.memory_space<hbm>> -> memref<1x6272x128xi32, #tpu.memory_space<hbm>>
    %dma_start3A_65 = tpu.memref_squeeze %dma_start3A_64 : memref<1x6272x128xi32, #tpu.memory_space<hbm>> -> memref<6272x128xi32, #tpu.memory_space<hbm>>
    %dma_start3A_66 = arith.constant 0 : i32
    %dma_start3A_67 = tpu.memref_slice %dma_start3A_65[%add3A_54, %dma_start3A_66] : memref<6272x128xi32, #tpu.memory_space<hbm>> -> memref<14x128xi32, #tpu.memory_space<hbm>>
    %dma_start3A_68 = tpu.memref_slice %arg10[%dma_start3A_57] : memref<2x!tpu.dma_semaphore, #tpu.memory_space<semaphore_mem>> -> memref<1x!tpu.dma_semaphore, #tpu.memory_space<semaphore_mem>>
    %dma_start3A_69 = tpu.memref_squeeze %dma_start3A_68 : memref<1x!tpu.dma_semaphore, #tpu.memory_space<semaphore_mem>> -> memref<!tpu.dma_semaphore, #tpu.memory_space<semaphore_mem>>
    %dma_start3A_70 = arith.constant 0 : i32
    %dma_start3A_71 = arith.constant 0 : i32
    %dma_start3A_72 = tpu.memref_slice %arg5[%dma_start3A_56, %dma_start3A_70, %dma_start3A_71] : memref<2x14x128xi32, #tpu.memory_space<vmem>> -> memref<1x14x128xi32, #tpu.memory_space<vmem>>
    %dma_start3A_73 = tpu.memref_squeeze %dma_start3A_72 : memref<1x14x128xi32, #tpu.memory_space<vmem>> -> memref<14x128xi32, #tpu.memory_space<vmem>>
    %dma_start3A_74 = arith.constant 0 : i32
    %dma_start3A_75 = arith.constant 0 : i32
    %dma_start3A_76 = tpu.memref_slice %arg3[%dma_start3A_55, %dma_start3A_74, %dma_start3A_75] : memref<2x6272x128xi32, #tpu.memory_space<hbm>> -> memref<1x6272x128xi32, #tpu.memory_space<hbm>>
    %dma_start3A_77 = tpu.memref_squeeze %dma_start3A_76 : memref<1x6272x128xi32, #tpu.memory_space<hbm>> -> memref<6272x128xi32, #tpu.memory_space<hbm>>
    %dma_start3A_78 = arith.constant 0 : i32
    %dma_start3A_79 = tpu.memref_slice %dma_start3A_77[%add3A_54, %dma_start3A_78] : memref<6272x128xi32, #tpu.memory_space<hbm>> -> memref<14x128xi32, #tpu.memory_space<hbm>>
    tpu.enqueue_dma source(%dma_start3A_79 : memref<14x128xi32, #tpu.memory_space<hbm>>) target(%dma_start3A_73 : memref<14x128xi32, #tpu.memory_space<vmem>>) target_semaphore(%dma_start3A_69 : memref<!tpu.dma_semaphore, #tpu.memory_space<semaphore_mem>>)
    %dma_start3A_80 = arith.constant 1 : i32
    %dma_start3A_81 = arith.constant 1 : i32
    %dma_start3A_82 = arith.constant 1 : i32
    %dma_start3A_83 = arith.constant 0 : i32
    %dma_start3A_84 = arith.constant 0 : i32
    %dma_start3A_85 = tpu.memref_slice %arg6[%dma_start3A_81, %dma_start3A_83, %dma_start3A_84] : memref<2x14x128xi32, #tpu.memory_space<vmem>> -> memref<1x14x128xi32, #tpu.memory_space<vmem>>
    %dma_start3A_86 = tpu.memref_squeeze %dma_start3A_85 : memref<1x14x128xi32, #tpu.memory_space<vmem>> -> memref<14x128xi32, #tpu.memory_space<vmem>>
    %dma_start3A_87 = arith.constant 0 : i32
    %dma_start3A_88 = arith.constant 0 : i32
    %dma_start3A_89 = tpu.memref_slice %arg3[%dma_start3A_80, %dma_start3A_87, %dma_start3A_88] : memref<2x6272x128xi32, #tpu.memory_space<hbm>> -> memref<1x6272x128xi32, #tpu.memory_space<hbm>>
    %dma_start3A_90 = tpu.memref_squeeze %dma_start3A_89 : memref<1x6272x128xi32, #tpu.memory_space<hbm>> -> memref<6272x128xi32, #tpu.memory_space<hbm>>
    %dma_start3A_91 = arith.constant 0 : i32
    %dma_start3A_92 = tpu.memref_slice %dma_start3A_90[%add3A_54, %dma_start3A_91] : memref<6272x128xi32, #tpu.memory_space<hbm>> -> memref<14x128xi32, #tpu.memory_space<hbm>>
    %dma_start3A_93 = tpu.memref_slice %arg10[%dma_start3A_82] : memref<2x!tpu.dma_semaphore, #tpu.memory_space<semaphore_mem>> -> memref<1x!tpu.dma_semaphore, #tpu.memory_space<semaphore_mem>>
    %dma_start3A_94 = tpu.memref_squeeze %dma_start3A_93 : memref<1x!tpu.dma_semaphore, #tpu.memory_space<semaphore_mem>> -> memref<!tpu.dma_semaphore, #tpu.memory_space<semaphore_mem>>
    %dma_start3A_95 = arith.constant 0 : i32
    %dma_start3A_96 = arith.constant 0 : i32
    %dma_start3A_97 = tpu.memref_slice %arg6[%dma_start3A_81, %dma_start3A_95, %dma_start3A_96] : memref<2x14x128xi32, #tpu.memory_space<vmem>> -> memref<1x14x128xi32, #tpu.memory_space<vmem>>
    %dma_start3A_98 = tpu.memref_squeeze %dma_start3A_97 : memref<1x14x128xi32, #tpu.memory_space<vmem>> -> memref<14x128xi32, #tpu.memory_space<vmem>>
    %dma_start3A_99 = arith.constant 0 : i32
    %dma_start3A_100 = arith.constant 0 : i32
    %dma_start3A_101 = tpu.memref_slice %arg3[%dma_start3A_80, %dma_start3A_99, %dma_start3A_100] : memref<2x6272x128xi32, #tpu.memory_space<hbm>> -> memref<1x6272x128xi32, #tpu.memory_space<hbm>>
    %dma_start3A_102 = tpu.memref_squeeze %dma_start3A_101 : memref<1x6272x128xi32, #tpu.memory_space<hbm>> -> memref<6272x128xi32, #tpu.memory_space<hbm>>
    %dma_start3A_103 = arith.constant 0 : i32
    %dma_start3A_104 = tpu.memref_slice %dma_start3A_102[%add3A_54, %dma_start3A_103] : memref<6272x128xi32, #tpu.memory_space<hbm>> -> memref<14x128xi32, #tpu.memory_space<hbm>>
    tpu.enqueue_dma source(%dma_start3A_104 : memref<14x128xi32, #tpu.memory_space<hbm>>) target(%dma_start3A_98 : memref<14x128xi32, #tpu.memory_space<vmem>>) target_semaphore(%dma_start3A_94 : memref<!tpu.dma_semaphore, #tpu.memory_space<semaphore_mem>>)
    %dma_start3A_105 = arith.constant 0 : i32
    %dma_start3A_106 = tpu.memref_slice %arg8[%mul3A_0, %dma_start3A_105] : memref<50176x32xf32, #tpu.memory_space<vmem_shared>> -> memref<3136x32xf32, #tpu.memory_space<vmem_shared>>
    %dma_start3A_107 = arith.constant 0 : i32
    %dma_start3A_108 = arith.constant 0 : i32
    %dma_start3A_109 = tpu.memref_slice %arg2[%arg0, %dma_start3A_107, %dma_start3A_108] : memref<2x50176x32xf32, #tpu.memory_space<hbm>> -> memref<1x50176x32xf32, #tpu.memory_space<hbm>>
    %dma_start3A_110 = tpu.memref_squeeze %dma_start3A_109 : memref<1x50176x32xf32, #tpu.memory_space<hbm>> -> memref<50176x32xf32, #tpu.memory_space<hbm>>
    %dma_start3A_111 = arith.constant 0 : i32
    %dma_start3A_112 = tpu.memref_slice %dma_start3A_110[%mul3A_0, %dma_start3A_111] : memref<50176x32xf32, #tpu.memory_space<hbm>> -> memref<3136x32xf32, #tpu.memory_space<hbm>>
    tpu.enqueue_dma source(%dma_start3A_112 : memref<3136x32xf32, #tpu.memory_space<hbm>>) target(%dma_start3A_106 : memref<3136x32xf32, #tpu.memory_space<vmem_shared>>) target_semaphore(%arg11 : memref<!tpu.dma_semaphore, #tpu.memory_space<semaphore_mem>>)
    %dma_wait3A = arith.constant 0 : i32
    %dma_wait3A_113 = arith.constant 0 : i32
    %dma_wait3A_114 = arith.constant 0 : i32
    %dma_wait3A_115 = arith.constant 0 : i32
    %dma_wait3A_116 = arith.constant 0 : i32
    %dma_wait3A_117 = tpu.memref_slice %arg5[%dma_wait3A_113, %dma_wait3A_115, %dma_wait3A_116] : memref<2x14x128xi32, #tpu.memory_space<vmem>> -> memref<1x14x128xi32, #tpu.memory_space<vmem>>
    %dma_wait3A_118 = tpu.memref_squeeze %dma_wait3A_117 : memref<1x14x128xi32, #tpu.memory_space<vmem>> -> memref<14x128xi32, #tpu.memory_space<vmem>>
    %dma_wait3A_119 = arith.constant 0 : i32
    %dma_wait3A_120 = arith.constant 0 : i32
    %dma_wait3A_121 = tpu.memref_slice %arg3[%dma_wait3A, %dma_wait3A_119, %dma_wait3A_120] : memref<2x6272x128xi32, #tpu.memory_space<hbm>> -> memref<1x6272x128xi32, #tpu.memory_space<hbm>>
    %dma_wait3A_122 = tpu.memref_squeeze %dma_wait3A_121 : memref<1x6272x128xi32, #tpu.memory_space<hbm>> -> memref<6272x128xi32, #tpu.memory_space<hbm>>
    %dma_wait3A_123 = arith.constant 0 : i32
    %dma_wait3A_124 = arith.constant 0 : i32
    %dma_wait3A_125 = tpu.memref_slice %dma_wait3A_122[%dma_wait3A_123, %dma_wait3A_124] : memref<6272x128xi32, #tpu.memory_space<hbm>> -> memref<14x128xi32, #tpu.memory_space<hbm>>
    %dma_wait3A_126 = tpu.memref_slice %arg10[%dma_wait3A_114] : memref<2x!tpu.dma_semaphore, #tpu.memory_space<semaphore_mem>> -> memref<1x!tpu.dma_semaphore, #tpu.memory_space<semaphore_mem>>
    %dma_wait3A_127 = tpu.memref_squeeze %dma_wait3A_126 : memref<1x!tpu.dma_semaphore, #tpu.memory_space<semaphore_mem>> -> memref<!tpu.dma_semaphore, #tpu.memory_space<semaphore_mem>>
    %dma_wait3A_128 = arith.constant 0 : i32
    %dma_wait3A_129 = arith.constant 0 : i32
    %dma_wait3A_130 = tpu.memref_slice %arg5[%dma_wait3A_113, %dma_wait3A_128, %dma_wait3A_129] : memref<2x14x128xi32, #tpu.memory_space<vmem>> -> memref<1x14x128xi32, #tpu.memory_space<vmem>>
    %dma_wait3A_131 = tpu.memref_squeeze %dma_wait3A_130 : memref<1x14x128xi32, #tpu.memory_space<vmem>> -> memref<14x128xi32, #tpu.memory_space<vmem>>
    %dma_wait3A_132 = arith.constant 0 : i32
    %dma_wait3A_133 = arith.constant 0 : i32
    %dma_wait3A_134 = tpu.memref_slice %arg3[%dma_wait3A, %dma_wait3A_132, %dma_wait3A_133] : memref<2x6272x128xi32, #tpu.memory_space<hbm>> -> memref<1x6272x128xi32, #tpu.memory_space<hbm>>
    %dma_wait3A_135 = tpu.memref_squeeze %dma_wait3A_134 : memref<1x6272x128xi32, #tpu.memory_space<hbm>> -> memref<6272x128xi32, #tpu.memory_space<hbm>>
    %dma_wait3A_136 = arith.constant 0 : i32
    %dma_wait3A_137 = arith.constant 0 : i32
    %dma_wait3A_138 = tpu.memref_slice %dma_wait3A_135[%dma_wait3A_136, %dma_wait3A_137] : memref<6272x128xi32, #tpu.memory_space<hbm>> -> memref<14x128xi32, #tpu.memory_space<hbm>>
    tpu.wait_dma2 semaphore(%dma_wait3A_127 : memref<!tpu.dma_semaphore, #tpu.memory_space<semaphore_mem>>) src(%dma_wait3A_138 : memref<14x128xi32, #tpu.memory_space<hbm>>) dst(%dma_wait3A_131 : memref<14x128xi32, #tpu.memory_space<vmem>>)
    %dma_wait3A_139 = arith.constant 1 : i32
    %dma_wait3A_140 = arith.constant 0 : i32
    %dma_wait3A_141 = arith.constant 0 : i32
    %dma_wait3A_142 = arith.constant 0 : i32
    %dma_wait3A_143 = arith.constant 0 : i32
    %dma_wait3A_144 = tpu.memref_slice %arg6[%dma_wait3A_140, %dma_wait3A_142, %dma_wait3A_143] : memref<2x14x128xi32, #tpu.memory_space<vmem>> -> memref<1x14x128xi32, #tpu.memory_space<vmem>>
    %dma_wait3A_145 = tpu.memref_squeeze %dma_wait3A_144 : memref<1x14x128xi32, #tpu.memory_space<vmem>> -> memref<14x128xi32, #tpu.memory_space<vmem>>
    %dma_wait3A_146 = arith.constant 0 : i32
    %dma_wait3A_147 = arith.constant 0 : i32
    %dma_wait3A_148 = tpu.memref_slice %arg3[%dma_wait3A_139, %dma_wait3A_146, %dma_wait3A_147] : memref<2x6272x128xi32, #tpu.memory_space<hbm>> -> memref<1x6272x128xi32, #tpu.memory_space<hbm>>
    %dma_wait3A_149 = tpu.memref_squeeze %dma_wait3A_148 : memref<1x6272x128xi32, #tpu.memory_space<hbm>> -> memref<6272x128xi32, #tpu.memory_space<hbm>>
    %dma_wait3A_150 = arith.constant 0 : i32
    %dma_wait3A_151 = arith.constant 0 : i32
    %dma_wait3A_152 = tpu.memref_slice %dma_wait3A_149[%dma_wait3A_150, %dma_wait3A_151] : memref<6272x128xi32, #tpu.memory_space<hbm>> -> memref<14x128xi32, #tpu.memory_space<hbm>>
    %dma_wait3A_153 = tpu.memref_slice %arg10[%dma_wait3A_141] : memref<2x!tpu.dma_semaphore, #tpu.memory_space<semaphore_mem>> -> memref<1x!tpu.dma_semaphore, #tpu.memory_space<semaphore_mem>>
    %dma_wait3A_154 = tpu.memref_squeeze %dma_wait3A_153 : memref<1x!tpu.dma_semaphore, #tpu.memory_space<semaphore_mem>> -> memref<!tpu.dma_semaphore, #tpu.memory_space<semaphore_mem>>
    %dma_wait3A_155 = arith.constant 0 : i32
    %dma_wait3A_156 = arith.constant 0 : i32
    %dma_wait3A_157 = tpu.memref_slice %arg6[%dma_wait3A_140, %dma_wait3A_155, %dma_wait3A_156] : memref<2x14x128xi32, #tpu.memory_space<vmem>> -> memref<1x14x128xi32, #tpu.memory_space<vmem>>
    %dma_wait3A_158 = tpu.memref_squeeze %dma_wait3A_157 : memref<1x14x128xi32, #tpu.memory_space<vmem>> -> memref<14x128xi32, #tpu.memory_space<vmem>>
    %dma_wait3A_159 = arith.constant 0 : i32
    %dma_wait3A_160 = arith.constant 0 : i32
    %dma_wait3A_161 = tpu.memref_slice %arg3[%dma_wait3A_139, %dma_wait3A_159, %dma_wait3A_160] : memref<2x6272x128xi32, #tpu.memory_space<hbm>> -> memref<1x6272x128xi32, #tpu.memory_space<hbm>>
    %dma_wait3A_162 = tpu.memref_squeeze %dma_wait3A_161 : memref<1x6272x128xi32, #tpu.memory_space<hbm>> -> memref<6272x128xi32, #tpu.memory_space<hbm>>
    %dma_wait3A_163 = arith.constant 0 : i32
    %dma_wait3A_164 = arith.constant 0 : i32
    %dma_wait3A_165 = tpu.memref_slice %dma_wait3A_162[%dma_wait3A_163, %dma_wait3A_164] : memref<6272x128xi32, #tpu.memory_space<hbm>> -> memref<14x128xi32, #tpu.memory_space<hbm>>
    tpu.wait_dma2 semaphore(%dma_wait3A_154 : memref<!tpu.dma_semaphore, #tpu.memory_space<semaphore_mem>>) src(%dma_wait3A_165 : memref<14x128xi32, #tpu.memory_space<hbm>>) dst(%dma_wait3A_158 : memref<14x128xi32, #tpu.memory_space<vmem>>)
    %div3A = arith.constant 0 : i32
    %div3A_166 = arith.constant 14 : i32
    %div3A_167 = arith.divsi %div3A, %div3A_166 : i32
    %rem3A = arith.constant 0 : i32
    %rem3A_168 = arith.constant 14 : i32
    %rem3A_169 = arith.remsi %rem3A, %rem3A_168 : i32
    %rem3A_170 = arith.constant 2 : i32
    %rem3A_171 = arith.remsi %div3A_167, %rem3A_170 : i32
    %dma_start3A_172 = arith.constant 0 : i32
    %dma_start3A_173 = arith.constant 0 : i32
    %dma_start3A_174 = arith.constant 0 : i32
    %dma_start3A_175 = arith.constant 0 : i32
    %dma_start3A_176 = tpu.memref_slice %arg7[%dma_start3A_172, %dma_start3A_174, %dma_start3A_175] : memref<5x128x32xf32, #tpu.memory_space<vmem>> -> memref<1x128x32xf32, #tpu.memory_space<vmem>>
    %dma_start3A_177 = tpu.memref_squeeze %dma_start3A_176 : memref<1x128x32xf32, #tpu.memory_space<vmem>> -> memref<128x32xf32, #tpu.memory_space<vmem>>
    %dma_start3A_178 = arith.constant 0 : i32
    %dma_start3A_179 = arith.constant 0 : i32
    %dma_start3A_180 = tpu.memref_slice %arg5[%rem3A_171, %dma_start3A_178, %dma_start3A_179] : memref<2x14x128xi32, #tpu.memory_space<vmem>> -> memref<1x14x128xi32, #tpu.memory_space<vmem>>
    %dma_start3A_181 = tpu.memref_squeeze %dma_start3A_180 : memref<1x14x128xi32, #tpu.memory_space<vmem>> -> memref<14x128xi32, #tpu.memory_space<vmem>>
    %dma_start3A_182 = arith.constant 0 : i32
    %dma_start3A_183 = tpu.memref_slice %dma_start3A_181[%rem3A_169, %dma_start3A_182] : memref<14x128xi32, #tpu.memory_space<vmem>> -> memref<1x128xi32, #tpu.memory_space<vmem>>
    %dma_start3A_184 = tpu.memref_squeeze %dma_start3A_183 : memref<1x128xi32, #tpu.memory_space<vmem>> -> memref<128xi32, #tpu.memory_space<vmem>>
    %dma_start3A_185 = arith.constant 0 : i32
    %dma_start3A_186 = arith.constant 0 : i32
    %dma_start3A_187 = tpu.memref_slice %arg2[%arg0, %dma_start3A_185, %dma_start3A_186] : memref<2x50176x32xf32, #tpu.memory_space<hbm>> -> memref<1x50176x32xf32, #tpu.memory_space<hbm>>
    %dma_start3A_188 = tpu.memref_squeeze %dma_start3A_187 : memref<1x50176x32xf32, #tpu.memory_space<hbm>> -> memref<50176x32xf32, #tpu.memory_space<hbm>>
    %dma_start3A_189 = arith.constant 0 : i32
    %dma_start3A_190 = arith.constant 0 : i32
    %dma_start3A_191 = tpu.memref_slice %dma_start3A_188[%dma_start3A_189, %dma_start3A_190] : memref<50176x32xf32, #tpu.memory_space<hbm>> -> memref<50176x32xf32, #tpu.memory_space<hbm>>
    %dma_start3A_192 = tpu.memref_slice %arg9[%dma_start3A_173] : memref<5x!tpu.dma_semaphore, #tpu.memory_space<semaphore_mem>> -> memref<1x!tpu.dma_semaphore, #tpu.memory_space<semaphore_mem>>
    %dma_start3A_193 = tpu.memref_squeeze %dma_start3A_192 : memref<1x!tpu.dma_semaphore, #tpu.memory_space<semaphore_mem>> -> memref<!tpu.dma_semaphore, #tpu.memory_space<semaphore_mem>>
    tpu.enqueue_indirect_dma source(%dma_start3A_191 : memref<50176x32xf32, #tpu.memory_space<hbm>>) target(%dma_start3A_177 : memref<128x32xf32, #tpu.memory_space<vmem>>) offsets(%dma_start3A_184 : memref<128xi32, #tpu.memory_space<vmem>>) semaphore(%dma_start3A_193 : memref<!tpu.dma_semaphore, #tpu.memory_space<semaphore_mem>>)
    %div3A_194 = arith.constant 1 : i32
    %div3A_195 = arith.constant 14 : i32
    %div3A_196 = arith.divsi %div3A_194, %div3A_195 : i32
    %rem3A_197 = arith.constant 1 : i32
    %rem3A_198 = arith.constant 14 : i32
    %rem3A_199 = arith.remsi %rem3A_197, %rem3A_198 : i32
    %rem3A_200 = arith.constant 2 : i32
    %rem3A_201 = arith.remsi %div3A_196, %rem3A_200 : i32
    %dma_start3A_202 = arith.constant 1 : i32
    %dma_start3A_203 = arith.constant 1 : i32
    %dma_start3A_204 = arith.constant 0 : i32
    %dma_start3A_205 = arith.constant 0 : i32
    %dma_start3A_206 = tpu.memref_slice %arg7[%dma_start3A_202, %dma_start3A_204, %dma_start3A_205] : memref<5x128x32xf32, #tpu.memory_space<vmem>> -> memref<1x128x32xf32, #tpu.memory_space<vmem>>
    %dma_start3A_207 = tpu.memref_squeeze %dma_start3A_206 : memref<1x128x32xf32, #tpu.memory_space<vmem>> -> memref<128x32xf32, #tpu.memory_space<vmem>>
    %dma_start3A_208 = arith.constant 0 : i32
    %dma_start3A_209 = arith.constant 0 : i32
    %dma_start3A_210 = tpu.memref_slice %arg5[%rem3A_201, %dma_start3A_208, %dma_start3A_209] : memref<2x14x128xi32, #tpu.memory_space<vmem>> -> memref<1x14x128xi32, #tpu.memory_space<vmem>>
    %dma_start3A_211 = tpu.memref_squeeze %dma_start3A_210 : memref<1x14x128xi32, #tpu.memory_space<vmem>> -> memref<14x128xi32, #tpu.memory_space<vmem>>
    %dma_start3A_212 = arith.constant 0 : i32
    %dma_start3A_213 = tpu.memref_slice %dma_start3A_211[%rem3A_199, %dma_start3A_212] : memref<14x128xi32, #tpu.memory_space<vmem>> -> memref<1x128xi32, #tpu.memory_space<vmem>>
    %dma_start3A_214 = tpu.memref_squeeze %dma_start3A_213 : memref<1x128xi32, #tpu.memory_space<vmem>> -> memref<128xi32, #tpu.memory_space<vmem>>
    %dma_start3A_215 = arith.constant 0 : i32
    %dma_start3A_216 = arith.constant 0 : i32
    %dma_start3A_217 = tpu.memref_slice %arg2[%arg0, %dma_start3A_215, %dma_start3A_216] : memref<2x50176x32xf32, #tpu.memory_space<hbm>> -> memref<1x50176x32xf32, #tpu.memory_space<hbm>>
    %dma_start3A_218 = tpu.memref_squeeze %dma_start3A_217 : memref<1x50176x32xf32, #tpu.memory_space<hbm>> -> memref<50176x32xf32, #tpu.memory_space<hbm>>
    %dma_start3A_219 = arith.constant 0 : i32
    %dma_start3A_220 = arith.constant 0 : i32
    %dma_start3A_221 = tpu.memref_slice %dma_start3A_218[%dma_start3A_219, %dma_start3A_220] : memref<50176x32xf32, #tpu.memory_space<hbm>> -> memref<50176x32xf32, #tpu.memory_space<hbm>>
    %dma_start3A_222 = tpu.memref_slice %arg9[%dma_start3A_203] : memref<5x!tpu.dma_semaphore, #tpu.memory_space<semaphore_mem>> -> memref<1x!tpu.dma_semaphore, #tpu.memory_space<semaphore_mem>>
    %dma_start3A_223 = tpu.memref_squeeze %dma_start3A_222 : memref<1x!tpu.dma_semaphore, #tpu.memory_space<semaphore_mem>> -> memref<!tpu.dma_semaphore, #tpu.memory_space<semaphore_mem>>
    tpu.enqueue_indirect_dma source(%dma_start3A_221 : memref<50176x32xf32, #tpu.memory_space<hbm>>) target(%dma_start3A_207 : memref<128x32xf32, #tpu.memory_space<vmem>>) offsets(%dma_start3A_214 : memref<128xi32, #tpu.memory_space<vmem>>) semaphore(%dma_start3A_223 : memref<!tpu.dma_semaphore, #tpu.memory_space<semaphore_mem>>)
    %div3A_224 = arith.constant 2 : i32
    %div3A_225 = arith.constant 14 : i32
    %div3A_226 = arith.divsi %div3A_224, %div3A_225 : i32
    %rem3A_227 = arith.constant 2 : i32
    %rem3A_228 = arith.constant 14 : i32
    %rem3A_229 = arith.remsi %rem3A_227, %rem3A_228 : i32
    %rem3A_230 = arith.constant 2 : i32
    %rem3A_231 = arith.remsi %div3A_226, %rem3A_230 : i32
    %dma_start3A_232 = arith.constant 2 : i32
    %dma_start3A_233 = arith.constant 2 : i32
    %dma_start3A_234 = arith.constant 0 : i32
    %dma_start3A_235 = arith.constant 0 : i32
    %dma_start3A_236 = tpu.memref_slice %arg7[%dma_start3A_232, %dma_start3A_234, %dma_start3A_235] : memref<5x128x32xf32, #tpu.memory_space<vmem>> -> memref<1x128x32xf32, #tpu.memory_space<vmem>>
    %dma_start3A_237 = tpu.memref_squeeze %dma_start3A_236 : memref<1x128x32xf32, #tpu.memory_space<vmem>> -> memref<128x32xf32, #tpu.memory_space<vmem>>
    %dma_start3A_238 = arith.constant 0 : i32
    %dma_start3A_239 = arith.constant 0 : i32
    %dma_start3A_240 = tpu.memref_slice %arg5[%rem3A_231, %dma_start3A_238, %dma_start3A_239] : memref<2x14x128xi32, #tpu.memory_space<vmem>> -> memref<1x14x128xi32, #tpu.memory_space<vmem>>
    %dma_start3A_241 = tpu.memref_squeeze %dma_start3A_240 : memref<1x14x128xi32, #tpu.memory_space<vmem>> -> memref<14x128xi32, #tpu.memory_space<vmem>>
    %dma_start3A_242 = arith.constant 0 : i32
    %dma_start3A_243 = tpu.memref_slice %dma_start3A_241[%rem3A_229, %dma_start3A_242] : memref<14x128xi32, #tpu.memory_space<vmem>> -> memref<1x128xi32, #tpu.memory_space<vmem>>
    %dma_start3A_244 = tpu.memref_squeeze %dma_start3A_243 : memref<1x128xi32, #tpu.memory_space<vmem>> -> memref<128xi32, #tpu.memory_space<vmem>>
    %dma_start3A_245 = arith.constant 0 : i32
    %dma_start3A_246 = arith.constant 0 : i32
    %dma_start3A_247 = tpu.memref_slice %arg2[%arg0, %dma_start3A_245, %dma_start3A_246] : memref<2x50176x32xf32, #tpu.memory_space<hbm>> -> memref<1x50176x32xf32, #tpu.memory_space<hbm>>
    %dma_start3A_248 = tpu.memref_squeeze %dma_start3A_247 : memref<1x50176x32xf32, #tpu.memory_space<hbm>> -> memref<50176x32xf32, #tpu.memory_space<hbm>>
    %dma_start3A_249 = arith.constant 0 : i32
    %dma_start3A_250 = arith.constant 0 : i32
    %dma_start3A_251 = tpu.memref_slice %dma_start3A_248[%dma_start3A_249, %dma_start3A_250] : memref<50176x32xf32, #tpu.memory_space<hbm>> -> memref<50176x32xf32, #tpu.memory_space<hbm>>
    %dma_start3A_252 = tpu.memref_slice %arg9[%dma_start3A_233] : memref<5x!tpu.dma_semaphore, #tpu.memory_space<semaphore_mem>> -> memref<1x!tpu.dma_semaphore, #tpu.memory_space<semaphore_mem>>
    %dma_start3A_253 = tpu.memref_squeeze %dma_start3A_252 : memref<1x!tpu.dma_semaphore, #tpu.memory_space<semaphore_mem>> -> memref<!tpu.dma_semaphore, #tpu.memory_space<semaphore_mem>>
    tpu.enqueue_indirect_dma source(%dma_start3A_251 : memref<50176x32xf32, #tpu.memory_space<hbm>>) target(%dma_start3A_237 : memref<128x32xf32, #tpu.memory_space<vmem>>) offsets(%dma_start3A_244 : memref<128xi32, #tpu.memory_space<vmem>>) semaphore(%dma_start3A_253 : memref<!tpu.dma_semaphore, #tpu.memory_space<semaphore_mem>>)
    %div3A_254 = arith.constant 3 : i32
    %div3A_255 = arith.constant 14 : i32
    %div3A_256 = arith.divsi %div3A_254, %div3A_255 : i32
    %rem3A_257 = arith.constant 3 : i32
    %rem3A_258 = arith.constant 14 : i32
    %rem3A_259 = arith.remsi %rem3A_257, %rem3A_258 : i32
    %rem3A_260 = arith.constant 2 : i32
    %rem3A_261 = arith.remsi %div3A_256, %rem3A_260 : i32
    %dma_start3A_262 = arith.constant 3 : i32
    %dma_start3A_263 = arith.constant 3 : i32
    %dma_start3A_264 = arith.constant 0 : i32
    %dma_start3A_265 = arith.constant 0 : i32
    %dma_start3A_266 = tpu.memref_slice %arg7[%dma_start3A_262, %dma_start3A_264, %dma_start3A_265] : memref<5x128x32xf32, #tpu.memory_space<vmem>> -> memref<1x128x32xf32, #tpu.memory_space<vmem>>
    %dma_start3A_267 = tpu.memref_squeeze %dma_start3A_266 : memref<1x128x32xf32, #tpu.memory_space<vmem>> -> memref<128x32xf32, #tpu.memory_space<vmem>>
    %dma_start3A_268 = arith.constant 0 : i32
    %dma_start3A_269 = arith.constant 0 : i32
    %dma_start3A_270 = tpu.memref_slice %arg5[%rem3A_261, %dma_start3A_268, %dma_start3A_269] : memref<2x14x128xi32, #tpu.memory_space<vmem>> -> memref<1x14x128xi32, #tpu.memory_space<vmem>>
    %dma_start3A_271 = tpu.memref_squeeze %dma_start3A_270 : memref<1x14x128xi32, #tpu.memory_space<vmem>> -> memref<14x128xi32, #tpu.memory_space<vmem>>
    %dma_start3A_272 = arith.constant 0 : i32
    %dma_start3A_273 = tpu.memref_slice %dma_start3A_271[%rem3A_259, %dma_start3A_272] : memref<14x128xi32, #tpu.memory_space<vmem>> -> memref<1x128xi32, #tpu.memory_space<vmem>>
    %dma_start3A_274 = tpu.memref_squeeze %dma_start3A_273 : memref<1x128xi32, #tpu.memory_space<vmem>> -> memref<128xi32, #tpu.memory_space<vmem>>
    %dma_start3A_275 = arith.constant 0 : i32
    %dma_start3A_276 = arith.constant 0 : i32
    %dma_start3A_277 = tpu.memref_slice %arg2[%arg0, %dma_start3A_275, %dma_start3A_276] : memref<2x50176x32xf32, #tpu.memory_space<hbm>> -> memref<1x50176x32xf32, #tpu.memory_space<hbm>>
    %dma_start3A_278 = tpu.memref_squeeze %dma_start3A_277 : memref<1x50176x32xf32, #tpu.memory_space<hbm>> -> memref<50176x32xf32, #tpu.memory_space<hbm>>
    %dma_start3A_279 = arith.constant 0 : i32
    %dma_start3A_280 = arith.constant 0 : i32
    %dma_start3A_281 = tpu.memref_slice %dma_start3A_278[%dma_start3A_279, %dma_start3A_280] : memref<50176x32xf32, #tpu.memory_space<hbm>> -> memref<50176x32xf32, #tpu.memory_space<hbm>>
    %dma_start3A_282 = tpu.memref_slice %arg9[%dma_start3A_263] : memref<5x!tpu.dma_semaphore, #tpu.memory_space<semaphore_mem>> -> memref<1x!tpu.dma_semaphore, #tpu.memory_space<semaphore_mem>>
    %dma_start3A_283 = tpu.memref_squeeze %dma_start3A_282 : memref<1x!tpu.dma_semaphore, #tpu.memory_space<semaphore_mem>> -> memref<!tpu.dma_semaphore, #tpu.memory_space<semaphore_mem>>
    tpu.enqueue_indirect_dma source(%dma_start3A_281 : memref<50176x32xf32, #tpu.memory_space<hbm>>) target(%dma_start3A_267 : memref<128x32xf32, #tpu.memory_space<vmem>>) offsets(%dma_start3A_274 : memref<128xi32, #tpu.memory_space<vmem>>) semaphore(%dma_start3A_283 : memref<!tpu.dma_semaphore, #tpu.memory_space<semaphore_mem>>)
    %div3A_284 = arith.constant 4 : i32
    %div3A_285 = arith.constant 14 : i32
    %div3A_286 = arith.divsi %div3A_284, %div3A_285 : i32
    %rem3A_287 = arith.constant 4 : i32
    %rem3A_288 = arith.constant 14 : i32
    %rem3A_289 = arith.remsi %rem3A_287, %rem3A_288 : i32
    %rem3A_290 = arith.constant 2 : i32
    %rem3A_291 = arith.remsi %div3A_286, %rem3A_290 : i32
    %dma_start3A_292 = arith.constant 4 : i32
    %dma_start3A_293 = arith.constant 4 : i32
    %dma_start3A_294 = arith.constant 0 : i32
    %dma_start3A_295 = arith.constant 0 : i32
    %dma_start3A_296 = tpu.memref_slice %arg7[%dma_start3A_292, %dma_start3A_294, %dma_start3A_295] : memref<5x128x32xf32, #tpu.memory_space<vmem>> -> memref<1x128x32xf32, #tpu.memory_space<vmem>>
    %dma_start3A_297 = tpu.memref_squeeze %dma_start3A_296 : memref<1x128x32xf32, #tpu.memory_space<vmem>> -> memref<128x32xf32, #tpu.memory_space<vmem>>
    %dma_start3A_298 = arith.constant 0 : i32
    %dma_start3A_299 = arith.constant 0 : i32
    %dma_start3A_300 = tpu.memref_slice %arg5[%rem3A_291, %dma_start3A_298, %dma_start3A_299] : memref<2x14x128xi32, #tpu.memory_space<vmem>> -> memref<1x14x128xi32, #tpu.memory_space<vmem>>
    %dma_start3A_301 = tpu.memref_squeeze %dma_start3A_300 : memref<1x14x128xi32, #tpu.memory_space<vmem>> -> memref<14x128xi32, #tpu.memory_space<vmem>>
    %dma_start3A_302 = arith.constant 0 : i32
    %dma_start3A_303 = tpu.memref_slice %dma_start3A_301[%rem3A_289, %dma_start3A_302] : memref<14x128xi32, #tpu.memory_space<vmem>> -> memref<1x128xi32, #tpu.memory_space<vmem>>
    %dma_start3A_304 = tpu.memref_squeeze %dma_start3A_303 : memref<1x128xi32, #tpu.memory_space<vmem>> -> memref<128xi32, #tpu.memory_space<vmem>>
    %dma_start3A_305 = arith.constant 0 : i32
    %dma_start3A_306 = arith.constant 0 : i32
    %dma_start3A_307 = tpu.memref_slice %arg2[%arg0, %dma_start3A_305, %dma_start3A_306] : memref<2x50176x32xf32, #tpu.memory_space<hbm>> -> memref<1x50176x32xf32, #tpu.memory_space<hbm>>
    %dma_start3A_308 = tpu.memref_squeeze %dma_start3A_307 : memref<1x50176x32xf32, #tpu.memory_space<hbm>> -> memref<50176x32xf32, #tpu.memory_space<hbm>>
    %dma_start3A_309 = arith.constant 0 : i32
    %dma_start3A_310 = arith.constant 0 : i32
    %dma_start3A_311 = tpu.memref_slice %dma_start3A_308[%dma_start3A_309, %dma_start3A_310] : memref<50176x32xf32, #tpu.memory_space<hbm>> -> memref<50176x32xf32, #tpu.memory_space<hbm>>
    %dma_start3A_312 = tpu.memref_slice %arg9[%dma_start3A_293] : memref<5x!tpu.dma_semaphore, #tpu.memory_space<semaphore_mem>> -> memref<1x!tpu.dma_semaphore, #tpu.memory_space<semaphore_mem>>
    %dma_start3A_313 = tpu.memref_squeeze %dma_start3A_312 : memref<1x!tpu.dma_semaphore, #tpu.memory_space<semaphore_mem>> -> memref<!tpu.dma_semaphore, #tpu.memory_space<semaphore_mem>>
    tpu.enqueue_indirect_dma source(%dma_start3A_311 : memref<50176x32xf32, #tpu.memory_space<hbm>>) target(%dma_start3A_297 : memref<128x32xf32, #tpu.memory_space<vmem>>) offsets(%dma_start3A_304 : memref<128xi32, #tpu.memory_space<vmem>>) semaphore(%dma_start3A_313 : memref<!tpu.dma_semaphore, #tpu.memory_space<semaphore_mem>>)
    %dma_wait3A_314 = arith.constant 0 : i32
    %dma_wait3A_315 = tpu.memref_slice %arg8[%mul3A_0, %dma_wait3A_314] : memref<50176x32xf32, #tpu.memory_space<vmem_shared>> -> memref<3136x32xf32, #tpu.memory_space<vmem_shared>>
    %dma_wait3A_316 = arith.constant 0 : i32
    %dma_wait3A_317 = arith.constant 0 : i32
    %dma_wait3A_318 = tpu.memref_slice %arg2[%arg0, %dma_wait3A_316, %dma_wait3A_317] : memref<2x50176x32xf32, #tpu.memory_space<hbm>> -> memref<1x50176x32xf32, #tpu.memory_space<hbm>>
    %dma_wait3A_319 = tpu.memref_squeeze %dma_wait3A_318 : memref<1x50176x32xf32, #tpu.memory_space<hbm>> -> memref<50176x32xf32, #tpu.memory_space<hbm>>
    %dma_wait3A_320 = arith.constant 0 : i32
    %dma_wait3A_321 = arith.constant 0 : i32
    %dma_wait3A_322 = tpu.memref_slice %dma_wait3A_319[%dma_wait3A_320, %dma_wait3A_321] : memref<50176x32xf32, #tpu.memory_space<hbm>> -> memref<3136x32xf32, #tpu.memory_space<hbm>>
    tpu.wait_dma2 semaphore(%arg11 : memref<!tpu.dma_semaphore, #tpu.memory_space<semaphore_mem>>) src(%dma_wait3A_322 : memref<3136x32xf32, #tpu.memory_space<hbm>>) dst(%dma_wait3A_315 : memref<3136x32xf32, #tpu.memory_space<vmem_shared>>)
    %barrier3A = arith.constant 0 : index
    tpu.barrier barrier_id(%barrier3A)
    %scan3A = arith.constant 0 : i32
    %scan3A_323 = arith.constant 1 : i32
    %scan3A_324 = arith.constant 0 : i32
    %scan3A_325 = arith.constant 392 : i32
    %scan3A_326 = arith.addi %scan3A_324, %scan3A_325 : i32
    %scan3A_327 = arith.constant 1 : i32
    scf.for %scan3A_330 = %scan3A_324 to %scan3A_326 step %scan3A_327  : i32 {
      %mul3A_331 = arith.constant 1 : i32
      %mul3A_332 = arith.muli %scan3A_330, %mul3A_331 : i32
      %add3A_333 = arith.constant 0 : i32
      %add3A_334 = arith.addi %add3A_333, %mul3A_332 : i32
      %div3A_335 = arith.constant 14 : i32
      %div3A_336 = arith.divsi %add3A_334, %div3A_335 : i32
      %rem3A_337 = arith.constant 14 : i32
      %rem3A_338 = arith.remsi %add3A_334, %rem3A_337 : i32
      %rem3A_339 = arith.constant 2 : i32
      %rem3A_340 = arith.remsi %div3A_336, %rem3A_339 : i32
      %rem3A_341 = arith.constant 5 : i32
      %rem3A_342 = arith.remsi %add3A_334, %rem3A_341 : i32
      %dma_wait3A_343 = arith.constant 0 : i32
      %dma_wait3A_344 = arith.constant 0 : i32
      %dma_wait3A_345 = tpu.memref_slice %arg7[%rem3A_342, %dma_wait3A_343, %dma_wait3A_344] : memref<5x128x32xf32, #tpu.memory_space<vmem>> -> memref<1x128x32xf32, #tpu.memory_space<vmem>>
      %dma_wait3A_346 = tpu.memref_squeeze %dma_wait3A_345 : memref<1x128x32xf32, #tpu.memory_space<vmem>> -> memref<128x32xf32, #tpu.memory_space<vmem>>
      %dma_wait3A_347 = arith.constant 0 : i32
      %dma_wait3A_348 = arith.constant 0 : i32
      %dma_wait3A_349 = tpu.memref_slice %arg2[%arg0, %dma_wait3A_347, %dma_wait3A_348] : memref<2x50176x32xf32, #tpu.memory_space<hbm>> -> memref<1x50176x32xf32, #tpu.memory_space<hbm>>
      %dma_wait3A_350 = tpu.memref_squeeze %dma_wait3A_349 : memref<1x50176x32xf32, #tpu.memory_space<hbm>> -> memref<50176x32xf32, #tpu.memory_space<hbm>>
      %dma_wait3A_351 = arith.constant 0 : i32
      %dma_wait3A_352 = arith.constant 0 : i32
      %dma_wait3A_353 = tpu.memref_slice %dma_wait3A_350[%dma_wait3A_351, %dma_wait3A_352] : memref<50176x32xf32, #tpu.memory_space<hbm>> -> memref<128x32xf32, #tpu.memory_space<hbm>>
      %dma_wait3A_354 = tpu.memref_slice %arg9[%rem3A_342] : memref<5x!tpu.dma_semaphore, #tpu.memory_space<semaphore_mem>> -> memref<1x!tpu.dma_semaphore, #tpu.memory_space<semaphore_mem>>
      %dma_wait3A_355 = tpu.memref_squeeze %dma_wait3A_354 : memref<1x!tpu.dma_semaphore, #tpu.memory_space<semaphore_mem>> -> memref<!tpu.dma_semaphore, #tpu.memory_space<semaphore_mem>>
      %dma_wait3A_356 = arith.constant 0 : i32
      %dma_wait3A_357 = arith.constant 0 : i32
      %dma_wait3A_358 = tpu.memref_slice %arg7[%rem3A_342, %dma_wait3A_356, %dma_wait3A_357] : memref<5x128x32xf32, #tpu.memory_space<vmem>> -> memref<1x128x32xf32, #tpu.memory_space<vmem>>
      %dma_wait3A_359 = tpu.memref_squeeze %dma_wait3A_358 : memref<1x128x32xf32, #tpu.memory_space<vmem>> -> memref<128x32xf32, #tpu.memory_space<vmem>>
      %dma_wait3A_360 = arith.constant 0 : i32
      %dma_wait3A_361 = arith.constant 0 : i32
      %dma_wait3A_362 = tpu.memref_slice %arg2[%arg0, %dma_wait3A_360, %dma_wait3A_361] : memref<2x50176x32xf32, #tpu.memory_space<hbm>> -> memref<1x50176x32xf32, #tpu.memory_space<hbm>>
      %dma_wait3A_363 = tpu.memref_squeeze %dma_wait3A_362 : memref<1x50176x32xf32, #tpu.memory_space<hbm>> -> memref<50176x32xf32, #tpu.memory_space<hbm>>
      %dma_wait3A_364 = arith.constant 0 : i32
      %dma_wait3A_365 = arith.constant 0 : i32
      %dma_wait3A_366 = tpu.memref_slice %dma_wait3A_363[%dma_wait3A_364, %dma_wait3A_365] : memref<50176x32xf32, #tpu.memory_space<hbm>> -> memref<128x32xf32, #tpu.memory_space<hbm>>
      tpu.wait_dma2 semaphore(%dma_wait3A_355 : memref<!tpu.dma_semaphore, #tpu.memory_space<semaphore_mem>>) src(%dma_wait3A_366 : memref<128x32xf32, #tpu.memory_space<hbm>>) dst(%dma_wait3A_359 : memref<128x32xf32, #tpu.memory_space<vmem>>)
      "tpu.region"() ({
        %run_scoped3A = tpu.sem_alloc : memref<!tpu.dma_semaphore, #tpu.memory_space<semaphore_mem>>
        %dma_start3A_389 = arith.constant 0 : i32
        %dma_start3A_390 = arith.constant 0 : i32
        %dma_start3A_391 = tpu.memref_slice %arg7[%rem3A_342, %dma_start3A_389, %dma_start3A_390] : memref<5x128x32xf32, #tpu.memory_space<vmem>> -> memref<1x128x32xf32, #tpu.memory_space<vmem>>
        %dma_start3A_392 = tpu.memref_squeeze %dma_start3A_391 : memref<1x128x32xf32, #tpu.memory_space<vmem>> -> memref<128x32xf32, #tpu.memory_space<vmem>>
        %dma_start3A_393 = arith.constant 0 : i32
        %dma_start3A_394 = arith.constant 0 : i32
        %dma_start3A_395 = tpu.memref_slice %arg6[%rem3A_340, %dma_start3A_393, %dma_start3A_394] : memref<2x14x128xi32, #tpu.memory_space<vmem>> -> memref<1x14x128xi32, #tpu.memory_space<vmem>>
        %dma_start3A_396 = tpu.memref_squeeze %dma_start3A_395 : memref<1x14x128xi32, #tpu.memory_space<vmem>> -> memref<14x128xi32, #tpu.memory_space<vmem>>
        %dma_start3A_397 = arith.constant 0 : i32
        %dma_start3A_398 = tpu.memref_slice %dma_start3A_396[%rem3A_338, %dma_start3A_397] : memref<14x128xi32, #tpu.memory_space<vmem>> -> memref<1x128xi32, #tpu.memory_space<vmem>>
        %dma_start3A_399 = tpu.memref_squeeze %dma_start3A_398 : memref<1x128xi32, #tpu.memory_space<vmem>> -> memref<128xi32, #tpu.memory_space<vmem>>
        %dma_start3A_400 = arith.constant 0 : i32
        %dma_start3A_401 = arith.constant 0 : i32
        %dma_start3A_402 = tpu.memref_slice %arg8[%dma_start3A_400, %dma_start3A_401] : memref<50176x32xf32, #tpu.memory_space<vmem_shared>> -> memref<50176x32xf32, #tpu.memory_space<vmem_shared>>
        tpu.enqueue_indirect_dma source(%dma_start3A_392 : memref<128x32xf32, #tpu.memory_space<vmem>>) target(%dma_start3A_402 : memref<50176x32xf32, #tpu.memory_space<vmem_shared>>) offsets(%dma_start3A_399 : memref<128xi32, #tpu.memory_space<vmem>>) semaphore(%run_scoped3A : memref<!tpu.dma_semaphore, #tpu.memory_space<semaphore_mem>>) {add = true}
        %dma_wait3A_403 = arith.constant 0 : i32
        %dma_wait3A_404 = arith.constant 0 : i32
        %dma_wait3A_405 = tpu.memref_slice %arg7[%rem3A_342, %dma_wait3A_403, %dma_wait3A_404] : memref<5x128x32xf32, #tpu.memory_space<vmem>> -> memref<1x128x32xf32, #tpu.memory_space<vmem>>
        %dma_wait3A_406 = tpu.memref_squeeze %dma_wait3A_405 : memref<1x128x32xf32, #tpu.memory_space<vmem>> -> memref<128x32xf32, #tpu.memory_space<vmem>>
        %dma_wait3A_407 = arith.constant 0 : i32
        %dma_wait3A_408 = arith.constant 0 : i32
        %dma_wait3A_409 = tpu.memref_slice %arg6[%rem3A_340, %dma_wait3A_407, %dma_wait3A_408] : memref<2x14x128xi32, #tpu.memory_space<vmem>> -> memref<1x14x128xi32, #tpu.memory_space<vmem>>
        %dma_wait3A_410 = tpu.memref_squeeze %dma_wait3A_409 : memref<1x14x128xi32, #tpu.memory_space<vmem>> -> memref<14x128xi32, #tpu.memory_space<vmem>>
        %dma_wait3A_411 = arith.constant 0 : i32
        %dma_wait3A_412 = tpu.memref_slice %dma_wait3A_410[%rem3A_338, %dma_wait3A_411] : memref<14x128xi32, #tpu.memory_space<vmem>> -> memref<1x128xi32, #tpu.memory_space<vmem>>
        %dma_wait3A_413 = tpu.memref_squeeze %dma_wait3A_412 : memref<1x128xi32, #tpu.memory_space<vmem>> -> memref<128xi32, #tpu.memory_space<vmem>>
        %dma_wait3A_414 = arith.constant 0 : i32
        %dma_wait3A_415 = arith.constant 0 : i32
        %dma_wait3A_416 = tpu.memref_slice %arg8[%dma_wait3A_414, %dma_wait3A_415] : memref<50176x32xf32, #tpu.memory_space<vmem_shared>> -> memref<50176x32xf32, #tpu.memory_space<vmem_shared>>
        tpu.wait_indirect_dma semaphore(%run_scoped3A : memref<!tpu.dma_semaphore, #tpu.memory_space<semaphore_mem>>) src(%dma_wait3A_406 : memref<128x32xf32, #tpu.memory_space<vmem>>) dst(%dma_wait3A_416 : memref<50176x32xf32, #tpu.memory_space<vmem_shared>>)
        tpu.yield
      }) : () -> ()
      %add3A_367 = arith.constant 5 : i32
      %add3A_368 = arith.addi %add3A_334, %add3A_367 : i32
      %lt3A = arith.constant 392 : i32
      %lt3A_369 = arith.cmpi slt, %add3A_368, %lt3A : i32
      %convert_element_type3A = arith.extui %lt3A_369 : i1 to i32
      %cond3A = arith.constant 0 : i32
      %cond3A_370 = arith.cmpi ne, %convert_element_type3A, %cond3A : i32
      scf.if %cond3A_370 {
        %add3A_389 = arith.constant 5 : i32
        %add3A_390 = arith.addi %add3A_334, %add3A_389 : i32
        %div3A_391 = arith.constant 14 : i32
        %div3A_392 = arith.divsi %add3A_390, %div3A_391 : i32
        %rem3A_393 = arith.constant 14 : i32
        %rem3A_394 = arith.remsi %add3A_390, %rem3A_393 : i32
        %rem3A_395 = arith.constant 2 : i32
        %rem3A_396 = arith.remsi %div3A_392, %rem3A_395 : i32
        %dma_start3A_397 = arith.constant 0 : i32
        %dma_start3A_398 = arith.constant 0 : i32
        %dma_start3A_399 = tpu.memref_slice %arg7[%rem3A_342, %dma_start3A_397, %dma_start3A_398] : memref<5x128x32xf32, #tpu.memory_space<vmem>> -> memref<1x128x32xf32, #tpu.memory_space<vmem>>
        %dma_start3A_400 = tpu.memref_squeeze %dma_start3A_399 : memref<1x128x32xf32, #tpu.memory_space<vmem>> -> memref<128x32xf32, #tpu.memory_space<vmem>>
        %dma_start3A_401 = arith.constant 0 : i32
        %dma_start3A_402 = arith.constant 0 : i32
        %dma_start3A_403 = tpu.memref_slice %arg5[%rem3A_396, %dma_start3A_401, %dma_start3A_402] : memref<2x14x128xi32, #tpu.memory_space<vmem>> -> memref<1x14x128xi32, #tpu.memory_space<vmem>>
        %dma_start3A_404 = tpu.memref_squeeze %dma_start3A_403 : memref<1x14x128xi32, #tpu.memory_space<vmem>> -> memref<14x128xi32, #tpu.memory_space<vmem>>
        %dma_start3A_405 = arith.constant 0 : i32
        %dma_start3A_406 = tpu.memref_slice %dma_start3A_404[%rem3A_394, %dma_start3A_405] : memref<14x128xi32, #tpu.memory_space<vmem>> -> memref<1x128xi32, #tpu.memory_space<vmem>>
        %dma_start3A_407 = tpu.memref_squeeze %dma_start3A_406 : memref<1x128xi32, #tpu.memory_space<vmem>> -> memref<128xi32, #tpu.memory_space<vmem>>
        %dma_start3A_408 = arith.constant 0 : i32
        %dma_start3A_409 = arith.constant 0 : i32
        %dma_start3A_410 = tpu.memref_slice %arg2[%arg0, %dma_start3A_408, %dma_start3A_409] : memref<2x50176x32xf32, #tpu.memory_space<hbm>> -> memref<1x50176x32xf32, #tpu.memory_space<hbm>>
        %dma_start3A_411 = tpu.memref_squeeze %dma_start3A_410 : memref<1x50176x32xf32, #tpu.memory_space<hbm>> -> memref<50176x32xf32, #tpu.memory_space<hbm>>
        %dma_start3A_412 = arith.constant 0 : i32
        %dma_start3A_413 = arith.constant 0 : i32
        %dma_start3A_414 = tpu.memref_slice %dma_start3A_411[%dma_start3A_412, %dma_start3A_413] : memref<50176x32xf32, #tpu.memory_space<hbm>> -> memref<50176x32xf32, #tpu.memory_space<hbm>>
        %dma_start3A_415 = tpu.memref_slice %arg9[%rem3A_342] : memref<5x!tpu.dma_semaphore, #tpu.memory_space<semaphore_mem>> -> memref<1x!tpu.dma_semaphore, #tpu.memory_space<semaphore_mem>>
        %dma_start3A_416 = tpu.memref_squeeze %dma_start3A_415 : memref<1x!tpu.dma_semaphore, #tpu.memory_space<semaphore_mem>> -> memref<!tpu.dma_semaphore, #tpu.memory_space<semaphore_mem>>
        tpu.enqueue_indirect_dma source(%dma_start3A_414 : memref<50176x32xf32, #tpu.memory_space<hbm>>) target(%dma_start3A_400 : memref<128x32xf32, #tpu.memory_space<vmem>>) offsets(%dma_start3A_407 : memref<128xi32, #tpu.memory_space<vmem>>) semaphore(%dma_start3A_416 : memref<!tpu.dma_semaphore, #tpu.memory_space<semaphore_mem>>)
      } else {
      }
      %eq3A = arith.constant 8 : i32
      %eq3A_371 = arith.cmpi eq, %rem3A_338, %eq3A : i32
      %add3A_372 = arith.constant 1 : i32
      %add3A_373 = arith.addi %div3A_336, %add3A_372 : i32
      %lt3A_374 = arith.constant 28 : i32
      %lt3A_375 = arith.cmpi slt, %add3A_373, %lt3A_374 : i32
      %and3A = arith.andi %eq3A_371, %lt3A_375 : i1
      %convert_element_type3A_376 = arith.extui %and3A : i1 to i32
      %cond3A_377 = arith.constant 0 : i32
      %cond3A_378 = arith.cmpi ne, %convert_element_type3A_376, %cond3A_377 : i32
      scf.if %cond3A_378 {
        %add3A_389 = arith.constant 1 : i32
        %add3A_390 = arith.addi %div3A_336, %add3A_389 : i32
        %rem3A_391 = arith.constant 2 : i32
        %rem3A_392 = arith.remsi %add3A_390, %rem3A_391 : i32
        %dma_wait3A_393 = arith.constant 0 : i32
        %dma_wait3A_394 = arith.constant 0 : i32
        %dma_wait3A_395 = tpu.memref_slice %arg5[%rem3A_392, %dma_wait3A_393, %dma_wait3A_394] : memref<2x14x128xi32, #tpu.memory_space<vmem>> -> memref<1x14x128xi32, #tpu.memory_space<vmem>>
        %dma_wait3A_396 = tpu.memref_squeeze %dma_wait3A_395 : memref<1x14x128xi32, #tpu.memory_space<vmem>> -> memref<14x128xi32, #tpu.memory_space<vmem>>
        %dma_wait3A_397 = arith.constant 0 : i32
        %dma_wait3A_398 = arith.constant 0 : i32
        %dma_wait3A_399 = tpu.memref_slice %arg3[%scan3A, %dma_wait3A_397, %dma_wait3A_398] : memref<2x6272x128xi32, #tpu.memory_space<hbm>> -> memref<1x6272x128xi32, #tpu.memory_space<hbm>>
        %dma_wait3A_400 = tpu.memref_squeeze %dma_wait3A_399 : memref<1x6272x128xi32, #tpu.memory_space<hbm>> -> memref<6272x128xi32, #tpu.memory_space<hbm>>
        %dma_wait3A_401 = arith.constant 0 : i32
        %dma_wait3A_402 = arith.constant 0 : i32
        %dma_wait3A_403 = tpu.memref_slice %dma_wait3A_400[%dma_wait3A_401, %dma_wait3A_402] : memref<6272x128xi32, #tpu.memory_space<hbm>> -> memref<14x128xi32, #tpu.memory_space<hbm>>
        %dma_wait3A_404 = tpu.memref_slice %arg10[%rem3A_392] : memref<2x!tpu.dma_semaphore, #tpu.memory_space<semaphore_mem>> -> memref<1x!tpu.dma_semaphore, #tpu.memory_space<semaphore_mem>>
        %dma_wait3A_405 = tpu.memref_squeeze %dma_wait3A_404 : memref<1x!tpu.dma_semaphore, #tpu.memory_space<semaphore_mem>> -> memref<!tpu.dma_semaphore, #tpu.memory_space<semaphore_mem>>
        %dma_wait3A_406 = arith.constant 0 : i32
        %dma_wait3A_407 = arith.constant 0 : i32
        %dma_wait3A_408 = tpu.memref_slice %arg5[%rem3A_392, %dma_wait3A_406, %dma_wait3A_407] : memref<2x14x128xi32, #tpu.memory_space<vmem>> -> memref<1x14x128xi32, #tpu.memory_space<vmem>>
        %dma_wait3A_409 = tpu.memref_squeeze %dma_wait3A_408 : memref<1x14x128xi32, #tpu.memory_space<vmem>> -> memref<14x128xi32, #tpu.memory_space<vmem>>
        %dma_wait3A_410 = arith.constant 0 : i32
        %dma_wait3A_411 = arith.constant 0 : i32
        %dma_wait3A_412 = tpu.memref_slice %arg3[%scan3A, %dma_wait3A_410, %dma_wait3A_411] : memref<2x6272x128xi32, #tpu.memory_space<hbm>> -> memref<1x6272x128xi32, #tpu.memory_space<hbm>>
        %dma_wait3A_413 = tpu.memref_squeeze %dma_wait3A_412 : memref<1x6272x128xi32, #tpu.memory_space<hbm>> -> memref<6272x128xi32, #tpu.memory_space<hbm>>
        %dma_wait3A_414 = arith.constant 0 : i32
        %dma_wait3A_415 = arith.constant 0 : i32
        %dma_wait3A_416 = tpu.memref_slice %dma_wait3A_413[%dma_wait3A_414, %dma_wait3A_415] : memref<6272x128xi32, #tpu.memory_space<hbm>> -> memref<14x128xi32, #tpu.memory_space<hbm>>
        tpu.wait_dma2 semaphore(%dma_wait3A_405 : memref<!tpu.dma_semaphore, #tpu.memory_space<semaphore_mem>>) src(%dma_wait3A_416 : memref<14x128xi32, #tpu.memory_space<hbm>>) dst(%dma_wait3A_409 : memref<14x128xi32, #tpu.memory_space<vmem>>)
        %dma_wait3A_417 = arith.constant 0 : i32
        %dma_wait3A_418 = arith.constant 0 : i32
        %dma_wait3A_419 = tpu.memref_slice %arg6[%rem3A_392, %dma_wait3A_417, %dma_wait3A_418] : memref<2x14x128xi32, #tpu.memory_space<vmem>> -> memref<1x14x128xi32, #tpu.memory_space<vmem>>
        %dma_wait3A_420 = tpu.memref_squeeze %dma_wait3A_419 : memref<1x14x128xi32, #tpu.memory_space<vmem>> -> memref<14x128xi32, #tpu.memory_space<vmem>>
        %dma_wait3A_421 = arith.constant 0 : i32
        %dma_wait3A_422 = arith.constant 0 : i32
        %dma_wait3A_423 = tpu.memref_slice %arg3[%scan3A_323, %dma_wait3A_421, %dma_wait3A_422] : memref<2x6272x128xi32, #tpu.memory_space<hbm>> -> memref<1x6272x128xi32, #tpu.memory_space<hbm>>
        %dma_wait3A_424 = tpu.memref_squeeze %dma_wait3A_423 : memref<1x6272x128xi32, #tpu.memory_space<hbm>> -> memref<6272x128xi32, #tpu.memory_space<hbm>>
        %dma_wait3A_425 = arith.constant 0 : i32
        %dma_wait3A_426 = arith.constant 0 : i32
        %dma_wait3A_427 = tpu.memref_slice %dma_wait3A_424[%dma_wait3A_425, %dma_wait3A_426] : memref<6272x128xi32, #tpu.memory_space<hbm>> -> memref<14x128xi32, #tpu.memory_space<hbm>>
        %dma_wait3A_428 = tpu.memref_slice %arg10[%rem3A_392] : memref<2x!tpu.dma_semaphore, #tpu.memory_space<semaphore_mem>> -> memref<1x!tpu.dma_semaphore, #tpu.memory_space<semaphore_mem>>
        %dma_wait3A_429 = tpu.memref_squeeze %dma_wait3A_428 : memref<1x!tpu.dma_semaphore, #tpu.memory_space<semaphore_mem>> -> memref<!tpu.dma_semaphore, #tpu.memory_space<semaphore_mem>>
        %dma_wait3A_430 = arith.constant 0 : i32
        %dma_wait3A_431 = arith.constant 0 : i32
        %dma_wait3A_432 = tpu.memref_slice %arg6[%rem3A_392, %dma_wait3A_430, %dma_wait3A_431] : memref<2x14x128xi32, #tpu.memory_space<vmem>> -> memref<1x14x128xi32, #tpu.memory_space<vmem>>
        %dma_wait3A_433 = tpu.memref_squeeze %dma_wait3A_432 : memref<1x14x128xi32, #tpu.memory_space<vmem>> -> memref<14x128xi32, #tpu.memory_space<vmem>>
        %dma_wait3A_434 = arith.constant 0 : i32
        %dma_wait3A_435 = arith.constant 0 : i32
        %dma_wait3A_436 = tpu.memref_slice %arg3[%scan3A_323, %dma_wait3A_434, %dma_wait3A_435] : memref<2x6272x128xi32, #tpu.memory_space<hbm>> -> memref<1x6272x128xi32, #tpu.memory_space<hbm>>
        %dma_wait3A_437 = tpu.memref_squeeze %dma_wait3A_436 : memref<1x6272x128xi32, #tpu.memory_space<hbm>> -> memref<6272x128xi32, #tpu.memory_space<hbm>>
        %dma_wait3A_438 = arith.constant 0 : i32
        %dma_wait3A_439 = arith.constant 0 : i32
        %dma_wait3A_440 = tpu.memref_slice %dma_wait3A_437[%dma_wait3A_438, %dma_wait3A_439] : memref<6272x128xi32, #tpu.memory_space<hbm>> -> memref<14x128xi32, #tpu.memory_space<hbm>>
        tpu.wait_dma2 semaphore(%dma_wait3A_429 : memref<!tpu.dma_semaphore, #tpu.memory_space<semaphore_mem>>) src(%dma_wait3A_440 : memref<14x128xi32, #tpu.memory_space<hbm>>) dst(%dma_wait3A_433 : memref<14x128xi32, #tpu.memory_space<vmem>>)
      } else {
      }
      %eq3A_379 = arith.constant 13 : i32
      %eq3A_380 = arith.cmpi eq, %rem3A_338, %eq3A_379 : i32
      %add3A_381 = arith.constant 2 : i32
      %add3A_382 = arith.addi %div3A_336, %add3A_381 : i32
      %lt3A_383 = arith.constant 28 : i32
      %lt3A_384 = arith.cmpi slt, %add3A_382, %lt3A_383 : i32
      %and3A_385 = arith.andi %eq3A_380, %lt3A_384 : i1
      %convert_element_type3A_386 = arith.extui %and3A_385 : i1 to i32
      %cond3A_387 = arith.constant 0 : i32
      %cond3A_388 = arith.cmpi ne, %convert_element_type3A_386, %cond3A_387 : i32
      scf.if %cond3A_388 {
        %add3A_389 = arith.constant 2 : i32
        %add3A_390 = arith.addi %div3A_336, %add3A_389 : i32
        %mul3A_391 = arith.constant 14 : i32
        %mul3A_392 = arith.muli %add3A_390, %mul3A_391 : i32
        %add3A_393 = arith.addi %mul3A_2, %mul3A_392 : i32
        %dma_start3A_394 = arith.constant 0 : i32
        %dma_start3A_395 = arith.constant 0 : i32
        %dma_start3A_396 = tpu.memref_slice %arg5[%rem3A_340, %dma_start3A_394, %dma_start3A_395] : memref<2x14x128xi32, #tpu.memory_space<vmem>> -> memref<1x14x128xi32, #tpu.memory_space<vmem>>
        %dma_start3A_397 = tpu.memref_squeeze %dma_start3A_396 : memref<1x14x128xi32, #tpu.memory_space<vmem>> -> memref<14x128xi32, #tpu.memory_space<vmem>>
        %dma_start3A_398 = arith.constant 0 : i32
        %dma_start3A_399 = arith.constant 0 : i32
        %dma_start3A_400 = tpu.memref_slice %arg3[%scan3A, %dma_start3A_398, %dma_start3A_399] : memref<2x6272x128xi32, #tpu.memory_space<hbm>> -> memref<1x6272x128xi32, #tpu.memory_space<hbm>>
        %dma_start3A_401 = tpu.memref_squeeze %dma_start3A_400 : memref<1x6272x128xi32, #tpu.memory_space<hbm>> -> memref<6272x128xi32, #tpu.memory_space<hbm>>
        %dma_start3A_402 = arith.constant 0 : i32
        %dma_start3A_403 = tpu.memref_slice %dma_start3A_401[%add3A_393, %dma_start3A_402] : memref<6272x128xi32, #tpu.memory_space<hbm>> -> memref<14x128xi32, #tpu.memory_space<hbm>>
        %dma_start3A_404 = tpu.memref_slice %arg10[%rem3A_340] : memref<2x!tpu.dma_semaphore, #tpu.memory_space<semaphore_mem>> -> memref<1x!tpu.dma_semaphore, #tpu.memory_space<semaphore_mem>>
        %dma_start3A_405 = tpu.memref_squeeze %dma_start3A_404 : memref<1x!tpu.dma_semaphore, #tpu.memory_space<semaphore_mem>> -> memref<!tpu.dma_semaphore, #tpu.memory_space<semaphore_mem>>
        %dma_start3A_406 = arith.constant 0 : i32
        %dma_start3A_407 = arith.constant 0 : i32
        %dma_start3A_408 = tpu.memref_slice %arg5[%rem3A_340, %dma_start3A_406, %dma_start3A_407] : memref<2x14x128xi32, #tpu.memory_space<vmem>> -> memref<1x14x128xi32, #tpu.memory_space<vmem>>
        %dma_start3A_409 = tpu.memref_squeeze %dma_start3A_408 : memref<1x14x128xi32, #tpu.memory_space<vmem>> -> memref<14x128xi32, #tpu.memory_space<vmem>>
        %dma_start3A_410 = arith.constant 0 : i32
        %dma_start3A_411 = arith.constant 0 : i32
        %dma_start3A_412 = tpu.memref_slice %arg3[%scan3A, %dma_start3A_410, %dma_start3A_411] : memref<2x6272x128xi32, #tpu.memory_space<hbm>> -> memref<1x6272x128xi32, #tpu.memory_space<hbm>>
        %dma_start3A_413 = tpu.memref_squeeze %dma_start3A_412 : memref<1x6272x128xi32, #tpu.memory_space<hbm>> -> memref<6272x128xi32, #tpu.memory_space<hbm>>
        %dma_start3A_414 = arith.constant 0 : i32
        %dma_start3A_415 = tpu.memref_slice %dma_start3A_413[%add3A_393, %dma_start3A_414] : memref<6272x128xi32, #tpu.memory_space<hbm>> -> memref<14x128xi32, #tpu.memory_space<hbm>>
        tpu.enqueue_dma source(%dma_start3A_415 : memref<14x128xi32, #tpu.memory_space<hbm>>) target(%dma_start3A_409 : memref<14x128xi32, #tpu.memory_space<vmem>>) target_semaphore(%dma_start3A_405 : memref<!tpu.dma_semaphore, #tpu.memory_space<semaphore_mem>>)
        %dma_start3A_416 = arith.constant 0 : i32
        %dma_start3A_417 = arith.constant 0 : i32
        %dma_start3A_418 = tpu.memref_slice %arg6[%rem3A_340, %dma_start3A_416, %dma_start3A_417] : memref<2x14x128xi32, #tpu.memory_space<vmem>> -> memref<1x14x128xi32, #tpu.memory_space<vmem>>
        %dma_start3A_419 = tpu.memref_squeeze %dma_start3A_418 : memref<1x14x128xi32, #tpu.memory_space<vmem>> -> memref<14x128xi32, #tpu.memory_space<vmem>>
        %dma_start3A_420 = arith.constant 0 : i32
        %dma_start3A_421 = arith.constant 0 : i32
        %dma_start3A_422 = tpu.memref_slice %arg3[%scan3A_323, %dma_start3A_420, %dma_start3A_421] : memref<2x6272x128xi32, #tpu.memory_space<hbm>> -> memref<1x6272x128xi32, #tpu.memory_space<hbm>>
        %dma_start3A_423 = tpu.memref_squeeze %dma_start3A_422 : memref<1x6272x128xi32, #tpu.memory_space<hbm>> -> memref<6272x128xi32, #tpu.memory_space<hbm>>
        %dma_start3A_424 = arith.constant 0 : i32
        %dma_start3A_425 = tpu.memref_slice %dma_start3A_423[%add3A_393, %dma_start3A_424] : memref<6272x128xi32, #tpu.memory_space<hbm>> -> memref<14x128xi32, #tpu.memory_space<hbm>>
        %dma_start3A_426 = tpu.memref_slice %arg10[%rem3A_340] : memref<2x!tpu.dma_semaphore, #tpu.memory_space<semaphore_mem>> -> memref<1x!tpu.dma_semaphore, #tpu.memory_space<semaphore_mem>>
        %dma_start3A_427 = tpu.memref_squeeze %dma_start3A_426 : memref<1x!tpu.dma_semaphore, #tpu.memory_space<semaphore_mem>> -> memref<!tpu.dma_semaphore, #tpu.memory_space<semaphore_mem>>
        %dma_start3A_428 = arith.constant 0 : i32
        %dma_start3A_429 = arith.constant 0 : i32
        %dma_start3A_430 = tpu.memref_slice %arg6[%rem3A_340, %dma_start3A_428, %dma_start3A_429] : memref<2x14x128xi32, #tpu.memory_space<vmem>> -> memref<1x14x128xi32, #tpu.memory_space<vmem>>
        %dma_start3A_431 = tpu.memref_squeeze %dma_start3A_430 : memref<1x14x128xi32, #tpu.memory_space<vmem>> -> memref<14x128xi32, #tpu.memory_space<vmem>>
        %dma_start3A_432 = arith.constant 0 : i32
        %dma_start3A_433 = arith.constant 0 : i32
        %dma_start3A_434 = tpu.memref_slice %arg3[%scan3A_323, %dma_start3A_432, %dma_start3A_433] : memref<2x6272x128xi32, #tpu.memory_space<hbm>> -> memref<1x6272x128xi32, #tpu.memory_space<hbm>>
        %dma_start3A_435 = tpu.memref_squeeze %dma_start3A_434 : memref<1x6272x128xi32, #tpu.memory_space<hbm>> -> memref<6272x128xi32, #tpu.memory_space<hbm>>
        %dma_start3A_436 = arith.constant 0 : i32
        %dma_start3A_437 = tpu.memref_slice %dma_start3A_435[%add3A_393, %dma_start3A_436] : memref<6272x128xi32, #tpu.memory_space<hbm>> -> memref<14x128xi32, #tpu.memory_space<hbm>>
        tpu.enqueue_dma source(%dma_start3A_437 : memref<14x128xi32, #tpu.memory_space<hbm>>) target(%dma_start3A_431 : memref<14x128xi32, #tpu.memory_space<vmem>>) target_semaphore(%dma_start3A_427 : memref<!tpu.dma_semaphore, #tpu.memory_space<semaphore_mem>>)
      } else {
      }
    }
    %scan3A_328 = arith.constant 392 : i32
    %barrier3A_329 = arith.constant 0 : index
    tpu.barrier barrier_id(%barrier3A_329)
    "tpu.region"() ({
      %run_scoped3A = tpu.sem_alloc : memref<!tpu.dma_semaphore, #tpu.memory_space<semaphore_mem>>
      %dma_start3A_330 = arith.constant 0 : i32
      %dma_start3A_331 = arith.constant 0 : i32
      %dma_start3A_332 = tpu.memref_slice %arg4[%arg0, %dma_start3A_330, %dma_start3A_331] : memref<2x50176x32xf32, #tpu.memory_space<hbm>> -> memref<1x50176x32xf32, #tpu.memory_space<hbm>>
      %dma_start3A_333 = tpu.memref_squeeze %dma_start3A_332 : memref<1x50176x32xf32, #tpu.memory_space<hbm>> -> memref<50176x32xf32, #tpu.memory_space<hbm>>
      %dma_start3A_334 = arith.constant 0 : i32
      %dma_start3A_335 = tpu.memref_slice %dma_start3A_333[%mul3A_0, %dma_start3A_334] : memref<50176x32xf32, #tpu.memory_space<hbm>> -> memref<3136x32xf32, #tpu.memory_space<hbm>>
      %dma_start3A_336 = arith.constant 0 : i32
      %dma_start3A_337 = tpu.memref_slice %arg8[%mul3A_0, %dma_start3A_336] : memref<50176x32xf32, #tpu.memory_space<vmem_shared>> -> memref<3136x32xf32, #tpu.memory_space<vmem_shared>>
      tpu.enqueue_dma source(%dma_start3A_337 : memref<3136x32xf32, #tpu.memory_space<vmem_shared>>) target(%dma_start3A_335 : memref<3136x32xf32, #tpu.memory_space<hbm>>) target_semaphore(%run_scoped3A : memref<!tpu.dma_semaphore, #tpu.memory_space<semaphore_mem>>)
      %dma_wait3A_338 = arith.constant 0 : i32
      %dma_wait3A_339 = arith.constant 0 : i32
      %dma_wait3A_340 = tpu.memref_slice %arg4[%arg0, %dma_wait3A_338, %dma_wait3A_339] : memref<2x50176x32xf32, #tpu.memory_space<hbm>> -> memref<1x50176x32xf32, #tpu.memory_space<hbm>>
      %dma_wait3A_341 = tpu.memref_squeeze %dma_wait3A_340 : memref<1x50176x32xf32, #tpu.memory_space<hbm>> -> memref<50176x32xf32, #tpu.memory_space<hbm>>
      %dma_wait3A_342 = arith.constant 0 : i32
      %dma_wait3A_343 = tpu.memref_slice %dma_wait3A_341[%mul3A_0, %dma_wait3A_342] : memref<50176x32xf32, #tpu.memory_space<hbm>> -> memref<3136x32xf32, #tpu.memory_space<hbm>>
      %dma_wait3A_344 = arith.constant 0 : i32
      %dma_wait3A_345 = tpu.memref_slice %arg8[%mul3A_0, %dma_wait3A_344] : memref<50176x32xf32, #tpu.memory_space<vmem_shared>> -> memref<3136x32xf32, #tpu.memory_space<vmem_shared>>
      tpu.wait_dma2 semaphore(%run_scoped3A : memref<!tpu.dma_semaphore, #tpu.memory_space<semaphore_mem>>) src(%dma_wait3A_345 : memref<3136x32xf32, #tpu.memory_space<vmem_shared>>) dst(%dma_wait3A_343 : memref<3136x32xf32, #tpu.memory_space<hbm>>)
      tpu.yield
    }) : () -> ()
    return
  }
}

module attributes {stable_mosaic.version = 14 : i64} {
  func.func @_tc1_body(%arg0: i32, %arg1: memref<3136x64xf32, #tpu.memory_space<vmem>>, %arg2: memref<3136x1xf32, #tpu.memory_space<vmem>>, %arg3: memref<3136x1xf32, #tpu.memory_space<vmem>>, %arg4: memref<64x64xf32, #tpu.memory_space<vmem>>, %arg5: memref<2x3136x32xf32, #tpu.memory_space<vmem>>, %arg6: memref<3136x1xf32, #tpu.memory_space<vmem>>) attributes {dimension_semantics = [#tpu.dimension_semantics<arbitrary>], iteration_bounds = array<i64: 16>, scalar_prefetch = 0 : i64, scratch_operands = 0 : i64, tpu.core_type = #tpu.core_type<tc>, window_params = [{transform_indices = @transform_0, window_bounds = array<i64: 3136, 64>}, {transform_indices = @transform_1, window_bounds = array<i64: 3136, 1>}, {transform_indices = @transform_2, window_bounds = array<i64: 3136, 1>}, {pipeline_mode = #tpu.pipeline_mode<synchronous>, transform_indices = @transform_3, window_bounds = array<i64: 64, 64>}, {transform_indices = @transform_4, window_bounds = array<i64: 2, 3136, 32>}, {transform_indices = @transform_5, window_bounds = array<i64: 3136, 1>}]} {
    %get3A = arith.constant 0 : index
    %get3A_0 = arith.constant 0 : index
    %get3A_1 = vector.load %arg1[%get3A, %get3A_0] : memref<3136x64xf32, #tpu.memory_space<vmem>>, vector<3136x64xf32>
    %get3A_2 = arith.constant 0 : index
    %get3A_3 = arith.constant 0 : index
    %get3A_4 = vector.load %arg2[%get3A_2, %get3A_3] : memref<3136x1xf32, #tpu.memory_space<vmem>>, vector<3136x1xf32>
    %mul3A = vector.broadcast %get3A_4 : vector<3136x1xf32> to vector<3136x64xf32>
    %mul3A_5 = arith.mulf %get3A_1, %mul3A : vector<3136x64xf32>
    %mul3A_6 = arith.mulf %mul3A_5, %mul3A_5 : vector<3136x64xf32>
    %reduce_sum3A = arith.constant dense<0.000000e+00> : vector<3136xf32>
    %reduce_sum3A_7 = vector.multi_reduction <add>, %mul3A_6, %reduce_sum3A [1] : vector<3136x64xf32> to vector<3136xf32>
    %broadcast_in_dim3A = vector.shape_cast %reduce_sum3A_7 : vector<3136xf32> to vector<3136x1xf32>
    %sqrt3A = math.sqrt %broadcast_in_dim3A : vector<3136x1xf32>
    %max3A = arith.constant 9.99999996E-13 : f32
    %max3A_8 = vector.broadcast %max3A : f32 to vector<3136x1xf32>
    %max3A_9 = arith.maximumf %sqrt3A, %max3A_8 : vector<3136x1xf32>
    %div3A = vector.broadcast %max3A_9 : vector<3136x1xf32> to vector<3136x64xf32>
    %div3A_10 = arith.divf %mul3A_5, %div3A : vector<3136x64xf32>
    %get3A_11 = arith.constant 0 : index
    %get3A_12 = arith.constant 0 : index
    %get3A_13 = vector.load %arg3[%get3A_11, %get3A_12] : memref<3136x1xf32, #tpu.memory_space<vmem>>, vector<3136x1xf32>
    %add3A = arith.constant 1.000000e+00 : f32
    %add3A_14 = vector.broadcast %add3A : f32 to vector<3136x1xf32>
    %add3A_15 = arith.addf %add3A_14, %get3A_13 : vector<3136x1xf32>
    %rsqrt3A = math.rsqrt %add3A_15 : vector<3136x1xf32>
    %get3A_16 = arith.constant 0 : index
    %get3A_17 = arith.constant 0 : index
    %get3A_18 = vector.load %arg4[%get3A_16, %get3A_17] : memref<64x64xf32, #tpu.memory_space<vmem>>, vector<64x64xf32>
    %dot_general3A = arith.constant dense<0.000000e+00> : vector<3136x64xf32>
    %dot_general3A_19 = tpu.matmul %div3A_10, %get3A_18, %dot_general3A {dimension_numbers = #tpu.dot_dimension_numbers<[1], [0], [0], [1], [0, 0, 1, 1], [], []>, transpose_lhs_hint = false} : vector<3136x64xf32>, vector<64x64xf32>, vector<3136x64xf32> -> vector<3136x64xf32>
    %mul3A_20 = vector.broadcast %rsqrt3A : vector<3136x1xf32> to vector<3136x64xf32>
    %mul3A_21 = arith.mulf %dot_general3A_19, %mul3A_20 : vector<3136x64xf32>
    %slice3A = vector.extract_strided_slice %mul3A_21 {offsets = [0, 0], sizes = [3136, 32], strides = [1, 1]} : vector<3136x64xf32> to vector<3136x32xf32>
    %swap3A = arith.constant 0 : index
    %swap3A_22 = arith.constant 0 : index
    %swap3A_23 = arith.constant 0 : index
    %swap3A_24 = vector.load %arg5[%swap3A, %swap3A_22, %swap3A_23] : memref<2x3136x32xf32, #tpu.memory_space<vmem>>, vector<1x3136x32xf32>
    %swap3A_25 = vector.shape_cast %swap3A_24 : vector<1x3136x32xf32> to vector<3136x32xf32>
    %swap3A_26 = vector.shape_cast %slice3A : vector<3136x32xf32> to vector<1x3136x32xf32>
    tpu.vector_store %arg5[%swap3A, %swap3A_22, %swap3A_23], %swap3A_26 {strides = array<i32>} : memref<2x3136x32xf32, #tpu.memory_space<vmem>>, vector<1x3136x32xf32>,
    %slice3A_27 = vector.extract_strided_slice %mul3A_21 {offsets = [0, 32], sizes = [3136, 32], strides = [1, 1]} : vector<3136x64xf32> to vector<3136x32xf32>
    %swap3A_28 = arith.constant 1 : index
    %swap3A_29 = arith.constant 0 : index
    %swap3A_30 = arith.constant 0 : index
    %swap3A_31 = vector.load %arg5[%swap3A_28, %swap3A_29, %swap3A_30] : memref<2x3136x32xf32, #tpu.memory_space<vmem>>, vector<1x3136x32xf32>
    %swap3A_32 = vector.shape_cast %swap3A_31 : vector<1x3136x32xf32> to vector<3136x32xf32>
    %swap3A_33 = vector.shape_cast %slice3A_27 : vector<3136x32xf32> to vector<1x3136x32xf32>
    tpu.vector_store %arg5[%swap3A_28, %swap3A_29, %swap3A_30], %swap3A_33 {strides = array<i32>} : memref<2x3136x32xf32, #tpu.memory_space<vmem>>, vector<1x3136x32xf32>,
    %swap3A_34 = arith.constant 0 : index
    %swap3A_35 = arith.constant 0 : index
    %swap3A_36 = vector.load %arg6[%swap3A_34, %swap3A_35] : memref<3136x1xf32, #tpu.memory_space<vmem>>, vector<3136x1xf32>
    tpu.vector_store %arg6[%swap3A_34, %swap3A_35], %rsqrt3A {strides = array<i32>} : memref<3136x1xf32, #tpu.memory_space<vmem>>, vector<3136x1xf32>,
    return
  }
  func.func @transform_0(%arg0: i32) -> (i32, i32) {
    %c0_i32 = arith.constant 0 : i32
    %c0_i32_0 = arith.constant 0 : i32
    return %arg0, %c0_i32 : i32, i32
  }
  func.func @transform_1(%arg0: i32) -> (i32, i32) {
    %c0_i32 = arith.constant 0 : i32
    %c0_i32_0 = arith.constant 0 : i32
    return %arg0, %c0_i32 : i32, i32
  }
  func.func @transform_2(%arg0: i32) -> (i32, i32) {
    %c0_i32 = arith.constant 0 : i32
    %c0_i32_0 = arith.constant 0 : i32
    return %arg0, %c0_i32 : i32, i32
  }
  func.func @transform_3(%arg0: i32) -> (i32, i32) {
    %c0_i32 = arith.constant 0 : i32
    %c0_i32_0 = arith.constant 0 : i32
    %c0_i32_1 = arith.constant 0 : i32
    return %c0_i32, %c0_i32_0 : i32, i32
  }
  func.func @transform_4(%arg0: i32) -> (i32, i32, i32) {
    %c0_i32 = arith.constant 0 : i32
    %c0_i32_0 = arith.constant 0 : i32
    %c0_i32_1 = arith.constant 0 : i32
    return %c0_i32, %arg0, %c0_i32_0 : i32, i32, i32
  }
  func.func @transform_5(%arg0: i32) -> (i32, i32) {
    %c0_i32 = arith.constant 0 : i32
    %c0_i32_0 = arith.constant 0 : i32
    return %arg0, %c0_i32 : i32, i32
  }
}

module attributes {stable_mosaic.version = 14 : i64} {
  func.func @_tc2_body(%arg0: i32, %arg1: memref<2x3136x32xf32, #tpu.memory_space<vmem>>, %arg2: memref<3136x1xf32, #tpu.memory_space<vmem>>, %arg3: memref<1x64xf32, #tpu.memory_space<vmem>>, %arg4: memref<64x64xf32, #tpu.memory_space<vmem>>, %arg5: memref<2x3136x32xf32, #tpu.memory_space<vmem>>) attributes {dimension_semantics = [#tpu.dimension_semantics<arbitrary>], iteration_bounds = array<i64: 16>, scalar_prefetch = 0 : i64, scratch_operands = 0 : i64, tpu.core_type = #tpu.core_type<tc>, window_params = [{transform_indices = @transform_0, window_bounds = array<i64: 2, 3136, 32>}, {transform_indices = @transform_1, window_bounds = array<i64: 3136, 1>}, {pipeline_mode = #tpu.pipeline_mode<synchronous>, transform_indices = @transform_2, window_bounds = array<i64: 1, 64>}, {pipeline_mode = #tpu.pipeline_mode<synchronous>, transform_indices = @transform_3, window_bounds = array<i64: 64, 64>}, {transform_indices = @transform_4, window_bounds = array<i64: 2, 3136, 32>}]} {
    %get3A = arith.constant 0 : index
    %get3A_0 = arith.constant 0 : index
    %get3A_1 = vector.load %arg2[%get3A, %get3A_0] : memref<3136x1xf32, #tpu.memory_space<vmem>>, vector<3136x1xf32>
    %get3A_2 = arith.constant 0 : index
    %get3A_3 = arith.constant 0 : index
    %get3A_4 = arith.constant 0 : index
    %get3A_5 = vector.load %arg1[%get3A_2, %get3A_3, %get3A_4] : memref<2x3136x32xf32, #tpu.memory_space<vmem>>, vector<1x3136x32xf32>
    %get3A_6 = vector.shape_cast %get3A_5 : vector<1x3136x32xf32> to vector<3136x32xf32>
    %get3A_7 = arith.constant 1 : index
    %get3A_8 = arith.constant 0 : index
    %get3A_9 = arith.constant 0 : index
    %get3A_10 = vector.load %arg1[%get3A_7, %get3A_8, %get3A_9] : memref<2x3136x32xf32, #tpu.memory_space<vmem>>, vector<1x3136x32xf32>
    %get3A_11 = vector.shape_cast %get3A_10 : vector<1x3136x32xf32> to vector<3136x32xf32>
    %concatenate3A = tpu.concatenate %get3A_6, %get3A_11 in 1 : vector<3136x32xf32>, vector<3136x32xf32> -> vector<3136x64xf32>
    %mul3A = vector.broadcast %get3A_1 : vector<3136x1xf32> to vector<3136x64xf32>
    %mul3A_12 = arith.mulf %concatenate3A, %mul3A : vector<3136x64xf32>
    %get3A_13 = arith.constant 0 : index
    %get3A_14 = arith.constant 0 : index
    %get3A_15 = vector.load %arg3[%get3A_13, %get3A_14] : memref<1x64xf32, #tpu.memory_space<vmem>>, vector<1x64xf32>
    %add3A = vector.broadcast %get3A_15 : vector<1x64xf32> to vector<3136x64xf32>
    %add3A_16 = arith.addf %mul3A_12, %add3A : vector<3136x64xf32>
    %max3A = arith.constant 0.000000e+00 : f32
    %max3A_17 = vector.broadcast %max3A : f32 to vector<3136x64xf32>
    %max3A_18 = arith.maximumf %add3A_16, %max3A_17 : vector<3136x64xf32>
    %get3A_19 = arith.constant 0 : index
    %get3A_20 = arith.constant 0 : index
    %get3A_21 = vector.load %arg4[%get3A_19, %get3A_20] : memref<64x64xf32, #tpu.memory_space<vmem>>, vector<64x64xf32>
    %dot_general3A = arith.constant dense<0.000000e+00> : vector<3136x64xf32>
    %dot_general3A_22 = tpu.matmul %max3A_18, %get3A_21, %dot_general3A {dimension_numbers = #tpu.dot_dimension_numbers<[1], [0], [0], [1], [0, 0, 1, 1], [], []>, transpose_lhs_hint = false} : vector<3136x64xf32>, vector<64x64xf32>, vector<3136x64xf32> -> vector<3136x64xf32>
    %mul3A_23 = vector.broadcast %get3A_1 : vector<3136x1xf32> to vector<3136x64xf32>
    %mul3A_24 = arith.mulf %dot_general3A_22, %mul3A_23 : vector<3136x64xf32>
    %slice3A = vector.extract_strided_slice %mul3A_24 {offsets = [0, 0], sizes = [3136, 32], strides = [1, 1]} : vector<3136x64xf32> to vector<3136x32xf32>
    %swap3A = arith.constant 0 : index
    %swap3A_25 = arith.constant 0 : index
    %swap3A_26 = arith.constant 0 : index
    %swap3A_27 = vector.load %arg5[%swap3A, %swap3A_25, %swap3A_26] : memref<2x3136x32xf32, #tpu.memory_space<vmem>>, vector<1x3136x32xf32>
    %swap3A_28 = vector.shape_cast %swap3A_27 : vector<1x3136x32xf32> to vector<3136x32xf32>
    %swap3A_29 = vector.shape_cast %slice3A : vector<3136x32xf32> to vector<1x3136x32xf32>
    tpu.vector_store %arg5[%swap3A, %swap3A_25, %swap3A_26], %swap3A_29 {strides = array<i32>} : memref<2x3136x32xf32, #tpu.memory_space<vmem>>, vector<1x3136x32xf32>,
    %slice3A_30 = vector.extract_strided_slice %mul3A_24 {offsets = [0, 32], sizes = [3136, 32], strides = [1, 1]} : vector<3136x64xf32> to vector<3136x32xf32>
    %swap3A_31 = arith.constant 1 : index
    %swap3A_32 = arith.constant 0 : index
    %swap3A_33 = arith.constant 0 : index
    %swap3A_34 = vector.load %arg5[%swap3A_31, %swap3A_32, %swap3A_33] : memref<2x3136x32xf32, #tpu.memory_space<vmem>>, vector<1x3136x32xf32>
    %swap3A_35 = vector.shape_cast %swap3A_34 : vector<1x3136x32xf32> to vector<3136x32xf32>
    %swap3A_36 = vector.shape_cast %slice3A_30 : vector<3136x32xf32> to vector<1x3136x32xf32>
    tpu.vector_store %arg5[%swap3A_31, %swap3A_32, %swap3A_33], %swap3A_36 {strides = array<i32>} : memref<2x3136x32xf32, #tpu.memory_space<vmem>>, vector<1x3136x32xf32>,
    return
  }
  func.func @transform_0(%arg0: i32) -> (i32, i32, i32) {
    %c0_i32 = arith.constant 0 : i32
    %c0_i32_0 = arith.constant 0 : i32
    %c0_i32_1 = arith.constant 0 : i32
    return %c0_i32, %arg0, %c0_i32_0 : i32, i32, i32
  }
  func.func @transform_1(%arg0: i32) -> (i32, i32) {
    %c0_i32 = arith.constant 0 : i32
    %c0_i32_0 = arith.constant 0 : i32
    return %arg0, %c0_i32 : i32, i32
  }
  func.func @transform_2(%arg0: i32) -> (i32, i32) {
    %c0_i32 = arith.constant 0 : i32
    %c0_i32_0 = arith.constant 0 : i32
    %c0_i32_1 = arith.constant 0 : i32
    return %c0_i32, %c0_i32_0 : i32, i32
  }
  func.func @transform_3(%arg0: i32) -> (i32, i32) {
    %c0_i32 = arith.constant 0 : i32
    %c0_i32_0 = arith.constant 0 : i32
    %c0_i32_1 = arith.constant 0 : i32
    return %c0_i32, %c0_i32_0 : i32, i32
  }
  func.func @transform_4(%arg0: i32) -> (i32, i32, i32) {
    %c0_i32 = arith.constant 0 : i32
    %c0_i32_0 = arith.constant 0 : i32
    %c0_i32_1 = arith.constant 0 : i32
    return %c0_i32, %arg0, %c0_i32_0 : i32, i32, i32
  }
}

module attributes {stable_mosaic.version = 14 : i64} {
  func.func @_tc3_body(%arg0: i32, %arg1: memref<2x2000x32xf32, #tpu.memory_space<vmem>>, %arg2: memref<2000x1xf32, #tpu.memory_space<vmem>>, %arg3: memref<1x32xf32, #tpu.memory_space<vmem>>, %arg4: memref<1x32xf32, #tpu.memory_space<vmem>>, %arg5: memref<2000x32xf32, #tpu.memory_space<vmem>>, %arg6: memref<2000x32xf32, #tpu.memory_space<vmem>>) attributes {dimension_semantics = [#tpu.dimension_semantics<arbitrary>], iteration_bounds = array<i64: 25>, scalar_prefetch = 0 : i64, scratch_operands = 0 : i64, tpu.core_type = #tpu.core_type<tc>, window_params = [{transform_indices = @transform_0, window_bounds = array<i64: 2, 2000, 32>}, {transform_indices = @transform_1, window_bounds = array<i64: 2000, 1>}, {pipeline_mode = #tpu.pipeline_mode<synchronous>, transform_indices = @transform_2, window_bounds = array<i64: 1, 32>}, {pipeline_mode = #tpu.pipeline_mode<synchronous>, transform_indices = @transform_3, window_bounds = array<i64: 1, 32>}, {transform_indices = @transform_4, window_bounds = array<i64: 2000, 32>}, {transform_indices = @transform_5, window_bounds = array<i64: 2000, 32>}]} {
    %get3A = arith.constant 0 : index
    %get3A_0 = arith.constant 0 : index
    %get3A_1 = vector.load %arg2[%get3A, %get3A_0] : memref<2000x1xf32, #tpu.memory_space<vmem>>, vector<2000x1xf32>
    %get3A_2 = arith.constant 0 : index
    %get3A_3 = arith.constant 0 : index
    %get3A_4 = arith.constant 0 : index
    %get3A_5 = vector.load %arg1[%get3A_2, %get3A_3, %get3A_4] : memref<2x2000x32xf32, #tpu.memory_space<vmem>>, vector<1x2000x32xf32>
    %get3A_6 = vector.shape_cast %get3A_5 : vector<1x2000x32xf32> to vector<2000x32xf32>
    %mul3A = vector.broadcast %get3A_1 : vector<2000x1xf32> to vector<2000x32xf32>
    %mul3A_7 = arith.mulf %get3A_6, %mul3A : vector<2000x32xf32>
    %get3A_8 = arith.constant 0 : index
    %get3A_9 = arith.constant 0 : index
    %get3A_10 = vector.load %arg3[%get3A_8, %get3A_9] : memref<1x32xf32, #tpu.memory_space<vmem>>, vector<1x32xf32>
    %add3A = vector.broadcast %get3A_10 : vector<1x32xf32> to vector<2000x32xf32>
    %add3A_11 = arith.addf %mul3A_7, %add3A : vector<2000x32xf32>
    %get3A_12 = arith.constant 1 : index
    %get3A_13 = arith.constant 0 : index
    %get3A_14 = arith.constant 0 : index
    %get3A_15 = vector.load %arg1[%get3A_12, %get3A_13, %get3A_14] : memref<2x2000x32xf32, #tpu.memory_space<vmem>>, vector<1x2000x32xf32>
    %get3A_16 = vector.shape_cast %get3A_15 : vector<1x2000x32xf32> to vector<2000x32xf32>
    %mul3A_17 = vector.broadcast %get3A_1 : vector<2000x1xf32> to vector<2000x32xf32>
    %mul3A_18 = arith.mulf %get3A_16, %mul3A_17 : vector<2000x32xf32>
    %get3A_19 = arith.constant 0 : index
    %get3A_20 = arith.constant 0 : index
    %get3A_21 = vector.load %arg4[%get3A_19, %get3A_20] : memref<1x32xf32, #tpu.memory_space<vmem>>, vector<1x32xf32>
    %add3A_22 = vector.broadcast %get3A_21 : vector<1x32xf32> to vector<2000x32xf32>
    %add3A_23 = arith.addf %mul3A_18, %add3A_22 : vector<2000x32xf32>
    %get3A_24 = arith.constant 0 : index
    %get3A_25 = arith.constant 0 : index
    %get3A_26 = vector.load %arg5[%get3A_24, %get3A_25] : memref<2000x32xf32, #tpu.memory_space<vmem>>, vector<2000x32xf32>
    %exp3A = math.exp %add3A_23 : vector<2000x32xf32>
    %mul3A_27 = arith.mulf %get3A_26, %exp3A : vector<2000x32xf32>
    %add3A_28 = arith.addf %add3A_11, %mul3A_27 : vector<2000x32xf32>
    %swap3A = arith.constant 0 : index
    %swap3A_29 = arith.constant 0 : index
    %swap3A_30 = vector.load %arg6[%swap3A, %swap3A_29] : memref<2000x32xf32, #tpu.memory_space<vmem>>, vector<2000x32xf32>
    tpu.vector_store %arg6[%swap3A, %swap3A_29], %add3A_28 {strides = array<i32>} : memref<2000x32xf32, #tpu.memory_space<vmem>>, vector<2000x32xf32>,
    return
  }
  func.func @transform_0(%arg0: i32) -> (i32, i32, i32) {
    %c0_i32 = arith.constant 0 : i32
    %c0_i32_0 = arith.constant 0 : i32
    %c0_i32_1 = arith.constant 0 : i32
    return %c0_i32, %arg0, %c0_i32_0 : i32, i32, i32
  }
  func.func @transform_1(%arg0: i32) -> (i32, i32) {
    %c0_i32 = arith.constant 0 : i32
    %c0_i32_0 = arith.constant 0 : i32
    return %arg0, %c0_i32 : i32, i32
  }
  func.func @transform_2(%arg0: i32) -> (i32, i32) {
    %c0_i32 = arith.constant 0 : i32
    %c0_i32_0 = arith.constant 0 : i32
    %c0_i32_1 = arith.constant 0 : i32
    return %c0_i32, %c0_i32_0 : i32, i32
  }
  func.func @transform_3(%arg0: i32) -> (i32, i32) {
    %c0_i32 = arith.constant 0 : i32
    %c0_i32_0 = arith.constant 0 : i32
    %c0_i32_1 = arith.constant 0 : i32
    return %c0_i32, %c0_i32_0 : i32, i32
  }
  func.func @transform_4(%arg0: i32) -> (i32, i32) {
    %c0_i32 = arith.constant 0 : i32
    %c0_i32_0 = arith.constant 0 : i32
    return %arg0, %c0_i32 : i32, i32
  }
  func.func @transform_5(%arg0: i32) -> (i32, i32) {
    %c0_i32 = arith.constant 0 : i32
    %c0_i32_0 = arith.constant 0 : i32
    return %arg0, %c0_i32 : i32, i32
  }
}

</mosaic_0001>

<sc_bundles>
// kernel: kernel.11.cloned.1.call-start
scs
__scs_entry_jumppad:
0x0: {  	(pc) =	sbr.rel $0x88, $3  }
0x1: {  	(tag) =	ssettag $0x0;
	lr =	simm.s32 $0x1  }
0x2: {  	[smem:$0x3F97] =	sst lr;
	_ =	strace $0xD0000000  }
0x3: {  	_ = 	snop  }
0x4: {  	_ = 	snop  }
0x5: {  	_ = 	snop  }
0x6: {  	_ = 	snop  }
0x7: {  	_ = 	snop  }
__scs_overlays_trampoline_lowered:
0x8: {  	[smem:$0x3FA6] =	sst s0  }
0x9: {  	[smem:$0x3FA7] =	sst s1  }
0xa: {  	[smem:$0x3FA8] =	sst s2  }
0xb: {  	[smem:$0x3FA9] =	sst s3  }
0xc: {  	[smem:$0x3FAA] =	sst s4  }
0xd: {  	[smem:$0x3FAB] =	sst s5  }
0xe: {  	[smem:$0x3FAC] =	sst s6  }
0xf: {  	[smem:$0x3FAD] =	sst s7  }
0x10: {  	[smem:$0x3FAE] =	sst s8  }
0x11: {  	[smem:$0x3FAF] =	sst s9;
	s0 =	simm.s32 @!p0 $0x0  }
0x12: {  	s1 =	sld [smem:$0x3F95];
	s0 =	simm.s32 @p0 $0x1  }
0x13: {  	[smem:$0x3FB0] =	sst s0;
	s0 =	simm.s32 @!p1 $0x0  }
0x14: {  	s2 =	sld [smem:$0x3F94];
	s0 =	simm.s32 @p1 $0x1  }
0x15: {  	[smem:$0x3FB1] =	sst s0;
	s0 =	simm.s32 @!p2 $0x0  }
0x16: {  	s3 =	sld [smem:$0x3FDB];
	s0 =	simm.s32 @p2 $0x1  }
0x17: {  	s4 =	simm.s32 $0x1BF5;
	[smem:$0x3FB3] =	sst s0  }
0x18: {  	s0 =	sld [smem:$0x3F96];
	_ =	swait.ge [sflag:s4], $0x0  }
0x19: {  	s7 =	sld [smem:$0x3F97]  }
0x1a: {  	s8 =	sadd.s32 $0xFFFFE003, lr  }
0x1b: {  	s9 =	sadd.s32 $0xFFFFFEF7, lr;
	s5 =	simm.s32 $0xFFFFFFFF;
	p2 =	slt.u32 s8, $0xFFFFF086  }
0x1c: {  	p1 =	slt.u32 s9, $0xF7A;
	s5 =	simm.s32 @!p2 $0x0  }
0x1d: {  	s5 =	simm.s32 @p1 $0x1;
	p0 =	seq.s32 s7, s2  }
0x1e: {  	s7 =	smul.u32 @!p0 $0xF7A, s2;
	p2 =	seq.s32 @!p0 s5, $0x0  }
0x1f: {  	s9 =	smul.u32 $0xF7A, s1;
	s8 =	simm.s32 @!p0 $0x1BF5;
	p2 =	por !p2, p0  }
0x20: {  	[sflag:s8] =	ssyncset.s32 @!p0 $0xFFFFF086;
	s6 =	sadd.s32 @!p0 s3, s7;
	s7 =	simm.s32 @!p0 $0x108  }
0x21: {  	s3 =	sadd.s32 s3, s9;
	s6 =	sadd.s32 @!p0 $0x88, s6;
	s7 =	simm.s32 @p2 $0x1082  }
0x22: {  	[simem:s7], [sflag:s8] =	dma.local @!p0 [hbm:s6], $0xF7A  }
0x23: {  	s9 =	sor.u32 $0xD0000000, s2;
	s6 =	simm.s32 $0x108;
	_ =	swait.ge @!p0 [sflag:s8], $0x0  }
0x24: {  	s3 =	sadd.s32 $0x88, s3;
	s6 =	simm.s32 @!p1 $0x1082;
	[sflag:s4] =	ssyncset.s32 $0xFFFFF086  }
0x25: {  	[simem:s6], [sflag:s4] =	dma.local [hbm:s3], $0xF7A  }
0x26: {  	[smem:$0x3F97] =	sst s1;
	(tag) =	ssettag s2;
	_ =	strace s9  }
0x27: {  	s1 =	sld [smem:$0x3FA7]  }
0x28: {  	s2 =	sld [smem:$0x3FA8]  }
0x29: {  	s4 =	sld [smem:$0x3FAA]  }
0x2a: {  	p0 =	seq.s32 s5, $0x0;
	s5 =	sld [smem:$0x3FAB]  }
0x2b: {  	s6 =	sld [smem:$0x3FAC]  }
0x2c: {  	s7 =	sld [smem:$0x3FAD]  }
0x2d: {  	s3 =	simm.s32 $0x108;
	s8 =	sld [smem:$0x3FAE]  }
0x2e: {  	s3 =	simm.s32 @!p0 $0x1082;
	s9 =	sld [smem:$0x3FAF]  }
0x2f: {  	lr =	sadd.s32 s0, s3;
	s0 =	sld [smem:$0x3FA6]  }
0x30: {  	s3 =	sld [smem:$0x3FA9]  }
0x31: {  	[smem:$0x3FB2] =	sst s10  }
0x32: {  	s10 =	sld [smem:$0x3FB0];
	_ =	sdelay $0x3  }
0x33: {  	p0 =	seq.s32 s10, $0x1;
	s10 =	sld [smem:$0x3FB2];
	_ =	sdelay $0x3  }
0x34: {  	[smem:$0x3FB2] =	sst s10  }
0x35: {  	s10 =	sld [smem:$0x3FB1];
	_ =	sdelay $0x3  }
0x36: {  	p1 =	seq.s32 s10, $0x1;
	s10 =	sld [smem:$0x3FB2];
	_ =	sdelay $0x3  }
0x37: {  	[smem:$0x3FB2] =	sst s10  }
0x38: {  	s10 =	sld [smem:$0x3FB3]  }
0x39: {  	_ = 	snop;
	(pc) =	sbr.ind lr, $3  }
0x3a: {  	_ = 	snop  }
0x3b: {  	_ = 	snop  }
0x3c: {  	p2 =	seq.s32 s10, $0x1;
	s10 =	sld [smem:$0x3FB2]  }
0x3d: {  	_ =	shalt  }
0x3e: {  	_ =	shalt  }
0x3f: {  	_ =	shalt  }
0x40: {  	_ =	shalt  }
0x41: {  	_ =	shalt  }
0x42: {  	_ =	shalt  }
0x43: {  	_ =	shalt  }
0x44: {  	_ =	shalt  }
0x45: {  	_ =	shalt  }
0x46: {  	_ =	shalt  }
0x47: {  	_ =	shalt  }
0x48: {  	_ =	shalt  }
0x49: {  	_ =	shalt  }
0x4a: {  	_ =	shalt  }
0x4b: {  	_ =	shalt  }
0x4c: {  	_ =	shalt  }
0x4d: {  	_ =	shalt  }
0x4e: {  	_ =	shalt  }
0x4f: {  	_ =	shalt  }
0x50: {  	_ =	shalt  }
0x51: {  	_ =	shalt  }
0x52: {  	_ =	shalt  }
0x53: {  	_ =	shalt  }
0x54: {  	_ =	shalt  }
0x55: {  	_ =	shalt  }
0x56: {  	_ =	shalt  }
0x57: {  	_ =	shalt  }
0x58: {  	_ =	shalt  }
0x59: {  	_ =	shalt  }
0x5a: {  	_ =	shalt  }
0x5b: {  	_ =	shalt  }
0x5c: {  	_ =	shalt  }
0x5d: {  	_ =	shalt  }
0x5e: {  	_ =	shalt  }
0x5f: {  	_ =	shalt  }
0x60: {  	_ =	shalt  }
0x61: {  	_ =	shalt  }
0x62: {  	_ =	shalt  }
0x63: {  	_ =	shalt  }
0x64: {  	_ =	shalt  }
0x65: {  	_ =	shalt  }
0x66: {  	_ =	shalt  }
0x67: {  	_ =	shalt  }
0x68: {  	_ =	shalt  }
0x69: {  	_ =	shalt  }
0x6a: {  	_ =	shalt  }
0x6b: {  	_ =	shalt  }
0x6c: {  	_ =	shalt  }
0x6d: {  	_ =	shalt  }
0x6e: {  	_ =	shalt  }
0x6f: {  	_ =	shalt  }
0x70: {  	_ =	shalt  }
0x71: {  	_ =	shalt  }
0x72: {  	_ =	shalt  }
0x73: {  	_ =	shalt  }
0x74: {  	_ =	shalt  }
0x75: {  	_ =	shalt  }
0x76: {  	_ =	shalt  }
0x77: {  	_ =	shalt  }
0x78: {  	_ =	shalt  }
0x79: {  	_ =	shalt  }
0x7a: {  	_ =	shalt  }
0x7b: {  	_ =	shalt  }
0x7c: {  	_ =	shalt  }
0x7d: {  	_ =	shalt  }
0x7e: {  	_ =	shalt  }
0x7f: {  	_ =	shalt  }
0x80: {  	_ =	shalt  }
0x81: {  	_ =	shalt  }
0x82: {  	_ =	shalt  }
0x83: {  	_ =	shalt  }
0x84: {  	_ =	shalt  }
0x85: {  	_ =	shalt  }
0x86: {  	_ =	shalt  }
0x87: {  	_ =	shalt  }
.Lfunc_end0:
.L_simem_size_0:
called_computation.1_lowered:
.L_overlay_start_0:
0x88: {  	s2 =	sld [smem:$0x3FD9]  }
0x89: {  	s3 =	sld [smem:$0x3FFE];
	_ =	sdelay $0x1  }
0x8a: {  	s1 =	srdreg.scid  }
0x8b: {  	s0 =	sand.u32 $0x1, s1  }
0x8c: {  	s16 =	sshll.u32 s0, $0xA;
	s2 =	sadd.s32 s3, s2  }
0x8d: {  	s2 =	sadd.s32 s2, s16  }
0x8e: {  	[smem:$0x3FBE] =	sst s2  }
0x8f: {  	_ = 	snop  }
0x90: {  	(tm) =	ssettm $0x1  }
0x91: {  	s17 =	sld [smem:$0x3FFB];
	_ =	sdelay $0x3  }
0x92: {  	_ =	strace s17  }
0x93: {  	s2 =	sld [smem:$0x3FFC];
	_ =	sdelay $0x3  }
0x94: {  	_ =	strace s2  }
0x95: {  	s2 =	sld [smem:$0x3FFD];
	_ =	sdelay $0x3  }
0x96: {  	_ =	strace s2  }
0x97: {  	_ =	strace $0x8FFFFFFF  }
0x98: {  	s18 =	sld [smem:$0x3FDB];
	_ =	sdelay $0x1  }
0x99: {  	s19 =	simm.s32 $_scs_section_size  }
0x9a: {  	s4 =	simm.s32 $_size__tile_overlayer_lowered;
	s5 =	simm.s32 $_tile_overlayer_lowered  }
0x9b: {  	s22 =	simm.s32 $0x1BFF;
	s21 =	sshll.u32 s5, $0x1;
	s2 =	sadd.s32 s19, s18  }
0x9c: {  	s6 =	simm.s32 $0x0;
	s20 =	sshll.u32 s4, $0x1;
	s4 =	sadd.s32 s21, s2  }
0x9d: {  	[timem:s6], [sflag:s22] =	dma.local [hbm:s4], s20  }
0x9e: {  	_ =	swait.ge [sflag:s22], s20  }
0x9f: {  	s3 =	ssub.s32 $0x0, s20;
	[sflag:s22] =	ssyncset.done $0x0  }
0xa0: {  	[sflag:s22] =	ssyncadd.s32 s3;
	_ =	sdelay $0x1  }
0xa1: {  	s23 =	simm.s32 $0x1B8B  }
0xa2: {  	_ =	swait.ge [sflag:s23], $0x1  }
0xa3: {  	[sflag:s23] =	ssyncset.done $0x0  }
0xa4: {  	s25 =	simm.s32 $0x1B8E;
	s24 =	sld [smem:$0x3FFE];
	[sflag:s23] =	ssyncadd.s32 $0xFFFFFFFF  }
0xa5: {  	s26 =	simm.s32 $execute0_lowered;
	[smem:$0x3FD2] =	sst s25  }
0xa6: {  	s4 =	sshll.u32 s26, $0x1;
	_ =	strace $0x80000049;
	[dreg:$0x1] =	wrdreg $0xFFFFFFFF  }
0xa7: {  	s28 =	simm.s32 $_size_execute0_lowered;
	s2 =	sadd.s32 s2, s4;
	[dreg:$0x0] =	wrdreg $0x0  }
0xa8: {  	s4 =	sshll.u32 s28, $0x1;
	[dreg:$0x2] =	wrdreg s2  }
0xa9: {  	[dreg:$0x3] =	wrdreg s4  }
0xaa: {  	[dreg:$0x4] =	wrdreg $0xC0  }
0xab: {  	_ =	task [dreg:s6], $0x5FFFF  }
0xac: {  	[dreg:$0x1] =	wrdreg $0xFFFFFFFF  }
0xad: {  	[dreg:$0x0] =	wrdreg $0x60  }
0xae: {  	[dreg:$0x2] =	wrdreg s24  }
0xaf: {  	[dreg:$0x3] =	wrdreg $0x6C000  }
0xb0: {  	[dreg:$0x4] =	wrdreg $0x9  }
0xb1: {  	_ =	task.clear_ibuf [dreg:s6], $0x5FFFF;
	_ =	strace $0x90000049  }
0xb2: {  	s29 =	simm.s32 $0x9;
	_ =	strace $0x8000004B  }
0xb3: {  	_ =	swait.ge [sflag:s29], $0x1  }
0xb4: {  	[sflag:s29] =	ssyncadd.s32 $0xFFFFFFFF  }
0xb5: {  	_ =	strace $0x9000004B  }
0xb6: {  	_ =	sfence  }
0xb7: {  	s30 =	sld [smem:$0x0];
	_ =	sdelay $0x2  }
0xb8: {  	s31 =	sshll.u32 s1, $0xD;
	s1 =	sshrl.u32 s1, $0x2  }
0xb9: {  	s3 =	sand.u32 $0x4000, s31;
	s1 =	sadd.s32 s1, s30  }
0xba: {  	s0 =	sor.u32 s3, s0;
	s1 =	sshll.u32 s1, $0x11  }
0xbb: {  	s0 =	sor.u32 s1, s0  }
0xbc: {  	s0 =	sadd.s32 $0x8F2B, s0  }
0xbd: {  	[sflag:s0] =	ssyncadd.remote.s32 $0x1  }
0xbe: {  	_ =	sfence.sel $0xFFFF  }
0xbf: {  	[dreg:$0x0] =	wrdreg $0xFFFFFFFF;
	(pc) =	sbr.abs _section_cstart, $3  }
0xc0: {  	[dreg:$0x1] =	wrdreg $0xFFFFFFFF  }
0xc1: {  	_ =	task.clear_ibuf [dreg:s6], $0x2FFFF;
	_ =	strace $0x9FFFFFFF  }
0xc2: {  	(tm) =	ssettm $0x7FFFFFFF  }
0xc3: {  	_ =	shalt  }
tec
execute0_lowered:
.L_overlay_start_1:
0x0: {  	(tag) =	ssettag $0x1  }
0x1: {  	s0 =	rddreg [dreg:$0x0];
	s11 =	stileid.u32  }
0x2: {  	s1 =	rddreg [dreg:$0x1];
	s7 =	smul.u32 $0x1880, s11  }
0x3: {  	s2 =	srdreg.scid;
	s3 =	simm.s32 $0x0;
	s8 =	smul.u32 $0xC400, s11  }
0x4: {  	s20 =	simm.s32 $0x6;
	s21 =	simm.s32 $0x80;
	s14 =	smul.u32 $0x188, s11  }
0x5: {  	s2 =	sand.u32 $0x1, s2;
	[smem:$0x7FF] =	sst s3;
	s12 =	smul.u32 $0x18800, s11  }
0x6: {  	s4 =	sadd.s32 $0x2800, s0;
	s11 =	sshll.u32 s11, $0x6;
	s5 =	smul.u32 $0x31000, s2  }
0x7: {  	s2 =	ssub.s32 $0x2, s2;
	_ =	strace $0x8000004A;
	s13 =	sor.u32 $0x1C08, s11  }
0x8: {  	s6 =	sshrl.u32 s2, $0x1;
	s29 =	sadd.s32 s4, s7;
	s8 =	sshrl.u32 s8, $0x3  }
0x9: {  	s31 =	sshrl.u32 s12, $0x3;
	s16 =	sadd.s32 s12, s1;
	s14 =	sadd.s32 $0x1C, s14  }
0xa: {  	s15 =	sadd.s32 s5, s0;
	s2 =	ssub.s32 s2, s6;
	[dreg:$0x3] =	wrdreg s29  }
.Ltmp0:
0xb: {  	s6 =	sadd.s32 $0x1B000, s0;
	s30 =	sadd.s32 $0xE0, s8;
	(pc) =	sbr.rel .LBB2_1-.Ltmp0, $4  }
0xc: {  	s19 =	sshrl.u32 s16, $0x3;
	s0 =	simm.s32 $0x8;
	s16 =	simm.s32 $0x0  }
0xd: {  	s7 =	sadd.s32 s7, s6;
	s8 =	sadd.s32 s4, s30;
	s9 =	sadd.s32 s30, s6  }
0xe: {  	s10 =	sadd.s32 $0x33800, s15;
	s17 =	sadd.s32 $0x95800, s15;
	s15 =	smax.u32 s2, $0x1  }
0xf: {  	s2 =	simm.s32 $0x9;
	s12 =	sadd.s32 s31, s10;
	s24 =	sadd.s32 s31, s17  }
.LBB2_7:
0x10: {  	s16 =	sadd.s32 $0x1, s16  }
0x11: {  	p0 =	sne.s32 s16, s15  }
.Ltmp1:
0x12: {  	[bflag:$0x0] =	sbarrier.arrive $0xFFFF;
	s5 =	sor.u32 $0x1C09, s11;
	(pc) =	sbr.rel @!p0 .LBB2_8-.Ltmp1, $4  }
0x13: {  	[hbm:s24], [sflag:s5] =	dma.local [spmem:s19], $0x3100  }
0x14: {  	_ =	swait.ge [sflag:s2], $0x3100  }
0x15: {  	[sflag:s2] =	ssyncset.done $0x0  }
0x16: {  	[sflag:s2] =	ssyncadd.s32 $0xFFFFCF00  }
.LBB2_1:
0x17: {  	s5 =	rddreg [dreg:$0x3]  }
0x18: {  	[tilespmem:s3], [sflag:$0x6] =	stream.linear.gather [hbm4b:s5+s3], $0x700, $0x38;
	[tilespmem:$0x1F400] =	vst v63  }
0x19: {  	s17 =	simm.s32 $0xE00  }
0x1a: {  	[tilespmem:s17], [sflag:$0x6] =	stream.linear.gather [hbm4b:s7+s3], $0x700, $0x38;
	[tilespmem:$0x1F400] =	vst v63  }
0x1b: {  	s18 =	simm.s32 $0x700  }
0x1c: {  	[tilespmem:s18], [sflag:$0x7] =	stream.linear.gather [hbm4b:s8+s3], $0x700, $0x38;
	[tilespmem:$0x1F400] =	vst v63  }
0x1d: {  	s22 =	simm.s32 $0x1500  }
0x1e: {  	[tilespmem:s22], [sflag:$0x7] =	stream.linear.gather [hbm4b:s9+s3], $0x700, $0x38;
	[tilespmem:$0x1F400] =	vst v63  }
0x1f: {  	[spmem:s19], [sflag:s13] =	dma.local [hbm:s12], $0x3100  }
0x20: {  	_ =	swait.ge [sflag:s20], $0x700  }
0x21: {  	[sflag:s20] =	ssyncset.done $0x0  }
0x22: {  	[sflag:s20] =	ssyncadd.s32 $0xFFFFF900  }
0x23: {  	_ =	swait.ge [sflag:s20], $0x700  }
0x24: {  	[sflag:s20] =	ssyncset.done $0x0  }
0x25: {  	s23 =	simm.s32 $0x1C00;
	[sflag:s20] =	ssyncadd.s32 $0xFFFFF900  }
0x26: {  	[tilespmem:s23], [sflag:$0x1] =	stream.indirect.gather [hbm4b:s10+s21], $0x20, s3, s21, $0xb8;
	[tilespmem:$0x1F400] =	vst v63  }
0x27: {  	s25 =	simm.s32 $0x2C00  }
0x28: {  	[tilespmem:s25], [sflag:$0x2] =	stream.indirect.gather [hbm4b:s10+s21], $0x20, s21, s21, $0xb8;
	[tilespmem:$0x1F400] =	vst v63  }
0x29: {  	s26 =	simm.s32 $0x100;
	s17 =	simm.s32 $0x3C00  }
0x2a: {  	[tilespmem:s17], [sflag:$0x3] =	stream.indirect.gather [hbm4b:s10+s21], $0x20, s26, s21, $0xb8;
	[tilespmem:$0x1F400] =	vst v63  }
0x2b: {  	s28 =	simm.s32 $0x180;
	s29 =	simm.s32 $0x4C00  }
0x2c: {  	[tilespmem:s29], [sflag:$0x4] =	stream.indirect.gather [hbm4b:s10+s21], $0x20, s28, s21, $0xb8;
	[tilespmem:$0x1F400] =	vst v63  }
0x2d: {  	s30 =	simm.s32 $0x200;
	s31 =	simm.s32 $0x5C00  }
0x2e: {  	[tilespmem:s31], [sflag:$0x5] =	stream.indirect.gather [hbm4b:s10+s21], $0x20, s30, s21, $0xb8;
	[tilespmem:$0x1F400] =	vst v63  }
.Ltmp2:
0x2f: {  	_ =	swait.ge [sflag:s0], $0x3100;
	(pc) =	sbr.rel .LBB2_2-.Ltmp2, $4  }
0x30: {  	[sflag:s0] =	ssyncset.done $0x0  }
0x31: {  	[sflag:s0] =	ssyncadd.s32 $0xFFFFCF00  }
0x32: {  	[bflag:$0x0] =	sbarrier.arrive $0xFFFF  }
0x33: {  	s17 =	simm.s32 $0x0  }
.LBB2_5:
0x34: {  	p0 =	sgt.u32 s17, $0x16B  }
0x35: {  	s5 =	sand.u32 @!p0 $0xFFFF, s26  }
0x36: {  	p1 =	sne.s32 @!p0 s5, $0xD  }
0x37: {  	p0 =	por p1, p0  }
0x38: {  	s5 =	smul.u32 @!p0 $0xE, s22;
	_ =	sdelay $0x1  }
0x39: {  	s5 =	sadd.s32 @!p0 s5, s14  }
0x3a: {  	s5 =	sshll.u32 @!p0 s5, $0x4  }
0x3b: {  	s18 =	sor.u32 @!p0 $0x6, s18;
	s26 =	simm.s32 @!p0 $0x0;
	s22 =	sadd.s32 @!p0 s4, s5  }
0x3c: {  	[tilespmem:s23], [sflag:s18] =	stream.linear.gather @!p0 [hbm4b:s22+s26], $0x700, $0x38;
	[tilespmem:$0x1F400] =	vst v63  }
0x3d: {  	s5 =	sadd.s32 @!p0 s6, s5  }
0x3e: {  	[tilespmem:s25], [sflag:s18] =	stream.linear.gather @!p0 [hbm4b:s5+s26], $0x700, $0x38;
	[tilespmem:$0x1F400] =	vst v63  }
.LBB2_6:
0x3f: {  	s17 =	sadd.s32 $0x1, s17  }
0x40: {  	p0 =	sne.s32 s17, $0x188  }
.Ltmp3:
0x41: {  	_ = 	snop;
	(pc) =	sbr.rel @!p0 .LBB2_7-.Ltmp3, $1  }
0x42: {  	_ =	sdelay $0x3  }
.LBB2_2:
0x43: {  	s18 =	sand.u32 $0xFFFE, s17;
	s22 =	smul.u32 $0xCCCD, s17  }
0x44: {  	s18 =	sshrl.u32 s18, $0x1  }
0x45: {  	s18 =	smul.u32 $0x4925, s18;
	s22 =	sshrl.u32 s22, $0x12  }
0x46: {  	s23 =	smul.u32 $0x5, s22  }
0x47: {  	s22 =	sshrl.u32 s18, $0x11  }
0x48: {  	s25 =	smul.u32 $0xE, s22;
	s23 =	ssub.s32 s17, s23;
	s18 =	sand.u32 $0x1, s22  }
0x49: {  	p0 =	sgt.u32 s17, $0x182;
	s29 =	sand.u32 $0xFFFF, s23;
	s23 =	smul.u32 $0x700, s18  }
0x4a: {  	s26 =	ssub.s32 s17, s25;
	s28 =	sadd.s32 $0x1, s29;
	s29 =	sshll.u32 s29, $0xC  }
0x4b: {  	_ =	swait.ge [sflag:s28], $0x1000;
	s30 =	sshll.u32 s26, $0x7;
	s25 =	sadd.s32 $0xE00, s23  }
0x4c: {  	s29 =	sadd.s32 $0x1C00, s29;
	[sflag:s28] =	ssyncset.done $0x0;
	s30 =	sand.u32 $0x3F80, s30  }
.Ltmp4:
0x4d: {  	[sflag:s28] =	ssyncadd.s32 $0xFFFFF000;
	s30 =	sadd.s32 s30, s25;
	(pc) =	sbr.rel @p0 .LBB2_6-.Ltmp4, $4  }
0x4e: {  	[spmem:s1] =	stream.indirect.scatter.add.f32 [tilespmem:s29], [sflag:$0x9], $0x20, s30, s21, $0xb8;
	[tilespmem:$0x1F400] =	vst v63  }
0x4f: {  	_ =	swait.ge [sflag:s2], $0x1000  }
0x50: {  	[sflag:s2] =	ssyncset.done $0x0  }
0x51: {  	[sflag:s2] =	ssyncadd.s32 $0xFFFFF000  }
0x52: {  	s30 =	sadd.s32 $0x5, s17  }
0x53: {  	s31 =	sand.u32 $0xFFFE, s30  }
0x54: {  	s31 =	sshrl.u32 s31, $0x1  }
0x55: {  	s31 =	smul.u32 $0x4925, s31;
	_ =	sdelay $0x1  }
0x56: {  	s31 =	sshrl.u32 s31, $0x11  }
0x57: {  	s5 =	smul.u32 $0xE, s31;
	_ =	sdelay $0x1  }
0x58: {  	s31 =	sand.u32 $0x1, s31;
	s5 =	ssub.s32 s30, s5  }
0x59: {  	p0 =	seq.s32 s31, $0x1;
	s30 =	simm.s32 $0x700;
	s5 =	sshll.u32 s5, $0x7  }
0x5a: {  	s30 =	simm.s32 @!p0 $0x0;
	s5 =	sand.u32 $0x3F80, s5  }
0x5b: {  	p0 =	sgt.u32 s17, $0x179;
	s5 =	sadd.s32 s5, s30  }
0x5c: {  	[tilespmem:s29], [sflag:s28] =	stream.indirect.gather [hbm4b:s10+s21], $0x20, s5, s21, $0xb8;
	[tilespmem:$0x1F400] =	vst v63  }
0x5d: {  	s5 =	sand.u32 @!p0 $0xFFFF, s26  }
0x5e: {  	p1 =	sne.s32 @!p0 s5, $0x8  }
0x5f: {  	p0 =	por p0, p1  }
.Ltmp5:
0x60: {  	_ = 	snop;
	(pc) =	sbr.rel @p0 .LBB2_5-.Ltmp5, $1  }
0x61: {  	_ =	sdelay $0x3  }
0x62: {  	s5 =	sxor.u32 $0x1, s18  }
0x63: {  	s5 =	sor.u32 $0x6, s5  }
0x64: {  	_ =	swait.ge [sflag:s5], $0x700  }
.Ltmp6:
0x65: {  	[sflag:s5] =	ssyncset.done $0x0;
	(pc) =	sbr.rel .LBB2_6-.Ltmp6, $4  }
0x66: {  	[sflag:s5] =	ssyncadd.s32 $0xFFFFF900  }
0x67: {  	_ =	swait.ge [sflag:s5], $0x700  }
0x68: {  	[sflag:s5] =	ssyncset.done $0x0  }
0x69: {  	[sflag:s5] =	ssyncadd.s32 $0xFFFFF900  }
.LBB2_8:
0x6a: {  	_ =	sfence.sel $0x180000  }
0x6b: {  	[bflag:$0x0] =	sbarrier.arrive $0xFFFF  }
0x6c: {  	_ =	strace $0x9000004A  }
0x6d: {  	s0 =	stileid.u32;
	[bflag:$0x2] =	sbarrier.arrive $0xFFFF  }
0x6e: {  	p0 =	sne.s32 s0, $0x0;
	s0 =	rddreg [dreg:$0x2]  }
0x6f: {  	s0 =	sadd.s32 @!p0 $0x100000, s0  }
0x70: {  	[sflag:s0] =	ssyncadd.tile.s32 @!p0 $0x1;
	_ =	shalt  }
.Lfunc_end2:
_tile_overlayer_lowered:
.L_overlay_start_2:
0x71: {  	(tag) =	ssettag $0x2  }
0x72: {  	s0 =	rddreg [dreg:$0x0];
	s2 =	stileid.u32  }
0x73: {  	s1 =	rddreg [dreg:$0x1];
	p0 =	sne.s32 s2, $0x0  }
0x74: {  	s3 =	rddreg [dreg:$0x2];
	[bflag:$0x3] =	sbarrier.arrive $0xFFFF;
	s2 =	simm.s32 @!p0 $0x1C09  }
0x75: {  	[timem:s3], [sflag:s2] =	dma.local @!p0 [hbm:s0], s1  }
0x76: {  	s0 =	simm.s32 @!p0 $0x9  }
0x77: {  	_ =	swait.ge @!p0 [sflag:s0], s1  }
0x78: {  	s1 =	ssub.s32 @!p0 $0x0, s1;
	[sflag:s0] =	ssyncset.done @!p0 $0x0  }
0x79: {  	[sflag:s0] =	ssyncadd.s32 @!p0 s1  }
0x7a: {  	[bflag:$0x3] =	sbarrier.arrive $0xFFFF  }
0x7b: {  	_ =	shalt  }

// kernel: kernel.14.cloned.1.call-start
scs
__scs_entry_jumppad:
0x0: {  	(pc) =	sbr.rel $0x88, $3  }
0x1: {  	(tag) =	ssettag $0x0;
	lr =	simm.s32 $0x1  }
0x2: {  	[smem:$0x3F97] =	sst lr;
	_ =	strace $0xD0000000  }
0x3: {  	_ = 	snop  }
0x4: {  	_ = 	snop  }
0x5: {  	_ = 	snop  }
0x6: {  	_ = 	snop  }
0x7: {  	_ = 	snop  }
__scs_overlays_trampoline_lowered:
0x8: {  	[smem:$0x3FA6] =	sst s0  }
0x9: {  	[smem:$0x3FA7] =	sst s1  }
0xa: {  	[smem:$0x3FA8] =	sst s2  }
0xb: {  	[smem:$0x3FA9] =	sst s3  }
0xc: {  	[smem:$0x3FAA] =	sst s4  }
0xd: {  	[smem:$0x3FAB] =	sst s5  }
0xe: {  	[smem:$0x3FAC] =	sst s6  }
0xf: {  	[smem:$0x3FAD] =	sst s7  }
0x10: {  	[smem:$0x3FAE] =	sst s8  }
0x11: {  	[smem:$0x3FAF] =	sst s9;
	s0 =	simm.s32 @!p0 $0x0  }
0x12: {  	s1 =	sld [smem:$0x3F95];
	s0 =	simm.s32 @p0 $0x1  }
0x13: {  	[smem:$0x3FB0] =	sst s0;
	s0 =	simm.s32 @!p1 $0x0  }
0x14: {  	s2 =	sld [smem:$0x3F94];
	s0 =	simm.s32 @p1 $0x1  }
0x15: {  	[smem:$0x3FB1] =	sst s0;
	s0 =	simm.s32 @!p2 $0x0  }
0x16: {  	s3 =	sld [smem:$0x3FDB];
	s0 =	simm.s32 @p2 $0x1  }
0x17: {  	s4 =	simm.s32 $0x1BF5;
	[smem:$0x3FB3] =	sst s0  }
0x18: {  	s0 =	sld [smem:$0x3F96];
	_ =	swait.ge [sflag:s4], $0x0  }
0x19: {  	s7 =	sld [smem:$0x3F97]  }
0x1a: {  	s8 =	sadd.s32 $0xFFFFE003, lr  }
0x1b: {  	s9 =	sadd.s32 $0xFFFFFEF7, lr;
	s5 =	simm.s32 $0xFFFFFFFF;
	p2 =	slt.u32 s8, $0xFFFFF086  }
0x1c: {  	p1 =	slt.u32 s9, $0xF7A;
	s5 =	simm.s32 @!p2 $0x0  }
0x1d: {  	s5 =	simm.s32 @p1 $0x1;
	p0 =	seq.s32 s7, s2  }
0x1e: {  	s7 =	smul.u32 @!p0 $0xF7A, s2;
	p2 =	seq.s32 @!p0 s5, $0x0  }
0x1f: {  	s9 =	smul.u32 $0xF7A, s1;
	s8 =	simm.s32 @!p0 $0x1BF5;
	p2 =	por !p2, p0  }
0x20: {  	[sflag:s8] =	ssyncset.s32 @!p0 $0xFFFFF086;
	s6 =	sadd.s32 @!p0 s3, s7;
	s7 =	simm.s32 @!p0 $0x108  }
0x21: {  	s3 =	sadd.s32 s3, s9;
	s6 =	sadd.s32 @!p0 $0x88, s6;
	s7 =	simm.s32 @p2 $0x1082  }
0x22: {  	[simem:s7], [sflag:s8] =	dma.local @!p0 [hbm:s6], $0xF7A  }
0x23: {  	s9 =	sor.u32 $0xD0000000, s2;
	s6 =	simm.s32 $0x108;
	_ =	swait.ge @!p0 [sflag:s8], $0x0  }
0x24: {  	s3 =	sadd.s32 $0x88, s3;
	s6 =	simm.s32 @!p1 $0x1082;
	[sflag:s4] =	ssyncset.s32 $0xFFFFF086  }
0x25: {  	[simem:s6], [sflag:s4] =	dma.local [hbm:s3], $0xF7A  }
0x26: {  	[smem:$0x3F97] =	sst s1;
	(tag) =	ssettag s2;
	_ =	strace s9  }
0x27: {  	s1 =	sld [smem:$0x3FA7]  }
0x28: {  	s2 =	sld [smem:$0x3FA8]  }
0x29: {  	s4 =	sld [smem:$0x3FAA]  }
0x2a: {  	p0 =	seq.s32 s5, $0x0;
	s5 =	sld [smem:$0x3FAB]  }
0x2b: {  	s6 =	sld [smem:$0x3FAC]  }
0x2c: {  	s7 =	sld [smem:$0x3FAD]  }
0x2d: {  	s3 =	simm.s32 $0x108;
	s8 =	sld [smem:$0x3FAE]  }
0x2e: {  	s3 =	simm.s32 @!p0 $0x1082;
	s9 =	sld [smem:$0x3FAF]  }
0x2f: {  	lr =	sadd.s32 s0, s3;
	s0 =	sld [smem:$0x3FA6]  }
0x30: {  	s3 =	sld [smem:$0x3FA9]  }
0x31: {  	[smem:$0x3FB2] =	sst s10  }
0x32: {  	s10 =	sld [smem:$0x3FB0];
	_ =	sdelay $0x3  }
0x33: {  	p0 =	seq.s32 s10, $0x1;
	s10 =	sld [smem:$0x3FB2];
	_ =	sdelay $0x3  }
0x34: {  	[smem:$0x3FB2] =	sst s10  }
0x35: {  	s10 =	sld [smem:$0x3FB1];
	_ =	sdelay $0x3  }
0x36: {  	p1 =	seq.s32 s10, $0x1;
	s10 =	sld [smem:$0x3FB2];
	_ =	sdelay $0x3  }
0x37: {  	[smem:$0x3FB2] =	sst s10  }
0x38: {  	s10 =	sld [smem:$0x3FB3]  }
0x39: {  	_ = 	snop;
	(pc) =	sbr.ind lr, $3  }
0x3a: {  	_ = 	snop  }
0x3b: {  	_ = 	snop  }
0x3c: {  	p2 =	seq.s32 s10, $0x1;
	s10 =	sld [smem:$0x3FB2]  }
0x3d: {  	_ =	shalt  }
0x3e: {  	_ =	shalt  }
0x3f: {  	_ =	shalt  }
0x40: {  	_ =	shalt  }
0x41: {  	_ =	shalt  }
0x42: {  	_ =	shalt  }
0x43: {  	_ =	shalt  }
0x44: {  	_ =	shalt  }
0x45: {  	_ =	shalt  }
0x46: {  	_ =	shalt  }
0x47: {  	_ =	shalt  }
0x48: {  	_ =	shalt  }
0x49: {  	_ =	shalt  }
0x4a: {  	_ =	shalt  }
0x4b: {  	_ =	shalt  }
0x4c: {  	_ =	shalt  }
0x4d: {  	_ =	shalt  }
0x4e: {  	_ =	shalt  }
0x4f: {  	_ =	shalt  }
0x50: {  	_ =	shalt  }
0x51: {  	_ =	shalt  }
0x52: {  	_ =	shalt  }
0x53: {  	_ =	shalt  }
0x54: {  	_ =	shalt  }
0x55: {  	_ =	shalt  }
0x56: {  	_ =	shalt  }
0x57: {  	_ =	shalt  }
0x58: {  	_ =	shalt  }
0x59: {  	_ =	shalt  }
0x5a: {  	_ =	shalt  }
0x5b: {  	_ =	shalt  }
0x5c: {  	_ =	shalt  }
0x5d: {  	_ =	shalt  }
0x5e: {  	_ =	shalt  }
0x5f: {  	_ =	shalt  }
0x60: {  	_ =	shalt  }
0x61: {  	_ =	shalt  }
0x62: {  	_ =	shalt  }
0x63: {  	_ =	shalt  }
0x64: {  	_ =	shalt  }
0x65: {  	_ =	shalt  }
0x66: {  	_ =	shalt  }
0x67: {  	_ =	shalt  }
0x68: {  	_ =	shalt  }
0x69: {  	_ =	shalt  }
0x6a: {  	_ =	shalt  }
0x6b: {  	_ =	shalt  }
0x6c: {  	_ =	shalt  }
0x6d: {  	_ =	shalt  }
0x6e: {  	_ =	shalt  }
0x6f: {  	_ =	shalt  }
0x70: {  	_ =	shalt  }
0x71: {  	_ =	shalt  }
0x72: {  	_ =	shalt  }
0x73: {  	_ =	shalt  }
0x74: {  	_ =	shalt  }
0x75: {  	_ =	shalt  }
0x76: {  	_ =	shalt  }
0x77: {  	_ =	shalt  }
0x78: {  	_ =	shalt  }
0x79: {  	_ =	shalt  }
0x7a: {  	_ =	shalt  }
0x7b: {  	_ =	shalt  }
0x7c: {  	_ =	shalt  }
0x7d: {  	_ =	shalt  }
0x7e: {  	_ =	shalt  }
0x7f: {  	_ =	shalt  }
0x80: {  	_ =	shalt  }
0x81: {  	_ =	shalt  }
0x82: {  	_ =	shalt  }
0x83: {  	_ =	shalt  }
0x84: {  	_ =	shalt  }
0x85: {  	_ =	shalt  }
0x86: {  	_ =	shalt  }
0x87: {  	_ =	shalt  }
.Lfunc_end0:
.L_simem_size_0:
called_computation.2_lowered:
.L_overlay_start_0:
0x88: {  	s2 =	sld [smem:$0x3FD9]  }
0x89: {  	s3 =	sld [smem:$0x3FFE];
	_ =	sdelay $0x1  }
0x8a: {  	s1 =	srdreg.scid  }
0x8b: {  	s0 =	sand.u32 $0x1, s1  }
0x8c: {  	s16 =	sshll.u32 s0, $0xA;
	s2 =	sadd.s32 s3, s2  }
0x8d: {  	s2 =	sadd.s32 s2, s16  }
0x8e: {  	[smem:$0x3FBE] =	sst s2  }
0x8f: {  	_ = 	snop  }
0x90: {  	(tm) =	ssettm $0x1  }
0x91: {  	s17 =	sld [smem:$0x3FFB];
	_ =	sdelay $0x3  }
0x92: {  	_ =	strace s17  }
0x93: {  	s2 =	sld [smem:$0x3FFC];
	_ =	sdelay $0x3  }
0x94: {  	_ =	strace s2  }
0x95: {  	s2 =	sld [smem:$0x3FFD];
	_ =	sdelay $0x3  }
0x96: {  	_ =	strace s2  }
0x97: {  	_ =	strace $0x8FFFFFFF  }
0x98: {  	s18 =	sld [smem:$0x3FDB];
	_ =	sdelay $0x1  }
0x99: {  	s19 =	simm.s32 $_scs_section_size  }
0x9a: {  	s4 =	simm.s32 $_size__tile_overlayer_lowered;
	s5 =	simm.s32 $_tile_overlayer_lowered  }
0x9b: {  	s22 =	simm.s32 $0x1BFF;
	s21 =	sshll.u32 s5, $0x1;
	s2 =	sadd.s32 s19, s18  }
0x9c: {  	s6 =	simm.s32 $0x0;
	s20 =	sshll.u32 s4, $0x1;
	s4 =	sadd.s32 s21, s2  }
0x9d: {  	[timem:s6], [sflag:s22] =	dma.local [hbm:s4], s20  }
0x9e: {  	_ =	swait.ge [sflag:s22], s20  }
0x9f: {  	s3 =	ssub.s32 $0x0, s20;
	[sflag:s22] =	ssyncset.done $0x0  }
0xa0: {  	[sflag:s22] =	ssyncadd.s32 s3;
	_ =	sdelay $0x1  }
0xa1: {  	s23 =	simm.s32 $0x1B8B  }
0xa2: {  	_ =	swait.ge [sflag:s23], $0x1  }
0xa3: {  	[sflag:s23] =	ssyncset.done $0x0  }
0xa4: {  	s25 =	simm.s32 $0x1B8E;
	s24 =	sld [smem:$0x3FFE];
	[sflag:s23] =	ssyncadd.s32 $0xFFFFFFFF  }
0xa5: {  	s26 =	simm.s32 $execute0_lowered;
	[smem:$0x3FD2] =	sst s25  }
0xa6: {  	s4 =	sshll.u32 s26, $0x1;
	_ =	strace $0x8000004C;
	[dreg:$0x1] =	wrdreg $0xFFFFFFFF  }
0xa7: {  	s28 =	simm.s32 $_size_execute0_lowered;
	s2 =	sadd.s32 s2, s4;
	[dreg:$0x0] =	wrdreg $0x0  }
0xa8: {  	s4 =	sshll.u32 s28, $0x1;
	[dreg:$0x2] =	wrdreg s2  }
0xa9: {  	[dreg:$0x3] =	wrdreg s4  }
0xaa: {  	[dreg:$0x4] =	wrdreg $0xC0  }
0xab: {  	_ =	task [dreg:s6], $0x5FFFF  }
0xac: {  	[dreg:$0x1] =	wrdreg $0xFFFFFFFF  }
0xad: {  	[dreg:$0x0] =	wrdreg $0x60  }
0xae: {  	[dreg:$0x2] =	wrdreg s24  }
0xaf: {  	[dreg:$0x3] =	wrdreg $0x6C000  }
0xb0: {  	[dreg:$0x4] =	wrdreg $0x9  }
0xb1: {  	_ =	task.clear_ibuf [dreg:s6], $0x5FFFF;
	_ =	strace $0x9000004C  }
0xb2: {  	s29 =	simm.s32 $0x9;
	_ =	strace $0x8000004E  }
0xb3: {  	_ =	swait.ge [sflag:s29], $0x1  }
0xb4: {  	[sflag:s29] =	ssyncadd.s32 $0xFFFFFFFF  }
0xb5: {  	_ =	strace $0x9000004E  }
0xb6: {  	_ =	sfence  }
0xb7: {  	s30 =	sld [smem:$0x0];
	_ =	sdelay $0x2  }
0xb8: {  	s31 =	sshll.u32 s1, $0xD;
	s1 =	sshrl.u32 s1, $0x2  }
0xb9: {  	s3 =	sand.u32 $0x4000, s31;
	s1 =	sadd.s32 s1, s30  }
0xba: {  	s0 =	sor.u32 s3, s0;
	s1 =	sshll.u32 s1, $0x11  }
0xbb: {  	s0 =	sor.u32 s1, s0  }
0xbc: {  	s0 =	sadd.s32 $0x8F2B, s0  }
0xbd: {  	[sflag:s0] =	ssyncadd.remote.s32 $0x1  }
0xbe: {  	_ =	sfence.sel $0xFFFF  }
0xbf: {  	[dreg:$0x0] =	wrdreg $0xFFFFFFFF;
	(pc) =	sbr.abs _section_cstart, $3  }
0xc0: {  	[dreg:$0x1] =	wrdreg $0xFFFFFFFF  }
0xc1: {  	_ =	task.clear_ibuf [dreg:s6], $0x2FFFF;
	_ =	strace $0x9FFFFFFF  }
0xc2: {  	(tm) =	ssettm $0x7FFFFFFF  }
0xc3: {  	_ =	shalt  }
tec
execute0_lowered:
.L_overlay_start_1:
0x0: {  	(tag) =	ssettag $0x1  }
0x1: {  	s0 =	rddreg [dreg:$0x0];
	s11 =	stileid.u32  }
0x2: {  	s1 =	rddreg [dreg:$0x1];
	s7 =	smul.u32 $0x1880, s11  }
0x3: {  	s2 =	srdreg.scid;
	s3 =	simm.s32 $0x0;
	s8 =	smul.u32 $0xC400, s11  }
0x4: {  	s20 =	simm.s32 $0x6;
	s21 =	simm.s32 $0x80;
	s14 =	smul.u32 $0x188, s11  }
0x5: {  	s2 =	sand.u32 $0x1, s2;
	[smem:$0x7FF] =	sst s3;
	s12 =	smul.u32 $0x18800, s11  }
0x6: {  	s4 =	sadd.s32 $0x2800, s0;
	s11 =	sshll.u32 s11, $0x6;
	s5 =	smul.u32 $0x31000, s2  }
0x7: {  	s2 =	ssub.s32 $0x2, s2;
	_ =	strace $0x8000004D;
	s13 =	sor.u32 $0x1C08, s11  }
0x8: {  	s6 =	sshrl.u32 s2, $0x1;
	s29 =	sadd.s32 s4, s7;
	s8 =	sshrl.u32 s8, $0x3  }
0x9: {  	s31 =	sshrl.u32 s12, $0x3;
	s16 =	sadd.s32 s12, s1;
	s14 =	sadd.s32 $0x1C, s14  }
0xa: {  	s15 =	sadd.s32 s5, s0;
	s2 =	ssub.s32 s2, s6;
	[dreg:$0x3] =	wrdreg s29  }
.Ltmp0:
0xb: {  	s6 =	sadd.s32 $0x1B000, s0;
	s30 =	sadd.s32 $0xE0, s8;
	(pc) =	sbr.rel .LBB2_1-.Ltmp0, $4  }
0xc: {  	s19 =	sshrl.u32 s16, $0x3;
	s0 =	simm.s32 $0x8;
	s16 =	simm.s32 $0x0  }
0xd: {  	s7 =	sadd.s32 s7, s6;
	s8 =	sadd.s32 s4, s30;
	s9 =	sadd.s32 s30, s6  }
0xe: {  	s10 =	sadd.s32 $0x407800, s15;
	s17 =	sadd.s32 $0x33800, s15;
	s15 =	smax.u32 s2, $0x1  }
0xf: {  	s2 =	simm.s32 $0x9;
	s12 =	sadd.s32 s31, s10;
	s24 =	sadd.s32 s31, s17  }
.LBB2_7:
0x10: {  	s16 =	sadd.s32 $0x1, s16  }
0x11: {  	p0 =	sne.s32 s16, s15  }
.Ltmp1:
0x12: {  	[bflag:$0x0] =	sbarrier.arrive $0xFFFF;
	s5 =	sor.u32 $0x1C09, s11;
	(pc) =	sbr.rel @!p0 .LBB2_8-.Ltmp1, $4  }
0x13: {  	[hbm:s24], [sflag:s5] =	dma.local [spmem:s19], $0x3100  }
0x14: {  	_ =	swait.ge [sflag:s2], $0x3100  }
0x15: {  	[sflag:s2] =	ssyncset.done $0x0  }
0x16: {  	[sflag:s2] =	ssyncadd.s32 $0xFFFFCF00  }
.LBB2_1:
0x17: {  	s5 =	rddreg [dreg:$0x3]  }
0x18: {  	[tilespmem:s3], [sflag:$0x6] =	stream.linear.gather [hbm4b:s5+s3], $0x700, $0x38;
	[tilespmem:$0x1F400] =	vst v63  }
0x19: {  	s17 =	simm.s32 $0xE00  }
0x1a: {  	[tilespmem:s17], [sflag:$0x6] =	stream.linear.gather [hbm4b:s7+s3], $0x700, $0x38;
	[tilespmem:$0x1F400] =	vst v63  }
0x1b: {  	s18 =	simm.s32 $0x700  }
0x1c: {  	[tilespmem:s18], [sflag:$0x7] =	stream.linear.gather [hbm4b:s8+s3], $0x700, $0x38;
	[tilespmem:$0x1F400] =	vst v63  }
0x1d: {  	s22 =	simm.s32 $0x1500  }
0x1e: {  	[tilespmem:s22], [sflag:$0x7] =	stream.linear.gather [hbm4b:s9+s3], $0x700, $0x38;
	[tilespmem:$0x1F400] =	vst v63  }
0x1f: {  	[spmem:s19], [sflag:s13] =	dma.local [hbm:s12], $0x3100  }
0x20: {  	_ =	swait.ge [sflag:s20], $0x700  }
0x21: {  	[sflag:s20] =	ssyncset.done $0x0  }
0x22: {  	[sflag:s20] =	ssyncadd.s32 $0xFFFFF900  }
0x23: {  	_ =	swait.ge [sflag:s20], $0x700  }
0x24: {  	[sflag:s20] =	ssyncset.done $0x0  }
0x25: {  	s23 =	simm.s32 $0x1C00;
	[sflag:s20] =	ssyncadd.s32 $0xFFFFF900  }
0x26: {  	[tilespmem:s23], [sflag:$0x1] =	stream.indirect.gather [hbm4b:s10+s21], $0x20, s3, s21, $0xb8;
	[tilespmem:$0x1F400] =	vst v63  }
0x27: {  	s25 =	simm.s32 $0x2C00  }
0x28: {  	[tilespmem:s25], [sflag:$0x2] =	stream.indirect.gather [hbm4b:s10+s21], $0x20, s21, s21, $0xb8;
	[tilespmem:$0x1F400] =	vst v63  }
0x29: {  	s26 =	simm.s32 $0x100;
	s17 =	simm.s32 $0x3C00  }
0x2a: {  	[tilespmem:s17], [sflag:$0x3] =	stream.indirect.gather [hbm4b:s10+s21], $0x20, s26, s21, $0xb8;
	[tilespmem:$0x1F400] =	vst v63  }
0x2b: {  	s28 =	simm.s32 $0x180;
	s29 =	simm.s32 $0x4C00  }
0x2c: {  	[tilespmem:s29], [sflag:$0x4] =	stream.indirect.gather [hbm4b:s10+s21], $0x20, s28, s21, $0xb8;
	[tilespmem:$0x1F400] =	vst v63  }
0x2d: {  	s30 =	simm.s32 $0x200;
	s31 =	simm.s32 $0x5C00  }
0x2e: {  	[tilespmem:s31], [sflag:$0x5] =	stream.indirect.gather [hbm4b:s10+s21], $0x20, s30, s21, $0xb8;
	[tilespmem:$0x1F400] =	vst v63  }
.Ltmp2:
0x2f: {  	_ =	swait.ge [sflag:s0], $0x3100;
	(pc) =	sbr.rel .LBB2_2-.Ltmp2, $4  }
0x30: {  	[sflag:s0] =	ssyncset.done $0x0  }
0x31: {  	[sflag:s0] =	ssyncadd.s32 $0xFFFFCF00  }
0x32: {  	[bflag:$0x0] =	sbarrier.arrive $0xFFFF  }
0x33: {  	s17 =	simm.s32 $0x0  }
.LBB2_5:
0x34: {  	p0 =	sgt.u32 s17, $0x16B  }
0x35: {  	s5 =	sand.u32 @!p0 $0xFFFF, s26  }
0x36: {  	p1 =	sne.s32 @!p0 s5, $0xD  }
0x37: {  	p0 =	por p1, p0  }
0x38: {  	s5 =	smul.u32 @!p0 $0xE, s22;
	_ =	sdelay $0x1  }
0x39: {  	s5 =	sadd.s32 @!p0 s5, s14  }
0x3a: {  	s5 =	sshll.u32 @!p0 s5, $0x4  }
0x3b: {  	s18 =	sor.u32 @!p0 $0x6, s18;
	s26 =	simm.s32 @!p0 $0x0;
	s22 =	sadd.s32 @!p0 s4, s5  }
0x3c: {  	[tilespmem:s23], [sflag:s18] =	stream.linear.gather @!p0 [hbm4b:s22+s26], $0x700, $0x38;
	[tilespmem:$0x1F400] =	vst v63  }
0x3d: {  	s5 =	sadd.s32 @!p0 s6, s5  }
0x3e: {  	[tilespmem:s25], [sflag:s18] =	stream.linear.gather @!p0 [hbm4b:s5+s26], $0x700, $0x38;
	[tilespmem:$0x1F400] =	vst v63  }
.LBB2_6:
0x3f: {  	s17 =	sadd.s32 $0x1, s17  }
0x40: {  	p0 =	sne.s32 s17, $0x188  }
.Ltmp3:
0x41: {  	_ = 	snop;
	(pc) =	sbr.rel @!p0 .LBB2_7-.Ltmp3, $1  }
0x42: {  	_ =	sdelay $0x3  }
.LBB2_2:
0x43: {  	s18 =	sand.u32 $0xFFFE, s17;
	s22 =	smul.u32 $0xCCCD, s17  }
0x44: {  	s18 =	sshrl.u32 s18, $0x1  }
0x45: {  	s18 =	smul.u32 $0x4925, s18;
	s22 =	sshrl.u32 s22, $0x12  }
0x46: {  	s23 =	smul.u32 $0x5, s22  }
0x47: {  	s22 =	sshrl.u32 s18, $0x11  }
0x48: {  	s25 =	smul.u32 $0xE, s22;
	s23 =	ssub.s32 s17, s23;
	s18 =	sand.u32 $0x1, s22  }
0x49: {  	p0 =	sgt.u32 s17, $0x182;
	s29 =	sand.u32 $0xFFFF, s23;
	s23 =	smul.u32 $0x700, s18  }
0x4a: {  	s26 =	ssub.s32 s17, s25;
	s28 =	sadd.s32 $0x1, s29;
	s29 =	sshll.u32 s29, $0xC  }
0x4b: {  	_ =	swait.ge [sflag:s28], $0x1000;
	s30 =	sshll.u32 s26, $0x7;
	s25 =	sadd.s32 $0xE00, s23  }
0x4c: {  	s29 =	sadd.s32 $0x1C00, s29;
	[sflag:s28] =	ssyncset.done $0x0;
	s30 =	sand.u32 $0x3F80, s30  }
.Ltmp4:
0x4d: {  	[sflag:s28] =	ssyncadd.s32 $0xFFFFF000;
	s30 =	sadd.s32 s30, s25;
	(pc) =	sbr.rel @p0 .LBB2_6-.Ltmp4, $4  }
0x4e: {  	[spmem:s1] =	stream.indirect.scatter.add.f32 [tilespmem:s29], [sflag:$0x9], $0x20, s30, s21, $0xb8;
	[tilespmem:$0x1F400] =	vst v63  }
0x4f: {  	_ =	swait.ge [sflag:s2], $0x1000  }
0x50: {  	[sflag:s2] =	ssyncset.done $0x0  }
0x51: {  	[sflag:s2] =	ssyncadd.s32 $0xFFFFF000  }
0x52: {  	s30 =	sadd.s32 $0x5, s17  }
0x53: {  	s31 =	sand.u32 $0xFFFE, s30  }
0x54: {  	s31 =	sshrl.u32 s31, $0x1  }
0x55: {  	s31 =	smul.u32 $0x4925, s31;
	_ =	sdelay $0x1  }
0x56: {  	s31 =	sshrl.u32 s31, $0x11  }
0x57: {  	s5 =	smul.u32 $0xE, s31;
	_ =	sdelay $0x1  }
0x58: {  	s31 =	sand.u32 $0x1, s31;
	s5 =	ssub.s32 s30, s5  }
0x59: {  	p0 =	seq.s32 s31, $0x1;
	s30 =	simm.s32 $0x700;
	s5 =	sshll.u32 s5, $0x7  }
0x5a: {  	s30 =	simm.s32 @!p0 $0x0;
	s5 =	sand.u32 $0x3F80, s5  }
0x5b: {  	p0 =	sgt.u32 s17, $0x179;
	s5 =	sadd.s32 s5, s30  }
0x5c: {  	[tilespmem:s29], [sflag:s28] =	stream.indirect.gather [hbm4b:s10+s21], $0x20, s5, s21, $0xb8;
	[tilespmem:$0x1F400] =	vst v63  }
0x5d: {  	s5 =	sand.u32 @!p0 $0xFFFF, s26  }
0x5e: {  	p1 =	sne.s32 @!p0 s5, $0x8  }
0x5f: {  	p0 =	por p0, p1  }
.Ltmp5:
0x60: {  	_ = 	snop;
	(pc) =	sbr.rel @p0 .LBB2_5-.Ltmp5, $1  }
0x61: {  	_ =	sdelay $0x3  }
0x62: {  	s5 =	sxor.u32 $0x1, s18  }
0x63: {  	s5 =	sor.u32 $0x6, s5  }
0x64: {  	_ =	swait.ge [sflag:s5], $0x700  }
.Ltmp6:
0x65: {  	[sflag:s5] =	ssyncset.done $0x0;
	(pc) =	sbr.rel .LBB2_6-.Ltmp6, $4  }
0x66: {  	[sflag:s5] =	ssyncadd.s32 $0xFFFFF900  }
0x67: {  	_ =	swait.ge [sflag:s5], $0x700  }
0x68: {  	[sflag:s5] =	ssyncset.done $0x0  }
0x69: {  	[sflag:s5] =	ssyncadd.s32 $0xFFFFF900  }
.LBB2_8:
0x6a: {  	_ =	sfence.sel $0x180000  }
0x6b: {  	[bflag:$0x0] =	sbarrier.arrive $0xFFFF  }
0x6c: {  	_ =	strace $0x9000004D  }
0x6d: {  	s0 =	stileid.u32;
	[bflag:$0x2] =	sbarrier.arrive $0xFFFF  }
0x6e: {  	p0 =	sne.s32 s0, $0x0;
	s0 =	rddreg [dreg:$0x2]  }
0x6f: {  	s0 =	sadd.s32 @!p0 $0x100000, s0  }
0x70: {  	[sflag:s0] =	ssyncadd.tile.s32 @!p0 $0x1;
	_ =	shalt  }
.Lfunc_end2:
_tile_overlayer_lowered:
.L_overlay_start_2:
0x71: {  	(tag) =	ssettag $0x2  }
0x72: {  	s0 =	rddreg [dreg:$0x0];
	s2 =	stileid.u32  }
0x73: {  	s1 =	rddreg [dreg:$0x1];
	p0 =	sne.s32 s2, $0x0  }
0x74: {  	s3 =	rddreg [dreg:$0x2];
	[bflag:$0x3] =	sbarrier.arrive $0xFFFF;
	s2 =	simm.s32 @!p0 $0x1C09  }
0x75: {  	[timem:s3], [sflag:s2] =	dma.local @!p0 [hbm:s0], s1  }
0x76: {  	s0 =	simm.s32 @!p0 $0x9  }
0x77: {  	_ =	swait.ge @!p0 [sflag:s0], s1  }
0x78: {  	s1 =	ssub.s32 @!p0 $0x0, s1;
	[sflag:s0] =	ssyncset.done @!p0 $0x0  }
0x79: {  	[sflag:s0] =	ssyncadd.s32 @!p0 s1  }
0x7a: {  	[bflag:$0x3] =	sbarrier.arrive $0xFFFF  }
0x7b: {  	_ =	shalt  }

// kernel: kernel.8.cloned.1.call-start
scs
__scs_entry_jumppad:
0x0: {  	(pc) =	sbr.rel $0x88, $3  }
0x1: {  	(tag) =	ssettag $0x0;
	lr =	simm.s32 $0x1  }
0x2: {  	[smem:$0x3F97] =	sst lr;
	_ =	strace $0xD0000000  }
0x3: {  	_ = 	snop  }
0x4: {  	_ = 	snop  }
0x5: {  	_ = 	snop  }
0x6: {  	_ = 	snop  }
0x7: {  	_ = 	snop  }
__scs_overlays_trampoline_lowered:
0x8: {  	[smem:$0x3FA6] =	sst s0  }
0x9: {  	[smem:$0x3FA7] =	sst s1  }
0xa: {  	[smem:$0x3FA8] =	sst s2  }
0xb: {  	[smem:$0x3FA9] =	sst s3  }
0xc: {  	[smem:$0x3FAA] =	sst s4  }
0xd: {  	[smem:$0x3FAB] =	sst s5  }
0xe: {  	[smem:$0x3FAC] =	sst s6  }
0xf: {  	[smem:$0x3FAD] =	sst s7  }
0x10: {  	[smem:$0x3FAE] =	sst s8  }
0x11: {  	[smem:$0x3FAF] =	sst s9;
	s0 =	simm.s32 @!p0 $0x0  }
0x12: {  	s1 =	sld [smem:$0x3F95];
	s0 =	simm.s32 @p0 $0x1  }
0x13: {  	[smem:$0x3FB0] =	sst s0;
	s0 =	simm.s32 @!p1 $0x0  }
0x14: {  	s2 =	sld [smem:$0x3F94];
	s0 =	simm.s32 @p1 $0x1  }
0x15: {  	[smem:$0x3FB1] =	sst s0;
	s0 =	simm.s32 @!p2 $0x0  }
0x16: {  	s3 =	sld [smem:$0x3FDB];
	s0 =	simm.s32 @p2 $0x1  }
0x17: {  	s4 =	simm.s32 $0x1BF5;
	[smem:$0x3FB3] =	sst s0  }
0x18: {  	s0 =	sld [smem:$0x3F96];
	_ =	swait.ge [sflag:s4], $0x0  }
0x19: {  	s7 =	sld [smem:$0x3F97]  }
0x1a: {  	s8 =	sadd.s32 $0xFFFFE003, lr  }
0x1b: {  	s9 =	sadd.s32 $0xFFFFFEF7, lr;
	s5 =	simm.s32 $0xFFFFFFFF;
	p2 =	slt.u32 s8, $0xFFFFF086  }
0x1c: {  	p1 =	slt.u32 s9, $0xF7A;
	s5 =	simm.s32 @!p2 $0x0  }
0x1d: {  	s5 =	simm.s32 @p1 $0x1;
	p0 =	seq.s32 s7, s2  }
0x1e: {  	s7 =	smul.u32 @!p0 $0xF7A, s2;
	p2 =	seq.s32 @!p0 s5, $0x0  }
0x1f: {  	s9 =	smul.u32 $0xF7A, s1;
	s8 =	simm.s32 @!p0 $0x1BF5;
	p2 =	por !p2, p0  }
0x20: {  	[sflag:s8] =	ssyncset.s32 @!p0 $0xFFFFF086;
	s6 =	sadd.s32 @!p0 s3, s7;
	s7 =	simm.s32 @!p0 $0x108  }
0x21: {  	s3 =	sadd.s32 s3, s9;
	s6 =	sadd.s32 @!p0 $0x88, s6;
	s7 =	simm.s32 @p2 $0x1082  }
0x22: {  	[simem:s7], [sflag:s8] =	dma.local @!p0 [hbm:s6], $0xF7A  }
0x23: {  	s9 =	sor.u32 $0xD0000000, s2;
	s6 =	simm.s32 $0x108;
	_ =	swait.ge @!p0 [sflag:s8], $0x0  }
0x24: {  	s3 =	sadd.s32 $0x88, s3;
	s6 =	simm.s32 @!p1 $0x1082;
	[sflag:s4] =	ssyncset.s32 $0xFFFFF086  }
0x25: {  	[simem:s6], [sflag:s4] =	dma.local [hbm:s3], $0xF7A  }
0x26: {  	[smem:$0x3F97] =	sst s1;
	(tag) =	ssettag s2;
	_ =	strace s9  }
0x27: {  	s1 =	sld [smem:$0x3FA7]  }
0x28: {  	s2 =	sld [smem:$0x3FA8]  }
0x29: {  	s4 =	sld [smem:$0x3FAA]  }
0x2a: {  	p0 =	seq.s32 s5, $0x0;
	s5 =	sld [smem:$0x3FAB]  }
0x2b: {  	s6 =	sld [smem:$0x3FAC]  }
0x2c: {  	s7 =	sld [smem:$0x3FAD]  }
0x2d: {  	s3 =	simm.s32 $0x108;
	s8 =	sld [smem:$0x3FAE]  }
0x2e: {  	s3 =	simm.s32 @!p0 $0x1082;
	s9 =	sld [smem:$0x3FAF]  }
0x2f: {  	lr =	sadd.s32 s0, s3;
	s0 =	sld [smem:$0x3FA6]  }
0x30: {  	s3 =	sld [smem:$0x3FA9]  }
0x31: {  	[smem:$0x3FB2] =	sst s10  }
0x32: {  	s10 =	sld [smem:$0x3FB0];
	_ =	sdelay $0x3  }
0x33: {  	p0 =	seq.s32 s10, $0x1;
	s10 =	sld [smem:$0x3FB2];
	_ =	sdelay $0x3  }
0x34: {  	[smem:$0x3FB2] =	sst s10  }
0x35: {  	s10 =	sld [smem:$0x3FB1];
	_ =	sdelay $0x3  }
0x36: {  	p1 =	seq.s32 s10, $0x1;
	s10 =	sld [smem:$0x3FB2];
	_ =	sdelay $0x3  }
0x37: {  	[smem:$0x3FB2] =	sst s10  }
0x38: {  	s10 =	sld [smem:$0x3FB3]  }
0x39: {  	_ = 	snop;
	(pc) =	sbr.ind lr, $3  }
0x3a: {  	_ = 	snop  }
0x3b: {  	_ = 	snop  }
0x3c: {  	p2 =	seq.s32 s10, $0x1;
	s10 =	sld [smem:$0x3FB2]  }
0x3d: {  	_ =	shalt  }
0x3e: {  	_ =	shalt  }
0x3f: {  	_ =	shalt  }
0x40: {  	_ =	shalt  }
0x41: {  	_ =	shalt  }
0x42: {  	_ =	shalt  }
0x43: {  	_ =	shalt  }
0x44: {  	_ =	shalt  }
0x45: {  	_ =	shalt  }
0x46: {  	_ =	shalt  }
0x47: {  	_ =	shalt  }
0x48: {  	_ =	shalt  }
0x49: {  	_ =	shalt  }
0x4a: {  	_ =	shalt  }
0x4b: {  	_ =	shalt  }
0x4c: {  	_ =	shalt  }
0x4d: {  	_ =	shalt  }
0x4e: {  	_ =	shalt  }
0x4f: {  	_ =	shalt  }
0x50: {  	_ =	shalt  }
0x51: {  	_ =	shalt  }
0x52: {  	_ =	shalt  }
0x53: {  	_ =	shalt  }
0x54: {  	_ =	shalt  }
0x55: {  	_ =	shalt  }
0x56: {  	_ =	shalt  }
0x57: {  	_ =	shalt  }
0x58: {  	_ =	shalt  }
0x59: {  	_ =	shalt  }
0x5a: {  	_ =	shalt  }
0x5b: {  	_ =	shalt  }
0x5c: {  	_ =	shalt  }
0x5d: {  	_ =	shalt  }
0x5e: {  	_ =	shalt  }
0x5f: {  	_ =	shalt  }
0x60: {  	_ =	shalt  }
0x61: {  	_ =	shalt  }
0x62: {  	_ =	shalt  }
0x63: {  	_ =	shalt  }
0x64: {  	_ =	shalt  }
0x65: {  	_ =	shalt  }
0x66: {  	_ =	shalt  }
0x67: {  	_ =	shalt  }
0x68: {  	_ =	shalt  }
0x69: {  	_ =	shalt  }
0x6a: {  	_ =	shalt  }
0x6b: {  	_ =	shalt  }
0x6c: {  	_ =	shalt  }
0x6d: {  	_ =	shalt  }
0x6e: {  	_ =	shalt  }
0x6f: {  	_ =	shalt  }
0x70: {  	_ =	shalt  }
0x71: {  	_ =	shalt  }
0x72: {  	_ =	shalt  }
0x73: {  	_ =	shalt  }
0x74: {  	_ =	shalt  }
0x75: {  	_ =	shalt  }
0x76: {  	_ =	shalt  }
0x77: {  	_ =	shalt  }
0x78: {  	_ =	shalt  }
0x79: {  	_ =	shalt  }
0x7a: {  	_ =	shalt  }
0x7b: {  	_ =	shalt  }
0x7c: {  	_ =	shalt  }
0x7d: {  	_ =	shalt  }
0x7e: {  	_ =	shalt  }
0x7f: {  	_ =	shalt  }
0x80: {  	_ =	shalt  }
0x81: {  	_ =	shalt  }
0x82: {  	_ =	shalt  }
0x83: {  	_ =	shalt  }
0x84: {  	_ =	shalt  }
0x85: {  	_ =	shalt  }
0x86: {  	_ =	shalt  }
0x87: {  	_ =	shalt  }
.Lfunc_end0:
.L_simem_size_0:
called_computation_lowered:
.L_overlay_start_0:
0x88: {  	s2 =	sld [smem:$0x3FD9]  }
0x89: {  	s3 =	sld [smem:$0x3FFE];
	_ =	sdelay $0x1  }
0x8a: {  	s1 =	srdreg.scid  }
0x8b: {  	s0 =	sand.u32 $0x1, s1  }
0x8c: {  	s17 =	sshll.u32 s0, $0xA;
	s2 =	sadd.s32 s3, s2  }
0x8d: {  	s2 =	sadd.s32 s2, s17  }
0x8e: {  	[smem:$0x3FBE] =	sst s2  }
0x8f: {  	_ = 	snop  }
0x90: {  	s2 =	sld [smem:$0x3FD0];
	(tm) =	ssettm $0x1  }
0x91: {  	s18 =	sld [smem:$0x3FFB];
	_ =	sdelay $0x3  }
0x92: {  	_ =	strace s18  }
0x93: {  	s3 =	sld [smem:$0x3FFC];
	_ =	sdelay $0x3  }
0x94: {  	_ =	strace s3  }
0x95: {  	s3 =	sld [smem:$0x3FFD];
	_ =	sdelay $0x3  }
0x96: {  	_ =	strace s3  }
0x97: {  	_ =	strace $0x8FFFFFFF  }
0x98: {  	s19 =	sld [smem:$0x3FDB];
	_ =	sdelay $0x1  }
0x99: {  	s4 =	simm.s32 $_scs_section_size  }
0x9a: {  	s5 =	simm.s32 $_size__tile_overlayer_lowered;
	s6 =	simm.s32 $_tile_overlayer_lowered  }
0x9b: {  	s22 =	simm.s32 $0x1BFF;
	s21 =	sshll.u32 s6, $0x1;
	s3 =	sadd.s32 s4, s19  }
0x9c: {  	s7 =	simm.s32 $0x0;
	s20 =	sshll.u32 s5, $0x1;
	s5 =	sadd.s32 s21, s3  }
0x9d: {  	[timem:s7], [sflag:s22] =	dma.local [hbm:s5], s20  }
0x9e: {  	_ =	swait.ge [sflag:s22], s20  }
0x9f: {  	s4 =	ssub.s32 $0x0, s20;
	[sflag:s22] =	ssyncset.done $0x0  }
0xa0: {  	[sflag:s22] =	ssyncadd.s32 s4;
	_ =	sdelay $0x1  }
0xa1: {  	s23 =	simm.s32 $0x1B8B  }
0xa2: {  	_ =	swait.ge [sflag:s23], $0x1  }
0xa3: {  	[sflag:s23] =	ssyncset.done $0x0  }
0xa4: {  	s25 =	simm.s32 $0x1B8E;
	s24 =	sld [smem:$0x3FFE];
	[sflag:s23] =	ssyncadd.s32 $0xFFFFFFFF  }
0xa5: {  	s26 =	simm.s32 $execute0_lowered;
	[smem:$0x3FD2] =	sst s25  }
0xa6: {  	s5 =	sshll.u32 s26, $0x1;
	_ =	strace $0x80000046;
	[dreg:$0x1] =	wrdreg $0xFFFFFFFF  }
0xa7: {  	s28 =	simm.s32 $_size_execute0_lowered;
	s3 =	sadd.s32 s3, s5;
	[dreg:$0x0] =	wrdreg $0x0  }
0xa8: {  	s5 =	sshll.u32 s28, $0x1;
	[dreg:$0x2] =	wrdreg s3  }
0xa9: {  	[dreg:$0x3] =	wrdreg s5  }
0xaa: {  	[dreg:$0x4] =	wrdreg $0xC0  }
0xab: {  	_ =	task [dreg:s7], $0x5FFFF  }
0xac: {  	[dreg:$0x1] =	wrdreg $0xFFFFFFFF  }
0xad: {  	[dreg:$0x0] =	wrdreg $0x60  }
0xae: {  	[dreg:$0x2] =	wrdreg s24  }
0xaf: {  	[dreg:$0x3] =	wrdreg s2  }
0xb0: {  	[dreg:$0x4] =	wrdreg $0x85100  }
0xb1: {  	[dreg:$0x5] =	wrdreg $0x9  }
0xb2: {  	_ =	task.clear_ibuf [dreg:s7], $0x6FFFF;
	_ =	strace $0x90000046  }
0xb3: {  	s29 =	simm.s32 $0x9;
	_ =	strace $0x80000048  }
0xb4: {  	_ =	swait.ge [sflag:s29], $0x1  }
0xb5: {  	[sflag:s29] =	ssyncadd.s32 $0xFFFFFFFF  }
0xb6: {  	_ =	strace $0x90000048  }
0xb7: {  	_ =	sfence  }
0xb8: {  	s30 =	sld [smem:$0x0];
	_ =	sdelay $0x2  }
0xb9: {  	s31 =	sshll.u32 s1, $0xD;
	s1 =	sshrl.u32 s1, $0x2  }
0xba: {  	s3 =	sand.u32 $0x4000, s31;
	s1 =	sadd.s32 s1, s30  }
0xbb: {  	s0 =	sor.u32 s3, s0;
	s1 =	sshll.u32 s1, $0x11  }
0xbc: {  	s0 =	sor.u32 s1, s0  }
0xbd: {  	s0 =	sadd.s32 $0x8F2B, s0  }
0xbe: {  	[sflag:s0] =	ssyncadd.remote.s32 $0x1  }
0xbf: {  	_ =	sfence.sel $0xFFFF  }
0xc0: {  	[dreg:$0x0] =	wrdreg $0xFFFFFFFF;
	(pc) =	sbr.abs _section_cstart, $3  }
0xc1: {  	[dreg:$0x1] =	wrdreg $0xFFFFFFFF  }
0xc2: {  	_ =	task.clear_ibuf [dreg:s7], $0x2FFFF;
	_ =	strace $0x9FFFFFFF  }
0xc3: {  	(tm) =	ssettm $0x7FFFFFFF  }
tec
execute0_lowered:
.L_overlay_start_1:
0x0: {  	(tag) =	ssettag $0x1  }
0x1: {  	s1 =	srdreg.scid;
	s0 =	stileid.u32  }
0x2: {  	s6 =	rddreg [dreg:$0x0];
	s8 =	smul.u32 $0x6200, s0  }
0x3: {  	s7 =	rddreg [dreg:$0x1];
	s3 =	simm.s32 $0x0;
	s11 =	smul.u32 $0xC40, s0  }
0x4: {  	s17 =	simm.s32 $0x5A20;
	s1 =	sand.u32 $0x1, s1;
	s16 =	smul.u32 $0x188, s0  }
0x5: {  	s19 =	simm.s32 $0x7620;
	s21 =	simm.s32 $0x7D20;
	s14 =	smul.u32 $0xC400, s1  }
0x6: {  	s22 =	simm.s32 $0x84A0;
	s2 =	sshll.u32 s0, $0x1;
	s26 =	smul.u32 $0x3100, s1  }
0x7: {  	s4 =	sor.u32 s1, s2;
	s10 =	ssub.s32 $0x2, s1;
	s1 =	smul.u32 $0xC4, s1  }
0x8: {  	s24 =	simm.s32 $0x80;
	s25 =	simm.s32 $0x8420;
	s5 =	smul.u32 $0xC4, s4  }
0x9: {  	[smem:$0x7FF] =	sst s3;
	s15 =	sadd.s32 $0x1B000, s6;
	s12 =	smul.u32 $0xC40, s4  }
0xa: {  	s2 =	rddreg [dreg:$0x2];
	_ =	strace $0x80000047;
	s9 =	smul.u32 $0x6200, s4  }
0xb: {  	s4 =	sadd.s32 $0x1BA200, s6;
	s13 =	sshrl.u32 s10, $0x1;
	s8 =	sadd.s32 s8, s6  }
0xc: {  	s10 =	ssub.s32 s10, s13;
	s29 =	sadd.s32 s11, s14;
	s31 =	sadd.s32 s26, s8  }
0xd: {  	s1 =	sadd.s32 s1, s16;
	s26 =	simm.s32 $0x0;
	s5 =	sadd.s32 s5, s6  }
0xe: {  	s28 =	sshrl.u32 s9, $0x3;
	s6 =	sadd.s32 s11, s2;
	s9 =	sshrl.u32 s29, $0x3  }
0xf: {  	s8 =	smax.u32 s10, $0x1;
	s1 =	sshll.u32 s1, $0x4;
	s10 =	simm.s32 $0x7  }
0x10: {  	s11 =	simm.s32 $0x70;
	s18 =	sadd.s32 s12, s15;
	s5 =	sadd.s32 $0x33800, s5  }
0x11: {  	s30 =	sadd.s32 $0xE0, s28;
	s7 =	sadd.s32 s7, s9;
	s1 =	sadd.s32 $0x1C0, s1  }
0x12: {  	v0 =	vimm.f32 $0.0e+00;
	v1 =	vimm.f32 $1.000000000e+00;
	s9 =	sadd.s32 $0x35200, s31;
	s20 =	sadd.s32 s30, s15;
	s12 =	sadd.s32 s15, s1  }
.LBB2_1:
0x13: {  	[tilespmem:s3], [sflag:$0x7] =	stream.linear.gather [hbm4b:s5+s3], $0x620, $0x38;
	[tilespmem:$0x9150] =	vst v63  }
0x14: {  	_ =	swait.ge [sflag:s10], $0x620  }
0x15: {  	[sflag:s10] =	ssyncset.done $0x0  }
0x16: {  	s1 =	simm.s32 $0x620;
	[sflag:s10] =	ssyncadd.s32 $0xFFFFF9E0  }
0x17: {  	[tilespmem:s1], [sflag:$0x1] =	stream.indirect.gather [hbm4b:s4+s11], $0x40, s3, s11, $0xb8;
	[tilespmem:$0x9150] =	vst v63  }
0x18: {  	s28 =	simm.s32 $0x2220  }
0x19: {  	[tilespmem:s28], [sflag:$0x2] =	stream.indirect.gather [hbm4b:s4+s11], $0x40, s11, s11, $0xb8;
	[tilespmem:$0x9150] =	vst v63  }
0x1a: {  	s29 =	simm.s32 $0xE0;
	s13 =	simm.s32 $0x3E20  }
0x1b: {  	[tilespmem:s13], [sflag:$0x3] =	stream.indirect.gather [hbm4b:s4+s11], $0x40, s29, s11, $0xb8;
	[tilespmem:$0x9150] =	vst v63  }
0x1c: {  	s30 =	simm.s32 $0x150  }
0x1d: {  	[tilespmem:s17], [sflag:$0x4] =	stream.indirect.gather [hbm4b:s4+s11], $0x40, s30, s11, $0xb8;
	[tilespmem:$0x9150] =	vst v63  }
0x1e: {  	_ = 	snop  }
0x1f: {  	[tilespmem:s19], [sflag:$0x5] =	stream.linear.gather [hbm4b:s18+s3], $0x700, $0x38;
	[tilespmem:$0x9150] =	vst v63  }
0x20: {  	_ = 	snop  }
0x21: {  	[tilespmem:s21], [sflag:$0x6] =	stream.linear.gather [hbm4b:s20+s3], $0x700, $0x38;
	[tilespmem:$0x9150] =	vst v63  }
0x22: {  	[tilespmem:$0x84A0] =	vst v0  }
0x23: {  	[tilespmem:$0x84B0] =	vst v0  }
0x24: {  	[tilespmem:$0x84C0] =	vst v0  }
0x25: {  	[tilespmem:$0x84D0] =	vst v0  }
0x26: {  	[tilespmem:$0x84E0] =	vst v0  }
0x27: {  	[tilespmem:$0x84F0] =	vst v0  }
0x28: {  	[tilespmem:$0x8500] =	vst v0  }
0x29: {  	[tilespmem:$0x8420] =	vst v1  }
0x2a: {  	[tilespmem:$0x8430] =	vst v1  }
0x2b: {  	[tilespmem:$0x8440] =	vst v1  }
0x2c: {  	[tilespmem:$0x8450] =	vst v1  }
0x2d: {  	[tilespmem:$0x8460] =	vst v1  }
0x2e: {  	[tilespmem:$0x8470] =	vst v1  }
0x2f: {  	[tilespmem:$0x8480] =	vst v1  }
0x30: {  	s31 =	sadd.s32 $0x0, s6;
	[tilespmem:$0x8490] =	vst v1  }
0x31: {  	[spmem:s31] =	stream.linear.scatter [tilespmem:s22], [sflag:$0x7], $0x70, $0x38;
	[tilespmem:$0x9150] =	vst v63  }
0x32: {  	s1 =	simm.s32 $0x1C0;
	_ =	swait.ge [sflag:s10], $0x70  }
.LBB2_2:
0x33: {  	s13 =	sshra.s32 s1, $0x2;
	[sflag:s10] =	ssyncset.done $0x0;
	p0 =	sne.s32 s1, $0x2F40  }
.Ltmp0:
0x34: {  	s13 =	sadd.s32 s13, s6;
	[sflag:s10] =	ssyncadd.s32 $0xFFFFFF90;
	(pc) =	sbr.rel @p0 .LBB2_2-.Ltmp0, $3  }
0x35: {  	[spmem:s13] =	stream.linear.scatter [tilespmem:s22], [sflag:$0x7], $0x70, $0x38;
	[tilespmem:$0x9150] =	vst v63  }
0x36: {  	s1 =	sadd.s32 $0x1C0, s1;
	_ =	sdelay $0x1  }
0x37: {  	_ =	swait.ge [sflag:s10], $0x70  }
0x38: {  	s1 =	simm.s32 $0x0  }
0x39: {  	[sflag:s10] =	ssyncset.done $0x0;
	s1 =	sand.u32 $0x3, s1  }
0x3a: {  	[sflag:s10] =	ssyncadd.s32 $0xFFFFFF90;
	s14 =	sadd.s32 $0x1, s1;
	s1 =	smul.u32 $0x7000, s1  }
0x3b: {  	_ =	swait.ge [sflag:s14], $0x1C00  }
0x3c: {  	s23 =	simm.s32 $0x1C0;
	s13 =	sshrl.u32 s1, $0x2;
	[sflag:s14] =	ssyncset.done $0x0  }
0x3d: {  	s30 =	simm.s32 $0x2;
	s31 =	sadd.s32 $0x620, s13;
	[sflag:s14] =	ssyncadd.s32 $0xFFFFE400  }
0x3e: {  	[hbm4b:s9+s3] =	stream.linear.scatter [tilespmem:s31], [sflag:$0x7], $0x1C00, $0x38;
	[tilespmem:$0x9150] =	vst v63  }
0x3f: {  	p1 =	por $0x0, $0x0;
	s28 =	sadd.s32 $0x380, s9;
	_ =	swait.ge [sflag:s10], $0x1C00  }
0x40: {  	s15 =	simm.s32 @!p1 $0x70;
	s1 =	simm.s32 $0x1;
	[sflag:s10] =	ssyncset.done $0x0  }
0x41: {  	s29 =	sand.u32 $0x3, s1;
	s13 =	simm.s32 $0x230;
	[sflag:s10] =	ssyncadd.s32 $0xFFFFE400  }
.LBB2_4:
0x42: {  	[tilespmem:s31], [sflag:s14] =	stream.indirect.gather @!p1 [hbm4b:s4+s15], $0x40, s23, s15, $0xb8;
	[tilespmem:$0x9150] =	vst v63  }
0x43: {  	s15 =	smov.u32 s1;
	s1 =	smov.u32 s30;
	s23 =	smov.u32 s13  }
0x44: {  	s14 =	sadd.s32 $0x1, s29;
	s31 =	smul.u32 $0x7000, s29;
	s29 =	sand.u32 $0x3, s30  }
0x45: {  	s30 =	sadd.s32 $0x1, s30;
	_ =	swait.ge [sflag:s14], $0x1C00  }
0x46: {  	p0 =	sne.s32 s30, $0xE;
	s31 =	sshrl.u32 s31, $0x2;
	[sflag:s14] =	ssyncset.done $0x0  }
.Ltmp1:
0x47: {  	s31 =	sadd.s32 $0x620, s31;
	[sflag:s14] =	ssyncadd.s32 $0xFFFFE400;
	(pc) =	sbr.rel @p0 .LBB2_4-.Ltmp1, $4  }
0x48: {  	[hbm4b:s28+s3] =	stream.linear.scatter [tilespmem:s31], [sflag:$0x7], $0x1C00, $0x38;
	[tilespmem:$0x9150] =	vst v63  }
0x49: {  	_ =	swait.ge [sflag:s10], $0x1C00  }
0x4a: {  	p1 =	sgt.u32 s15, $0x9;
	s28 =	sadd.s32 $0x380, s28;
	[sflag:s10] =	ssyncset.done $0x0  }
0x4b: {  	s13 =	sadd.s32 $0x70, s13;
	s15 =	simm.s32 @!p1 $0x70;
	[sflag:s10] =	ssyncadd.s32 $0xFFFFE400  }
0x4c: {  	[tilespmem:s31], [sflag:s14] =	stream.indirect.gather @!p1 [hbm4b:s4+s15], $0x40, s23, s15, $0xb8;
	[tilespmem:$0x9150] =	vst v63  }
0x4d: {  	s14 =	sadd.s32 $0x1, s29;
	s23 =	smul.u32 $0x7000, s29  }
0x4e: {  	_ =	swait.ge [sflag:s14], $0x1C00  }
0x4f: {  	s15 =	sshrl.u32 s23, $0x2;
	[sflag:s14] =	ssyncset.done $0x0  }
0x50: {  	s15 =	sadd.s32 $0x620, s15;
	[sflag:s14] =	ssyncadd.s32 $0xFFFFE400  }
0x51: {  	[hbm4b:s28+s3] =	stream.linear.scatter [tilespmem:s15], [sflag:$0x7], $0x1C00, $0x38;
	[tilespmem:$0x9150] =	vst v63  }
0x52: {  	_ =	swait.ge [sflag:s10], $0x1C00  }
0x53: {  	p0 =	sgt.u32 s1, $0x9;
	[sflag:s10] =	ssyncset.done $0x0  }
0x54: {  	s1 =	simm.s32 @!p0 $0x70;
	[sflag:s10] =	ssyncadd.s32 $0xFFFFE400  }
0x55: {  	[tilespmem:s15], [sflag:s14] =	stream.indirect.gather @!p0 [hbm4b:s4+s1], $0x40, s13, s1, $0xb8;
	[tilespmem:$0x9150] =	vst v63  }
0x56: {  	s14 =	simm.s32 $0x0  }
0x57: {  	s1 =	sand.u32 $0x1, s14  }
0x58: {  	[bflag:$0x0] =	sbarrier.arrive $0xFFFF;
	s30 =	sadd.s32 $0x5, s1;
	s1 =	smul.u32 $0x1C00, s1  }
0x59: {  	_ =	swait.ge [sflag:s30], $0x700  }
0x5a: {  	s13 =	sshrl.u32 s1, $0x2;
	[sflag:s30] =	ssyncset.done $0x0  }
0x5b: {  	s31 =	sadd.s32 $0x7620, s13;
	[sflag:s30] =	ssyncadd.s32 $0xFFFFF900  }
0x5c: {  	[spmem:s2] =	stream.indirect.scatter.add.f32 [tilespmem:s25], [sflag:$0x7], $0x1, s31, s24, $0xb8;
	[tilespmem:$0x9150] =	vst v63  }
0x5d: {  	_ =	swait.ge [sflag:s10], $0x80  }
0x5e: {  	[sflag:s10] =	ssyncset.done $0x0  }
0x5f: {  	s1 =	sadd.s32 $0x76A0, s13;
	[sflag:s10] =	ssyncadd.s32 $0xFFFFFF80  }
0x60: {  	[spmem:s2] =	stream.indirect.scatter.add.f32 [tilespmem:s25], [sflag:$0x7], $0x1, s1, s24, $0xb8;
	[tilespmem:$0x9150] =	vst v63  }
0x61: {  	_ =	swait.ge [sflag:s10], $0x80  }
0x62: {  	[sflag:s10] =	ssyncset.done $0x0  }
0x63: {  	s15 =	sadd.s32 $0x7720, s13;
	[sflag:s10] =	ssyncadd.s32 $0xFFFFFF80  }
0x64: {  	[spmem:s2] =	stream.indirect.scatter.add.f32 [tilespmem:s25], [sflag:$0x7], $0x1, s15, s24, $0xb8;
	[tilespmem:$0x9150] =	vst v63  }
0x65: {  	_ =	swait.ge [sflag:s10], $0x80  }
0x66: {  	[sflag:s10] =	ssyncset.done $0x0  }
0x67: {  	s16 =	sadd.s32 $0x77A0, s13;
	[sflag:s10] =	ssyncadd.s32 $0xFFFFFF80  }
0x68: {  	[spmem:s2] =	stream.indirect.scatter.add.f32 [tilespmem:s25], [sflag:$0x7], $0x1, s16, s24, $0xb8;
	[tilespmem:$0x9150] =	vst v63  }
0x69: {  	_ =	swait.ge [sflag:s10], $0x80  }
0x6a: {  	[sflag:s10] =	ssyncset.done $0x0  }
0x6b: {  	s23 =	sor.u32 $0x7820, s13;
	[sflag:s10] =	ssyncadd.s32 $0xFFFFFF80  }
0x6c: {  	[spmem:s2] =	stream.indirect.scatter.add.f32 [tilespmem:s25], [sflag:$0x7], $0x1, s23, s24, $0xb8;
	[tilespmem:$0x9150] =	vst v63  }
0x6d: {  	_ =	swait.ge [sflag:s10], $0x80  }
0x6e: {  	[sflag:s10] =	ssyncset.done $0x0  }
0x6f: {  	s14 =	sor.u32 $0x78A0, s13;
	[sflag:s10] =	ssyncadd.s32 $0xFFFFFF80  }
0x70: {  	[spmem:s2] =	stream.indirect.scatter.add.f32 [tilespmem:s25], [sflag:$0x7], $0x1, s14, s24, $0xb8;
	[tilespmem:$0x9150] =	vst v63  }
0x71: {  	_ =	swait.ge [sflag:s10], $0x80  }
0x72: {  	[sflag:s10] =	ssyncset.done $0x0  }
0x73: {  	s15 =	sadd.s32 $0x7920, s13;
	[sflag:s10] =	ssyncadd.s32 $0xFFFFFF80  }
0x74: {  	[spmem:s2] =	stream.indirect.scatter.add.f32 [tilespmem:s25], [sflag:$0x7], $0x1, s15, s24, $0xb8;
	[tilespmem:$0x9150] =	vst v63  }
0x75: {  	_ =	swait.ge [sflag:s10], $0x80  }
0x76: {  	[sflag:s10] =	ssyncset.done $0x0  }
0x77: {  	s16 =	sadd.s32 $0x79A0, s13;
	[sflag:s10] =	ssyncadd.s32 $0xFFFFFF80  }
0x78: {  	[spmem:s2] =	stream.indirect.scatter.add.f32 [tilespmem:s25], [sflag:$0x7], $0x1, s16, s24, $0xb8;
	[tilespmem:$0x9150] =	vst v63  }
0x79: {  	_ =	swait.ge [sflag:s10], $0x80  }
0x7a: {  	[sflag:s10] =	ssyncset.done $0x0  }
0x7b: {  	s23 =	sadd.s32 $0x7A20, s13;
	[sflag:s10] =	ssyncadd.s32 $0xFFFFFF80  }
0x7c: {  	[spmem:s2] =	stream.indirect.scatter.add.f32 [tilespmem:s25], [sflag:$0x7], $0x1, s23, s24, $0xb8;
	[tilespmem:$0x9150] =	vst v63  }
0x7d: {  	_ =	swait.ge [sflag:s10], $0x80  }
0x7e: {  	[sflag:s10] =	ssyncset.done $0x0  }
0x7f: {  	s14 =	sadd.s32 $0x7AA0, s13;
	[sflag:s10] =	ssyncadd.s32 $0xFFFFFF80  }
0x80: {  	[spmem:s2] =	stream.indirect.scatter.add.f32 [tilespmem:s25], [sflag:$0x7], $0x1, s14, s24, $0xb8;
	[tilespmem:$0x9150] =	vst v63  }
0x81: {  	_ =	swait.ge [sflag:s10], $0x80  }
0x82: {  	[sflag:s10] =	ssyncset.done $0x0  }
0x83: {  	s15 =	sadd.s32 $0x7B20, s13;
	[sflag:s10] =	ssyncadd.s32 $0xFFFFFF80  }
0x84: {  	[spmem:s2] =	stream.indirect.scatter.add.f32 [tilespmem:s25], [sflag:$0x7], $0x1, s15, s24, $0xb8;
	[tilespmem:$0x9150] =	vst v63  }
0x85: {  	_ =	swait.ge [sflag:s10], $0x80  }
0x86: {  	[sflag:s10] =	ssyncset.done $0x0  }
0x87: {  	s16 =	sadd.s32 $0x7BA0, s13;
	[sflag:s10] =	ssyncadd.s32 $0xFFFFFF80  }
0x88: {  	[spmem:s2] =	stream.indirect.scatter.add.f32 [tilespmem:s25], [sflag:$0x7], $0x1, s16, s24, $0xb8;
	[tilespmem:$0x9150] =	vst v63  }
0x89: {  	_ =	swait.ge [sflag:s10], $0x80  }
0x8a: {  	[sflag:s10] =	ssyncset.done $0x0  }
0x8b: {  	s23 =	sadd.s32 $0x7C20, s13;
	[sflag:s10] =	ssyncadd.s32 $0xFFFFFF80  }
0x8c: {  	[spmem:s2] =	stream.indirect.scatter.add.f32 [tilespmem:s25], [sflag:$0x7], $0x1, s23, s24, $0xb8;
	[tilespmem:$0x9150] =	vst v63  }
0x8d: {  	_ =	swait.ge [sflag:s10], $0x80  }
0x8e: {  	p1 =	por $0x0, $0x0;
	s29 =	sadd.s32 $0xE0, s12;
	[sflag:s10] =	ssyncset.done $0x0  }
0x8f: {  	s28 =	simm.s32 $0x1;
	s13 =	sadd.s32 $0x7CA0, s13;
	[sflag:s10] =	ssyncadd.s32 $0xFFFFFF80  }
0x90: {  	[spmem:s2] =	stream.indirect.scatter.add.f32 [tilespmem:s25], [sflag:$0x7], $0x1, s13, s24, $0xb8;
	[tilespmem:$0x9150] =	vst v63  }
0x91: {  	s1 =	simm.s32 $0x2;
	s14 =	simm.s32 @!p1 $0x0;
	_ =	swait.ge [sflag:s10], $0x80  }
0x92: {  	s23 =	smov.u32 s12;
	s13 =	sand.u32 $0x1, s28;
	[sflag:s10] =	ssyncset.done $0x0  }
.LBB2_6:
0x93: {  	s15 =	sadd.s32 $0x5, s13;
	s16 =	smul.u32 $0x1C00, s13  }
0x94: {  	[sflag:s10] =	ssyncadd.s32 $0xFFFFFF80;
	s13 =	smov.u32 s28;
	s28 =	smov.u32 s1  }
0x95: {  	[tilespmem:s31], [sflag:s30] =	stream.linear.gather @!p1 [hbm4b:s23+s14], $0x700, $0x38;
	[tilespmem:$0x9150] =	vst v63  }
0x96: {  	s1 =	sadd.s32 $0x1, s1;
	s14 =	sshrl.u32 s16, $0x2;
	_ =	swait.ge [sflag:s15], $0x700  }
0x97: {  	p0 =	sne.s32 s1, $0xE;
	s31 =	sadd.s32 $0x7620, s14;
	[sflag:s15] =	ssyncset.done $0x0  }
0x98: {  	s30 =	smov.u32 s15;
	s23 =	smov.u32 s29;
	[sflag:s15] =	ssyncadd.s32 $0xFFFFF900  }
0x99: {  	[spmem:s2] =	stream.indirect.scatter.add.f32 [tilespmem:s25], [sflag:$0x7], $0x1, s31, s24, $0xb8;
	[tilespmem:$0x9150] =	vst v63  }
0x9a: {  	_ =	swait.ge [sflag:s10], $0x80  }
0x9b: {  	[sflag:s10] =	ssyncset.done $0x0  }
0x9c: {  	s15 =	sadd.s32 $0x76A0, s14;
	[sflag:s10] =	ssyncadd.s32 $0xFFFFFF80  }
0x9d: {  	[spmem:s2] =	stream.indirect.scatter.add.f32 [tilespmem:s25], [sflag:$0x7], $0x1, s15, s24, $0xb8;
	[tilespmem:$0x9150] =	vst v63  }
0x9e: {  	_ =	swait.ge [sflag:s10], $0x80  }
0x9f: {  	[sflag:s10] =	ssyncset.done $0x0  }
0xa0: {  	s15 =	sadd.s32 $0x7720, s14;
	[sflag:s10] =	ssyncadd.s32 $0xFFFFFF80  }
0xa1: {  	[spmem:s2] =	stream.indirect.scatter.add.f32 [tilespmem:s25], [sflag:$0x7], $0x1, s15, s24, $0xb8;
	[tilespmem:$0x9150] =	vst v63  }
0xa2: {  	_ =	swait.ge [sflag:s10], $0x80  }
0xa3: {  	[sflag:s10] =	ssyncset.done $0x0  }
0xa4: {  	s15 =	sadd.s32 $0x77A0, s14;
	[sflag:s10] =	ssyncadd.s32 $0xFFFFFF80  }
0xa5: {  	[spmem:s2] =	stream.indirect.scatter.add.f32 [tilespmem:s25], [sflag:$0x7], $0x1, s15, s24, $0xb8;
	[tilespmem:$0x9150] =	vst v63  }
0xa6: {  	_ =	swait.ge [sflag:s10], $0x80  }
0xa7: {  	[sflag:s10] =	ssyncset.done $0x0  }
0xa8: {  	s15 =	sor.u32 $0x7820, s14;
	[sflag:s10] =	ssyncadd.s32 $0xFFFFFF80  }
0xa9: {  	[spmem:s2] =	stream.indirect.scatter.add.f32 [tilespmem:s25], [sflag:$0x7], $0x1, s15, s24, $0xb8;
	[tilespmem:$0x9150] =	vst v63  }
0xaa: {  	_ =	swait.ge [sflag:s10], $0x80  }
0xab: {  	[sflag:s10] =	ssyncset.done $0x0  }
0xac: {  	s15 =	sor.u32 $0x78A0, s14;
	[sflag:s10] =	ssyncadd.s32 $0xFFFFFF80  }
0xad: {  	[spmem:s2] =	stream.indirect.scatter.add.f32 [tilespmem:s25], [sflag:$0x7], $0x1, s15, s24, $0xb8;
	[tilespmem:$0x9150] =	vst v63  }
0xae: {  	_ =	swait.ge [sflag:s10], $0x80  }
0xaf: {  	[sflag:s10] =	ssyncset.done $0x0  }
0xb0: {  	s15 =	sadd.s32 $0x7920, s14;
	[sflag:s10] =	ssyncadd.s32 $0xFFFFFF80  }
0xb1: {  	[spmem:s2] =	stream.indirect.scatter.add.f32 [tilespmem:s25], [sflag:$0x7], $0x1, s15, s24, $0xb8;
	[tilespmem:$0x9150] =	vst v63  }
0xb2: {  	_ =	swait.ge [sflag:s10], $0x80  }
0xb3: {  	[sflag:s10] =	ssyncset.done $0x0  }
0xb4: {  	s15 =	sadd.s32 $0x79A0, s14;
	[sflag:s10] =	ssyncadd.s32 $0xFFFFFF80  }
0xb5: {  	[spmem:s2] =	stream.indirect.scatter.add.f32 [tilespmem:s25], [sflag:$0x7], $0x1, s15, s24, $0xb8;
	[tilespmem:$0x9150] =	vst v63  }
0xb6: {  	_ =	swait.ge [sflag:s10], $0x80  }
0xb7: {  	[sflag:s10] =	ssyncset.done $0x0  }
0xb8: {  	s15 =	sadd.s32 $0x7A20, s14;
	[sflag:s10] =	ssyncadd.s32 $0xFFFFFF80  }
0xb9: {  	[spmem:s2] =	stream.indirect.scatter.add.f32 [tilespmem:s25], [sflag:$0x7], $0x1, s15, s24, $0xb8;
	[tilespmem:$0x9150] =	vst v63  }
0xba: {  	_ =	swait.ge [sflag:s10], $0x80  }
0xbb: {  	[sflag:s10] =	ssyncset.done $0x0  }
0xbc: {  	s15 =	sadd.s32 $0x7AA0, s14;
	[sflag:s10] =	ssyncadd.s32 $0xFFFFFF80  }
0xbd: {  	[spmem:s2] =	stream.indirect.scatter.add.f32 [tilespmem:s25], [sflag:$0x7], $0x1, s15, s24, $0xb8;
	[tilespmem:$0x9150] =	vst v63  }
0xbe: {  	_ =	swait.ge [sflag:s10], $0x80  }
0xbf: {  	[sflag:s10] =	ssyncset.done $0x0  }
0xc0: {  	s15 =	sadd.s32 $0x7B20, s14;
	[sflag:s10] =	ssyncadd.s32 $0xFFFFFF80  }
0xc1: {  	[spmem:s2] =	stream.indirect.scatter.add.f32 [tilespmem:s25], [sflag:$0x7], $0x1, s15, s24, $0xb8;
	[tilespmem:$0x9150] =	vst v63  }
0xc2: {  	_ =	swait.ge [sflag:s10], $0x80  }
0xc3: {  	[sflag:s10] =	ssyncset.done $0x0  }
0xc4: {  	s15 =	sadd.s32 $0x7BA0, s14;
	[sflag:s10] =	ssyncadd.s32 $0xFFFFFF80  }
0xc5: {  	[spmem:s2] =	stream.indirect.scatter.add.f32 [tilespmem:s25], [sflag:$0x7], $0x1, s15, s24, $0xb8;
	[tilespmem:$0x9150] =	vst v63  }
0xc6: {  	_ =	swait.ge [sflag:s10], $0x80  }
0xc7: {  	[sflag:s10] =	ssyncset.done $0x0  }
0xc8: {  	s15 =	sadd.s32 $0x7C20, s14;
	[sflag:s10] =	ssyncadd.s32 $0xFFFFFF80  }
0xc9: {  	[spmem:s2] =	stream.indirect.scatter.add.f32 [tilespmem:s25], [sflag:$0x7], $0x1, s15, s24, $0xb8;
	[tilespmem:$0x9150] =	vst v63  }
0xca: {  	_ =	swait.ge [sflag:s10], $0x80  }
.Ltmp2:
0xcb: {  	[sflag:s10] =	ssyncset.done $0x0;
	(pc) =	sbr.rel @p0 .LBB2_6-.Ltmp2, $4  }
0xcc: {  	s14 =	sadd.s32 $0x7CA0, s14;
	[sflag:s10] =	ssyncadd.s32 $0xFFFFFF80  }
0xcd: {  	[spmem:s2] =	stream.indirect.scatter.add.f32 [tilespmem:s25], [sflag:$0x7], $0x1, s14, s24, $0xb8;
	[tilespmem:$0x9150] =	vst v63  }
0xce: {  	p1 =	sgt.u32 s13, $0xB;
	s29 =	sadd.s32 $0xE0, s29;
	_ =	swait.ge [sflag:s10], $0x80  }
0xcf: {  	s13 =	sand.u32 $0x1, s28;
	s14 =	simm.s32 @!p1 $0x0;
	[sflag:s10] =	ssyncset.done $0x0  }
0xd0: {  	s1 =	sadd.s32 $0x5, s13;
	s16 =	smul.u32 $0x1C00, s13;
	[sflag:s10] =	ssyncadd.s32 $0xFFFFFF80  }
0xd1: {  	[tilespmem:s31], [sflag:s30] =	stream.linear.gather @!p1 [hbm4b:s23+s14], $0x700, $0x38;
	[tilespmem:$0x9150] =	vst v63  }
0xd2: {  	_ =	swait.ge [sflag:s1], $0x700  }
0xd3: {  	s14 =	sshrl.u32 s16, $0x2;
	[sflag:s1] =	ssyncset.done $0x0  }
0xd4: {  	s13 =	sadd.s32 $0x7620, s14;
	[sflag:s1] =	ssyncadd.s32 $0xFFFFF900  }
0xd5: {  	[spmem:s2] =	stream.indirect.scatter.add.f32 [tilespmem:s25], [sflag:$0x7], $0x1, s13, s24, $0xb8;
	[tilespmem:$0x9150] =	vst v63  }
0xd6: {  	_ =	swait.ge [sflag:s10], $0x80  }
0xd7: {  	[sflag:s10] =	ssyncset.done $0x0  }
0xd8: {  	s15 =	sadd.s32 $0x76A0, s14;
	[sflag:s10] =	ssyncadd.s32 $0xFFFFFF80  }
0xd9: {  	[spmem:s2] =	stream.indirect.scatter.add.f32 [tilespmem:s25], [sflag:$0x7], $0x1, s15, s24, $0xb8;
	[tilespmem:$0x9150] =	vst v63  }
0xda: {  	_ =	swait.ge [sflag:s10], $0x80  }
0xdb: {  	[sflag:s10] =	ssyncset.done $0x0  }
0xdc: {  	s31 =	sadd.s32 $0x7720, s14;
	[sflag:s10] =	ssyncadd.s32 $0xFFFFFF80  }
0xdd: {  	[spmem:s2] =	stream.indirect.scatter.add.f32 [tilespmem:s25], [sflag:$0x7], $0x1, s31, s24, $0xb8;
	[tilespmem:$0x9150] =	vst v63  }
0xde: {  	_ =	swait.ge [sflag:s10], $0x80  }
0xdf: {  	[sflag:s10] =	ssyncset.done $0x0  }
0xe0: {  	s16 =	sadd.s32 $0x77A0, s14;
	[sflag:s10] =	ssyncadd.s32 $0xFFFFFF80  }
0xe1: {  	[spmem:s2] =	stream.indirect.scatter.add.f32 [tilespmem:s25], [sflag:$0x7], $0x1, s16, s24, $0xb8;
	[tilespmem:$0x9150] =	vst v63  }
0xe2: {  	_ =	swait.ge [sflag:s10], $0x80  }
0xe3: {  	[sflag:s10] =	ssyncset.done $0x0  }
0xe4: {  	s23 =	sor.u32 $0x7820, s14;
	[sflag:s10] =	ssyncadd.s32 $0xFFFFFF80  }
0xe5: {  	[spmem:s2] =	stream.indirect.scatter.add.f32 [tilespmem:s25], [sflag:$0x7], $0x1, s23, s24, $0xb8;
	[tilespmem:$0x9150] =	vst v63  }
0xe6: {  	_ =	swait.ge [sflag:s10], $0x80  }
0xe7: {  	[sflag:s10] =	ssyncset.done $0x0  }
0xe8: {  	s30 =	sor.u32 $0x78A0, s14;
	[sflag:s10] =	ssyncadd.s32 $0xFFFFFF80  }
0xe9: {  	[spmem:s2] =	stream.indirect.scatter.add.f32 [tilespmem:s25], [sflag:$0x7], $0x1, s30, s24, $0xb8;
	[tilespmem:$0x9150] =	vst v63  }
0xea: {  	_ =	swait.ge [sflag:s10], $0x80  }
0xeb: {  	[sflag:s10] =	ssyncset.done $0x0  }
0xec: {  	s31 =	sadd.s32 $0x7920, s14;
	[sflag:s10] =	ssyncadd.s32 $0xFFFFFF80  }
0xed: {  	[spmem:s2] =	stream.indirect.scatter.add.f32 [tilespmem:s25], [sflag:$0x7], $0x1, s31, s24, $0xb8;
	[tilespmem:$0x9150] =	vst v63  }
0xee: {  	_ =	swait.ge [sflag:s10], $0x80  }
0xef: {  	[sflag:s10] =	ssyncset.done $0x0  }
0xf0: {  	s16 =	sadd.s32 $0x79A0, s14;
	[sflag:s10] =	ssyncadd.s32 $0xFFFFFF80  }
0xf1: {  	[spmem:s2] =	stream.indirect.scatter.add.f32 [tilespmem:s25], [sflag:$0x7], $0x1, s16, s24, $0xb8;
	[tilespmem:$0x9150] =	vst v63  }
0xf2: {  	_ =	swait.ge [sflag:s10], $0x80  }
0xf3: {  	[sflag:s10] =	ssyncset.done $0x0  }
0xf4: {  	s23 =	sadd.s32 $0x7A20, s14;
	[sflag:s10] =	ssyncadd.s32 $0xFFFFFF80  }
0xf5: {  	[spmem:s2] =	stream.indirect.scatter.add.f32 [tilespmem:s25], [sflag:$0x7], $0x1, s23, s24, $0xb8;
	[tilespmem:$0x9150] =	vst v63  }
0xf6: {  	_ =	swait.ge [sflag:s10], $0x80  }
0xf7: {  	[sflag:s10] =	ssyncset.done $0x0  }
0xf8: {  	s30 =	sadd.s32 $0x7AA0, s14;
	[sflag:s10] =	ssyncadd.s32 $0xFFFFFF80  }
0xf9: {  	[spmem:s2] =	stream.indirect.scatter.add.f32 [tilespmem:s25], [sflag:$0x7], $0x1, s30, s24, $0xb8;
	[tilespmem:$0x9150] =	vst v63  }
0xfa: {  	_ =	swait.ge [sflag:s10], $0x80  }
0xfb: {  	[sflag:s10] =	ssyncset.done $0x0  }
0xfc: {  	s31 =	sadd.s32 $0x7B20, s14;
	[sflag:s10] =	ssyncadd.s32 $0xFFFFFF80  }
0xfd: {  	[spmem:s2] =	stream.indirect.scatter.add.f32 [tilespmem:s25], [sflag:$0x7], $0x1, s31, s24, $0xb8;
	[tilespmem:$0x9150] =	vst v63  }
0xfe: {  	_ =	swait.ge [sflag:s10], $0x80  }
0xff: {  	[sflag:s10] =	ssyncset.done $0x0  }
0x100: {  	s16 =	sadd.s32 $0x7BA0, s14;
	[sflag:s10] =	ssyncadd.s32 $0xFFFFFF80  }
0x101: {  	[spmem:s2] =	stream.indirect.scatter.add.f32 [tilespmem:s25], [sflag:$0x7], $0x1, s16, s24, $0xb8;
	[tilespmem:$0x9150] =	vst v63  }
0x102: {  	_ =	swait.ge [sflag:s10], $0x80  }
0x103: {  	[sflag:s10] =	ssyncset.done $0x0  }
0x104: {  	s23 =	sadd.s32 $0x7C20, s14;
	[sflag:s10] =	ssyncadd.s32 $0xFFFFFF80  }
0x105: {  	[spmem:s2] =	stream.indirect.scatter.add.f32 [tilespmem:s25], [sflag:$0x7], $0x1, s23, s24, $0xb8;
	[tilespmem:$0x9150] =	vst v63  }
0x106: {  	_ =	swait.ge [sflag:s10], $0x80  }
0x107: {  	[sflag:s10] =	ssyncset.done $0x0  }
0x108: {  	s14 =	sadd.s32 $0x7CA0, s14;
	[sflag:s10] =	ssyncadd.s32 $0xFFFFFF80  }
0x109: {  	[spmem:s2] =	stream.indirect.scatter.add.f32 [tilespmem:s25], [sflag:$0x7], $0x1, s14, s24, $0xb8;
	[tilespmem:$0x9150] =	vst v63  }
0x10a: {  	_ =	swait.ge [sflag:s10], $0x80  }
0x10b: {  	p0 =	sgt.u32 s28, $0xB;
	[sflag:s10] =	ssyncset.done $0x0  }
0x10c: {  	s26 =	sadd.s32 $0x1, s26;
	s14 =	simm.s32 @!p0 $0x0;
	[sflag:s10] =	ssyncadd.s32 $0xFFFFFF80  }
0x10d: {  	[tilespmem:s13], [sflag:s1] =	stream.linear.gather @!p0 [hbm4b:s29+s14], $0x700, $0x38;
	[tilespmem:$0x9150] =	vst v63  }
0x10e: {  	s30 =	sshll.u32 s0, $0x6;
	s31 =	sshrl.u32 s6, $0x3;
	p0 =	sne.s32 s26, s8  }
.Ltmp3:
0x10f: {  	s1 =	sor.u32 $0x1C07, s30;
	[bflag:$0x0] =	sbarrier.arrive $0xFFFF;
	(pc) =	sbr.rel @p0 .LBB2_1-.Ltmp3, $4  }
0x110: {  	[hbm:s7], [sflag:s1] =	dma.local [spmem:s31], $0x188  }
0x111: {  	_ =	swait.ge [sflag:s10], $0x188  }
0x112: {  	[sflag:s10] =	ssyncset.done $0x0  }
0x113: {  	[sflag:s10] =	ssyncadd.s32 $0xFFFFFE78  }
0x114: {  	_ =	sfence.sel $0x180000  }
0x115: {  	[bflag:$0x0] =	sbarrier.arrive $0xFFFF  }
0x116: {  	_ =	strace $0x90000047  }
0x117: {  	[bflag:$0x2] =	sbarrier.arrive $0xFFFF  }
0x118: {  	p0 =	sne.s32 s0, $0x0;
	s0 =	rddreg [dreg:$0x3]  }
0x119: {  	s0 =	sadd.s32 @!p0 $0x100000, s0  }
0x11a: {  	[sflag:s0] =	ssyncadd.tile.s32 @!p0 $0x1;
	_ =	shalt  }
.Lfunc_end2:
_tile_overlayer_lowered:
.L_overlay_start_2:
0x11b: {  	(tag) =	ssettag $0x2  }
0x11c: {  	s0 =	rddreg [dreg:$0x0];
	s2 =	stileid.u32  }
0x11d: {  	s1 =	rddreg [dreg:$0x1];
	p0 =	sne.s32 s2, $0x0  }
0x11e: {  	s3 =	rddreg [dreg:$0x2];
	[bflag:$0x3] =	sbarrier.arrive $0xFFFF;
	s2 =	simm.s32 @!p0 $0x1C07  }
0x11f: {  	[timem:s3], [sflag:s2] =	dma.local @!p0 [hbm:s0], s1  }
0x120: {  	s0 =	simm.s32 @!p0 $0x7  }
0x121: {  	_ =	swait.ge @!p0 [sflag:s0], s1  }
0x122: {  	s1 =	ssub.s32 @!p0 $0x0, s1;
	[sflag:s0] =	ssyncset.done @!p0 $0x0  }
0x123: {  	[sflag:s0] =	ssyncadd.s32 @!p0 s1  }
0x124: {  	[bflag:$0x3] =	sbarrier.arrive $0xFFFF  }
0x125: {  	_ =	shalt  }

</sc_bundles>
